<compile_context>
chip_gen: v7x
topology: tpu7x:2x2x1
jax: 0.10.2.dev20260603
libtpu: 0.0.44.dev20260713+nightly
codegen_flags: <defaults>
</compile_context>

<pallas_src>
import functools

import jax
import jax.numpy as jnp
from jax import lax
from jax.experimental import pallas as pl
from jax.experimental.pallas import tpu as pltpu
from jax.experimental.pallas import tpu_sc as plsc

N = 10000
E = 320000
D = 128

NC = 2
NS = 16
NW = NC * NS
KC = 128
CC = 80
EPC = NW * CC * KC
K = 120
C0 = 156
C1 = 12
TCH = NS * (C0 + C1)
EPA = TCH * K
NP = 10240
RPT = NP // NS
CW = 16

_mesh = plsc.VectorSubcoreMesh(core_axis_name="c", subcore_axis_name="s")


@functools.partial(
    pl.kernel,
    out_type=jax.ShapeDtypeStruct((NC, NP, D), jnp.float32),
    mesh=_mesh,
    scratch_types=[
        pltpu.VMEM((CC, KC), jnp.int32),
        pltpu.VMEM((KC, D), jnp.float32),
        [pltpu.SemaphoreType.DMA] * 4,
        pltpu.VMEM_SHARED((NP, D), jnp.float32),
    ],
)
def _sc_count(dst_hbm, ones_hbm, zeros_hbm, out_hbm, idx_d, ones_v, sc4,
              acc_sh):
    cid = lax.axis_index("c")
    sid = lax.axis_index("s")
    wid = sid * NC + cid
    pltpu.sync_copy(dst_hbm.at[wid], idx_d)
    pltpu.sync_copy(ones_hbm, ones_v)
    pltpu.sync_copy(zeros_hbm, acc_sh.at[pl.ds(sid * RPT, RPT)])
    plsc.subcore_barrier()

    def body(i, carry):
        for b in range(4):
            j = i * 4 + b

            @pl.when(j >= 4)
            def _drain():
                pltpu.make_async_copy(
                    ones_v, acc_sh.at[idx_d.at[j]], sc4[b]).wait()

            pltpu.async_copy(ones_v, acc_sh.at[idx_d.at[j]], sc4[b],
                             add=True)
        return carry

    lax.fori_loop(0, CC // 4, body, 0)
    for b in range(4):
        pltpu.make_async_copy(
            ones_v, acc_sh.at[idx_d.at[CC - 4 + b]], sc4[b]).wait()
    plsc.subcore_barrier()
    pltpu.sync_copy(acc_sh.at[pl.ds(sid * RPT, RPT)],
                    out_hbm.at[cid, pl.ds(sid * RPT, RPT)])


_NB = 3
_NQ = 6


@functools.partial(
    pl.kernel,
    out_type=jax.ShapeDtypeStruct((NC, NP, D), jnp.float32),
    mesh=_mesh,
    scratch_types=[
        [pltpu.VMEM((2, K), jnp.int32)] * _NQ,
        [pltpu.SemaphoreType.DMA] * _NQ,
        [pltpu.VMEM((K, D), jnp.float32)] * _NB,
        [pltpu.SemaphoreType.DMA] * _NB,
        [pltpu.SemaphoreType.DMA] * _NB,
        pltpu.VMEM_SHARED((NP, D), jnp.float32),
    ],
)
def _sc_agg(hs_hbm, srcdst_hbm, zeros_hbm, out_hbm,
            ib, si, rows, sg, ss, acc_sh):
    cid = lax.axis_index("c")
    sid = lax.axis_index("s")
    cc = jnp.where(cid == 0, C0, C1)
    start = jnp.where(cid == 0, sid * C0, NS * C0 + sid * C1)
    pltpu.sync_copy(zeros_hbm, acc_sh.at[pl.ds(sid * RPT, RPT)])
    for b in range(_NB):
        pltpu.async_copy(srcdst_hbm.at[start + b], ib[b], si[b])
    plsc.subcore_barrier()

    def body(i, carry):
        for b in range(_NQ):
            j = i * _NQ + b
            r = b % _NB

            @pl.when(j >= 3)
            def _drain():
                pltpu.make_async_copy(
                    rows[r], acc_sh.at[ib[b].at[1]], ss[r]).wait()

            @pl.when(j + 3 < cc)
            def _prefetch_idx():
                pltpu.async_copy(
                    srcdst_hbm.at[start + j + 3], ib[(b + 3) % _NQ],
                    si[(b + 3) % _NQ])

            @pl.when(j >= 2)
            def _scatter_prev():
                rp = (b + 1) % _NB
                qp = (b + 4) % _NQ
                pltpu.make_async_copy(hs_hbm.at[ib[qp].at[0]], rows[rp],
                                      sg[rp]).wait()
                pltpu.async_copy(rows[rp], acc_sh.at[ib[qp].at[1]], ss[rp],
                                 add=True)

            pltpu.make_async_copy(srcdst_hbm.at[start + j], ib[b],
                                  si[b]).wait()
            pltpu.async_copy(hs_hbm.at[ib[b].at[0]], rows[r], sg[r])
        return carry

    lax.fori_loop(0, cc // _NQ, body, 0)
    pltpu.make_async_copy(hs_hbm.at[ib[4].at[0]], rows[1], sg[1]).wait()
    pltpu.async_copy(rows[1], acc_sh.at[ib[4].at[1]], ss[1], add=True)
    pltpu.make_async_copy(hs_hbm.at[ib[5].at[0]], rows[2], sg[2]).wait()
    pltpu.async_copy(rows[2], acc_sh.at[ib[5].at[1]], ss[2], add=True)
    pltpu.make_async_copy(rows[0], acc_sh.at[ib[3].at[1]], ss[0]).wait()
    pltpu.make_async_copy(rows[1], acc_sh.at[ib[4].at[1]], ss[1]).wait()
    pltpu.make_async_copy(rows[2], acc_sh.at[ib[5].at[1]], ss[2]).wait()
    plsc.subcore_barrier()
    pltpu.sync_copy(acc_sh.at[pl.ds(sid * RPT, RPT)],
                    out_hbm.at[cid, pl.ds(sid * RPT, RPT)])


_R = 1000


def _t1_body(x_ref, w_ref, cnt_ref, hs_ref, c_ref):
    cnt = cnt_ref[0, :, 0] + cnt_ref[1, :, 0]
    c = lax.rsqrt(cnt + 1.0)
    cb = jnp.broadcast_to(c[:, None], (_R, D))
    h = jnp.dot(x_ref[...], w_ref[...], preferred_element_type=jnp.float32)
    hs_ref[...] = cb * h
    c_ref[...] = cb


def _t2_body(acc_ref, hs_ref, c_ref, b_ref, w_ref, out_ref):
    agg = acc_ref[0] + acc_ref[1] + hs_ref[...]
    t = jnp.maximum(c_ref[...] * agg + b_ref[...], 0.0)
    out_ref[...] = c_ref[...] * jnp.dot(
        t, w_ref[...], preferred_element_type=jnp.float32)


def _t3_body(acc_ref, hs_ref, c_ref, b_ref, out_ref):
    agg = acc_ref[0] + acc_ref[1] + hs_ref[...]
    out_ref[...] = jnp.maximum(c_ref[...] * agg + b_ref[...], 0.0)


_row_spec = pl.BlockSpec((_R, D), lambda i: (i, 0))
_agg_spec = pl.BlockSpec((NC, _R, D), lambda i: (0, i, 0))
_cnt_spec = pl.BlockSpec((NC, _R, D), lambda i: (0, i, 0))
_w_spec = pl.BlockSpec((D, D), lambda i: (0, 0))
_b_spec = pl.BlockSpec((1, D), lambda i: (0, 0))

_t1 = pl.pallas_call(
    _t1_body,
    grid=(N // _R,),
    in_specs=[_row_spec, _w_spec, _cnt_spec],
    out_specs=[_row_spec, _row_spec],
    out_shape=[jax.ShapeDtypeStruct((N, D), jnp.float32),
               jax.ShapeDtypeStruct((N, D), jnp.float32)],
)

_t2 = pl.pallas_call(
    _t2_body,
    grid=(N // _R,),
    in_specs=[_agg_spec, _row_spec, _row_spec, _b_spec, _w_spec],
    out_specs=_row_spec,
    out_shape=jax.ShapeDtypeStruct((N, D), jnp.float32),
)

_t3 = pl.pallas_call(
    _t3_body,
    grid=(N // _R,),
    in_specs=[_agg_spec, _row_spec, _row_spec, _b_spec],
    out_specs=_row_spec,
    out_shape=jax.ShapeDtypeStruct((N, D), jnp.float32),
)


def kernel(x, edge_index, W1, b1, W2, b2):
    padc = EPC - E
    dstc = jnp.concatenate(
        [edge_index[1], jnp.full((padc,), N, jnp.int32)]).reshape(NW, CC, KC)
    pada = EPA - E
    srca = jnp.concatenate(
        [edge_index[0], jnp.zeros((pada,), jnp.int32)]).reshape(TCH, K)
    dsta = jnp.concatenate(
        [edge_index[1], jnp.full((pada,), N, jnp.int32)]).reshape(TCH, K)
    srcdst = jnp.stack([srca, dsta], axis=1)
    zeros_d = jnp.zeros((RPT, D), jnp.float32)
    ones_d = jnp.ones((KC, D), jnp.float32)

    cnt = _sc_count(dstc, ones_d, zeros_d)
    hs1, cbc = _t1(x, W1, cnt)
    acc1 = _sc_agg(hs1, srcdst, zeros_d)
    hs2 = _t2(acc1, hs1, cbc, b1.reshape(1, D), W2)
    acc2 = _sc_agg(hs2, srcdst, zeros_d)
    return _t3(acc2, hs2, cbc, b2.reshape(1, D))

# --- scband reference (transcript-rebuilt; emitter-appended) ---
"""Pipeline reference for scband-gcnencoder-43662637531915 (READ-ONLY COPY).

The authoritative reference and input builder live on the scoring server;
editing this copy changes nothing except your own understanding.
"""

import jax, jax.numpy as jnp
import numpy as np

N = 10000
E = 320000
D = 128
H = 128


def setup_inputs(seed: int = 0) -> dict:
    key = jax.random.key(seed)
    k1, k2, k3, k4 = jax.random.split(key, 4)
    x = jax.random.normal(k1, (N, D), dtype=jnp.float32)
    edge_index = jax.random.randint(k2, (2, E), 0, N, dtype=jnp.int32)
    W1 = jax.random.normal(k3, (D, H), dtype=jnp.float32) * 0.05
    b1 = jnp.zeros((H,), dtype=jnp.float32)
    W2 = jax.random.normal(k4, (H, H), dtype=jnp.float32) * 0.05
    b2 = jnp.zeros((H,), dtype=jnp.float32)
    return {"x": x, "edge_index": edge_index, "W1": W1, "b1": b1, "W2": W2, "b2": b2}


def _gcn_conv(x, edge_index, W, b):
    # PyG GCNConv: add self-loops, symmetric normalization D^-1/2 (A+I) D^-1/2, linear, bias
    src = edge_index[0]
    dst = edge_index[1]
    loop = jnp.arange(N, dtype=src.dtype)
    src = jnp.concatenate([src, loop])
    dst = jnp.concatenate([dst, loop])
    h = x @ W
    deg = jax.ops.segment_sum(jnp.ones(dst.shape, dtype=h.dtype), dst, num_segments=N)
    deg_inv_sqrt = jnp.where(deg > 0, jax.lax.rsqrt(jnp.maximum(deg, 1e-12)), 0.0)
    norm = deg_inv_sqrt[src] * deg_inv_sqrt[dst]
    msgs = h[src] * norm[:, None]
    out = jax.ops.segment_sum(msgs, dst, num_segments=N)
    return out + b


def reference(x, edge_index, W1, b1, W2, b2):
    # Dropout is identity in eval mode.
    h = _gcn_conv(x, edge_index, W1, b1)
    h = jax.nn.relu(h)
    h = _gcn_conv(h, edge_index, W2, b2)
    h = jax.nn.relu(h)
    return h

if __name__ == "__main__":
    import jax
    _d = setup_inputs()
    print(jax.jit(kernel)(*tuple(_d.values())))

</pallas_src>

<mosaic_0001>
#map = affine_map<(d0, d1) -> (0, 0, 0)>
#map1 = affine_map<(d0, d1) -> (0, 0)>
module attributes {stable_mosaic.version = 14 : i64} {
  func.func @_sc_count(%arg0: i32, %arg1: i32, %arg2: memref<32x80x128xi32, #tpu.memory_space<hbm>>, %arg3: memref<128x128xf32, #tpu.memory_space<hbm>>, %arg4: memref<640x128xf32, #tpu.memory_space<hbm>>, %arg5: memref<2x10240x128xf32, #tpu.memory_space<hbm>>, %arg6: memref<80x128xi32, #tpu.memory_space<vmem>>, %arg7: memref<128x128xf32, #tpu.memory_space<vmem>>, %arg8: memref<!tpu.dma_semaphore, #tpu.memory_space<semaphore_mem>>, %arg9: memref<!tpu.dma_semaphore, #tpu.memory_space<semaphore_mem>>, %arg10: memref<!tpu.dma_semaphore, #tpu.memory_space<semaphore_mem>>, %arg11: memref<!tpu.dma_semaphore, #tpu.memory_space<semaphore_mem>>, %arg12: memref<10240x128xf32, #tpu.memory_space<vmem_shared>>) attributes {dimension_semantics = [#tpu.dimension_semantics<core_parallel>, #tpu.dimension_semantics<subcore_parallel>], iteration_bounds = array<i64: 2, 16>, scalar_prefetch = 0 : i64, scratch_operands = 7 : i64, tpu.core_type = #tpu.core_type<sc_vector_subcore>, window_params = [{transform_indices = #map}, {transform_indices = #map1}, {transform_indices = #map1}, {transform_indices = #map}]} {
    %mul3A = arith.constant 2 : i32
    %mul3A_0 = arith.muli %arg1, %mul3A : i32
    %add3A = arith.addi %mul3A_0, %arg0 : i32
    "tpu.region"() ({
      %run_scoped3A = tpu.sem_alloc : memref<!tpu.dma_semaphore, #tpu.memory_space<semaphore_mem>>
      %dma_start3A = arith.constant 0 : i32
      %dma_start3A_40 = arith.constant 0 : i32
      %dma_start3A_41 = tpu.memref_slice %arg2[%add3A, %dma_start3A, %dma_start3A_40] : memref<32x80x128xi32, #tpu.memory_space<hbm>> -> memref<1x80x128xi32, #tpu.memory_space<hbm>>
      %dma_start3A_42 = tpu.memref_squeeze %dma_start3A_41 : memref<1x80x128xi32, #tpu.memory_space<hbm>> -> memref<80x128xi32, #tpu.memory_space<hbm>>
      %dma_start3A_43 = arith.constant 0 : i32
      %dma_start3A_44 = arith.constant 0 : i32
      %dma_start3A_45 = tpu.memref_slice %arg2[%add3A, %dma_start3A_43, %dma_start3A_44] : memref<32x80x128xi32, #tpu.memory_space<hbm>> -> memref<1x80x128xi32, #tpu.memory_space<hbm>>
      %dma_start3A_46 = tpu.memref_squeeze %dma_start3A_45 : memref<1x80x128xi32, #tpu.memory_space<hbm>> -> memref<80x128xi32, #tpu.memory_space<hbm>>
      tpu.enqueue_dma source(%dma_start3A_46 : memref<80x128xi32, #tpu.memory_space<hbm>>) target(%arg6 : memref<80x128xi32, #tpu.memory_space<vmem>>) target_semaphore(%run_scoped3A : memref<!tpu.dma_semaphore, #tpu.memory_space<semaphore_mem>>)
      %dma_wait3A_47 = arith.constant 0 : i32
      %dma_wait3A_48 = arith.constant 0 : i32
      %dma_wait3A_49 = tpu.memref_slice %arg2[%add3A, %dma_wait3A_47, %dma_wait3A_48] : memref<32x80x128xi32, #tpu.memory_space<hbm>> -> memref<1x80x128xi32, #tpu.memory_space<hbm>>
      %dma_wait3A_50 = tpu.memref_squeeze %dma_wait3A_49 : memref<1x80x128xi32, #tpu.memory_space<hbm>> -> memref<80x128xi32, #tpu.memory_space<hbm>>
      %dma_wait3A_51 = arith.constant 0 : i32
      %dma_wait3A_52 = arith.constant 0 : i32
      %dma_wait3A_53 = tpu.memref_slice %arg2[%add3A, %dma_wait3A_51, %dma_wait3A_52] : memref<32x80x128xi32, #tpu.memory_space<hbm>> -> memref<1x80x128xi32, #tpu.memory_space<hbm>>
      %dma_wait3A_54 = tpu.memref_squeeze %dma_wait3A_53 : memref<1x80x128xi32, #tpu.memory_space<hbm>> -> memref<80x128xi32, #tpu.memory_space<hbm>>
      tpu.wait_dma2 semaphore(%run_scoped3A : memref<!tpu.dma_semaphore, #tpu.memory_space<semaphore_mem>>) src(%dma_wait3A_54 : memref<80x128xi32, #tpu.memory_space<hbm>>) dst(%arg6 : memref<80x128xi32, #tpu.memory_space<vmem>>)
      tpu.yield
    }) : () -> ()
    "tpu.region"() ({
      %run_scoped3A = tpu.sem_alloc : memref<!tpu.dma_semaphore, #tpu.memory_space<semaphore_mem>>
      tpu.enqueue_dma source(%arg3 : memref<128x128xf32, #tpu.memory_space<hbm>>) target(%arg7 : memref<128x128xf32, #tpu.memory_space<vmem>>) target_semaphore(%run_scoped3A : memref<!tpu.dma_semaphore, #tpu.memory_space<semaphore_mem>>)
      tpu.wait_dma2 semaphore(%run_scoped3A : memref<!tpu.dma_semaphore, #tpu.memory_space<semaphore_mem>>) src(%arg3 : memref<128x128xf32, #tpu.memory_space<hbm>>) dst(%arg7 : memref<128x128xf32, #tpu.memory_space<vmem>>)
      tpu.yield
    }) : () -> ()
    %mul3A_1 = arith.constant 640 : i32
    %mul3A_2 = arith.muli %arg1, %mul3A_1 : i32
    "tpu.region"() ({
      %run_scoped3A = tpu.sem_alloc : memref<!tpu.dma_semaphore, #tpu.memory_space<semaphore_mem>>
      %dma_start3A = arith.constant 0 : i32
      %dma_start3A_40 = tpu.memref_slice %arg12[%mul3A_2, %dma_start3A] : memref<10240x128xf32, #tpu.memory_space<vmem_shared>> -> memref<640x128xf32, #tpu.memory_space<vmem_shared>>
      tpu.enqueue_dma source(%arg4 : memref<640x128xf32, #tpu.memory_space<hbm>>) target(%dma_start3A_40 : memref<640x128xf32, #tpu.memory_space<vmem_shared>>) target_semaphore(%run_scoped3A : memref<!tpu.dma_semaphore, #tpu.memory_space<semaphore_mem>>)
      %dma_wait3A_41 = arith.constant 0 : i32
      %dma_wait3A_42 = tpu.memref_slice %arg12[%mul3A_2, %dma_wait3A_41] : memref<10240x128xf32, #tpu.memory_space<vmem_shared>> -> memref<640x128xf32, #tpu.memory_space<vmem_shared>>
      tpu.wait_dma2 semaphore(%run_scoped3A : memref<!tpu.dma_semaphore, #tpu.memory_space<semaphore_mem>>) src(%arg4 : memref<640x128xf32, #tpu.memory_space<hbm>>) dst(%dma_wait3A_42 : memref<640x128xf32, #tpu.memory_space<vmem_shared>>)
      tpu.yield
    }) : () -> ()
    %barrier3A = arith.constant 0 : index
    tpu.barrier barrier_id(%barrier3A)
    %scan3A = arith.constant 0 : i32
    %scan3A_3 = arith.constant 0 : i32
    %scan3A_4 = arith.constant 20 : i32
    %scan3A_5 = arith.addi %scan3A_3, %scan3A_4 : i32
    %scan3A_6 = arith.constant 1 : i32
    scf.for %scan3A_40 = %scan3A_3 to %scan3A_5 step %scan3A_6  : i32 {
      %mul3A_41 = arith.constant 4 : i32
      %mul3A_42 = arith.muli %scan3A_40, %mul3A_41 : i32
      %add3A_43 = arith.constant 0 : i32
      %add3A_44 = arith.addi %mul3A_42, %add3A_43 : i32
      %ge3A = arith.constant 4 : i32
      %ge3A_45 = arith.cmpi sge, %add3A_44, %ge3A : i32
      %convert_element_type3A = arith.extui %ge3A_45 : i1 to i32
      %cond3A = arith.constant 0 : i32
      %cond3A_46 = arith.cmpi ne, %convert_element_type3A, %cond3A : i32
      scf.if %cond3A_46 {
        %dma_wait3A_97 = arith.constant 0 : i32
        %dma_wait3A_98 = tpu.memref_slice %arg6[%add3A_44, %dma_wait3A_97] : memref<80x128xi32, #tpu.memory_space<vmem>> -> memref<1x128xi32, #tpu.memory_space<vmem>>
        %dma_wait3A_99 = tpu.memref_squeeze %dma_wait3A_98 : memref<1x128xi32, #tpu.memory_space<vmem>> -> memref<128xi32, #tpu.memory_space<vmem>>
        %dma_wait3A_100 = arith.constant 0 : i32
        %dma_wait3A_101 = arith.constant 0 : i32
        %dma_wait3A_102 = tpu.memref_slice %arg12[%dma_wait3A_100, %dma_wait3A_101] : memref<10240x128xf32, #tpu.memory_space<vmem_shared>> -> memref<10240x128xf32, #tpu.memory_space<vmem_shared>>
        tpu.wait_indirect_dma semaphore(%arg8 : memref<!tpu.dma_semaphore, #tpu.memory_space<semaphore_mem>>) src(%arg7 : memref<128x128xf32, #tpu.memory_space<vmem>>) dst(%dma_wait3A_102 : memref<10240x128xf32, #tpu.memory_space<vmem_shared>>)
      } else {
      }
      %dma_start3A = arith.constant 0 : i32
      %dma_start3A_47 = tpu.memref_slice %arg6[%add3A_44, %dma_start3A] : memref<80x128xi32, #tpu.memory_space<vmem>> -> memref<1x128xi32, #tpu.memory_space<vmem>>
      %dma_start3A_48 = tpu.memref_squeeze %dma_start3A_47 : memref<1x128xi32, #tpu.memory_space<vmem>> -> memref<128xi32, #tpu.memory_space<vmem>>
      %dma_start3A_49 = arith.constant 0 : i32
      %dma_start3A_50 = arith.constant 0 : i32
      %dma_start3A_51 = tpu.memref_slice %arg12[%dma_start3A_49, %dma_start3A_50] : memref<10240x128xf32, #tpu.memory_space<vmem_shared>> -> memref<10240x128xf32, #tpu.memory_space<vmem_shared>>
      tpu.enqueue_indirect_dma source(%arg7 : memref<128x128xf32, #tpu.memory_space<vmem>>) target(%dma_start3A_51 : memref<10240x128xf32, #tpu.memory_space<vmem_shared>>) offsets(%dma_start3A_48 : memref<128xi32, #tpu.memory_space<vmem>>) semaphore(%arg8 : memref<!tpu.dma_semaphore, #tpu.memory_space<semaphore_mem>>) {add = true}
      %mul3A_52 = arith.constant 4 : i32
      %mul3A_53 = arith.muli %scan3A_40, %mul3A_52 : i32
      %add3A_54 = arith.constant 1 : i32
      %add3A_55 = arith.addi %mul3A_53, %add3A_54 : i32
      %ge3A_56 = arith.constant 4 : i32
      %ge3A_57 = arith.cmpi sge, %add3A_55, %ge3A_56 : i32
      %convert_element_type3A_58 = arith.extui %ge3A_57 : i1 to i32
      %cond3A_59 = arith.constant 0 : i32
      %cond3A_60 = arith.cmpi ne, %convert_element_type3A_58, %cond3A_59 : i32
      scf.if %cond3A_60 {
        %dma_wait3A_97 = arith.constant 0 : i32
        %dma_wait3A_98 = tpu.memref_slice %arg6[%add3A_55, %dma_wait3A_97] : memref<80x128xi32, #tpu.memory_space<vmem>> -> memref<1x128xi32, #tpu.memory_space<vmem>>
        %dma_wait3A_99 = tpu.memref_squeeze %dma_wait3A_98 : memref<1x128xi32, #tpu.memory_space<vmem>> -> memref<128xi32, #tpu.memory_space<vmem>>
        %dma_wait3A_100 = arith.constant 0 : i32
        %dma_wait3A_101 = arith.constant 0 : i32
        %dma_wait3A_102 = tpu.memref_slice %arg12[%dma_wait3A_100, %dma_wait3A_101] : memref<10240x128xf32, #tpu.memory_space<vmem_shared>> -> memref<10240x128xf32, #tpu.memory_space<vmem_shared>>
        tpu.wait_indirect_dma semaphore(%arg9 : memref<!tpu.dma_semaphore, #tpu.memory_space<semaphore_mem>>) src(%arg7 : memref<128x128xf32, #tpu.memory_space<vmem>>) dst(%dma_wait3A_102 : memref<10240x128xf32, #tpu.memory_space<vmem_shared>>)
      } else {
      }
      %dma_start3A_61 = arith.constant 0 : i32
      %dma_start3A_62 = tpu.memref_slice %arg6[%add3A_55, %dma_start3A_61] : memref<80x128xi32, #tpu.memory_space<vmem>> -> memref<1x128xi32, #tpu.memory_space<vmem>>
      %dma_start3A_63 = tpu.memref_squeeze %dma_start3A_62 : memref<1x128xi32, #tpu.memory_space<vmem>> -> memref<128xi32, #tpu.memory_space<vmem>>
      %dma_start3A_64 = arith.constant 0 : i32
      %dma_start3A_65 = arith.constant 0 : i32
      %dma_start3A_66 = tpu.memref_slice %arg12[%dma_start3A_64, %dma_start3A_65] : memref<10240x128xf32, #tpu.memory_space<vmem_shared>> -> memref<10240x128xf32, #tpu.memory_space<vmem_shared>>
      tpu.enqueue_indirect_dma source(%arg7 : memref<128x128xf32, #tpu.memory_space<vmem>>) target(%dma_start3A_66 : memref<10240x128xf32, #tpu.memory_space<vmem_shared>>) offsets(%dma_start3A_63 : memref<128xi32, #tpu.memory_space<vmem>>) semaphore(%arg9 : memref<!tpu.dma_semaphore, #tpu.memory_space<semaphore_mem>>) {add = true}
      %mul3A_67 = arith.constant 4 : i32
      %mul3A_68 = arith.muli %scan3A_40, %mul3A_67 : i32
      %add3A_69 = arith.constant 2 : i32
      %add3A_70 = arith.addi %mul3A_68, %add3A_69 : i32
      %ge3A_71 = arith.constant 4 : i32
      %ge3A_72 = arith.cmpi sge, %add3A_70, %ge3A_71 : i32
      %convert_element_type3A_73 = arith.extui %ge3A_72 : i1 to i32
      %cond3A_74 = arith.constant 0 : i32
      %cond3A_75 = arith.cmpi ne, %convert_element_type3A_73, %cond3A_74 : i32
      scf.if %cond3A_75 {
        %dma_wait3A_97 = arith.constant 0 : i32
        %dma_wait3A_98 = tpu.memref_slice %arg6[%add3A_70, %dma_wait3A_97] : memref<80x128xi32, #tpu.memory_space<vmem>> -> memref<1x128xi32, #tpu.memory_space<vmem>>
        %dma_wait3A_99 = tpu.memref_squeeze %dma_wait3A_98 : memref<1x128xi32, #tpu.memory_space<vmem>> -> memref<128xi32, #tpu.memory_space<vmem>>
        %dma_wait3A_100 = arith.constant 0 : i32
        %dma_wait3A_101 = arith.constant 0 : i32
        %dma_wait3A_102 = tpu.memref_slice %arg12[%dma_wait3A_100, %dma_wait3A_101] : memref<10240x128xf32, #tpu.memory_space<vmem_shared>> -> memref<10240x128xf32, #tpu.memory_space<vmem_shared>>
        tpu.wait_indirect_dma semaphore(%arg10 : memref<!tpu.dma_semaphore, #tpu.memory_space<semaphore_mem>>) src(%arg7 : memref<128x128xf32, #tpu.memory_space<vmem>>) dst(%dma_wait3A_102 : memref<10240x128xf32, #tpu.memory_space<vmem_shared>>)
      } else {
      }
      %dma_start3A_76 = arith.constant 0 : i32
      %dma_start3A_77 = tpu.memref_slice %arg6[%add3A_70, %dma_start3A_76] : memref<80x128xi32, #tpu.memory_space<vmem>> -> memref<1x128xi32, #tpu.memory_space<vmem>>
      %dma_start3A_78 = tpu.memref_squeeze %dma_start3A_77 : memref<1x128xi32, #tpu.memory_space<vmem>> -> memref<128xi32, #tpu.memory_space<vmem>>
      %dma_start3A_79 = arith.constant 0 : i32
      %dma_start3A_80 = arith.constant 0 : i32
      %dma_start3A_81 = tpu.memref_slice %arg12[%dma_start3A_79, %dma_start3A_80] : memref<10240x128xf32, #tpu.memory_space<vmem_shared>> -> memref<10240x128xf32, #tpu.memory_space<vmem_shared>>
      tpu.enqueue_indirect_dma source(%arg7 : memref<128x128xf32, #tpu.memory_space<vmem>>) target(%dma_start3A_81 : memref<10240x128xf32, #tpu.memory_space<vmem_shared>>) offsets(%dma_start3A_78 : memref<128xi32, #tpu.memory_space<vmem>>) semaphore(%arg10 : memref<!tpu.dma_semaphore, #tpu.memory_space<semaphore_mem>>) {add = true}
      %mul3A_82 = arith.constant 4 : i32
      %mul3A_83 = arith.muli %scan3A_40, %mul3A_82 : i32
      %add3A_84 = arith.constant 3 : i32
      %add3A_85 = arith.addi %mul3A_83, %add3A_84 : i32
      %ge3A_86 = arith.constant 4 : i32
      %ge3A_87 = arith.cmpi sge, %add3A_85, %ge3A_86 : i32
      %convert_element_type3A_88 = arith.extui %ge3A_87 : i1 to i32
      %cond3A_89 = arith.constant 0 : i32
      %cond3A_90 = arith.cmpi ne, %convert_element_type3A_88, %cond3A_89 : i32
      scf.if %cond3A_90 {
        %dma_wait3A_97 = arith.constant 0 : i32
        %dma_wait3A_98 = tpu.memref_slice %arg6[%add3A_85, %dma_wait3A_97] : memref<80x128xi32, #tpu.memory_space<vmem>> -> memref<1x128xi32, #tpu.memory_space<vmem>>
        %dma_wait3A_99 = tpu.memref_squeeze %dma_wait3A_98 : memref<1x128xi32, #tpu.memory_space<vmem>> -> memref<128xi32, #tpu.memory_space<vmem>>
        %dma_wait3A_100 = arith.constant 0 : i32
        %dma_wait3A_101 = arith.constant 0 : i32
        %dma_wait3A_102 = tpu.memref_slice %arg12[%dma_wait3A_100, %dma_wait3A_101] : memref<10240x128xf32, #tpu.memory_space<vmem_shared>> -> memref<10240x128xf32, #tpu.memory_space<vmem_shared>>
        tpu.wait_indirect_dma semaphore(%arg11 : memref<!tpu.dma_semaphore, #tpu.memory_space<semaphore_mem>>) src(%arg7 : memref<128x128xf32, #tpu.memory_space<vmem>>) dst(%dma_wait3A_102 : memref<10240x128xf32, #tpu.memory_space<vmem_shared>>)
      } else {
      }
      %dma_start3A_91 = arith.constant 0 : i32
      %dma_start3A_92 = tpu.memref_slice %arg6[%add3A_85, %dma_start3A_91] : memref<80x128xi32, #tpu.memory_space<vmem>> -> memref<1x128xi32, #tpu.memory_space<vmem>>
      %dma_start3A_93 = tpu.memref_squeeze %dma_start3A_92 : memref<1x128xi32, #tpu.memory_space<vmem>> -> memref<128xi32, #tpu.memory_space<vmem>>
      %dma_start3A_94 = arith.constant 0 : i32
      %dma_start3A_95 = arith.constant 0 : i32
      %dma_start3A_96 = tpu.memref_slice %arg12[%dma_start3A_94, %dma_start3A_95] : memref<10240x128xf32, #tpu.memory_space<vmem_shared>> -> memref<10240x128xf32, #tpu.memory_space<vmem_shared>>
      tpu.enqueue_indirect_dma source(%arg7 : memref<128x128xf32, #tpu.memory_space<vmem>>) target(%dma_start3A_96 : memref<10240x128xf32, #tpu.memory_space<vmem_shared>>) offsets(%dma_start3A_93 : memref<128xi32, #tpu.memory_space<vmem>>) semaphore(%arg11 : memref<!tpu.dma_semaphore, #tpu.memory_space<semaphore_mem>>) {add = true}
    }
    %scan3A_7 = arith.constant 20 : i32
    %dma_wait3A = arith.constant 76 : i32
    %dma_wait3A_8 = arith.constant 0 : i32
    %dma_wait3A_9 = tpu.memref_slice %arg6[%dma_wait3A, %dma_wait3A_8] : memref<80x128xi32, #tpu.memory_space<vmem>> -> memref<1x128xi32, #tpu.memory_space<vmem>>
    %dma_wait3A_10 = tpu.memref_squeeze %dma_wait3A_9 : memref<1x128xi32, #tpu.memory_space<vmem>> -> memref<128xi32, #tpu.memory_space<vmem>>
    %dma_wait3A_11 = arith.constant 0 : i32
    %dma_wait3A_12 = arith.constant 0 : i32
    %dma_wait3A_13 = tpu.memref_slice %arg12[%dma_wait3A_11, %dma_wait3A_12] : memref<10240x128xf32, #tpu.memory_space<vmem_shared>> -> memref<10240x128xf32, #tpu.memory_space<vmem_shared>>
    tpu.wait_indirect_dma semaphore(%arg8 : memref<!tpu.dma_semaphore, #tpu.memory_space<semaphore_mem>>) src(%arg7 : memref<128x128xf32, #tpu.memory_space<vmem>>) dst(%dma_wait3A_13 : memref<10240x128xf32, #tpu.memory_space<vmem_shared>>)
    %dma_wait3A_14 = arith.constant 77 : i32
    %dma_wait3A_15 = arith.constant 0 : i32
    %dma_wait3A_16 = tpu.memref_slice %arg6[%dma_wait3A_14, %dma_wait3A_15] : memref<80x128xi32, #tpu.memory_space<vmem>> -> memref<1x128xi32, #tpu.memory_space<vmem>>
    %dma_wait3A_17 = tpu.memref_squeeze %dma_wait3A_16 : memref<1x128xi32, #tpu.memory_space<vmem>> -> memref<128xi32, #tpu.memory_space<vmem>>
    %dma_wait3A_18 = arith.constant 0 : i32
    %dma_wait3A_19 = arith.constant 0 : i32
    %dma_wait3A_20 = tpu.memref_slice %arg12[%dma_wait3A_18, %dma_wait3A_19] : memref<10240x128xf32, #tpu.memory_space<vmem_shared>> -> memref<10240x128xf32, #tpu.memory_space<vmem_shared>>
    tpu.wait_indirect_dma semaphore(%arg9 : memref<!tpu.dma_semaphore, #tpu.memory_space<semaphore_mem>>) src(%arg7 : memref<128x128xf32, #tpu.memory_space<vmem>>) dst(%dma_wait3A_20 : memref<10240x128xf32, #tpu.memory_space<vmem_shared>>)
    %dma_wait3A_21 = arith.constant 78 : i32
    %dma_wait3A_22 = arith.constant 0 : i32
    %dma_wait3A_23 = tpu.memref_slice %arg6[%dma_wait3A_21, %dma_wait3A_22] : memref<80x128xi32, #tpu.memory_space<vmem>> -> memref<1x128xi32, #tpu.memory_space<vmem>>
    %dma_wait3A_24 = tpu.memref_squeeze %dma_wait3A_23 : memref<1x128xi32, #tpu.memory_space<vmem>> -> memref<128xi32, #tpu.memory_space<vmem>>
    %dma_wait3A_25 = arith.constant 0 : i32
    %dma_wait3A_26 = arith.constant 0 : i32
    %dma_wait3A_27 = tpu.memref_slice %arg12[%dma_wait3A_25, %dma_wait3A_26] : memref<10240x128xf32, #tpu.memory_space<vmem_shared>> -> memref<10240x128xf32, #tpu.memory_space<vmem_shared>>
    tpu.wait_indirect_dma semaphore(%arg10 : memref<!tpu.dma_semaphore, #tpu.memory_space<semaphore_mem>>) src(%arg7 : memref<128x128xf32, #tpu.memory_space<vmem>>) dst(%dma_wait3A_27 : memref<10240x128xf32, #tpu.memory_space<vmem_shared>>)
    %dma_wait3A_28 = arith.constant 79 : i32
    %dma_wait3A_29 = arith.constant 0 : i32
    %dma_wait3A_30 = tpu.memref_slice %arg6[%dma_wait3A_28, %dma_wait3A_29] : memref<80x128xi32, #tpu.memory_space<vmem>> -> memref<1x128xi32, #tpu.memory_space<vmem>>
    %dma_wait3A_31 = tpu.memref_squeeze %dma_wait3A_30 : memref<1x128xi32, #tpu.memory_space<vmem>> -> memref<128xi32, #tpu.memory_space<vmem>>
    %dma_wait3A_32 = arith.constant 0 : i32
    %dma_wait3A_33 = arith.constant 0 : i32
    %dma_wait3A_34 = tpu.memref_slice %arg12[%dma_wait3A_32, %dma_wait3A_33] : memref<10240x128xf32, #tpu.memory_space<vmem_shared>> -> memref<10240x128xf32, #tpu.memory_space<vmem_shared>>
    tpu.wait_indirect_dma semaphore(%arg11 : memref<!tpu.dma_semaphore, #tpu.memory_space<semaphore_mem>>) src(%arg7 : memref<128x128xf32, #tpu.memory_space<vmem>>) dst(%dma_wait3A_34 : memref<10240x128xf32, #tpu.memory_space<vmem_shared>>)
    %barrier3A_35 = arith.constant 0 : index
    tpu.barrier barrier_id(%barrier3A_35)
    %mul3A_36 = arith.constant 640 : i32
    %mul3A_37 = arith.muli %arg1, %mul3A_36 : i32
    %mul3A_38 = arith.constant 640 : i32
    %mul3A_39 = arith.muli %arg1, %mul3A_38 : i32
    "tpu.region"() ({
      %run_scoped3A = tpu.sem_alloc : memref<!tpu.dma_semaphore, #tpu.memory_space<semaphore_mem>>
      %dma_start3A = arith.constant 0 : i32
      %dma_start3A_40 = tpu.memref_slice %arg5[%arg0, %mul3A_39, %dma_start3A] : memref<2x10240x128xf32, #tpu.memory_space<hbm>> -> memref<1x640x128xf32, #tpu.memory_space<hbm>>
      %dma_start3A_41 = tpu.memref_squeeze %dma_start3A_40 : memref<1x640x128xf32, #tpu.memory_space<hbm>> -> memref<640x128xf32, #tpu.memory_space<hbm>>
      %dma_start3A_42 = arith.constant 0 : i32
      %dma_start3A_43 = tpu.memref_slice %arg12[%mul3A_37, %dma_start3A_42] : memref<10240x128xf32, #tpu.memory_space<vmem_shared>> -> memref<640x128xf32, #tpu.memory_space<vmem_shared>>
      tpu.enqueue_dma source(%dma_start3A_43 : memref<640x128xf32, #tpu.memory_space<vmem_shared>>) target(%dma_start3A_41 : memref<640x128xf32, #tpu.memory_space<hbm>>) target_semaphore(%run_scoped3A : memref<!tpu.dma_semaphore, #tpu.memory_space<semaphore_mem>>)
      %dma_wait3A_44 = arith.constant 0 : i32
      %dma_wait3A_45 = tpu.memref_slice %arg5[%arg0, %mul3A_39, %dma_wait3A_44] : memref<2x10240x128xf32, #tpu.memory_space<hbm>> -> memref<1x640x128xf32, #tpu.memory_space<hbm>>
      %dma_wait3A_46 = tpu.memref_squeeze %dma_wait3A_45 : memref<1x640x128xf32, #tpu.memory_space<hbm>> -> memref<640x128xf32, #tpu.memory_space<hbm>>
      %dma_wait3A_47 = arith.constant 0 : i32
      %dma_wait3A_48 = tpu.memref_slice %arg12[%mul3A_37, %dma_wait3A_47] : memref<10240x128xf32, #tpu.memory_space<vmem_shared>> -> memref<640x128xf32, #tpu.memory_space<vmem_shared>>
      tpu.wait_dma2 semaphore(%run_scoped3A : memref<!tpu.dma_semaphore, #tpu.memory_space<semaphore_mem>>) src(%dma_wait3A_48 : memref<640x128xf32, #tpu.memory_space<vmem_shared>>) dst(%dma_wait3A_46 : memref<640x128xf32, #tpu.memory_space<hbm>>)
      tpu.yield
    }) : () -> ()
    return
  }
}

#map = affine_map<(d0, d1) -> (0, 0)>
#map1 = affine_map<(d0, d1) -> (0, 0, 0)>
module attributes {stable_mosaic.version = 14 : i64} {
  func.func @_sc_agg(%arg0: i32, %arg1: i32, %arg2: memref<10000x128xf32, #tpu.memory_space<hbm>>, %arg3: memref<2688x2x120xi32, #tpu.memory_space<hbm>>, %arg4: memref<640x128xf32, #tpu.memory_space<hbm>>, %arg5: memref<2x10240x128xf32, #tpu.memory_space<hbm>>, %arg6: memref<2x120xi32, #tpu.memory_space<vmem>>, %arg7: memref<2x120xi32, #tpu.memory_space<vmem>>, %arg8: memref<2x120xi32, #tpu.memory_space<vmem>>, %arg9: memref<2x120xi32, #tpu.memory_space<vmem>>, %arg10: memref<2x120xi32, #tpu.memory_space<vmem>>, %arg11: memref<2x120xi32, #tpu.memory_space<vmem>>, %arg12: memref<!tpu.dma_semaphore, #tpu.memory_space<semaphore_mem>>, %arg13: memref<!tpu.dma_semaphore, #tpu.memory_space<semaphore_mem>>, %arg14: memref<!tpu.dma_semaphore, #tpu.memory_space<semaphore_mem>>, %arg15: memref<!tpu.dma_semaphore, #tpu.memory_space<semaphore_mem>>, %arg16: memref<!tpu.dma_semaphore, #tpu.memory_space<semaphore_mem>>, %arg17: memref<!tpu.dma_semaphore, #tpu.memory_space<semaphore_mem>>, %arg18: memref<120x128xf32, #tpu.memory_space<vmem>>, %arg19: memref<120x128xf32, #tpu.memory_space<vmem>>, %arg20: memref<120x128xf32, #tpu.memory_space<vmem>>, %arg21: memref<!tpu.dma_semaphore, #tpu.memory_space<semaphore_mem>>, %arg22: memref<!tpu.dma_semaphore, #tpu.memory_space<semaphore_mem>>, %arg23: memref<!tpu.dma_semaphore, #tpu.memory_space<semaphore_mem>>, %arg24: memref<!tpu.dma_semaphore, #tpu.memory_space<semaphore_mem>>, %arg25: memref<!tpu.dma_semaphore, #tpu.memory_space<semaphore_mem>>, %arg26: memref<!tpu.dma_semaphore, #tpu.memory_space<semaphore_mem>>, %arg27: memref<10240x128xf32, #tpu.memory_space<vmem_shared>>) attributes {dimension_semantics = [#tpu.dimension_semantics<core_parallel>, #tpu.dimension_semantics<subcore_parallel>], iteration_bounds = array<i64: 2, 16>, scalar_prefetch = 0 : i64, scratch_operands = 22 : i64, tpu.core_type = #tpu.core_type<sc_vector_subcore>, window_params = [{transform_indices = #map}, {transform_indices = #map1}, {transform_indices = #map}, {transform_indices = #map1}]} {
    %eq3A = arith.constant 0 : i32
    %eq3A_0 = arith.cmpi eq, %arg0, %eq3A : i32
    %jit3A = arith.constant 156 : i32
    %jit3A_1 = arith.constant 12 : i32
    %select_n3A = arith.select %eq3A_0, %jit3A, %jit3A_1 : i32
    %eq3A_2 = arith.constant 0 : i32
    %eq3A_3 = arith.cmpi eq, %arg0, %eq3A_2 : i32
    %mul3A = arith.constant 156 : i32
    %mul3A_4 = arith.muli %arg1, %mul3A : i32
    %mul3A_5 = arith.constant 12 : i32
    %mul3A_6 = arith.muli %arg1, %mul3A_5 : i32
    %add3A = arith.constant 2496 : i32
    %add3A_7 = arith.addi %add3A, %mul3A_6 : i32
    %select_n3A_8 = arith.select %eq3A_3, %mul3A_4, %add3A_7 : i32
    %mul3A_9 = arith.constant 640 : i32
    %mul3A_10 = arith.muli %arg1, %mul3A_9 : i32
    "tpu.region"() ({
      %run_scoped3A = tpu.sem_alloc : memref<!tpu.dma_semaphore, #tpu.memory_space<semaphore_mem>>
      %dma_start3A_120 = arith.constant 0 : i32
      %dma_start3A_121 = tpu.memref_slice %arg27[%mul3A_10, %dma_start3A_120] : memref<10240x128xf32, #tpu.memory_space<vmem_shared>> -> memref<640x128xf32, #tpu.memory_space<vmem_shared>>
      tpu.enqueue_dma source(%arg4 : memref<640x128xf32, #tpu.memory_space<hbm>>) target(%dma_start3A_121 : memref<640x128xf32, #tpu.memory_space<vmem_shared>>) target_semaphore(%run_scoped3A : memref<!tpu.dma_semaphore, #tpu.memory_space<semaphore_mem>>)
      %dma_wait3A_122 = arith.constant 0 : i32
      %dma_wait3A_123 = tpu.memref_slice %arg27[%mul3A_10, %dma_wait3A_122] : memref<10240x128xf32, #tpu.memory_space<vmem_shared>> -> memref<640x128xf32, #tpu.memory_space<vmem_shared>>
      tpu.wait_dma2 semaphore(%run_scoped3A : memref<!tpu.dma_semaphore, #tpu.memory_space<semaphore_mem>>) src(%arg4 : memref<640x128xf32, #tpu.memory_space<hbm>>) dst(%dma_wait3A_123 : memref<640x128xf32, #tpu.memory_space<vmem_shared>>)
      tpu.yield
    }) : () -> ()
    %add3A_11 = arith.constant 0 : i32
    %add3A_12 = arith.addi %select_n3A_8, %add3A_11 : i32
    %dma_start3A = arith.constant 0 : i32
    %dma_start3A_13 = arith.constant 0 : i32
    %dma_start3A_14 = tpu.memref_slice %arg3[%add3A_12, %dma_start3A, %dma_start3A_13] : memref<2688x2x120xi32, #tpu.memory_space<hbm>> -> memref<1x2x120xi32, #tpu.memory_space<hbm>>
    %dma_start3A_15 = tpu.memref_squeeze %dma_start3A_14 : memref<1x2x120xi32, #tpu.memory_space<hbm>> -> memref<2x120xi32, #tpu.memory_space<hbm>>
    %dma_start3A_16 = arith.constant 0 : i32
    %dma_start3A_17 = arith.constant 0 : i32
    %dma_start3A_18 = tpu.memref_slice %arg3[%add3A_12, %dma_start3A_16, %dma_start3A_17] : memref<2688x2x120xi32, #tpu.memory_space<hbm>> -> memref<1x2x120xi32, #tpu.memory_space<hbm>>
    %dma_start3A_19 = tpu.memref_squeeze %dma_start3A_18 : memref<1x2x120xi32, #tpu.memory_space<hbm>> -> memref<2x120xi32, #tpu.memory_space<hbm>>
    tpu.enqueue_dma source(%dma_start3A_19 : memref<2x120xi32, #tpu.memory_space<hbm>>) target(%arg6 : memref<2x120xi32, #tpu.memory_space<vmem>>) target_semaphore(%arg12 : memref<!tpu.dma_semaphore, #tpu.memory_space<semaphore_mem>>)
    %add3A_20 = arith.constant 1 : i32
    %add3A_21 = arith.addi %select_n3A_8, %add3A_20 : i32
    %dma_start3A_22 = arith.constant 0 : i32
    %dma_start3A_23 = arith.constant 0 : i32
    %dma_start3A_24 = tpu.memref_slice %arg3[%add3A_21, %dma_start3A_22, %dma_start3A_23] : memref<2688x2x120xi32, #tpu.memory_space<hbm>> -> memref<1x2x120xi32, #tpu.memory_space<hbm>>
    %dma_start3A_25 = tpu.memref_squeeze %dma_start3A_24 : memref<1x2x120xi32, #tpu.memory_space<hbm>> -> memref<2x120xi32, #tpu.memory_space<hbm>>
    %dma_start3A_26 = arith.constant 0 : i32
    %dma_start3A_27 = arith.constant 0 : i32
    %dma_start3A_28 = tpu.memref_slice %arg3[%add3A_21, %dma_start3A_26, %dma_start3A_27] : memref<2688x2x120xi32, #tpu.memory_space<hbm>> -> memref<1x2x120xi32, #tpu.memory_space<hbm>>
    %dma_start3A_29 = tpu.memref_squeeze %dma_start3A_28 : memref<1x2x120xi32, #tpu.memory_space<hbm>> -> memref<2x120xi32, #tpu.memory_space<hbm>>
    tpu.enqueue_dma source(%dma_start3A_29 : memref<2x120xi32, #tpu.memory_space<hbm>>) target(%arg7 : memref<2x120xi32, #tpu.memory_space<vmem>>) target_semaphore(%arg13 : memref<!tpu.dma_semaphore, #tpu.memory_space<semaphore_mem>>)
    %add3A_30 = arith.constant 2 : i32
    %add3A_31 = arith.addi %select_n3A_8, %add3A_30 : i32
    %dma_start3A_32 = arith.constant 0 : i32
    %dma_start3A_33 = arith.constant 0 : i32
    %dma_start3A_34 = tpu.memref_slice %arg3[%add3A_31, %dma_start3A_32, %dma_start3A_33] : memref<2688x2x120xi32, #tpu.memory_space<hbm>> -> memref<1x2x120xi32, #tpu.memory_space<hbm>>
    %dma_start3A_35 = tpu.memref_squeeze %dma_start3A_34 : memref<1x2x120xi32, #tpu.memory_space<hbm>> -> memref<2x120xi32, #tpu.memory_space<hbm>>
    %dma_start3A_36 = arith.constant 0 : i32
    %dma_start3A_37 = arith.constant 0 : i32
    %dma_start3A_38 = tpu.memref_slice %arg3[%add3A_31, %dma_start3A_36, %dma_start3A_37] : memref<2688x2x120xi32, #tpu.memory_space<hbm>> -> memref<1x2x120xi32, #tpu.memory_space<hbm>>
    %dma_start3A_39 = tpu.memref_squeeze %dma_start3A_38 : memref<1x2x120xi32, #tpu.memory_space<hbm>> -> memref<2x120xi32, #tpu.memory_space<hbm>>
    tpu.enqueue_dma source(%dma_start3A_39 : memref<2x120xi32, #tpu.memory_space<hbm>>) target(%arg8 : memref<2x120xi32, #tpu.memory_space<vmem>>) target_semaphore(%arg14 : memref<!tpu.dma_semaphore, #tpu.memory_space<semaphore_mem>>)
    %barrier3A = arith.constant 0 : index
    tpu.barrier barrier_id(%barrier3A)
    %jit3A_40 = arith.constant 6 : i32
    %div3A = arith.divsi %select_n3A, %jit3A_40 : i32
    %sign3A = arith.constant 0 : i32
    %sign3A_41 = arith.cmpi sgt, %select_n3A, %sign3A : i32
    %sign3A_42 = arith.extui %sign3A_41 : i1 to i32
    %sign3A_43 = arith.constant 0 : i32
    %sign3A_44 = arith.cmpi slt, %select_n3A, %sign3A_43 : i32
    %sign3A_45 = arith.extui %sign3A_44 : i1 to i32
    %sign3A_46 = arith.subi %sign3A_42, %sign3A_45 : i32
    %sign3A_47 = arith.constant 0 : i32
    %sign3A_48 = arith.cmpi sgt, %jit3A_40, %sign3A_47 : i32
    %sign3A_49 = arith.extui %sign3A_48 : i1 to i32
    %sign3A_50 = arith.constant 0 : i32
    %sign3A_51 = arith.cmpi slt, %jit3A_40, %sign3A_50 : i32
    %sign3A_52 = arith.extui %sign3A_51 : i1 to i32
    %sign3A_53 = arith.subi %sign3A_49, %sign3A_52 : i32
    %ne3A = arith.cmpi ne, %sign3A_46, %sign3A_53 : i32
    %rem3A = arith.remsi %select_n3A, %jit3A_40 : i32
    %ne3A_54 = arith.constant 0 : i32
    %ne3A_55 = arith.cmpi ne, %rem3A, %ne3A_54 : i32
    %and3A = arith.andi %ne3A, %ne3A_55 : i1
    %sub3A = arith.constant 1 : i32
    %sub3A_56 = arith.subi %div3A, %sub3A : i32
    %select_n3A_57 = arith.select %and3A, %sub3A_56, %div3A : i32
    %while3A = arith.constant 0 : i32
    %while3A_58 = arith.constant 0 : i32
    %while3A_59 = arith.subi %select_n3A_57, %while3A_58 : i32
    %while3A_60 = arith.addi %while3A_58, %while3A_59 : i32
    %while3A_61 = arith.constant 1 : i32
    %while3A_62 = arith.divsi %while3A_59, %while3A_61 : i32
    %while3A_63 = arith.muli %while3A_62, %while3A_61 : i32
    %while3A_64 = arith.addi %while3A_58, %while3A_63 : i32
    %while3A_65 = arith.constant 1 : i32
    scf.for %while3A_120 = %while3A_58 to %while3A_64 step %while3A_65  : i32 {
      %mul3A_121 = arith.constant 6 : i32
      %mul3A_122 = arith.muli %while3A_120, %mul3A_121 : i32
      %add3A_123 = arith.constant 0 : i32
      %add3A_124 = arith.addi %mul3A_122, %add3A_123 : i32
      %ge3A = arith.constant 3 : i32
      %ge3A_125 = arith.cmpi sge, %add3A_124, %ge3A : i32
      %convert_element_type3A = arith.extui %ge3A_125 : i1 to i32
      %cond3A = arith.constant 0 : i32
      %cond3A_126 = arith.cmpi ne, %convert_element_type3A, %cond3A : i32
      scf.if %cond3A_126 {
        %dma_wait3A_333 = arith.constant 1 : i32
        %dma_wait3A_334 = arith.constant 0 : i32
        %dma_wait3A_335 = tpu.memref_slice %arg6[%dma_wait3A_333, %dma_wait3A_334] : memref<2x120xi32, #tpu.memory_space<vmem>> -> memref<1x120xi32, #tpu.memory_space<vmem>>
        %dma_wait3A_336 = tpu.memref_squeeze %dma_wait3A_335 : memref<1x120xi32, #tpu.memory_space<vmem>> -> memref<120xi32, #tpu.memory_space<vmem>>
        %dma_wait3A_337 = arith.constant 0 : i32
        %dma_wait3A_338 = arith.constant 0 : i32
        %dma_wait3A_339 = tpu.memref_slice %arg27[%dma_wait3A_337, %dma_wait3A_338] : memref<10240x128xf32, #tpu.memory_space<vmem_shared>> -> memref<10240x128xf32, #tpu.memory_space<vmem_shared>>
        tpu.wait_indirect_dma semaphore(%arg24 : memref<!tpu.dma_semaphore, #tpu.memory_space<semaphore_mem>>) src(%arg18 : memref<120x128xf32, #tpu.memory_space<vmem>>) dst(%dma_wait3A_339 : memref<10240x128xf32, #tpu.memory_space<vmem_shared>>)
      } else {
      }
      %add3A_127 = arith.constant 3 : i32
      %add3A_128 = arith.addi %add3A_124, %add3A_127 : i32
      %lt3A = arith.cmpi slt, %add3A_128, %select_n3A : i32
      %convert_element_type3A_129 = arith.extui %lt3A : i1 to i32
      %cond3A_130 = arith.constant 0 : i32
      %cond3A_131 = arith.cmpi ne, %convert_element_type3A_129, %cond3A_130 : i32
      scf.if %cond3A_131 {
        %add3A_333 = arith.addi %select_n3A_8, %add3A_124 : i32
        %add3A_334 = arith.constant 3 : i32
        %add3A_335 = arith.addi %add3A_333, %add3A_334 : i32
        %dma_start3A_336 = arith.constant 0 : i32
        %dma_start3A_337 = arith.constant 0 : i32
        %dma_start3A_338 = tpu.memref_slice %arg3[%add3A_335, %dma_start3A_336, %dma_start3A_337] : memref<2688x2x120xi32, #tpu.memory_space<hbm>> -> memref<1x2x120xi32, #tpu.memory_space<hbm>>
        %dma_start3A_339 = tpu.memref_squeeze %dma_start3A_338 : memref<1x2x120xi32, #tpu.memory_space<hbm>> -> memref<2x120xi32, #tpu.memory_space<hbm>>
        %dma_start3A_340 = arith.constant 0 : i32
        %dma_start3A_341 = arith.constant 0 : i32
        %dma_start3A_342 = tpu.memref_slice %arg3[%add3A_335, %dma_start3A_340, %dma_start3A_341] : memref<2688x2x120xi32, #tpu.memory_space<hbm>> -> memref<1x2x120xi32, #tpu.memory_space<hbm>>
        %dma_start3A_343 = tpu.memref_squeeze %dma_start3A_342 : memref<1x2x120xi32, #tpu.memory_space<hbm>> -> memref<2x120xi32, #tpu.memory_space<hbm>>
        tpu.enqueue_dma source(%dma_start3A_343 : memref<2x120xi32, #tpu.memory_space<hbm>>) target(%arg9 : memref<2x120xi32, #tpu.memory_space<vmem>>) target_semaphore(%arg15 : memref<!tpu.dma_semaphore, #tpu.memory_space<semaphore_mem>>)
      } else {
      }
      %ge3A_132 = arith.constant 2 : i32
      %ge3A_133 = arith.cmpi sge, %add3A_124, %ge3A_132 : i32
      %convert_element_type3A_134 = arith.extui %ge3A_133 : i1 to i32
      %cond3A_135 = arith.constant 0 : i32
      %cond3A_136 = arith.cmpi ne, %convert_element_type3A_134, %cond3A_135 : i32
      scf.if %cond3A_136 {
        %dma_wait3A_333 = arith.constant 0 : i32
        %dma_wait3A_334 = arith.constant 0 : i32
        %dma_wait3A_335 = tpu.memref_slice %arg10[%dma_wait3A_333, %dma_wait3A_334] : memref<2x120xi32, #tpu.memory_space<vmem>> -> memref<1x120xi32, #tpu.memory_space<vmem>>
        %dma_wait3A_336 = tpu.memref_squeeze %dma_wait3A_335 : memref<1x120xi32, #tpu.memory_space<vmem>> -> memref<120xi32, #tpu.memory_space<vmem>>
        %dma_wait3A_337 = arith.constant 0 : i32
        %dma_wait3A_338 = arith.constant 0 : i32
        %dma_wait3A_339 = tpu.memref_slice %arg2[%dma_wait3A_337, %dma_wait3A_338] : memref<10000x128xf32, #tpu.memory_space<hbm>> -> memref<10000x128xf32, #tpu.memory_space<hbm>>
        tpu.wait_indirect_dma semaphore(%arg22 : memref<!tpu.dma_semaphore, #tpu.memory_space<semaphore_mem>>) src(%dma_wait3A_339 : memref<10000x128xf32, #tpu.memory_space<hbm>>) dst(%arg19 : memref<120x128xf32, #tpu.memory_space<vmem>>)
        %dma_start3A_340 = arith.constant 1 : i32
        %dma_start3A_341 = arith.constant 0 : i32
        %dma_start3A_342 = tpu.memref_slice %arg10[%dma_start3A_340, %dma_start3A_341] : memref<2x120xi32, #tpu.memory_space<vmem>> -> memref<1x120xi32, #tpu.memory_space<vmem>>
        %dma_start3A_343 = tpu.memref_squeeze %dma_start3A_342 : memref<1x120xi32, #tpu.memory_space<vmem>> -> memref<120xi32, #tpu.memory_space<vmem>>
        %dma_start3A_344 = arith.constant 0 : i32
        %dma_start3A_345 = arith.constant 0 : i32
        %dma_start3A_346 = tpu.memref_slice %arg27[%dma_start3A_344, %dma_start3A_345] : memref<10240x128xf32, #tpu.memory_space<vmem_shared>> -> memref<10240x128xf32, #tpu.memory_space<vmem_shared>>
        tpu.enqueue_indirect_dma source(%arg19 : memref<120x128xf32, #tpu.memory_space<vmem>>) target(%dma_start3A_346 : memref<10240x128xf32, #tpu.memory_space<vmem_shared>>) offsets(%dma_start3A_343 : memref<120xi32, #tpu.memory_space<vmem>>) semaphore(%arg25 : memref<!tpu.dma_semaphore, #tpu.memory_space<semaphore_mem>>) {add = true}
      } else {
      }
      %add3A_137 = arith.addi %select_n3A_8, %add3A_124 : i32
      %dma_wait3A_138 = arith.constant 0 : i32
      %dma_wait3A_139 = arith.constant 0 : i32
      %dma_wait3A_140 = tpu.memref_slice %arg3[%add3A_137, %dma_wait3A_138, %dma_wait3A_139] : memref<2688x2x120xi32, #tpu.memory_space<hbm>> -> memref<1x2x120xi32, #tpu.memory_space<hbm>>
      %dma_wait3A_141 = tpu.memref_squeeze %dma_wait3A_140 : memref<1x2x120xi32, #tpu.memory_space<hbm>> -> memref<2x120xi32, #tpu.memory_space<hbm>>
      %dma_wait3A_142 = arith.constant 0 : i32
      %dma_wait3A_143 = arith.constant 0 : i32
      %dma_wait3A_144 = tpu.memref_slice %arg3[%add3A_137, %dma_wait3A_142, %dma_wait3A_143] : memref<2688x2x120xi32, #tpu.memory_space<hbm>> -> memref<1x2x120xi32, #tpu.memory_space<hbm>>
      %dma_wait3A_145 = tpu.memref_squeeze %dma_wait3A_144 : memref<1x2x120xi32, #tpu.memory_space<hbm>> -> memref<2x120xi32, #tpu.memory_space<hbm>>
      tpu.wait_dma2 semaphore(%arg12 : memref<!tpu.dma_semaphore, #tpu.memory_space<semaphore_mem>>) src(%dma_wait3A_145 : memref<2x120xi32, #tpu.memory_space<hbm>>) dst(%arg6 : memref<2x120xi32, #tpu.memory_space<vmem>>)
      %dma_start3A_146 = arith.constant 0 : i32
      %dma_start3A_147 = arith.constant 0 : i32
      %dma_start3A_148 = tpu.memref_slice %arg6[%dma_start3A_146, %dma_start3A_147] : memref<2x120xi32, #tpu.memory_space<vmem>> -> memref<1x120xi32, #tpu.memory_space<vmem>>
      %dma_start3A_149 = tpu.memref_squeeze %dma_start3A_148 : memref<1x120xi32, #tpu.memory_space<vmem>> -> memref<120xi32, #tpu.memory_space<vmem>>
      %dma_start3A_150 = arith.constant 0 : i32
      %dma_start3A_151 = arith.constant 0 : i32
      %dma_start3A_152 = tpu.memref_slice %arg2[%dma_start3A_150, %dma_start3A_151] : memref<10000x128xf32, #tpu.memory_space<hbm>> -> memref<10000x128xf32, #tpu.memory_space<hbm>>
      tpu.enqueue_indirect_dma source(%dma_start3A_152 : memref<10000x128xf32, #tpu.memory_space<hbm>>) target(%arg18 : memref<120x128xf32, #tpu.memory_space<vmem>>) offsets(%dma_start3A_149 : memref<120xi32, #tpu.memory_space<vmem>>) semaphore(%arg21 : memref<!tpu.dma_semaphore, #tpu.memory_space<semaphore_mem>>)
      %mul3A_153 = arith.constant 6 : i32
      %mul3A_154 = arith.muli %while3A_120, %mul3A_153 : i32
      %add3A_155 = arith.constant 1 : i32
      %add3A_156 = arith.addi %mul3A_154, %add3A_155 : i32
      %ge3A_157 = arith.constant 3 : i32
      %ge3A_158 = arith.cmpi sge, %add3A_156, %ge3A_157 : i32
      %convert_element_type3A_159 = arith.extui %ge3A_158 : i1 to i32
      %cond3A_160 = arith.constant 0 : i32
      %cond3A_161 = arith.cmpi ne, %convert_element_type3A_159, %cond3A_160 : i32
      scf.if %cond3A_161 {
        %dma_wait3A_333 = arith.constant 1 : i32
        %dma_wait3A_334 = arith.constant 0 : i32
        %dma_wait3A_335 = tpu.memref_slice %arg7[%dma_wait3A_333, %dma_wait3A_334] : memref<2x120xi32, #tpu.memory_space<vmem>> -> memref<1x120xi32, #tpu.memory_space<vmem>>
        %dma_wait3A_336 = tpu.memref_squeeze %dma_wait3A_335 : memref<1x120xi32, #tpu.memory_space<vmem>> -> memref<120xi32, #tpu.memory_space<vmem>>
        %dma_wait3A_337 = arith.constant 0 : i32
        %dma_wait3A_338 = arith.constant 0 : i32
        %dma_wait3A_339 = tpu.memref_slice %arg27[%dma_wait3A_337, %dma_wait3A_338] : memref<10240x128xf32, #tpu.memory_space<vmem_shared>> -> memref<10240x128xf32, #tpu.memory_space<vmem_shared>>
        tpu.wait_indirect_dma semaphore(%arg25 : memref<!tpu.dma_semaphore, #tpu.memory_space<semaphore_mem>>) src(%arg19 : memref<120x128xf32, #tpu.memory_space<vmem>>) dst(%dma_wait3A_339 : memref<10240x128xf32, #tpu.memory_space<vmem_shared>>)
      } else {
      }
      %add3A_162 = arith.constant 3 : i32
      %add3A_163 = arith.addi %add3A_156, %add3A_162 : i32
      %lt3A_164 = arith.cmpi slt, %add3A_163, %select_n3A : i32
      %convert_element_type3A_165 = arith.extui %lt3A_164 : i1 to i32
      %cond3A_166 = arith.constant 0 : i32
      %cond3A_167 = arith.cmpi ne, %convert_element_type3A_165, %cond3A_166 : i32
      scf.if %cond3A_167 {
        %add3A_333 = arith.addi %select_n3A_8, %add3A_156 : i32
        %add3A_334 = arith.constant 3 : i32
        %add3A_335 = arith.addi %add3A_333, %add3A_334 : i32
        %dma_start3A_336 = arith.constant 0 : i32
        %dma_start3A_337 = arith.constant 0 : i32
        %dma_start3A_338 = tpu.memref_slice %arg3[%add3A_335, %dma_start3A_336, %dma_start3A_337] : memref<2688x2x120xi32, #tpu.memory_space<hbm>> -> memref<1x2x120xi32, #tpu.memory_space<hbm>>
        %dma_start3A_339 = tpu.memref_squeeze %dma_start3A_338 : memref<1x2x120xi32, #tpu.memory_space<hbm>> -> memref<2x120xi32, #tpu.memory_space<hbm>>
        %dma_start3A_340 = arith.constant 0 : i32
        %dma_start3A_341 = arith.constant 0 : i32
        %dma_start3A_342 = tpu.memref_slice %arg3[%add3A_335, %dma_start3A_340, %dma_start3A_341] : memref<2688x2x120xi32, #tpu.memory_space<hbm>> -> memref<1x2x120xi32, #tpu.memory_space<hbm>>
        %dma_start3A_343 = tpu.memref_squeeze %dma_start3A_342 : memref<1x2x120xi32, #tpu.memory_space<hbm>> -> memref<2x120xi32, #tpu.memory_space<hbm>>
        tpu.enqueue_dma source(%dma_start3A_343 : memref<2x120xi32, #tpu.memory_space<hbm>>) target(%arg10 : memref<2x120xi32, #tpu.memory_space<vmem>>) target_semaphore(%arg16 : memref<!tpu.dma_semaphore, #tpu.memory_space<semaphore_mem>>)
      } else {
      }
      %ge3A_168 = arith.constant 2 : i32
      %ge3A_169 = arith.cmpi sge, %add3A_156, %ge3A_168 : i32
      %convert_element_type3A_170 = arith.extui %ge3A_169 : i1 to i32
      %cond3A_171 = arith.constant 0 : i32
      %cond3A_172 = arith.cmpi ne, %convert_element_type3A_170, %cond3A_171 : i32
      scf.if %cond3A_172 {
        %dma_wait3A_333 = arith.constant 0 : i32
        %dma_wait3A_334 = arith.constant 0 : i32
        %dma_wait3A_335 = tpu.memref_slice %arg11[%dma_wait3A_333, %dma_wait3A_334] : memref<2x120xi32, #tpu.memory_space<vmem>> -> memref<1x120xi32, #tpu.memory_space<vmem>>
        %dma_wait3A_336 = tpu.memref_squeeze %dma_wait3A_335 : memref<1x120xi32, #tpu.memory_space<vmem>> -> memref<120xi32, #tpu.memory_space<vmem>>
        %dma_wait3A_337 = arith.constant 0 : i32
        %dma_wait3A_338 = arith.constant 0 : i32
        %dma_wait3A_339 = tpu.memref_slice %arg2[%dma_wait3A_337, %dma_wait3A_338] : memref<10000x128xf32, #tpu.memory_space<hbm>> -> memref<10000x128xf32, #tpu.memory_space<hbm>>
        tpu.wait_indirect_dma semaphore(%arg23 : memref<!tpu.dma_semaphore, #tpu.memory_space<semaphore_mem>>) src(%dma_wait3A_339 : memref<10000x128xf32, #tpu.memory_space<hbm>>) dst(%arg20 : memref<120x128xf32, #tpu.memory_space<vmem>>)
        %dma_start3A_340 = arith.constant 1 : i32
        %dma_start3A_341 = arith.constant 0 : i32
        %dma_start3A_342 = tpu.memref_slice %arg11[%dma_start3A_340, %dma_start3A_341] : memref<2x120xi32, #tpu.memory_space<vmem>> -> memref<1x120xi32, #tpu.memory_space<vmem>>
        %dma_start3A_343 = tpu.memref_squeeze %dma_start3A_342 : memref<1x120xi32, #tpu.memory_space<vmem>> -> memref<120xi32, #tpu.memory_space<vmem>>
        %dma_start3A_344 = arith.constant 0 : i32
        %dma_start3A_345 = arith.constant 0 : i32
        %dma_start3A_346 = tpu.memref_slice %arg27[%dma_start3A_344, %dma_start3A_345] : memref<10240x128xf32, #tpu.memory_space<vmem_shared>> -> memref<10240x128xf32, #tpu.memory_space<vmem_shared>>
        tpu.enqueue_indirect_dma source(%arg20 : memref<120x128xf32, #tpu.memory_space<vmem>>) target(%dma_start3A_346 : memref<10240x128xf32, #tpu.memory_space<vmem_shared>>) offsets(%dma_start3A_343 : memref<120xi32, #tpu.memory_space<vmem>>) semaphore(%arg26 : memref<!tpu.dma_semaphore, #tpu.memory_space<semaphore_mem>>) {add = true}
      } else {
      }
      %add3A_173 = arith.addi %select_n3A_8, %add3A_156 : i32
      %dma_wait3A_174 = arith.constant 0 : i32
      %dma_wait3A_175 = arith.constant 0 : i32
      %dma_wait3A_176 = tpu.memref_slice %arg3[%add3A_173, %dma_wait3A_174, %dma_wait3A_175] : memref<2688x2x120xi32, #tpu.memory_space<hbm>> -> memref<1x2x120xi32, #tpu.memory_space<hbm>>
      %dma_wait3A_177 = tpu.memref_squeeze %dma_wait3A_176 : memref<1x2x120xi32, #tpu.memory_space<hbm>> -> memref<2x120xi32, #tpu.memory_space<hbm>>
      %dma_wait3A_178 = arith.constant 0 : i32
      %dma_wait3A_179 = arith.constant 0 : i32
      %dma_wait3A_180 = tpu.memref_slice %arg3[%add3A_173, %dma_wait3A_178, %dma_wait3A_179] : memref<2688x2x120xi32, #tpu.memory_space<hbm>> -> memref<1x2x120xi32, #tpu.memory_space<hbm>>
      %dma_wait3A_181 = tpu.memref_squeeze %dma_wait3A_180 : memref<1x2x120xi32, #tpu.memory_space<hbm>> -> memref<2x120xi32, #tpu.memory_space<hbm>>
      tpu.wait_dma2 semaphore(%arg13 : memref<!tpu.dma_semaphore, #tpu.memory_space<semaphore_mem>>) src(%dma_wait3A_181 : memref<2x120xi32, #tpu.memory_space<hbm>>) dst(%arg7 : memref<2x120xi32, #tpu.memory_space<vmem>>)
      %dma_start3A_182 = arith.constant 0 : i32
      %dma_start3A_183 = arith.constant 0 : i32
      %dma_start3A_184 = tpu.memref_slice %arg7[%dma_start3A_182, %dma_start3A_183] : memref<2x120xi32, #tpu.memory_space<vmem>> -> memref<1x120xi32, #tpu.memory_space<vmem>>
      %dma_start3A_185 = tpu.memref_squeeze %dma_start3A_184 : memref<1x120xi32, #tpu.memory_space<vmem>> -> memref<120xi32, #tpu.memory_space<vmem>>
      %dma_start3A_186 = arith.constant 0 : i32
      %dma_start3A_187 = arith.constant 0 : i32
      %dma_start3A_188 = tpu.memref_slice %arg2[%dma_start3A_186, %dma_start3A_187] : memref<10000x128xf32, #tpu.memory_space<hbm>> -> memref<10000x128xf32, #tpu.memory_space<hbm>>
      tpu.enqueue_indirect_dma source(%dma_start3A_188 : memref<10000x128xf32, #tpu.memory_space<hbm>>) target(%arg19 : memref<120x128xf32, #tpu.memory_space<vmem>>) offsets(%dma_start3A_185 : memref<120xi32, #tpu.memory_space<vmem>>) semaphore(%arg22 : memref<!tpu.dma_semaphore, #tpu.memory_space<semaphore_mem>>)
      %mul3A_189 = arith.constant 6 : i32
      %mul3A_190 = arith.muli %while3A_120, %mul3A_189 : i32
      %add3A_191 = arith.constant 2 : i32
      %add3A_192 = arith.addi %mul3A_190, %add3A_191 : i32
      %ge3A_193 = arith.constant 3 : i32
      %ge3A_194 = arith.cmpi sge, %add3A_192, %ge3A_193 : i32
      %convert_element_type3A_195 = arith.extui %ge3A_194 : i1 to i32
      %cond3A_196 = arith.constant 0 : i32
      %cond3A_197 = arith.cmpi ne, %convert_element_type3A_195, %cond3A_196 : i32
      scf.if %cond3A_197 {
        %dma_wait3A_333 = arith.constant 1 : i32
        %dma_wait3A_334 = arith.constant 0 : i32
        %dma_wait3A_335 = tpu.memref_slice %arg8[%dma_wait3A_333, %dma_wait3A_334] : memref<2x120xi32, #tpu.memory_space<vmem>> -> memref<1x120xi32, #tpu.memory_space<vmem>>
        %dma_wait3A_336 = tpu.memref_squeeze %dma_wait3A_335 : memref<1x120xi32, #tpu.memory_space<vmem>> -> memref<120xi32, #tpu.memory_space<vmem>>
        %dma_wait3A_337 = arith.constant 0 : i32
        %dma_wait3A_338 = arith.constant 0 : i32
        %dma_wait3A_339 = tpu.memref_slice %arg27[%dma_wait3A_337, %dma_wait3A_338] : memref<10240x128xf32, #tpu.memory_space<vmem_shared>> -> memref<10240x128xf32, #tpu.memory_space<vmem_shared>>
        tpu.wait_indirect_dma semaphore(%arg26 : memref<!tpu.dma_semaphore, #tpu.memory_space<semaphore_mem>>) src(%arg20 : memref<120x128xf32, #tpu.memory_space<vmem>>) dst(%dma_wait3A_339 : memref<10240x128xf32, #tpu.memory_space<vmem_shared>>)
      } else {
      }
      %add3A_198 = arith.constant 3 : i32
      %add3A_199 = arith.addi %add3A_192, %add3A_198 : i32
      %lt3A_200 = arith.cmpi slt, %add3A_199, %select_n3A : i32
      %convert_element_type3A_201 = arith.extui %lt3A_200 : i1 to i32
      %cond3A_202 = arith.constant 0 : i32
      %cond3A_203 = arith.cmpi ne, %convert_element_type3A_201, %cond3A_202 : i32
      scf.if %cond3A_203 {
        %add3A_333 = arith.addi %select_n3A_8, %add3A_192 : i32
        %add3A_334 = arith.constant 3 : i32
        %add3A_335 = arith.addi %add3A_333, %add3A_334 : i32
        %dma_start3A_336 = arith.constant 0 : i32
        %dma_start3A_337 = arith.constant 0 : i32
        %dma_start3A_338 = tpu.memref_slice %arg3[%add3A_335, %dma_start3A_336, %dma_start3A_337] : memref<2688x2x120xi32, #tpu.memory_space<hbm>> -> memref<1x2x120xi32, #tpu.memory_space<hbm>>
        %dma_start3A_339 = tpu.memref_squeeze %dma_start3A_338 : memref<1x2x120xi32, #tpu.memory_space<hbm>> -> memref<2x120xi32, #tpu.memory_space<hbm>>
        %dma_start3A_340 = arith.constant 0 : i32
        %dma_start3A_341 = arith.constant 0 : i32
        %dma_start3A_342 = tpu.memref_slice %arg3[%add3A_335, %dma_start3A_340, %dma_start3A_341] : memref<2688x2x120xi32, #tpu.memory_space<hbm>> -> memref<1x2x120xi32, #tpu.memory_space<hbm>>
        %dma_start3A_343 = tpu.memref_squeeze %dma_start3A_342 : memref<1x2x120xi32, #tpu.memory_space<hbm>> -> memref<2x120xi32, #tpu.memory_space<hbm>>
        tpu.enqueue_dma source(%dma_start3A_343 : memref<2x120xi32, #tpu.memory_space<hbm>>) target(%arg11 : memref<2x120xi32, #tpu.memory_space<vmem>>) target_semaphore(%arg17 : memref<!tpu.dma_semaphore, #tpu.memory_space<semaphore_mem>>)
      } else {
      }
      %ge3A_204 = arith.constant 2 : i32
      %ge3A_205 = arith.cmpi sge, %add3A_192, %ge3A_204 : i32
      %convert_element_type3A_206 = arith.extui %ge3A_205 : i1 to i32
      %cond3A_207 = arith.constant 0 : i32
      %cond3A_208 = arith.cmpi ne, %convert_element_type3A_206, %cond3A_207 : i32
      scf.if %cond3A_208 {
        %dma_wait3A_333 = arith.constant 0 : i32
        %dma_wait3A_334 = arith.constant 0 : i32
        %dma_wait3A_335 = tpu.memref_slice %arg6[%dma_wait3A_333, %dma_wait3A_334] : memref<2x120xi32, #tpu.memory_space<vmem>> -> memref<1x120xi32, #tpu.memory_space<vmem>>
        %dma_wait3A_336 = tpu.memref_squeeze %dma_wait3A_335 : memref<1x120xi32, #tpu.memory_space<vmem>> -> memref<120xi32, #tpu.memory_space<vmem>>
        %dma_wait3A_337 = arith.constant 0 : i32
        %dma_wait3A_338 = arith.constant 0 : i32
        %dma_wait3A_339 = tpu.memref_slice %arg2[%dma_wait3A_337, %dma_wait3A_338] : memref<10000x128xf32, #tpu.memory_space<hbm>> -> memref<10000x128xf32, #tpu.memory_space<hbm>>
        tpu.wait_indirect_dma semaphore(%arg21 : memref<!tpu.dma_semaphore, #tpu.memory_space<semaphore_mem>>) src(%dma_wait3A_339 : memref<10000x128xf32, #tpu.memory_space<hbm>>) dst(%arg18 : memref<120x128xf32, #tpu.memory_space<vmem>>)
        %dma_start3A_340 = arith.constant 1 : i32
        %dma_start3A_341 = arith.constant 0 : i32
        %dma_start3A_342 = tpu.memref_slice %arg6[%dma_start3A_340, %dma_start3A_341] : memref<2x120xi32, #tpu.memory_space<vmem>> -> memref<1x120xi32, #tpu.memory_space<vmem>>
        %dma_start3A_343 = tpu.memref_squeeze %dma_start3A_342 : memref<1x120xi32, #tpu.memory_space<vmem>> -> memref<120xi32, #tpu.memory_space<vmem>>
        %dma_start3A_344 = arith.constant 0 : i32
        %dma_start3A_345 = arith.constant 0 : i32
        %dma_start3A_346 = tpu.memref_slice %arg27[%dma_start3A_344, %dma_start3A_345] : memref<10240x128xf32, #tpu.memory_space<vmem_shared>> -> memref<10240x128xf32, #tpu.memory_space<vmem_shared>>
        tpu.enqueue_indirect_dma source(%arg18 : memref<120x128xf32, #tpu.memory_space<vmem>>) target(%dma_start3A_346 : memref<10240x128xf32, #tpu.memory_space<vmem_shared>>) offsets(%dma_start3A_343 : memref<120xi32, #tpu.memory_space<vmem>>) semaphore(%arg24 : memref<!tpu.dma_semaphore, #tpu.memory_space<semaphore_mem>>) {add = true}
      } else {
      }
      %add3A_209 = arith.addi %select_n3A_8, %add3A_192 : i32
      %dma_wait3A_210 = arith.constant 0 : i32
      %dma_wait3A_211 = arith.constant 0 : i32
      %dma_wait3A_212 = tpu.memref_slice %arg3[%add3A_209, %dma_wait3A_210, %dma_wait3A_211] : memref<2688x2x120xi32, #tpu.memory_space<hbm>> -> memref<1x2x120xi32, #tpu.memory_space<hbm>>
      %dma_wait3A_213 = tpu.memref_squeeze %dma_wait3A_212 : memref<1x2x120xi32, #tpu.memory_space<hbm>> -> memref<2x120xi32, #tpu.memory_space<hbm>>
      %dma_wait3A_214 = arith.constant 0 : i32
      %dma_wait3A_215 = arith.constant 0 : i32
      %dma_wait3A_216 = tpu.memref_slice %arg3[%add3A_209, %dma_wait3A_214, %dma_wait3A_215] : memref<2688x2x120xi32, #tpu.memory_space<hbm>> -> memref<1x2x120xi32, #tpu.memory_space<hbm>>
      %dma_wait3A_217 = tpu.memref_squeeze %dma_wait3A_216 : memref<1x2x120xi32, #tpu.memory_space<hbm>> -> memref<2x120xi32, #tpu.memory_space<hbm>>
      tpu.wait_dma2 semaphore(%arg14 : memref<!tpu.dma_semaphore, #tpu.memory_space<semaphore_mem>>) src(%dma_wait3A_217 : memref<2x120xi32, #tpu.memory_space<hbm>>) dst(%arg8 : memref<2x120xi32, #tpu.memory_space<vmem>>)
      %dma_start3A_218 = arith.constant 0 : i32
      %dma_start3A_219 = arith.constant 0 : i32
      %dma_start3A_220 = tpu.memref_slice %arg8[%dma_start3A_218, %dma_start3A_219] : memref<2x120xi32, #tpu.memory_space<vmem>> -> memref<1x120xi32, #tpu.memory_space<vmem>>
      %dma_start3A_221 = tpu.memref_squeeze %dma_start3A_220 : memref<1x120xi32, #tpu.memory_space<vmem>> -> memref<120xi32, #tpu.memory_space<vmem>>
      %dma_start3A_222 = arith.constant 0 : i32
      %dma_start3A_223 = arith.constant 0 : i32
      %dma_start3A_224 = tpu.memref_slice %arg2[%dma_start3A_222, %dma_start3A_223] : memref<10000x128xf32, #tpu.memory_space<hbm>> -> memref<10000x128xf32, #tpu.memory_space<hbm>>
      tpu.enqueue_indirect_dma source(%dma_start3A_224 : memref<10000x128xf32, #tpu.memory_space<hbm>>) target(%arg20 : memref<120x128xf32, #tpu.memory_space<vmem>>) offsets(%dma_start3A_221 : memref<120xi32, #tpu.memory_space<vmem>>) semaphore(%arg23 : memref<!tpu.dma_semaphore, #tpu.memory_space<semaphore_mem>>)
      %mul3A_225 = arith.constant 6 : i32
      %mul3A_226 = arith.muli %while3A_120, %mul3A_225 : i32
      %add3A_227 = arith.constant 3 : i32
      %add3A_228 = arith.addi %mul3A_226, %add3A_227 : i32
      %ge3A_229 = arith.constant 3 : i32
      %ge3A_230 = arith.cmpi sge, %add3A_228, %ge3A_229 : i32
      %convert_element_type3A_231 = arith.extui %ge3A_230 : i1 to i32
      %cond3A_232 = arith.constant 0 : i32
      %cond3A_233 = arith.cmpi ne, %convert_element_type3A_231, %cond3A_232 : i32
      scf.if %cond3A_233 {
        %dma_wait3A_333 = arith.constant 1 : i32
        %dma_wait3A_334 = arith.constant 0 : i32
        %dma_wait3A_335 = tpu.memref_slice %arg9[%dma_wait3A_333, %dma_wait3A_334] : memref<2x120xi32, #tpu.memory_space<vmem>> -> memref<1x120xi32, #tpu.memory_space<vmem>>
        %dma_wait3A_336 = tpu.memref_squeeze %dma_wait3A_335 : memref<1x120xi32, #tpu.memory_space<vmem>> -> memref<120xi32, #tpu.memory_space<vmem>>
        %dma_wait3A_337 = arith.constant 0 : i32
        %dma_wait3A_338 = arith.constant 0 : i32
        %dma_wait3A_339 = tpu.memref_slice %arg27[%dma_wait3A_337, %dma_wait3A_338] : memref<10240x128xf32, #tpu.memory_space<vmem_shared>> -> memref<10240x128xf32, #tpu.memory_space<vmem_shared>>
        tpu.wait_indirect_dma semaphore(%arg24 : memref<!tpu.dma_semaphore, #tpu.memory_space<semaphore_mem>>) src(%arg18 : memref<120x128xf32, #tpu.memory_space<vmem>>) dst(%dma_wait3A_339 : memref<10240x128xf32, #tpu.memory_space<vmem_shared>>)
      } else {
      }
      %add3A_234 = arith.constant 3 : i32
      %add3A_235 = arith.addi %add3A_228, %add3A_234 : i32
      %lt3A_236 = arith.cmpi slt, %add3A_235, %select_n3A : i32
      %convert_element_type3A_237 = arith.extui %lt3A_236 : i1 to i32
      %cond3A_238 = arith.constant 0 : i32
      %cond3A_239 = arith.cmpi ne, %convert_element_type3A_237, %cond3A_238 : i32
      scf.if %cond3A_239 {
        %add3A_333 = arith.addi %select_n3A_8, %add3A_228 : i32
        %add3A_334 = arith.constant 3 : i32
        %add3A_335 = arith.addi %add3A_333, %add3A_334 : i32
        %dma_start3A_336 = arith.constant 0 : i32
        %dma_start3A_337 = arith.constant 0 : i32
        %dma_start3A_338 = tpu.memref_slice %arg3[%add3A_335, %dma_start3A_336, %dma_start3A_337] : memref<2688x2x120xi32, #tpu.memory_space<hbm>> -> memref<1x2x120xi32, #tpu.memory_space<hbm>>
        %dma_start3A_339 = tpu.memref_squeeze %dma_start3A_338 : memref<1x2x120xi32, #tpu.memory_space<hbm>> -> memref<2x120xi32, #tpu.memory_space<hbm>>
        %dma_start3A_340 = arith.constant 0 : i32
        %dma_start3A_341 = arith.constant 0 : i32
        %dma_start3A_342 = tpu.memref_slice %arg3[%add3A_335, %dma_start3A_340, %dma_start3A_341] : memref<2688x2x120xi32, #tpu.memory_space<hbm>> -> memref<1x2x120xi32, #tpu.memory_space<hbm>>
        %dma_start3A_343 = tpu.memref_squeeze %dma_start3A_342 : memref<1x2x120xi32, #tpu.memory_space<hbm>> -> memref<2x120xi32, #tpu.memory_space<hbm>>
        tpu.enqueue_dma source(%dma_start3A_343 : memref<2x120xi32, #tpu.memory_space<hbm>>) target(%arg6 : memref<2x120xi32, #tpu.memory_space<vmem>>) target_semaphore(%arg12 : memref<!tpu.dma_semaphore, #tpu.memory_space<semaphore_mem>>)
      } else {
      }
      %ge3A_240 = arith.constant 2 : i32
      %ge3A_241 = arith.cmpi sge, %add3A_228, %ge3A_240 : i32
      %convert_element_type3A_242 = arith.extui %ge3A_241 : i1 to i32
      %cond3A_243 = arith.constant 0 : i32
      %cond3A_244 = arith.cmpi ne, %convert_element_type3A_242, %cond3A_243 : i32
      scf.if %cond3A_244 {
        %dma_wait3A_333 = arith.constant 0 : i32
        %dma_wait3A_334 = arith.constant 0 : i32
        %dma_wait3A_335 = tpu.memref_slice %arg7[%dma_wait3A_333, %dma_wait3A_334] : memref<2x120xi32, #tpu.memory_space<vmem>> -> memref<1x120xi32, #tpu.memory_space<vmem>>
        %dma_wait3A_336 = tpu.memref_squeeze %dma_wait3A_335 : memref<1x120xi32, #tpu.memory_space<vmem>> -> memref<120xi32, #tpu.memory_space<vmem>>
        %dma_wait3A_337 = arith.constant 0 : i32
        %dma_wait3A_338 = arith.constant 0 : i32
        %dma_wait3A_339 = tpu.memref_slice %arg2[%dma_wait3A_337, %dma_wait3A_338] : memref<10000x128xf32, #tpu.memory_space<hbm>> -> memref<10000x128xf32, #tpu.memory_space<hbm>>
        tpu.wait_indirect_dma semaphore(%arg22 : memref<!tpu.dma_semaphore, #tpu.memory_space<semaphore_mem>>) src(%dma_wait3A_339 : memref<10000x128xf32, #tpu.memory_space<hbm>>) dst(%arg19 : memref<120x128xf32, #tpu.memory_space<vmem>>)
        %dma_start3A_340 = arith.constant 1 : i32
        %dma_start3A_341 = arith.constant 0 : i32
        %dma_start3A_342 = tpu.memref_slice %arg7[%dma_start3A_340, %dma_start3A_341] : memref<2x120xi32, #tpu.memory_space<vmem>> -> memref<1x120xi32, #tpu.memory_space<vmem>>
        %dma_start3A_343 = tpu.memref_squeeze %dma_start3A_342 : memref<1x120xi32, #tpu.memory_space<vmem>> -> memref<120xi32, #tpu.memory_space<vmem>>
        %dma_start3A_344 = arith.constant 0 : i32
        %dma_start3A_345 = arith.constant 0 : i32
        %dma_start3A_346 = tpu.memref_slice %arg27[%dma_start3A_344, %dma_start3A_345] : memref<10240x128xf32, #tpu.memory_space<vmem_shared>> -> memref<10240x128xf32, #tpu.memory_space<vmem_shared>>
        tpu.enqueue_indirect_dma source(%arg19 : memref<120x128xf32, #tpu.memory_space<vmem>>) target(%dma_start3A_346 : memref<10240x128xf32, #tpu.memory_space<vmem_shared>>) offsets(%dma_start3A_343 : memref<120xi32, #tpu.memory_space<vmem>>) semaphore(%arg25 : memref<!tpu.dma_semaphore, #tpu.memory_space<semaphore_mem>>) {add = true}
      } else {
      }
      %add3A_245 = arith.addi %select_n3A_8, %add3A_228 : i32
      %dma_wait3A_246 = arith.constant 0 : i32
      %dma_wait3A_247 = arith.constant 0 : i32
      %dma_wait3A_248 = tpu.memref_slice %arg3[%add3A_245, %dma_wait3A_246, %dma_wait3A_247] : memref<2688x2x120xi32, #tpu.memory_space<hbm>> -> memref<1x2x120xi32, #tpu.memory_space<hbm>>
      %dma_wait3A_249 = tpu.memref_squeeze %dma_wait3A_248 : memref<1x2x120xi32, #tpu.memory_space<hbm>> -> memref<2x120xi32, #tpu.memory_space<hbm>>
      %dma_wait3A_250 = arith.constant 0 : i32
      %dma_wait3A_251 = arith.constant 0 : i32
      %dma_wait3A_252 = tpu.memref_slice %arg3[%add3A_245, %dma_wait3A_250, %dma_wait3A_251] : memref<2688x2x120xi32, #tpu.memory_space<hbm>> -> memref<1x2x120xi32, #tpu.memory_space<hbm>>
      %dma_wait3A_253 = tpu.memref_squeeze %dma_wait3A_252 : memref<1x2x120xi32, #tpu.memory_space<hbm>> -> memref<2x120xi32, #tpu.memory_space<hbm>>
      tpu.wait_dma2 semaphore(%arg15 : memref<!tpu.dma_semaphore, #tpu.memory_space<semaphore_mem>>) src(%dma_wait3A_253 : memref<2x120xi32, #tpu.memory_space<hbm>>) dst(%arg9 : memref<2x120xi32, #tpu.memory_space<vmem>>)
      %dma_start3A_254 = arith.constant 0 : i32
      %dma_start3A_255 = arith.constant 0 : i32
      %dma_start3A_256 = tpu.memref_slice %arg9[%dma_start3A_254, %dma_start3A_255] : memref<2x120xi32, #tpu.memory_space<vmem>> -> memref<1x120xi32, #tpu.memory_space<vmem>>
      %dma_start3A_257 = tpu.memref_squeeze %dma_start3A_256 : memref<1x120xi32, #tpu.memory_space<vmem>> -> memref<120xi32, #tpu.memory_space<vmem>>
      %dma_start3A_258 = arith.constant 0 : i32
      %dma_start3A_259 = arith.constant 0 : i32
      %dma_start3A_260 = tpu.memref_slice %arg2[%dma_start3A_258, %dma_start3A_259] : memref<10000x128xf32, #tpu.memory_space<hbm>> -> memref<10000x128xf32, #tpu.memory_space<hbm>>
      tpu.enqueue_indirect_dma source(%dma_start3A_260 : memref<10000x128xf32, #tpu.memory_space<hbm>>) target(%arg18 : memref<120x128xf32, #tpu.memory_space<vmem>>) offsets(%dma_start3A_257 : memref<120xi32, #tpu.memory_space<vmem>>) semaphore(%arg21 : memref<!tpu.dma_semaphore, #tpu.memory_space<semaphore_mem>>)
      %mul3A_261 = arith.constant 6 : i32
      %mul3A_262 = arith.muli %while3A_120, %mul3A_261 : i32
      %add3A_263 = arith.constant 4 : i32
      %add3A_264 = arith.addi %mul3A_262, %add3A_263 : i32
      %ge3A_265 = arith.constant 3 : i32
      %ge3A_266 = arith.cmpi sge, %add3A_264, %ge3A_265 : i32
      %convert_element_type3A_267 = arith.extui %ge3A_266 : i1 to i32
      %cond3A_268 = arith.constant 0 : i32
      %cond3A_269 = arith.cmpi ne, %convert_element_type3A_267, %cond3A_268 : i32
      scf.if %cond3A_269 {
        %dma_wait3A_333 = arith.constant 1 : i32
        %dma_wait3A_334 = arith.constant 0 : i32
        %dma_wait3A_335 = tpu.memref_slice %arg10[%dma_wait3A_333, %dma_wait3A_334] : memref<2x120xi32, #tpu.memory_space<vmem>> -> memref<1x120xi32, #tpu.memory_space<vmem>>
        %dma_wait3A_336 = tpu.memref_squeeze %dma_wait3A_335 : memref<1x120xi32, #tpu.memory_space<vmem>> -> memref<120xi32, #tpu.memory_space<vmem>>
        %dma_wait3A_337 = arith.constant 0 : i32
        %dma_wait3A_338 = arith.constant 0 : i32
        %dma_wait3A_339 = tpu.memref_slice %arg27[%dma_wait3A_337, %dma_wait3A_338] : memref<10240x128xf32, #tpu.memory_space<vmem_shared>> -> memref<10240x128xf32, #tpu.memory_space<vmem_shared>>
        tpu.wait_indirect_dma semaphore(%arg25 : memref<!tpu.dma_semaphore, #tpu.memory_space<semaphore_mem>>) src(%arg19 : memref<120x128xf32, #tpu.memory_space<vmem>>) dst(%dma_wait3A_339 : memref<10240x128xf32, #tpu.memory_space<vmem_shared>>)
      } else {
      }
      %add3A_270 = arith.constant 3 : i32
      %add3A_271 = arith.addi %add3A_264, %add3A_270 : i32
      %lt3A_272 = arith.cmpi slt, %add3A_271, %select_n3A : i32
      %convert_element_type3A_273 = arith.extui %lt3A_272 : i1 to i32
      %cond3A_274 = arith.constant 0 : i32
      %cond3A_275 = arith.cmpi ne, %convert_element_type3A_273, %cond3A_274 : i32
      scf.if %cond3A_275 {
        %add3A_333 = arith.addi %select_n3A_8, %add3A_264 : i32
        %add3A_334 = arith.constant 3 : i32
        %add3A_335 = arith.addi %add3A_333, %add3A_334 : i32
        %dma_start3A_336 = arith.constant 0 : i32
        %dma_start3A_337 = arith.constant 0 : i32
        %dma_start3A_338 = tpu.memref_slice %arg3[%add3A_335, %dma_start3A_336, %dma_start3A_337] : memref<2688x2x120xi32, #tpu.memory_space<hbm>> -> memref<1x2x120xi32, #tpu.memory_space<hbm>>
        %dma_start3A_339 = tpu.memref_squeeze %dma_start3A_338 : memref<1x2x120xi32, #tpu.memory_space<hbm>> -> memref<2x120xi32, #tpu.memory_space<hbm>>
        %dma_start3A_340 = arith.constant 0 : i32
        %dma_start3A_341 = arith.constant 0 : i32
        %dma_start3A_342 = tpu.memref_slice %arg3[%add3A_335, %dma_start3A_340, %dma_start3A_341] : memref<2688x2x120xi32, #tpu.memory_space<hbm>> -> memref<1x2x120xi32, #tpu.memory_space<hbm>>
        %dma_start3A_343 = tpu.memref_squeeze %dma_start3A_342 : memref<1x2x120xi32, #tpu.memory_space<hbm>> -> memref<2x120xi32, #tpu.memory_space<hbm>>
        tpu.enqueue_dma source(%dma_start3A_343 : memref<2x120xi32, #tpu.memory_space<hbm>>) target(%arg7 : memref<2x120xi32, #tpu.memory_space<vmem>>) target_semaphore(%arg13 : memref<!tpu.dma_semaphore, #tpu.memory_space<semaphore_mem>>)
      } else {
      }
      %ge3A_276 = arith.constant 2 : i32
      %ge3A_277 = arith.cmpi sge, %add3A_264, %ge3A_276 : i32
      %convert_element_type3A_278 = arith.extui %ge3A_277 : i1 to i32
      %cond3A_279 = arith.constant 0 : i32
      %cond3A_280 = arith.cmpi ne, %convert_element_type3A_278, %cond3A_279 : i32
      scf.if %cond3A_280 {
        %dma_wait3A_333 = arith.constant 0 : i32
        %dma_wait3A_334 = arith.constant 0 : i32
        %dma_wait3A_335 = tpu.memref_slice %arg8[%dma_wait3A_333, %dma_wait3A_334] : memref<2x120xi32, #tpu.memory_space<vmem>> -> memref<1x120xi32, #tpu.memory_space<vmem>>
        %dma_wait3A_336 = tpu.memref_squeeze %dma_wait3A_335 : memref<1x120xi32, #tpu.memory_space<vmem>> -> memref<120xi32, #tpu.memory_space<vmem>>
        %dma_wait3A_337 = arith.constant 0 : i32
        %dma_wait3A_338 = arith.constant 0 : i32
        %dma_wait3A_339 = tpu.memref_slice %arg2[%dma_wait3A_337, %dma_wait3A_338] : memref<10000x128xf32, #tpu.memory_space<hbm>> -> memref<10000x128xf32, #tpu.memory_space<hbm>>
        tpu.wait_indirect_dma semaphore(%arg23 : memref<!tpu.dma_semaphore, #tpu.memory_space<semaphore_mem>>) src(%dma_wait3A_339 : memref<10000x128xf32, #tpu.memory_space<hbm>>) dst(%arg20 : memref<120x128xf32, #tpu.memory_space<vmem>>)
        %dma_start3A_340 = arith.constant 1 : i32
        %dma_start3A_341 = arith.constant 0 : i32
        %dma_start3A_342 = tpu.memref_slice %arg8[%dma_start3A_340, %dma_start3A_341] : memref<2x120xi32, #tpu.memory_space<vmem>> -> memref<1x120xi32, #tpu.memory_space<vmem>>
        %dma_start3A_343 = tpu.memref_squeeze %dma_start3A_342 : memref<1x120xi32, #tpu.memory_space<vmem>> -> memref<120xi32, #tpu.memory_space<vmem>>
        %dma_start3A_344 = arith.constant 0 : i32
        %dma_start3A_345 = arith.constant 0 : i32
        %dma_start3A_346 = tpu.memref_slice %arg27[%dma_start3A_344, %dma_start3A_345] : memref<10240x128xf32, #tpu.memory_space<vmem_shared>> -> memref<10240x128xf32, #tpu.memory_space<vmem_shared>>
        tpu.enqueue_indirect_dma source(%arg20 : memref<120x128xf32, #tpu.memory_space<vmem>>) target(%dma_start3A_346 : memref<10240x128xf32, #tpu.memory_space<vmem_shared>>) offsets(%dma_start3A_343 : memref<120xi32, #tpu.memory_space<vmem>>) semaphore(%arg26 : memref<!tpu.dma_semaphore, #tpu.memory_space<semaphore_mem>>) {add = true}
      } else {
      }
      %add3A_281 = arith.addi %select_n3A_8, %add3A_264 : i32
      %dma_wait3A_282 = arith.constant 0 : i32
      %dma_wait3A_283 = arith.constant 0 : i32
      %dma_wait3A_284 = tpu.memref_slice %arg3[%add3A_281, %dma_wait3A_282, %dma_wait3A_283] : memref<2688x2x120xi32, #tpu.memory_space<hbm>> -> memref<1x2x120xi32, #tpu.memory_space<hbm>>
      %dma_wait3A_285 = tpu.memref_squeeze %dma_wait3A_284 : memref<1x2x120xi32, #tpu.memory_space<hbm>> -> memref<2x120xi32, #tpu.memory_space<hbm>>
      %dma_wait3A_286 = arith.constant 0 : i32
      %dma_wait3A_287 = arith.constant 0 : i32
      %dma_wait3A_288 = tpu.memref_slice %arg3[%add3A_281, %dma_wait3A_286, %dma_wait3A_287] : memref<2688x2x120xi32, #tpu.memory_space<hbm>> -> memref<1x2x120xi32, #tpu.memory_space<hbm>>
      %dma_wait3A_289 = tpu.memref_squeeze %dma_wait3A_288 : memref<1x2x120xi32, #tpu.memory_space<hbm>> -> memref<2x120xi32, #tpu.memory_space<hbm>>
      tpu.wait_dma2 semaphore(%arg16 : memref<!tpu.dma_semaphore, #tpu.memory_space<semaphore_mem>>) src(%dma_wait3A_289 : memref<2x120xi32, #tpu.memory_space<hbm>>) dst(%arg10 : memref<2x120xi32, #tpu.memory_space<vmem>>)
      %dma_start3A_290 = arith.constant 0 : i32
      %dma_start3A_291 = arith.constant 0 : i32
      %dma_start3A_292 = tpu.memref_slice %arg10[%dma_start3A_290, %dma_start3A_291] : memref<2x120xi32, #tpu.memory_space<vmem>> -> memref<1x120xi32, #tpu.memory_space<vmem>>
      %dma_start3A_293 = tpu.memref_squeeze %dma_start3A_292 : memref<1x120xi32, #tpu.memory_space<vmem>> -> memref<120xi32, #tpu.memory_space<vmem>>
      %dma_start3A_294 = arith.constant 0 : i32
      %dma_start3A_295 = arith.constant 0 : i32
      %dma_start3A_296 = tpu.memref_slice %arg2[%dma_start3A_294, %dma_start3A_295] : memref<10000x128xf32, #tpu.memory_space<hbm>> -> memref<10000x128xf32, #tpu.memory_space<hbm>>
      tpu.enqueue_indirect_dma source(%dma_start3A_296 : memref<10000x128xf32, #tpu.memory_space<hbm>>) target(%arg19 : memref<120x128xf32, #tpu.memory_space<vmem>>) offsets(%dma_start3A_293 : memref<120xi32, #tpu.memory_space<vmem>>) semaphore(%arg22 : memref<!tpu.dma_semaphore, #tpu.memory_space<semaphore_mem>>)
      %mul3A_297 = arith.constant 6 : i32
      %mul3A_298 = arith.muli %while3A_120, %mul3A_297 : i32
      %add3A_299 = arith.constant 5 : i32
      %add3A_300 = arith.addi %mul3A_298, %add3A_299 : i32
      %ge3A_301 = arith.constant 3 : i32
      %ge3A_302 = arith.cmpi sge, %add3A_300, %ge3A_301 : i32
      %convert_element_type3A_303 = arith.extui %ge3A_302 : i1 to i32
      %cond3A_304 = arith.constant 0 : i32
      %cond3A_305 = arith.cmpi ne, %convert_element_type3A_303, %cond3A_304 : i32
      scf.if %cond3A_305 {
        %dma_wait3A_333 = arith.constant 1 : i32
        %dma_wait3A_334 = arith.constant 0 : i32
        %dma_wait3A_335 = tpu.memref_slice %arg11[%dma_wait3A_333, %dma_wait3A_334] : memref<2x120xi32, #tpu.memory_space<vmem>> -> memref<1x120xi32, #tpu.memory_space<vmem>>
        %dma_wait3A_336 = tpu.memref_squeeze %dma_wait3A_335 : memref<1x120xi32, #tpu.memory_space<vmem>> -> memref<120xi32, #tpu.memory_space<vmem>>
        %dma_wait3A_337 = arith.constant 0 : i32
        %dma_wait3A_338 = arith.constant 0 : i32
        %dma_wait3A_339 = tpu.memref_slice %arg27[%dma_wait3A_337, %dma_wait3A_338] : memref<10240x128xf32, #tpu.memory_space<vmem_shared>> -> memref<10240x128xf32, #tpu.memory_space<vmem_shared>>
        tpu.wait_indirect_dma semaphore(%arg26 : memref<!tpu.dma_semaphore, #tpu.memory_space<semaphore_mem>>) src(%arg20 : memref<120x128xf32, #tpu.memory_space<vmem>>) dst(%dma_wait3A_339 : memref<10240x128xf32, #tpu.memory_space<vmem_shared>>)
      } else {
      }
      %add3A_306 = arith.constant 3 : i32
      %add3A_307 = arith.addi %add3A_300, %add3A_306 : i32
      %lt3A_308 = arith.cmpi slt, %add3A_307, %select_n3A : i32
      %convert_element_type3A_309 = arith.extui %lt3A_308 : i1 to i32
      %cond3A_310 = arith.constant 0 : i32
      %cond3A_311 = arith.cmpi ne, %convert_element_type3A_309, %cond3A_310 : i32
      scf.if %cond3A_311 {
        %add3A_333 = arith.addi %select_n3A_8, %add3A_300 : i32
        %add3A_334 = arith.constant 3 : i32
        %add3A_335 = arith.addi %add3A_333, %add3A_334 : i32
        %dma_start3A_336 = arith.constant 0 : i32
        %dma_start3A_337 = arith.constant 0 : i32
        %dma_start3A_338 = tpu.memref_slice %arg3[%add3A_335, %dma_start3A_336, %dma_start3A_337] : memref<2688x2x120xi32, #tpu.memory_space<hbm>> -> memref<1x2x120xi32, #tpu.memory_space<hbm>>
        %dma_start3A_339 = tpu.memref_squeeze %dma_start3A_338 : memref<1x2x120xi32, #tpu.memory_space<hbm>> -> memref<2x120xi32, #tpu.memory_space<hbm>>
        %dma_start3A_340 = arith.constant 0 : i32
        %dma_start3A_341 = arith.constant 0 : i32
        %dma_start3A_342 = tpu.memref_slice %arg3[%add3A_335, %dma_start3A_340, %dma_start3A_341] : memref<2688x2x120xi32, #tpu.memory_space<hbm>> -> memref<1x2x120xi32, #tpu.memory_space<hbm>>
        %dma_start3A_343 = tpu.memref_squeeze %dma_start3A_342 : memref<1x2x120xi32, #tpu.memory_space<hbm>> -> memref<2x120xi32, #tpu.memory_space<hbm>>
        tpu.enqueue_dma source(%dma_start3A_343 : memref<2x120xi32, #tpu.memory_space<hbm>>) target(%arg8 : memref<2x120xi32, #tpu.memory_space<vmem>>) target_semaphore(%arg14 : memref<!tpu.dma_semaphore, #tpu.memory_space<semaphore_mem>>)
      } else {
      }
      %ge3A_312 = arith.constant 2 : i32
      %ge3A_313 = arith.cmpi sge, %add3A_300, %ge3A_312 : i32
      %convert_element_type3A_314 = arith.extui %ge3A_313 : i1 to i32
      %cond3A_315 = arith.constant 0 : i32
      %cond3A_316 = arith.cmpi ne, %convert_element_type3A_314, %cond3A_315 : i32
      scf.if %cond3A_316 {
        %dma_wait3A_333 = arith.constant 0 : i32
        %dma_wait3A_334 = arith.constant 0 : i32
        %dma_wait3A_335 = tpu.memref_slice %arg9[%dma_wait3A_333, %dma_wait3A_334] : memref<2x120xi32, #tpu.memory_space<vmem>> -> memref<1x120xi32, #tpu.memory_space<vmem>>
        %dma_wait3A_336 = tpu.memref_squeeze %dma_wait3A_335 : memref<1x120xi32, #tpu.memory_space<vmem>> -> memref<120xi32, #tpu.memory_space<vmem>>
        %dma_wait3A_337 = arith.constant 0 : i32
        %dma_wait3A_338 = arith.constant 0 : i32
        %dma_wait3A_339 = tpu.memref_slice %arg2[%dma_wait3A_337, %dma_wait3A_338] : memref<10000x128xf32, #tpu.memory_space<hbm>> -> memref<10000x128xf32, #tpu.memory_space<hbm>>
        tpu.wait_indirect_dma semaphore(%arg21 : memref<!tpu.dma_semaphore, #tpu.memory_space<semaphore_mem>>) src(%dma_wait3A_339 : memref<10000x128xf32, #tpu.memory_space<hbm>>) dst(%arg18 : memref<120x128xf32, #tpu.memory_space<vmem>>)
        %dma_start3A_340 = arith.constant 1 : i32
        %dma_start3A_341 = arith.constant 0 : i32
        %dma_start3A_342 = tpu.memref_slice %arg9[%dma_start3A_340, %dma_start3A_341] : memref<2x120xi32, #tpu.memory_space<vmem>> -> memref<1x120xi32, #tpu.memory_space<vmem>>
        %dma_start3A_343 = tpu.memref_squeeze %dma_start3A_342 : memref<1x120xi32, #tpu.memory_space<vmem>> -> memref<120xi32, #tpu.memory_space<vmem>>
        %dma_start3A_344 = arith.constant 0 : i32
        %dma_start3A_345 = arith.constant 0 : i32
        %dma_start3A_346 = tpu.memref_slice %arg27[%dma_start3A_344, %dma_start3A_345] : memref<10240x128xf32, #tpu.memory_space<vmem_shared>> -> memref<10240x128xf32, #tpu.memory_space<vmem_shared>>
        tpu.enqueue_indirect_dma source(%arg18 : memref<120x128xf32, #tpu.memory_space<vmem>>) target(%dma_start3A_346 : memref<10240x128xf32, #tpu.memory_space<vmem_shared>>) offsets(%dma_start3A_343 : memref<120xi32, #tpu.memory_space<vmem>>) semaphore(%arg24 : memref<!tpu.dma_semaphore, #tpu.memory_space<semaphore_mem>>) {add = true}
      } else {
      }
      %add3A_317 = arith.addi %select_n3A_8, %add3A_300 : i32
      %dma_wait3A_318 = arith.constant 0 : i32
      %dma_wait3A_319 = arith.constant 0 : i32
      %dma_wait3A_320 = tpu.memref_slice %arg3[%add3A_317, %dma_wait3A_318, %dma_wait3A_319] : memref<2688x2x120xi32, #tpu.memory_space<hbm>> -> memref<1x2x120xi32, #tpu.memory_space<hbm>>
      %dma_wait3A_321 = tpu.memref_squeeze %dma_wait3A_320 : memref<1x2x120xi32, #tpu.memory_space<hbm>> -> memref<2x120xi32, #tpu.memory_space<hbm>>
      %dma_wait3A_322 = arith.constant 0 : i32
      %dma_wait3A_323 = arith.constant 0 : i32
      %dma_wait3A_324 = tpu.memref_slice %arg3[%add3A_317, %dma_wait3A_322, %dma_wait3A_323] : memref<2688x2x120xi32, #tpu.memory_space<hbm>> -> memref<1x2x120xi32, #tpu.memory_space<hbm>>
      %dma_wait3A_325 = tpu.memref_squeeze %dma_wait3A_324 : memref<1x2x120xi32, #tpu.memory_space<hbm>> -> memref<2x120xi32, #tpu.memory_space<hbm>>
      tpu.wait_dma2 semaphore(%arg17 : memref<!tpu.dma_semaphore, #tpu.memory_space<semaphore_mem>>) src(%dma_wait3A_325 : memref<2x120xi32, #tpu.memory_space<hbm>>) dst(%arg11 : memref<2x120xi32, #tpu.memory_space<vmem>>)
      %dma_start3A_326 = arith.constant 0 : i32
      %dma_start3A_327 = arith.constant 0 : i32
      %dma_start3A_328 = tpu.memref_slice %arg11[%dma_start3A_326, %dma_start3A_327] : memref<2x120xi32, #tpu.memory_space<vmem>> -> memref<1x120xi32, #tpu.memory_space<vmem>>
      %dma_start3A_329 = tpu.memref_squeeze %dma_start3A_328 : memref<1x120xi32, #tpu.memory_space<vmem>> -> memref<120xi32, #tpu.memory_space<vmem>>
      %dma_start3A_330 = arith.constant 0 : i32
      %dma_start3A_331 = arith.constant 0 : i32
      %dma_start3A_332 = tpu.memref_slice %arg2[%dma_start3A_330, %dma_start3A_331] : memref<10000x128xf32, #tpu.memory_space<hbm>> -> memref<10000x128xf32, #tpu.memory_space<hbm>>
      tpu.enqueue_indirect_dma source(%dma_start3A_332 : memref<10000x128xf32, #tpu.memory_space<hbm>>) target(%arg20 : memref<120x128xf32, #tpu.memory_space<vmem>>) offsets(%dma_start3A_329 : memref<120xi32, #tpu.memory_space<vmem>>) semaphore(%arg23 : memref<!tpu.dma_semaphore, #tpu.memory_space<semaphore_mem>>)
    }
    %while3A_66 = arith.constant 1 : i32
    scf.for %while3A_120 = %while3A_64 to %while3A_60 step %while3A_66  : i32 {
      %mul3A_121 = arith.constant 6 : i32
      %mul3A_122 = arith.muli %while3A_120, %mul3A_121 : i32
      %add3A_123 = arith.constant 0 : i32
      %add3A_124 = arith.addi %mul3A_122, %add3A_123 : i32
      %ge3A = arith.constant 3 : i32
      %ge3A_125 = arith.cmpi sge, %add3A_124, %ge3A : i32
      %convert_element_type3A = arith.extui %ge3A_125 : i1 to i32
      %cond3A = arith.constant 0 : i32
      %cond3A_126 = arith.cmpi ne, %convert_element_type3A, %cond3A : i32
      scf.if %cond3A_126 {
        %dma_wait3A_333 = arith.constant 1 : i32
        %dma_wait3A_334 = arith.constant 0 : i32
        %dma_wait3A_335 = tpu.memref_slice %arg6[%dma_wait3A_333, %dma_wait3A_334] : memref<2x120xi32, #tpu.memory_space<vmem>> -> memref<1x120xi32, #tpu.memory_space<vmem>>
        %dma_wait3A_336 = tpu.memref_squeeze %dma_wait3A_335 : memref<1x120xi32, #tpu.memory_space<vmem>> -> memref<120xi32, #tpu.memory_space<vmem>>
        %dma_wait3A_337 = arith.constant 0 : i32
        %dma_wait3A_338 = arith.constant 0 : i32
        %dma_wait3A_339 = tpu.memref_slice %arg27[%dma_wait3A_337, %dma_wait3A_338] : memref<10240x128xf32, #tpu.memory_space<vmem_shared>> -> memref<10240x128xf32, #tpu.memory_space<vmem_shared>>
        tpu.wait_indirect_dma semaphore(%arg24 : memref<!tpu.dma_semaphore, #tpu.memory_space<semaphore_mem>>) src(%arg18 : memref<120x128xf32, #tpu.memory_space<vmem>>) dst(%dma_wait3A_339 : memref<10240x128xf32, #tpu.memory_space<vmem_shared>>)
      } else {
      }
      %add3A_127 = arith.constant 3 : i32
      %add3A_128 = arith.addi %add3A_124, %add3A_127 : i32
      %lt3A = arith.cmpi slt, %add3A_128, %select_n3A : i32
      %convert_element_type3A_129 = arith.extui %lt3A : i1 to i32
      %cond3A_130 = arith.constant 0 : i32
      %cond3A_131 = arith.cmpi ne, %convert_element_type3A_129, %cond3A_130 : i32
      scf.if %cond3A_131 {
        %add3A_333 = arith.addi %select_n3A_8, %add3A_124 : i32
        %add3A_334 = arith.constant 3 : i32
        %add3A_335 = arith.addi %add3A_333, %add3A_334 : i32
        %dma_start3A_336 = arith.constant 0 : i32
        %dma_start3A_337 = arith.constant 0 : i32
        %dma_start3A_338 = tpu.memref_slice %arg3[%add3A_335, %dma_start3A_336, %dma_start3A_337] : memref<2688x2x120xi32, #tpu.memory_space<hbm>> -> memref<1x2x120xi32, #tpu.memory_space<hbm>>
        %dma_start3A_339 = tpu.memref_squeeze %dma_start3A_338 : memref<1x2x120xi32, #tpu.memory_space<hbm>> -> memref<2x120xi32, #tpu.memory_space<hbm>>
        %dma_start3A_340 = arith.constant 0 : i32
        %dma_start3A_341 = arith.constant 0 : i32
        %dma_start3A_342 = tpu.memref_slice %arg3[%add3A_335, %dma_start3A_340, %dma_start3A_341] : memref<2688x2x120xi32, #tpu.memory_space<hbm>> -> memref<1x2x120xi32, #tpu.memory_space<hbm>>
        %dma_start3A_343 = tpu.memref_squeeze %dma_start3A_342 : memref<1x2x120xi32, #tpu.memory_space<hbm>> -> memref<2x120xi32, #tpu.memory_space<hbm>>
        tpu.enqueue_dma source(%dma_start3A_343 : memref<2x120xi32, #tpu.memory_space<hbm>>) target(%arg9 : memref<2x120xi32, #tpu.memory_space<vmem>>) target_semaphore(%arg15 : memref<!tpu.dma_semaphore, #tpu.memory_space<semaphore_mem>>)
      } else {
      }
      %ge3A_132 = arith.constant 2 : i32
      %ge3A_133 = arith.cmpi sge, %add3A_124, %ge3A_132 : i32
      %convert_element_type3A_134 = arith.extui %ge3A_133 : i1 to i32
      %cond3A_135 = arith.constant 0 : i32
      %cond3A_136 = arith.cmpi ne, %convert_element_type3A_134, %cond3A_135 : i32
      scf.if %cond3A_136 {
        %dma_wait3A_333 = arith.constant 0 : i32
        %dma_wait3A_334 = arith.constant 0 : i32
        %dma_wait3A_335 = tpu.memref_slice %arg10[%dma_wait3A_333, %dma_wait3A_334] : memref<2x120xi32, #tpu.memory_space<vmem>> -> memref<1x120xi32, #tpu.memory_space<vmem>>
        %dma_wait3A_336 = tpu.memref_squeeze %dma_wait3A_335 : memref<1x120xi32, #tpu.memory_space<vmem>> -> memref<120xi32, #tpu.memory_space<vmem>>
        %dma_wait3A_337 = arith.constant 0 : i32
        %dma_wait3A_338 = arith.constant 0 : i32
        %dma_wait3A_339 = tpu.memref_slice %arg2[%dma_wait3A_337, %dma_wait3A_338] : memref<10000x128xf32, #tpu.memory_space<hbm>> -> memref<10000x128xf32, #tpu.memory_space<hbm>>
        tpu.wait_indirect_dma semaphore(%arg22 : memref<!tpu.dma_semaphore, #tpu.memory_space<semaphore_mem>>) src(%dma_wait3A_339 : memref<10000x128xf32, #tpu.memory_space<hbm>>) dst(%arg19 : memref<120x128xf32, #tpu.memory_space<vmem>>)
        %dma_start3A_340 = arith.constant 1 : i32
        %dma_start3A_341 = arith.constant 0 : i32
        %dma_start3A_342 = tpu.memref_slice %arg10[%dma_start3A_340, %dma_start3A_341] : memref<2x120xi32, #tpu.memory_space<vmem>> -> memref<1x120xi32, #tpu.memory_space<vmem>>
        %dma_start3A_343 = tpu.memref_squeeze %dma_start3A_342 : memref<1x120xi32, #tpu.memory_space<vmem>> -> memref<120xi32, #tpu.memory_space<vmem>>
        %dma_start3A_344 = arith.constant 0 : i32
        %dma_start3A_345 = arith.constant 0 : i32
        %dma_start3A_346 = tpu.memref_slice %arg27[%dma_start3A_344, %dma_start3A_345] : memref<10240x128xf32, #tpu.memory_space<vmem_shared>> -> memref<10240x128xf32, #tpu.memory_space<vmem_shared>>
        tpu.enqueue_indirect_dma source(%arg19 : memref<120x128xf32, #tpu.memory_space<vmem>>) target(%dma_start3A_346 : memref<10240x128xf32, #tpu.memory_space<vmem_shared>>) offsets(%dma_start3A_343 : memref<120xi32, #tpu.memory_space<vmem>>) semaphore(%arg25 : memref<!tpu.dma_semaphore, #tpu.memory_space<semaphore_mem>>) {add = true}
      } else {
      }
      %add3A_137 = arith.addi %select_n3A_8, %add3A_124 : i32
      %dma_wait3A_138 = arith.constant 0 : i32
      %dma_wait3A_139 = arith.constant 0 : i32
      %dma_wait3A_140 = tpu.memref_slice %arg3[%add3A_137, %dma_wait3A_138, %dma_wait3A_139] : memref<2688x2x120xi32, #tpu.memory_space<hbm>> -> memref<1x2x120xi32, #tpu.memory_space<hbm>>
      %dma_wait3A_141 = tpu.memref_squeeze %dma_wait3A_140 : memref<1x2x120xi32, #tpu.memory_space<hbm>> -> memref<2x120xi32, #tpu.memory_space<hbm>>
      %dma_wait3A_142 = arith.constant 0 : i32
      %dma_wait3A_143 = arith.constant 0 : i32
      %dma_wait3A_144 = tpu.memref_slice %arg3[%add3A_137, %dma_wait3A_142, %dma_wait3A_143] : memref<2688x2x120xi32, #tpu.memory_space<hbm>> -> memref<1x2x120xi32, #tpu.memory_space<hbm>>
      %dma_wait3A_145 = tpu.memref_squeeze %dma_wait3A_144 : memref<1x2x120xi32, #tpu.memory_space<hbm>> -> memref<2x120xi32, #tpu.memory_space<hbm>>
      tpu.wait_dma2 semaphore(%arg12 : memref<!tpu.dma_semaphore, #tpu.memory_space<semaphore_mem>>) src(%dma_wait3A_145 : memref<2x120xi32, #tpu.memory_space<hbm>>) dst(%arg6 : memref<2x120xi32, #tpu.memory_space<vmem>>)
      %dma_start3A_146 = arith.constant 0 : i32
      %dma_start3A_147 = arith.constant 0 : i32
      %dma_start3A_148 = tpu.memref_slice %arg6[%dma_start3A_146, %dma_start3A_147] : memref<2x120xi32, #tpu.memory_space<vmem>> -> memref<1x120xi32, #tpu.memory_space<vmem>>
      %dma_start3A_149 = tpu.memref_squeeze %dma_start3A_148 : memref<1x120xi32, #tpu.memory_space<vmem>> -> memref<120xi32, #tpu.memory_space<vmem>>
      %dma_start3A_150 = arith.constant 0 : i32
      %dma_start3A_151 = arith.constant 0 : i32
      %dma_start3A_152 = tpu.memref_slice %arg2[%dma_start3A_150, %dma_start3A_151] : memref<10000x128xf32, #tpu.memory_space<hbm>> -> memref<10000x128xf32, #tpu.memory_space<hbm>>
      tpu.enqueue_indirect_dma source(%dma_start3A_152 : memref<10000x128xf32, #tpu.memory_space<hbm>>) target(%arg18 : memref<120x128xf32, #tpu.memory_space<vmem>>) offsets(%dma_start3A_149 : memref<120xi32, #tpu.memory_space<vmem>>) semaphore(%arg21 : memref<!tpu.dma_semaphore, #tpu.memory_space<semaphore_mem>>)
      %mul3A_153 = arith.constant 6 : i32
      %mul3A_154 = arith.muli %while3A_120, %mul3A_153 : i32
      %add3A_155 = arith.constant 1 : i32
      %add3A_156 = arith.addi %mul3A_154, %add3A_155 : i32
      %ge3A_157 = arith.constant 3 : i32
      %ge3A_158 = arith.cmpi sge, %add3A_156, %ge3A_157 : i32
      %convert_element_type3A_159 = arith.extui %ge3A_158 : i1 to i32
      %cond3A_160 = arith.constant 0 : i32
      %cond3A_161 = arith.cmpi ne, %convert_element_type3A_159, %cond3A_160 : i32
      scf.if %cond3A_161 {
        %dma_wait3A_333 = arith.constant 1 : i32
        %dma_wait3A_334 = arith.constant 0 : i32
        %dma_wait3A_335 = tpu.memref_slice %arg7[%dma_wait3A_333, %dma_wait3A_334] : memref<2x120xi32, #tpu.memory_space<vmem>> -> memref<1x120xi32, #tpu.memory_space<vmem>>
        %dma_wait3A_336 = tpu.memref_squeeze %dma_wait3A_335 : memref<1x120xi32, #tpu.memory_space<vmem>> -> memref<120xi32, #tpu.memory_space<vmem>>
        %dma_wait3A_337 = arith.constant 0 : i32
        %dma_wait3A_338 = arith.constant 0 : i32
        %dma_wait3A_339 = tpu.memref_slice %arg27[%dma_wait3A_337, %dma_wait3A_338] : memref<10240x128xf32, #tpu.memory_space<vmem_shared>> -> memref<10240x128xf32, #tpu.memory_space<vmem_shared>>
        tpu.wait_indirect_dma semaphore(%arg25 : memref<!tpu.dma_semaphore, #tpu.memory_space<semaphore_mem>>) src(%arg19 : memref<120x128xf32, #tpu.memory_space<vmem>>) dst(%dma_wait3A_339 : memref<10240x128xf32, #tpu.memory_space<vmem_shared>>)
      } else {
      }
      %add3A_162 = arith.constant 3 : i32
      %add3A_163 = arith.addi %add3A_156, %add3A_162 : i32
      %lt3A_164 = arith.cmpi slt, %add3A_163, %select_n3A : i32
      %convert_element_type3A_165 = arith.extui %lt3A_164 : i1 to i32
      %cond3A_166 = arith.constant 0 : i32
      %cond3A_167 = arith.cmpi ne, %convert_element_type3A_165, %cond3A_166 : i32
      scf.if %cond3A_167 {
        %add3A_333 = arith.addi %select_n3A_8, %add3A_156 : i32
        %add3A_334 = arith.constant 3 : i32
        %add3A_335 = arith.addi %add3A_333, %add3A_334 : i32
        %dma_start3A_336 = arith.constant 0 : i32
        %dma_start3A_337 = arith.constant 0 : i32
        %dma_start3A_338 = tpu.memref_slice %arg3[%add3A_335, %dma_start3A_336, %dma_start3A_337] : memref<2688x2x120xi32, #tpu.memory_space<hbm>> -> memref<1x2x120xi32, #tpu.memory_space<hbm>>
        %dma_start3A_339 = tpu.memref_squeeze %dma_start3A_338 : memref<1x2x120xi32, #tpu.memory_space<hbm>> -> memref<2x120xi32, #tpu.memory_space<hbm>>
        %dma_start3A_340 = arith.constant 0 : i32
        %dma_start3A_341 = arith.constant 0 : i32
        %dma_start3A_342 = tpu.memref_slice %arg3[%add3A_335, %dma_start3A_340, %dma_start3A_341] : memref<2688x2x120xi32, #tpu.memory_space<hbm>> -> memref<1x2x120xi32, #tpu.memory_space<hbm>>
        %dma_start3A_343 = tpu.memref_squeeze %dma_start3A_342 : memref<1x2x120xi32, #tpu.memory_space<hbm>> -> memref<2x120xi32, #tpu.memory_space<hbm>>
        tpu.enqueue_dma source(%dma_start3A_343 : memref<2x120xi32, #tpu.memory_space<hbm>>) target(%arg10 : memref<2x120xi32, #tpu.memory_space<vmem>>) target_semaphore(%arg16 : memref<!tpu.dma_semaphore, #tpu.memory_space<semaphore_mem>>)
      } else {
      }
      %ge3A_168 = arith.constant 2 : i32
      %ge3A_169 = arith.cmpi sge, %add3A_156, %ge3A_168 : i32
      %convert_element_type3A_170 = arith.extui %ge3A_169 : i1 to i32
      %cond3A_171 = arith.constant 0 : i32
      %cond3A_172 = arith.cmpi ne, %convert_element_type3A_170, %cond3A_171 : i32
      scf.if %cond3A_172 {
        %dma_wait3A_333 = arith.constant 0 : i32
        %dma_wait3A_334 = arith.constant 0 : i32
        %dma_wait3A_335 = tpu.memref_slice %arg11[%dma_wait3A_333, %dma_wait3A_334] : memref<2x120xi32, #tpu.memory_space<vmem>> -> memref<1x120xi32, #tpu.memory_space<vmem>>
        %dma_wait3A_336 = tpu.memref_squeeze %dma_wait3A_335 : memref<1x120xi32, #tpu.memory_space<vmem>> -> memref<120xi32, #tpu.memory_space<vmem>>
        %dma_wait3A_337 = arith.constant 0 : i32
        %dma_wait3A_338 = arith.constant 0 : i32
        %dma_wait3A_339 = tpu.memref_slice %arg2[%dma_wait3A_337, %dma_wait3A_338] : memref<10000x128xf32, #tpu.memory_space<hbm>> -> memref<10000x128xf32, #tpu.memory_space<hbm>>
        tpu.wait_indirect_dma semaphore(%arg23 : memref<!tpu.dma_semaphore, #tpu.memory_space<semaphore_mem>>) src(%dma_wait3A_339 : memref<10000x128xf32, #tpu.memory_space<hbm>>) dst(%arg20 : memref<120x128xf32, #tpu.memory_space<vmem>>)
        %dma_start3A_340 = arith.constant 1 : i32
        %dma_start3A_341 = arith.constant 0 : i32
        %dma_start3A_342 = tpu.memref_slice %arg11[%dma_start3A_340, %dma_start3A_341] : memref<2x120xi32, #tpu.memory_space<vmem>> -> memref<1x120xi32, #tpu.memory_space<vmem>>
        %dma_start3A_343 = tpu.memref_squeeze %dma_start3A_342 : memref<1x120xi32, #tpu.memory_space<vmem>> -> memref<120xi32, #tpu.memory_space<vmem>>
        %dma_start3A_344 = arith.constant 0 : i32
        %dma_start3A_345 = arith.constant 0 : i32
        %dma_start3A_346 = tpu.memref_slice %arg27[%dma_start3A_344, %dma_start3A_345] : memref<10240x128xf32, #tpu.memory_space<vmem_shared>> -> memref<10240x128xf32, #tpu.memory_space<vmem_shared>>
        tpu.enqueue_indirect_dma source(%arg20 : memref<120x128xf32, #tpu.memory_space<vmem>>) target(%dma_start3A_346 : memref<10240x128xf32, #tpu.memory_space<vmem_shared>>) offsets(%dma_start3A_343 : memref<120xi32, #tpu.memory_space<vmem>>) semaphore(%arg26 : memref<!tpu.dma_semaphore, #tpu.memory_space<semaphore_mem>>) {add = true}
      } else {
      }
      %add3A_173 = arith.addi %select_n3A_8, %add3A_156 : i32
      %dma_wait3A_174 = arith.constant 0 : i32
      %dma_wait3A_175 = arith.constant 0 : i32
      %dma_wait3A_176 = tpu.memref_slice %arg3[%add3A_173, %dma_wait3A_174, %dma_wait3A_175] : memref<2688x2x120xi32, #tpu.memory_space<hbm>> -> memref<1x2x120xi32, #tpu.memory_space<hbm>>
      %dma_wait3A_177 = tpu.memref_squeeze %dma_wait3A_176 : memref<1x2x120xi32, #tpu.memory_space<hbm>> -> memref<2x120xi32, #tpu.memory_space<hbm>>
      %dma_wait3A_178 = arith.constant 0 : i32
      %dma_wait3A_179 = arith.constant 0 : i32
      %dma_wait3A_180 = tpu.memref_slice %arg3[%add3A_173, %dma_wait3A_178, %dma_wait3A_179] : memref<2688x2x120xi32, #tpu.memory_space<hbm>> -> memref<1x2x120xi32, #tpu.memory_space<hbm>>
      %dma_wait3A_181 = tpu.memref_squeeze %dma_wait3A_180 : memref<1x2x120xi32, #tpu.memory_space<hbm>> -> memref<2x120xi32, #tpu.memory_space<hbm>>
      tpu.wait_dma2 semaphore(%arg13 : memref<!tpu.dma_semaphore, #tpu.memory_space<semaphore_mem>>) src(%dma_wait3A_181 : memref<2x120xi32, #tpu.memory_space<hbm>>) dst(%arg7 : memref<2x120xi32, #tpu.memory_space<vmem>>)
      %dma_start3A_182 = arith.constant 0 : i32
      %dma_start3A_183 = arith.constant 0 : i32
      %dma_start3A_184 = tpu.memref_slice %arg7[%dma_start3A_182, %dma_start3A_183] : memref<2x120xi32, #tpu.memory_space<vmem>> -> memref<1x120xi32, #tpu.memory_space<vmem>>
      %dma_start3A_185 = tpu.memref_squeeze %dma_start3A_184 : memref<1x120xi32, #tpu.memory_space<vmem>> -> memref<120xi32, #tpu.memory_space<vmem>>
      %dma_start3A_186 = arith.constant 0 : i32
      %dma_start3A_187 = arith.constant 0 : i32
      %dma_start3A_188 = tpu.memref_slice %arg2[%dma_start3A_186, %dma_start3A_187] : memref<10000x128xf32, #tpu.memory_space<hbm>> -> memref<10000x128xf32, #tpu.memory_space<hbm>>
      tpu.enqueue_indirect_dma source(%dma_start3A_188 : memref<10000x128xf32, #tpu.memory_space<hbm>>) target(%arg19 : memref<120x128xf32, #tpu.memory_space<vmem>>) offsets(%dma_start3A_185 : memref<120xi32, #tpu.memory_space<vmem>>) semaphore(%arg22 : memref<!tpu.dma_semaphore, #tpu.memory_space<semaphore_mem>>)
      %mul3A_189 = arith.constant 6 : i32
      %mul3A_190 = arith.muli %while3A_120, %mul3A_189 : i32
      %add3A_191 = arith.constant 2 : i32
      %add3A_192 = arith.addi %mul3A_190, %add3A_191 : i32
      %ge3A_193 = arith.constant 3 : i32
      %ge3A_194 = arith.cmpi sge, %add3A_192, %ge3A_193 : i32
      %convert_element_type3A_195 = arith.extui %ge3A_194 : i1 to i32
      %cond3A_196 = arith.constant 0 : i32
      %cond3A_197 = arith.cmpi ne, %convert_element_type3A_195, %cond3A_196 : i32
      scf.if %cond3A_197 {
        %dma_wait3A_333 = arith.constant 1 : i32
        %dma_wait3A_334 = arith.constant 0 : i32
        %dma_wait3A_335 = tpu.memref_slice %arg8[%dma_wait3A_333, %dma_wait3A_334] : memref<2x120xi32, #tpu.memory_space<vmem>> -> memref<1x120xi32, #tpu.memory_space<vmem>>
        %dma_wait3A_336 = tpu.memref_squeeze %dma_wait3A_335 : memref<1x120xi32, #tpu.memory_space<vmem>> -> memref<120xi32, #tpu.memory_space<vmem>>
        %dma_wait3A_337 = arith.constant 0 : i32
        %dma_wait3A_338 = arith.constant 0 : i32
        %dma_wait3A_339 = tpu.memref_slice %arg27[%dma_wait3A_337, %dma_wait3A_338] : memref<10240x128xf32, #tpu.memory_space<vmem_shared>> -> memref<10240x128xf32, #tpu.memory_space<vmem_shared>>
        tpu.wait_indirect_dma semaphore(%arg26 : memref<!tpu.dma_semaphore, #tpu.memory_space<semaphore_mem>>) src(%arg20 : memref<120x128xf32, #tpu.memory_space<vmem>>) dst(%dma_wait3A_339 : memref<10240x128xf32, #tpu.memory_space<vmem_shared>>)
      } else {
      }
      %add3A_198 = arith.constant 3 : i32
      %add3A_199 = arith.addi %add3A_192, %add3A_198 : i32
      %lt3A_200 = arith.cmpi slt, %add3A_199, %select_n3A : i32
      %convert_element_type3A_201 = arith.extui %lt3A_200 : i1 to i32
      %cond3A_202 = arith.constant 0 : i32
      %cond3A_203 = arith.cmpi ne, %convert_element_type3A_201, %cond3A_202 : i32
      scf.if %cond3A_203 {
        %add3A_333 = arith.addi %select_n3A_8, %add3A_192 : i32
        %add3A_334 = arith.constant 3 : i32
        %add3A_335 = arith.addi %add3A_333, %add3A_334 : i32
        %dma_start3A_336 = arith.constant 0 : i32
        %dma_start3A_337 = arith.constant 0 : i32
        %dma_start3A_338 = tpu.memref_slice %arg3[%add3A_335, %dma_start3A_336, %dma_start3A_337] : memref<2688x2x120xi32, #tpu.memory_space<hbm>> -> memref<1x2x120xi32, #tpu.memory_space<hbm>>
        %dma_start3A_339 = tpu.memref_squeeze %dma_start3A_338 : memref<1x2x120xi32, #tpu.memory_space<hbm>> -> memref<2x120xi32, #tpu.memory_space<hbm>>
        %dma_start3A_340 = arith.constant 0 : i32
        %dma_start3A_341 = arith.constant 0 : i32
        %dma_start3A_342 = tpu.memref_slice %arg3[%add3A_335, %dma_start3A_340, %dma_start3A_341] : memref<2688x2x120xi32, #tpu.memory_space<hbm>> -> memref<1x2x120xi32, #tpu.memory_space<hbm>>
        %dma_start3A_343 = tpu.memref_squeeze %dma_start3A_342 : memref<1x2x120xi32, #tpu.memory_space<hbm>> -> memref<2x120xi32, #tpu.memory_space<hbm>>
        tpu.enqueue_dma source(%dma_start3A_343 : memref<2x120xi32, #tpu.memory_space<hbm>>) target(%arg11 : memref<2x120xi32, #tpu.memory_space<vmem>>) target_semaphore(%arg17 : memref<!tpu.dma_semaphore, #tpu.memory_space<semaphore_mem>>)
      } else {
      }
      %ge3A_204 = arith.constant 2 : i32
      %ge3A_205 = arith.cmpi sge, %add3A_192, %ge3A_204 : i32
      %convert_element_type3A_206 = arith.extui %ge3A_205 : i1 to i32
      %cond3A_207 = arith.constant 0 : i32
      %cond3A_208 = arith.cmpi ne, %convert_element_type3A_206, %cond3A_207 : i32
      scf.if %cond3A_208 {
        %dma_wait3A_333 = arith.constant 0 : i32
        %dma_wait3A_334 = arith.constant 0 : i32
        %dma_wait3A_335 = tpu.memref_slice %arg6[%dma_wait3A_333, %dma_wait3A_334] : memref<2x120xi32, #tpu.memory_space<vmem>> -> memref<1x120xi32, #tpu.memory_space<vmem>>
        %dma_wait3A_336 = tpu.memref_squeeze %dma_wait3A_335 : memref<1x120xi32, #tpu.memory_space<vmem>> -> memref<120xi32, #tpu.memory_space<vmem>>
        %dma_wait3A_337 = arith.constant 0 : i32
        %dma_wait3A_338 = arith.constant 0 : i32
        %dma_wait3A_339 = tpu.memref_slice %arg2[%dma_wait3A_337, %dma_wait3A_338] : memref<10000x128xf32, #tpu.memory_space<hbm>> -> memref<10000x128xf32, #tpu.memory_space<hbm>>
        tpu.wait_indirect_dma semaphore(%arg21 : memref<!tpu.dma_semaphore, #tpu.memory_space<semaphore_mem>>) src(%dma_wait3A_339 : memref<10000x128xf32, #tpu.memory_space<hbm>>) dst(%arg18 : memref<120x128xf32, #tpu.memory_space<vmem>>)
        %dma_start3A_340 = arith.constant 1 : i32
        %dma_start3A_341 = arith.constant 0 : i32
        %dma_start3A_342 = tpu.memref_slice %arg6[%dma_start3A_340, %dma_start3A_341] : memref<2x120xi32, #tpu.memory_space<vmem>> -> memref<1x120xi32, #tpu.memory_space<vmem>>
        %dma_start3A_343 = tpu.memref_squeeze %dma_start3A_342 : memref<1x120xi32, #tpu.memory_space<vmem>> -> memref<120xi32, #tpu.memory_space<vmem>>
        %dma_start3A_344 = arith.constant 0 : i32
        %dma_start3A_345 = arith.constant 0 : i32
        %dma_start3A_346 = tpu.memref_slice %arg27[%dma_start3A_344, %dma_start3A_345] : memref<10240x128xf32, #tpu.memory_space<vmem_shared>> -> memref<10240x128xf32, #tpu.memory_space<vmem_shared>>
        tpu.enqueue_indirect_dma source(%arg18 : memref<120x128xf32, #tpu.memory_space<vmem>>) target(%dma_start3A_346 : memref<10240x128xf32, #tpu.memory_space<vmem_shared>>) offsets(%dma_start3A_343 : memref<120xi32, #tpu.memory_space<vmem>>) semaphore(%arg24 : memref<!tpu.dma_semaphore, #tpu.memory_space<semaphore_mem>>) {add = true}
      } else {
      }
      %add3A_209 = arith.addi %select_n3A_8, %add3A_192 : i32
      %dma_wait3A_210 = arith.constant 0 : i32
      %dma_wait3A_211 = arith.constant 0 : i32
      %dma_wait3A_212 = tpu.memref_slice %arg3[%add3A_209, %dma_wait3A_210, %dma_wait3A_211] : memref<2688x2x120xi32, #tpu.memory_space<hbm>> -> memref<1x2x120xi32, #tpu.memory_space<hbm>>
      %dma_wait3A_213 = tpu.memref_squeeze %dma_wait3A_212 : memref<1x2x120xi32, #tpu.memory_space<hbm>> -> memref<2x120xi32, #tpu.memory_space<hbm>>
      %dma_wait3A_214 = arith.constant 0 : i32
      %dma_wait3A_215 = arith.constant 0 : i32
      %dma_wait3A_216 = tpu.memref_slice %arg3[%add3A_209, %dma_wait3A_214, %dma_wait3A_215] : memref<2688x2x120xi32, #tpu.memory_space<hbm>> -> memref<1x2x120xi32, #tpu.memory_space<hbm>>
      %dma_wait3A_217 = tpu.memref_squeeze %dma_wait3A_216 : memref<1x2x120xi32, #tpu.memory_space<hbm>> -> memref<2x120xi32, #tpu.memory_space<hbm>>
      tpu.wait_dma2 semaphore(%arg14 : memref<!tpu.dma_semaphore, #tpu.memory_space<semaphore_mem>>) src(%dma_wait3A_217 : memref<2x120xi32, #tpu.memory_space<hbm>>) dst(%arg8 : memref<2x120xi32, #tpu.memory_space<vmem>>)
      %dma_start3A_218 = arith.constant 0 : i32
      %dma_start3A_219 = arith.constant 0 : i32
      %dma_start3A_220 = tpu.memref_slice %arg8[%dma_start3A_218, %dma_start3A_219] : memref<2x120xi32, #tpu.memory_space<vmem>> -> memref<1x120xi32, #tpu.memory_space<vmem>>
      %dma_start3A_221 = tpu.memref_squeeze %dma_start3A_220 : memref<1x120xi32, #tpu.memory_space<vmem>> -> memref<120xi32, #tpu.memory_space<vmem>>
      %dma_start3A_222 = arith.constant 0 : i32
      %dma_start3A_223 = arith.constant 0 : i32
      %dma_start3A_224 = tpu.memref_slice %arg2[%dma_start3A_222, %dma_start3A_223] : memref<10000x128xf32, #tpu.memory_space<hbm>> -> memref<10000x128xf32, #tpu.memory_space<hbm>>
      tpu.enqueue_indirect_dma source(%dma_start3A_224 : memref<10000x128xf32, #tpu.memory_space<hbm>>) target(%arg20 : memref<120x128xf32, #tpu.memory_space<vmem>>) offsets(%dma_start3A_221 : memref<120xi32, #tpu.memory_space<vmem>>) semaphore(%arg23 : memref<!tpu.dma_semaphore, #tpu.memory_space<semaphore_mem>>)
      %mul3A_225 = arith.constant 6 : i32
      %mul3A_226 = arith.muli %while3A_120, %mul3A_225 : i32
      %add3A_227 = arith.constant 3 : i32
      %add3A_228 = arith.addi %mul3A_226, %add3A_227 : i32
      %ge3A_229 = arith.constant 3 : i32
      %ge3A_230 = arith.cmpi sge, %add3A_228, %ge3A_229 : i32
      %convert_element_type3A_231 = arith.extui %ge3A_230 : i1 to i32
      %cond3A_232 = arith.constant 0 : i32
      %cond3A_233 = arith.cmpi ne, %convert_element_type3A_231, %cond3A_232 : i32
      scf.if %cond3A_233 {
        %dma_wait3A_333 = arith.constant 1 : i32
        %dma_wait3A_334 = arith.constant 0 : i32
        %dma_wait3A_335 = tpu.memref_slice %arg9[%dma_wait3A_333, %dma_wait3A_334] : memref<2x120xi32, #tpu.memory_space<vmem>> -> memref<1x120xi32, #tpu.memory_space<vmem>>
        %dma_wait3A_336 = tpu.memref_squeeze %dma_wait3A_335 : memref<1x120xi32, #tpu.memory_space<vmem>> -> memref<120xi32, #tpu.memory_space<vmem>>
        %dma_wait3A_337 = arith.constant 0 : i32
        %dma_wait3A_338 = arith.constant 0 : i32
        %dma_wait3A_339 = tpu.memref_slice %arg27[%dma_wait3A_337, %dma_wait3A_338] : memref<10240x128xf32, #tpu.memory_space<vmem_shared>> -> memref<10240x128xf32, #tpu.memory_space<vmem_shared>>
        tpu.wait_indirect_dma semaphore(%arg24 : memref<!tpu.dma_semaphore, #tpu.memory_space<semaphore_mem>>) src(%arg18 : memref<120x128xf32, #tpu.memory_space<vmem>>) dst(%dma_wait3A_339 : memref<10240x128xf32, #tpu.memory_space<vmem_shared>>)
      } else {
      }
      %add3A_234 = arith.constant 3 : i32
      %add3A_235 = arith.addi %add3A_228, %add3A_234 : i32
      %lt3A_236 = arith.cmpi slt, %add3A_235, %select_n3A : i32
      %convert_element_type3A_237 = arith.extui %lt3A_236 : i1 to i32
      %cond3A_238 = arith.constant 0 : i32
      %cond3A_239 = arith.cmpi ne, %convert_element_type3A_237, %cond3A_238 : i32
      scf.if %cond3A_239 {
        %add3A_333 = arith.addi %select_n3A_8, %add3A_228 : i32
        %add3A_334 = arith.constant 3 : i32
        %add3A_335 = arith.addi %add3A_333, %add3A_334 : i32
        %dma_start3A_336 = arith.constant 0 : i32
        %dma_start3A_337 = arith.constant 0 : i32
        %dma_start3A_338 = tpu.memref_slice %arg3[%add3A_335, %dma_start3A_336, %dma_start3A_337] : memref<2688x2x120xi32, #tpu.memory_space<hbm>> -> memref<1x2x120xi32, #tpu.memory_space<hbm>>
        %dma_start3A_339 = tpu.memref_squeeze %dma_start3A_338 : memref<1x2x120xi32, #tpu.memory_space<hbm>> -> memref<2x120xi32, #tpu.memory_space<hbm>>
        %dma_start3A_340 = arith.constant 0 : i32
        %dma_start3A_341 = arith.constant 0 : i32
        %dma_start3A_342 = tpu.memref_slice %arg3[%add3A_335, %dma_start3A_340, %dma_start3A_341] : memref<2688x2x120xi32, #tpu.memory_space<hbm>> -> memref<1x2x120xi32, #tpu.memory_space<hbm>>
        %dma_start3A_343 = tpu.memref_squeeze %dma_start3A_342 : memref<1x2x120xi32, #tpu.memory_space<hbm>> -> memref<2x120xi32, #tpu.memory_space<hbm>>
        tpu.enqueue_dma source(%dma_start3A_343 : memref<2x120xi32, #tpu.memory_space<hbm>>) target(%arg6 : memref<2x120xi32, #tpu.memory_space<vmem>>) target_semaphore(%arg12 : memref<!tpu.dma_semaphore, #tpu.memory_space<semaphore_mem>>)
      } else {
      }
      %ge3A_240 = arith.constant 2 : i32
      %ge3A_241 = arith.cmpi sge, %add3A_228, %ge3A_240 : i32
      %convert_element_type3A_242 = arith.extui %ge3A_241 : i1 to i32
      %cond3A_243 = arith.constant 0 : i32
      %cond3A_244 = arith.cmpi ne, %convert_element_type3A_242, %cond3A_243 : i32
      scf.if %cond3A_244 {
        %dma_wait3A_333 = arith.constant 0 : i32
        %dma_wait3A_334 = arith.constant 0 : i32
        %dma_wait3A_335 = tpu.memref_slice %arg7[%dma_wait3A_333, %dma_wait3A_334] : memref<2x120xi32, #tpu.memory_space<vmem>> -> memref<1x120xi32, #tpu.memory_space<vmem>>
        %dma_wait3A_336 = tpu.memref_squeeze %dma_wait3A_335 : memref<1x120xi32, #tpu.memory_space<vmem>> -> memref<120xi32, #tpu.memory_space<vmem>>
        %dma_wait3A_337 = arith.constant 0 : i32
        %dma_wait3A_338 = arith.constant 0 : i32
        %dma_wait3A_339 = tpu.memref_slice %arg2[%dma_wait3A_337, %dma_wait3A_338] : memref<10000x128xf32, #tpu.memory_space<hbm>> -> memref<10000x128xf32, #tpu.memory_space<hbm>>
        tpu.wait_indirect_dma semaphore(%arg22 : memref<!tpu.dma_semaphore, #tpu.memory_space<semaphore_mem>>) src(%dma_wait3A_339 : memref<10000x128xf32, #tpu.memory_space<hbm>>) dst(%arg19 : memref<120x128xf32, #tpu.memory_space<vmem>>)
        %dma_start3A_340 = arith.constant 1 : i32
        %dma_start3A_341 = arith.constant 0 : i32
        %dma_start3A_342 = tpu.memref_slice %arg7[%dma_start3A_340, %dma_start3A_341] : memref<2x120xi32, #tpu.memory_space<vmem>> -> memref<1x120xi32, #tpu.memory_space<vmem>>
        %dma_start3A_343 = tpu.memref_squeeze %dma_start3A_342 : memref<1x120xi32, #tpu.memory_space<vmem>> -> memref<120xi32, #tpu.memory_space<vmem>>
        %dma_start3A_344 = arith.constant 0 : i32
        %dma_start3A_345 = arith.constant 0 : i32
        %dma_start3A_346 = tpu.memref_slice %arg27[%dma_start3A_344, %dma_start3A_345] : memref<10240x128xf32, #tpu.memory_space<vmem_shared>> -> memref<10240x128xf32, #tpu.memory_space<vmem_shared>>
        tpu.enqueue_indirect_dma source(%arg19 : memref<120x128xf32, #tpu.memory_space<vmem>>) target(%dma_start3A_346 : memref<10240x128xf32, #tpu.memory_space<vmem_shared>>) offsets(%dma_start3A_343 : memref<120xi32, #tpu.memory_space<vmem>>) semaphore(%arg25 : memref<!tpu.dma_semaphore, #tpu.memory_space<semaphore_mem>>) {add = true}
      } else {
      }
      %add3A_245 = arith.addi %select_n3A_8, %add3A_228 : i32
      %dma_wait3A_246 = arith.constant 0 : i32
      %dma_wait3A_247 = arith.constant 0 : i32
      %dma_wait3A_248 = tpu.memref_slice %arg3[%add3A_245, %dma_wait3A_246, %dma_wait3A_247] : memref<2688x2x120xi32, #tpu.memory_space<hbm>> -> memref<1x2x120xi32, #tpu.memory_space<hbm>>
      %dma_wait3A_249 = tpu.memref_squeeze %dma_wait3A_248 : memref<1x2x120xi32, #tpu.memory_space<hbm>> -> memref<2x120xi32, #tpu.memory_space<hbm>>
      %dma_wait3A_250 = arith.constant 0 : i32
      %dma_wait3A_251 = arith.constant 0 : i32
      %dma_wait3A_252 = tpu.memref_slice %arg3[%add3A_245, %dma_wait3A_250, %dma_wait3A_251] : memref<2688x2x120xi32, #tpu.memory_space<hbm>> -> memref<1x2x120xi32, #tpu.memory_space<hbm>>
      %dma_wait3A_253 = tpu.memref_squeeze %dma_wait3A_252 : memref<1x2x120xi32, #tpu.memory_space<hbm>> -> memref<2x120xi32, #tpu.memory_space<hbm>>
      tpu.wait_dma2 semaphore(%arg15 : memref<!tpu.dma_semaphore, #tpu.memory_space<semaphore_mem>>) src(%dma_wait3A_253 : memref<2x120xi32, #tpu.memory_space<hbm>>) dst(%arg9 : memref<2x120xi32, #tpu.memory_space<vmem>>)
      %dma_start3A_254 = arith.constant 0 : i32
      %dma_start3A_255 = arith.constant 0 : i32
      %dma_start3A_256 = tpu.memref_slice %arg9[%dma_start3A_254, %dma_start3A_255] : memref<2x120xi32, #tpu.memory_space<vmem>> -> memref<1x120xi32, #tpu.memory_space<vmem>>
      %dma_start3A_257 = tpu.memref_squeeze %dma_start3A_256 : memref<1x120xi32, #tpu.memory_space<vmem>> -> memref<120xi32, #tpu.memory_space<vmem>>
      %dma_start3A_258 = arith.constant 0 : i32
      %dma_start3A_259 = arith.constant 0 : i32
      %dma_start3A_260 = tpu.memref_slice %arg2[%dma_start3A_258, %dma_start3A_259] : memref<10000x128xf32, #tpu.memory_space<hbm>> -> memref<10000x128xf32, #tpu.memory_space<hbm>>
      tpu.enqueue_indirect_dma source(%dma_start3A_260 : memref<10000x128xf32, #tpu.memory_space<hbm>>) target(%arg18 : memref<120x128xf32, #tpu.memory_space<vmem>>) offsets(%dma_start3A_257 : memref<120xi32, #tpu.memory_space<vmem>>) semaphore(%arg21 : memref<!tpu.dma_semaphore, #tpu.memory_space<semaphore_mem>>)
      %mul3A_261 = arith.constant 6 : i32
      %mul3A_262 = arith.muli %while3A_120, %mul3A_261 : i32
      %add3A_263 = arith.constant 4 : i32
      %add3A_264 = arith.addi %mul3A_262, %add3A_263 : i32
      %ge3A_265 = arith.constant 3 : i32
      %ge3A_266 = arith.cmpi sge, %add3A_264, %ge3A_265 : i32
      %convert_element_type3A_267 = arith.extui %ge3A_266 : i1 to i32
      %cond3A_268 = arith.constant 0 : i32
      %cond3A_269 = arith.cmpi ne, %convert_element_type3A_267, %cond3A_268 : i32
      scf.if %cond3A_269 {
        %dma_wait3A_333 = arith.constant 1 : i32
        %dma_wait3A_334 = arith.constant 0 : i32
        %dma_wait3A_335 = tpu.memref_slice %arg10[%dma_wait3A_333, %dma_wait3A_334] : memref<2x120xi32, #tpu.memory_space<vmem>> -> memref<1x120xi32, #tpu.memory_space<vmem>>
        %dma_wait3A_336 = tpu.memref_squeeze %dma_wait3A_335 : memref<1x120xi32, #tpu.memory_space<vmem>> -> memref<120xi32, #tpu.memory_space<vmem>>
        %dma_wait3A_337 = arith.constant 0 : i32
        %dma_wait3A_338 = arith.constant 0 : i32
        %dma_wait3A_339 = tpu.memref_slice %arg27[%dma_wait3A_337, %dma_wait3A_338] : memref<10240x128xf32, #tpu.memory_space<vmem_shared>> -> memref<10240x128xf32, #tpu.memory_space<vmem_shared>>
        tpu.wait_indirect_dma semaphore(%arg25 : memref<!tpu.dma_semaphore, #tpu.memory_space<semaphore_mem>>) src(%arg19 : memref<120x128xf32, #tpu.memory_space<vmem>>) dst(%dma_wait3A_339 : memref<10240x128xf32, #tpu.memory_space<vmem_shared>>)
      } else {
      }
      %add3A_270 = arith.constant 3 : i32
      %add3A_271 = arith.addi %add3A_264, %add3A_270 : i32
      %lt3A_272 = arith.cmpi slt, %add3A_271, %select_n3A : i32
      %convert_element_type3A_273 = arith.extui %lt3A_272 : i1 to i32
      %cond3A_274 = arith.constant 0 : i32
      %cond3A_275 = arith.cmpi ne, %convert_element_type3A_273, %cond3A_274 : i32
      scf.if %cond3A_275 {
        %add3A_333 = arith.addi %select_n3A_8, %add3A_264 : i32
        %add3A_334 = arith.constant 3 : i32
        %add3A_335 = arith.addi %add3A_333, %add3A_334 : i32
        %dma_start3A_336 = arith.constant 0 : i32
        %dma_start3A_337 = arith.constant 0 : i32
        %dma_start3A_338 = tpu.memref_slice %arg3[%add3A_335, %dma_start3A_336, %dma_start3A_337] : memref<2688x2x120xi32, #tpu.memory_space<hbm>> -> memref<1x2x120xi32, #tpu.memory_space<hbm>>
        %dma_start3A_339 = tpu.memref_squeeze %dma_start3A_338 : memref<1x2x120xi32, #tpu.memory_space<hbm>> -> memref<2x120xi32, #tpu.memory_space<hbm>>
        %dma_start3A_340 = arith.constant 0 : i32
        %dma_start3A_341 = arith.constant 0 : i32
        %dma_start3A_342 = tpu.memref_slice %arg3[%add3A_335, %dma_start3A_340, %dma_start3A_341] : memref<2688x2x120xi32, #tpu.memory_space<hbm>> -> memref<1x2x120xi32, #tpu.memory_space<hbm>>
        %dma_start3A_343 = tpu.memref_squeeze %dma_start3A_342 : memref<1x2x120xi32, #tpu.memory_space<hbm>> -> memref<2x120xi32, #tpu.memory_space<hbm>>
        tpu.enqueue_dma source(%dma_start3A_343 : memref<2x120xi32, #tpu.memory_space<hbm>>) target(%arg7 : memref<2x120xi32, #tpu.memory_space<vmem>>) target_semaphore(%arg13 : memref<!tpu.dma_semaphore, #tpu.memory_space<semaphore_mem>>)
      } else {
      }
      %ge3A_276 = arith.constant 2 : i32
      %ge3A_277 = arith.cmpi sge, %add3A_264, %ge3A_276 : i32
      %convert_element_type3A_278 = arith.extui %ge3A_277 : i1 to i32
      %cond3A_279 = arith.constant 0 : i32
      %cond3A_280 = arith.cmpi ne, %convert_element_type3A_278, %cond3A_279 : i32
      scf.if %cond3A_280 {
        %dma_wait3A_333 = arith.constant 0 : i32
        %dma_wait3A_334 = arith.constant 0 : i32
        %dma_wait3A_335 = tpu.memref_slice %arg8[%dma_wait3A_333, %dma_wait3A_334] : memref<2x120xi32, #tpu.memory_space<vmem>> -> memref<1x120xi32, #tpu.memory_space<vmem>>
        %dma_wait3A_336 = tpu.memref_squeeze %dma_wait3A_335 : memref<1x120xi32, #tpu.memory_space<vmem>> -> memref<120xi32, #tpu.memory_space<vmem>>
        %dma_wait3A_337 = arith.constant 0 : i32
        %dma_wait3A_338 = arith.constant 0 : i32
        %dma_wait3A_339 = tpu.memref_slice %arg2[%dma_wait3A_337, %dma_wait3A_338] : memref<10000x128xf32, #tpu.memory_space<hbm>> -> memref<10000x128xf32, #tpu.memory_space<hbm>>
        tpu.wait_indirect_dma semaphore(%arg23 : memref<!tpu.dma_semaphore, #tpu.memory_space<semaphore_mem>>) src(%dma_wait3A_339 : memref<10000x128xf32, #tpu.memory_space<hbm>>) dst(%arg20 : memref<120x128xf32, #tpu.memory_space<vmem>>)
        %dma_start3A_340 = arith.constant 1 : i32
        %dma_start3A_341 = arith.constant 0 : i32
        %dma_start3A_342 = tpu.memref_slice %arg8[%dma_start3A_340, %dma_start3A_341] : memref<2x120xi32, #tpu.memory_space<vmem>> -> memref<1x120xi32, #tpu.memory_space<vmem>>
        %dma_start3A_343 = tpu.memref_squeeze %dma_start3A_342 : memref<1x120xi32, #tpu.memory_space<vmem>> -> memref<120xi32, #tpu.memory_space<vmem>>
        %dma_start3A_344 = arith.constant 0 : i32
        %dma_start3A_345 = arith.constant 0 : i32
        %dma_start3A_346 = tpu.memref_slice %arg27[%dma_start3A_344, %dma_start3A_345] : memref<10240x128xf32, #tpu.memory_space<vmem_shared>> -> memref<10240x128xf32, #tpu.memory_space<vmem_shared>>
        tpu.enqueue_indirect_dma source(%arg20 : memref<120x128xf32, #tpu.memory_space<vmem>>) target(%dma_start3A_346 : memref<10240x128xf32, #tpu.memory_space<vmem_shared>>) offsets(%dma_start3A_343 : memref<120xi32, #tpu.memory_space<vmem>>) semaphore(%arg26 : memref<!tpu.dma_semaphore, #tpu.memory_space<semaphore_mem>>) {add = true}
      } else {
      }
      %add3A_281 = arith.addi %select_n3A_8, %add3A_264 : i32
      %dma_wait3A_282 = arith.constant 0 : i32
      %dma_wait3A_283 = arith.constant 0 : i32
      %dma_wait3A_284 = tpu.memref_slice %arg3[%add3A_281, %dma_wait3A_282, %dma_wait3A_283] : memref<2688x2x120xi32, #tpu.memory_space<hbm>> -> memref<1x2x120xi32, #tpu.memory_space<hbm>>
      %dma_wait3A_285 = tpu.memref_squeeze %dma_wait3A_284 : memref<1x2x120xi32, #tpu.memory_space<hbm>> -> memref<2x120xi32, #tpu.memory_space<hbm>>
      %dma_wait3A_286 = arith.constant 0 : i32
      %dma_wait3A_287 = arith.constant 0 : i32
      %dma_wait3A_288 = tpu.memref_slice %arg3[%add3A_281, %dma_wait3A_286, %dma_wait3A_287] : memref<2688x2x120xi32, #tpu.memory_space<hbm>> -> memref<1x2x120xi32, #tpu.memory_space<hbm>>
      %dma_wait3A_289 = tpu.memref_squeeze %dma_wait3A_288 : memref<1x2x120xi32, #tpu.memory_space<hbm>> -> memref<2x120xi32, #tpu.memory_space<hbm>>
      tpu.wait_dma2 semaphore(%arg16 : memref<!tpu.dma_semaphore, #tpu.memory_space<semaphore_mem>>) src(%dma_wait3A_289 : memref<2x120xi32, #tpu.memory_space<hbm>>) dst(%arg10 : memref<2x120xi32, #tpu.memory_space<vmem>>)
      %dma_start3A_290 = arith.constant 0 : i32
      %dma_start3A_291 = arith.constant 0 : i32
      %dma_start3A_292 = tpu.memref_slice %arg10[%dma_start3A_290, %dma_start3A_291] : memref<2x120xi32, #tpu.memory_space<vmem>> -> memref<1x120xi32, #tpu.memory_space<vmem>>
      %dma_start3A_293 = tpu.memref_squeeze %dma_start3A_292 : memref<1x120xi32, #tpu.memory_space<vmem>> -> memref<120xi32, #tpu.memory_space<vmem>>
      %dma_start3A_294 = arith.constant 0 : i32
      %dma_start3A_295 = arith.constant 0 : i32
      %dma_start3A_296 = tpu.memref_slice %arg2[%dma_start3A_294, %dma_start3A_295] : memref<10000x128xf32, #tpu.memory_space<hbm>> -> memref<10000x128xf32, #tpu.memory_space<hbm>>
      tpu.enqueue_indirect_dma source(%dma_start3A_296 : memref<10000x128xf32, #tpu.memory_space<hbm>>) target(%arg19 : memref<120x128xf32, #tpu.memory_space<vmem>>) offsets(%dma_start3A_293 : memref<120xi32, #tpu.memory_space<vmem>>) semaphore(%arg22 : memref<!tpu.dma_semaphore, #tpu.memory_space<semaphore_mem>>)
      %mul3A_297 = arith.constant 6 : i32
      %mul3A_298 = arith.muli %while3A_120, %mul3A_297 : i32
      %add3A_299 = arith.constant 5 : i32
      %add3A_300 = arith.addi %mul3A_298, %add3A_299 : i32
      %ge3A_301 = arith.constant 3 : i32
      %ge3A_302 = arith.cmpi sge, %add3A_300, %ge3A_301 : i32
      %convert_element_type3A_303 = arith.extui %ge3A_302 : i1 to i32
      %cond3A_304 = arith.constant 0 : i32
      %cond3A_305 = arith.cmpi ne, %convert_element_type3A_303, %cond3A_304 : i32
      scf.if %cond3A_305 {
        %dma_wait3A_333 = arith.constant 1 : i32
        %dma_wait3A_334 = arith.constant 0 : i32
        %dma_wait3A_335 = tpu.memref_slice %arg11[%dma_wait3A_333, %dma_wait3A_334] : memref<2x120xi32, #tpu.memory_space<vmem>> -> memref<1x120xi32, #tpu.memory_space<vmem>>
        %dma_wait3A_336 = tpu.memref_squeeze %dma_wait3A_335 : memref<1x120xi32, #tpu.memory_space<vmem>> -> memref<120xi32, #tpu.memory_space<vmem>>
        %dma_wait3A_337 = arith.constant 0 : i32
        %dma_wait3A_338 = arith.constant 0 : i32
        %dma_wait3A_339 = tpu.memref_slice %arg27[%dma_wait3A_337, %dma_wait3A_338] : memref<10240x128xf32, #tpu.memory_space<vmem_shared>> -> memref<10240x128xf32, #tpu.memory_space<vmem_shared>>
        tpu.wait_indirect_dma semaphore(%arg26 : memref<!tpu.dma_semaphore, #tpu.memory_space<semaphore_mem>>) src(%arg20 : memref<120x128xf32, #tpu.memory_space<vmem>>) dst(%dma_wait3A_339 : memref<10240x128xf32, #tpu.memory_space<vmem_shared>>)
      } else {
      }
      %add3A_306 = arith.constant 3 : i32
      %add3A_307 = arith.addi %add3A_300, %add3A_306 : i32
      %lt3A_308 = arith.cmpi slt, %add3A_307, %select_n3A : i32
      %convert_element_type3A_309 = arith.extui %lt3A_308 : i1 to i32
      %cond3A_310 = arith.constant 0 : i32
      %cond3A_311 = arith.cmpi ne, %convert_element_type3A_309, %cond3A_310 : i32
      scf.if %cond3A_311 {
        %add3A_333 = arith.addi %select_n3A_8, %add3A_300 : i32
        %add3A_334 = arith.constant 3 : i32
        %add3A_335 = arith.addi %add3A_333, %add3A_334 : i32
        %dma_start3A_336 = arith.constant 0 : i32
        %dma_start3A_337 = arith.constant 0 : i32
        %dma_start3A_338 = tpu.memref_slice %arg3[%add3A_335, %dma_start3A_336, %dma_start3A_337] : memref<2688x2x120xi32, #tpu.memory_space<hbm>> -> memref<1x2x120xi32, #tpu.memory_space<hbm>>
        %dma_start3A_339 = tpu.memref_squeeze %dma_start3A_338 : memref<1x2x120xi32, #tpu.memory_space<hbm>> -> memref<2x120xi32, #tpu.memory_space<hbm>>
        %dma_start3A_340 = arith.constant 0 : i32
        %dma_start3A_341 = arith.constant 0 : i32
        %dma_start3A_342 = tpu.memref_slice %arg3[%add3A_335, %dma_start3A_340, %dma_start3A_341] : memref<2688x2x120xi32, #tpu.memory_space<hbm>> -> memref<1x2x120xi32, #tpu.memory_space<hbm>>
        %dma_start3A_343 = tpu.memref_squeeze %dma_start3A_342 : memref<1x2x120xi32, #tpu.memory_space<hbm>> -> memref<2x120xi32, #tpu.memory_space<hbm>>
        tpu.enqueue_dma source(%dma_start3A_343 : memref<2x120xi32, #tpu.memory_space<hbm>>) target(%arg8 : memref<2x120xi32, #tpu.memory_space<vmem>>) target_semaphore(%arg14 : memref<!tpu.dma_semaphore, #tpu.memory_space<semaphore_mem>>)
      } else {
      }
      %ge3A_312 = arith.constant 2 : i32
      %ge3A_313 = arith.cmpi sge, %add3A_300, %ge3A_312 : i32
      %convert_element_type3A_314 = arith.extui %ge3A_313 : i1 to i32
      %cond3A_315 = arith.constant 0 : i32
      %cond3A_316 = arith.cmpi ne, %convert_element_type3A_314, %cond3A_315 : i32
      scf.if %cond3A_316 {
        %dma_wait3A_333 = arith.constant 0 : i32
        %dma_wait3A_334 = arith.constant 0 : i32
        %dma_wait3A_335 = tpu.memref_slice %arg9[%dma_wait3A_333, %dma_wait3A_334] : memref<2x120xi32, #tpu.memory_space<vmem>> -> memref<1x120xi32, #tpu.memory_space<vmem>>
        %dma_wait3A_336 = tpu.memref_squeeze %dma_wait3A_335 : memref<1x120xi32, #tpu.memory_space<vmem>> -> memref<120xi32, #tpu.memory_space<vmem>>
        %dma_wait3A_337 = arith.constant 0 : i32
        %dma_wait3A_338 = arith.constant 0 : i32
        %dma_wait3A_339 = tpu.memref_slice %arg2[%dma_wait3A_337, %dma_wait3A_338] : memref<10000x128xf32, #tpu.memory_space<hbm>> -> memref<10000x128xf32, #tpu.memory_space<hbm>>
        tpu.wait_indirect_dma semaphore(%arg21 : memref<!tpu.dma_semaphore, #tpu.memory_space<semaphore_mem>>) src(%dma_wait3A_339 : memref<10000x128xf32, #tpu.memory_space<hbm>>) dst(%arg18 : memref<120x128xf32, #tpu.memory_space<vmem>>)
        %dma_start3A_340 = arith.constant 1 : i32
        %dma_start3A_341 = arith.constant 0 : i32
        %dma_start3A_342 = tpu.memref_slice %arg9[%dma_start3A_340, %dma_start3A_341] : memref<2x120xi32, #tpu.memory_space<vmem>> -> memref<1x120xi32, #tpu.memory_space<vmem>>
        %dma_start3A_343 = tpu.memref_squeeze %dma_start3A_342 : memref<1x120xi32, #tpu.memory_space<vmem>> -> memref<120xi32, #tpu.memory_space<vmem>>
        %dma_start3A_344 = arith.constant 0 : i32
        %dma_start3A_345 = arith.constant 0 : i32
        %dma_start3A_346 = tpu.memref_slice %arg27[%dma_start3A_344, %dma_start3A_345] : memref<10240x128xf32, #tpu.memory_space<vmem_shared>> -> memref<10240x128xf32, #tpu.memory_space<vmem_shared>>
        tpu.enqueue_indirect_dma source(%arg18 : memref<120x128xf32, #tpu.memory_space<vmem>>) target(%dma_start3A_346 : memref<10240x128xf32, #tpu.memory_space<vmem_shared>>) offsets(%dma_start3A_343 : memref<120xi32, #tpu.memory_space<vmem>>) semaphore(%arg24 : memref<!tpu.dma_semaphore, #tpu.memory_space<semaphore_mem>>) {add = true}
      } else {
      }
      %add3A_317 = arith.addi %select_n3A_8, %add3A_300 : i32
      %dma_wait3A_318 = arith.constant 0 : i32
      %dma_wait3A_319 = arith.constant 0 : i32
      %dma_wait3A_320 = tpu.memref_slice %arg3[%add3A_317, %dma_wait3A_318, %dma_wait3A_319] : memref<2688x2x120xi32, #tpu.memory_space<hbm>> -> memref<1x2x120xi32, #tpu.memory_space<hbm>>
      %dma_wait3A_321 = tpu.memref_squeeze %dma_wait3A_320 : memref<1x2x120xi32, #tpu.memory_space<hbm>> -> memref<2x120xi32, #tpu.memory_space<hbm>>
      %dma_wait3A_322 = arith.constant 0 : i32
      %dma_wait3A_323 = arith.constant 0 : i32
      %dma_wait3A_324 = tpu.memref_slice %arg3[%add3A_317, %dma_wait3A_322, %dma_wait3A_323] : memref<2688x2x120xi32, #tpu.memory_space<hbm>> -> memref<1x2x120xi32, #tpu.memory_space<hbm>>
      %dma_wait3A_325 = tpu.memref_squeeze %dma_wait3A_324 : memref<1x2x120xi32, #tpu.memory_space<hbm>> -> memref<2x120xi32, #tpu.memory_space<hbm>>
      tpu.wait_dma2 semaphore(%arg17 : memref<!tpu.dma_semaphore, #tpu.memory_space<semaphore_mem>>) src(%dma_wait3A_325 : memref<2x120xi32, #tpu.memory_space<hbm>>) dst(%arg11 : memref<2x120xi32, #tpu.memory_space<vmem>>)
      %dma_start3A_326 = arith.constant 0 : i32
      %dma_start3A_327 = arith.constant 0 : i32
      %dma_start3A_328 = tpu.memref_slice %arg11[%dma_start3A_326, %dma_start3A_327] : memref<2x120xi32, #tpu.memory_space<vmem>> -> memref<1x120xi32, #tpu.memory_space<vmem>>
      %dma_start3A_329 = tpu.memref_squeeze %dma_start3A_328 : memref<1x120xi32, #tpu.memory_space<vmem>> -> memref<120xi32, #tpu.memory_space<vmem>>
      %dma_start3A_330 = arith.constant 0 : i32
      %dma_start3A_331 = arith.constant 0 : i32
      %dma_start3A_332 = tpu.memref_slice %arg2[%dma_start3A_330, %dma_start3A_331] : memref<10000x128xf32, #tpu.memory_space<hbm>> -> memref<10000x128xf32, #tpu.memory_space<hbm>>
      tpu.enqueue_indirect_dma source(%dma_start3A_332 : memref<10000x128xf32, #tpu.memory_space<hbm>>) target(%arg20 : memref<120x128xf32, #tpu.memory_space<vmem>>) offsets(%dma_start3A_329 : memref<120xi32, #tpu.memory_space<vmem>>) semaphore(%arg23 : memref<!tpu.dma_semaphore, #tpu.memory_space<semaphore_mem>>)
    }
    %dma_wait3A = arith.constant 0 : i32
    %dma_wait3A_67 = arith.constant 0 : i32
    %dma_wait3A_68 = tpu.memref_slice %arg10[%dma_wait3A, %dma_wait3A_67] : memref<2x120xi32, #tpu.memory_space<vmem>> -> memref<1x120xi32, #tpu.memory_space<vmem>>
    %dma_wait3A_69 = tpu.memref_squeeze %dma_wait3A_68 : memref<1x120xi32, #tpu.memory_space<vmem>> -> memref<120xi32, #tpu.memory_space<vmem>>
    %dma_wait3A_70 = arith.constant 0 : i32
    %dma_wait3A_71 = arith.constant 0 : i32
    %dma_wait3A_72 = tpu.memref_slice %arg2[%dma_wait3A_70, %dma_wait3A_71] : memref<10000x128xf32, #tpu.memory_space<hbm>> -> memref<10000x128xf32, #tpu.memory_space<hbm>>
    tpu.wait_indirect_dma semaphore(%arg22 : memref<!tpu.dma_semaphore, #tpu.memory_space<semaphore_mem>>) src(%dma_wait3A_72 : memref<10000x128xf32, #tpu.memory_space<hbm>>) dst(%arg19 : memref<120x128xf32, #tpu.memory_space<vmem>>)
    %dma_start3A_73 = arith.constant 1 : i32
    %dma_start3A_74 = arith.constant 0 : i32
    %dma_start3A_75 = tpu.memref_slice %arg10[%dma_start3A_73, %dma_start3A_74] : memref<2x120xi32, #tpu.memory_space<vmem>> -> memref<1x120xi32, #tpu.memory_space<vmem>>
    %dma_start3A_76 = tpu.memref_squeeze %dma_start3A_75 : memref<1x120xi32, #tpu.memory_space<vmem>> -> memref<120xi32, #tpu.memory_space<vmem>>
    %dma_start3A_77 = arith.constant 0 : i32
    %dma_start3A_78 = arith.constant 0 : i32
    %dma_start3A_79 = tpu.memref_slice %arg27[%dma_start3A_77, %dma_start3A_78] : memref<10240x128xf32, #tpu.memory_space<vmem_shared>> -> memref<10240x128xf32, #tpu.memory_space<vmem_shared>>
    tpu.enqueue_indirect_dma source(%arg19 : memref<120x128xf32, #tpu.memory_space<vmem>>) target(%dma_start3A_79 : memref<10240x128xf32, #tpu.memory_space<vmem_shared>>) offsets(%dma_start3A_76 : memref<120xi32, #tpu.memory_space<vmem>>) semaphore(%arg25 : memref<!tpu.dma_semaphore, #tpu.memory_space<semaphore_mem>>) {add = true}
    %dma_wait3A_80 = arith.constant 0 : i32
    %dma_wait3A_81 = arith.constant 0 : i32
    %dma_wait3A_82 = tpu.memref_slice %arg11[%dma_wait3A_80, %dma_wait3A_81] : memref<2x120xi32, #tpu.memory_space<vmem>> -> memref<1x120xi32, #tpu.memory_space<vmem>>
    %dma_wait3A_83 = tpu.memref_squeeze %dma_wait3A_82 : memref<1x120xi32, #tpu.memory_space<vmem>> -> memref<120xi32, #tpu.memory_space<vmem>>
    %dma_wait3A_84 = arith.constant 0 : i32
    %dma_wait3A_85 = arith.constant 0 : i32
    %dma_wait3A_86 = tpu.memref_slice %arg2[%dma_wait3A_84, %dma_wait3A_85] : memref<10000x128xf32, #tpu.memory_space<hbm>> -> memref<10000x128xf32, #tpu.memory_space<hbm>>
    tpu.wait_indirect_dma semaphore(%arg23 : memref<!tpu.dma_semaphore, #tpu.memory_space<semaphore_mem>>) src(%dma_wait3A_86 : memref<10000x128xf32, #tpu.memory_space<hbm>>) dst(%arg20 : memref<120x128xf32, #tpu.memory_space<vmem>>)
    %dma_start3A_87 = arith.constant 1 : i32
    %dma_start3A_88 = arith.constant 0 : i32
    %dma_start3A_89 = tpu.memref_slice %arg11[%dma_start3A_87, %dma_start3A_88] : memref<2x120xi32, #tpu.memory_space<vmem>> -> memref<1x120xi32, #tpu.memory_space<vmem>>
    %dma_start3A_90 = tpu.memref_squeeze %dma_start3A_89 : memref<1x120xi32, #tpu.memory_space<vmem>> -> memref<120xi32, #tpu.memory_space<vmem>>
    %dma_start3A_91 = arith.constant 0 : i32
    %dma_start3A_92 = arith.constant 0 : i32
    %dma_start3A_93 = tpu.memref_slice %arg27[%dma_start3A_91, %dma_start3A_92] : memref<10240x128xf32, #tpu.memory_space<vmem_shared>> -> memref<10240x128xf32, #tpu.memory_space<vmem_shared>>
    tpu.enqueue_indirect_dma source(%arg20 : memref<120x128xf32, #tpu.memory_space<vmem>>) target(%dma_start3A_93 : memref<10240x128xf32, #tpu.memory_space<vmem_shared>>) offsets(%dma_start3A_90 : memref<120xi32, #tpu.memory_space<vmem>>) semaphore(%arg26 : memref<!tpu.dma_semaphore, #tpu.memory_space<semaphore_mem>>) {add = true}
    %dma_wait3A_94 = arith.constant 1 : i32
    %dma_wait3A_95 = arith.constant 0 : i32
    %dma_wait3A_96 = tpu.memref_slice %arg9[%dma_wait3A_94, %dma_wait3A_95] : memref<2x120xi32, #tpu.memory_space<vmem>> -> memref<1x120xi32, #tpu.memory_space<vmem>>
    %dma_wait3A_97 = tpu.memref_squeeze %dma_wait3A_96 : memref<1x120xi32, #tpu.memory_space<vmem>> -> memref<120xi32, #tpu.memory_space<vmem>>
    %dma_wait3A_98 = arith.constant 0 : i32
    %dma_wait3A_99 = arith.constant 0 : i32
    %dma_wait3A_100 = tpu.memref_slice %arg27[%dma_wait3A_98, %dma_wait3A_99] : memref<10240x128xf32, #tpu.memory_space<vmem_shared>> -> memref<10240x128xf32, #tpu.memory_space<vmem_shared>>
    tpu.wait_indirect_dma semaphore(%arg24 : memref<!tpu.dma_semaphore, #tpu.memory_space<semaphore_mem>>) src(%arg18 : memref<120x128xf32, #tpu.memory_space<vmem>>) dst(%dma_wait3A_100 : memref<10240x128xf32, #tpu.memory_space<vmem_shared>>)
    %dma_wait3A_101 = arith.constant 1 : i32
    %dma_wait3A_102 = arith.constant 0 : i32
    %dma_wait3A_103 = tpu.memref_slice %arg10[%dma_wait3A_101, %dma_wait3A_102] : memref<2x120xi32, #tpu.memory_space<vmem>> -> memref<1x120xi32, #tpu.memory_space<vmem>>
    %dma_wait3A_104 = tpu.memref_squeeze %dma_wait3A_103 : memref<1x120xi32, #tpu.memory_space<vmem>> -> memref<120xi32, #tpu.memory_space<vmem>>
    %dma_wait3A_105 = arith.constant 0 : i32
    %dma_wait3A_106 = arith.constant 0 : i32
    %dma_wait3A_107 = tpu.memref_slice %arg27[%dma_wait3A_105, %dma_wait3A_106] : memref<10240x128xf32, #tpu.memory_space<vmem_shared>> -> memref<10240x128xf32, #tpu.memory_space<vmem_shared>>
    tpu.wait_indirect_dma semaphore(%arg25 : memref<!tpu.dma_semaphore, #tpu.memory_space<semaphore_mem>>) src(%arg19 : memref<120x128xf32, #tpu.memory_space<vmem>>) dst(%dma_wait3A_107 : memref<10240x128xf32, #tpu.memory_space<vmem_shared>>)
    %dma_wait3A_108 = arith.constant 1 : i32
    %dma_wait3A_109 = arith.constant 0 : i32
    %dma_wait3A_110 = tpu.memref_slice %arg11[%dma_wait3A_108, %dma_wait3A_109] : memref<2x120xi32, #tpu.memory_space<vmem>> -> memref<1x120xi32, #tpu.memory_space<vmem>>
    %dma_wait3A_111 = tpu.memref_squeeze %dma_wait3A_110 : memref<1x120xi32, #tpu.memory_space<vmem>> -> memref<120xi32, #tpu.memory_space<vmem>>
    %dma_wait3A_112 = arith.constant 0 : i32
    %dma_wait3A_113 = arith.constant 0 : i32
    %dma_wait3A_114 = tpu.memref_slice %arg27[%dma_wait3A_112, %dma_wait3A_113] : memref<10240x128xf32, #tpu.memory_space<vmem_shared>> -> memref<10240x128xf32, #tpu.memory_space<vmem_shared>>
    tpu.wait_indirect_dma semaphore(%arg26 : memref<!tpu.dma_semaphore, #tpu.memory_space<semaphore_mem>>) src(%arg20 : memref<120x128xf32, #tpu.memory_space<vmem>>) dst(%dma_wait3A_114 : memref<10240x128xf32, #tpu.memory_space<vmem_shared>>)
    %barrier3A_115 = arith.constant 0 : index
    tpu.barrier barrier_id(%barrier3A_115)
    %mul3A_116 = arith.constant 640 : i32
    %mul3A_117 = arith.muli %arg1, %mul3A_116 : i32
    %mul3A_118 = arith.constant 640 : i32
    %mul3A_119 = arith.muli %arg1, %mul3A_118 : i32
    "tpu.region"() ({
      %run_scoped3A = tpu.sem_alloc : memref<!tpu.dma_semaphore, #tpu.memory_space<semaphore_mem>>
      %dma_start3A_120 = arith.constant 0 : i32
      %dma_start3A_121 = tpu.memref_slice %arg5[%arg0, %mul3A_119, %dma_start3A_120] : memref<2x10240x128xf32, #tpu.memory_space<hbm>> -> memref<1x640x128xf32, #tpu.memory_space<hbm>>
      %dma_start3A_122 = tpu.memref_squeeze %dma_start3A_121 : memref<1x640x128xf32, #tpu.memory_space<hbm>> -> memref<640x128xf32, #tpu.memory_space<hbm>>
      %dma_start3A_123 = arith.constant 0 : i32
      %dma_start3A_124 = tpu.memref_slice %arg27[%mul3A_117, %dma_start3A_123] : memref<10240x128xf32, #tpu.memory_space<vmem_shared>> -> memref<640x128xf32, #tpu.memory_space<vmem_shared>>
      tpu.enqueue_dma source(%dma_start3A_124 : memref<640x128xf32, #tpu.memory_space<vmem_shared>>) target(%dma_start3A_122 : memref<640x128xf32, #tpu.memory_space<hbm>>) target_semaphore(%run_scoped3A : memref<!tpu.dma_semaphore, #tpu.memory_space<semaphore_mem>>)
      %dma_wait3A_125 = arith.constant 0 : i32
      %dma_wait3A_126 = tpu.memref_slice %arg5[%arg0, %mul3A_119, %dma_wait3A_125] : memref<2x10240x128xf32, #tpu.memory_space<hbm>> -> memref<1x640x128xf32, #tpu.memory_space<hbm>>
      %dma_wait3A_127 = tpu.memref_squeeze %dma_wait3A_126 : memref<1x640x128xf32, #tpu.memory_space<hbm>> -> memref<640x128xf32, #tpu.memory_space<hbm>>
      %dma_wait3A_128 = arith.constant 0 : i32
      %dma_wait3A_129 = tpu.memref_slice %arg27[%mul3A_117, %dma_wait3A_128] : memref<10240x128xf32, #tpu.memory_space<vmem_shared>> -> memref<640x128xf32, #tpu.memory_space<vmem_shared>>
      tpu.wait_dma2 semaphore(%run_scoped3A : memref<!tpu.dma_semaphore, #tpu.memory_space<semaphore_mem>>) src(%dma_wait3A_129 : memref<640x128xf32, #tpu.memory_space<vmem_shared>>) dst(%dma_wait3A_127 : memref<640x128xf32, #tpu.memory_space<hbm>>)
      tpu.yield
    }) : () -> ()
    return
  }
}

#map = affine_map<(d0, d1) -> (0, 0)>
#map1 = affine_map<(d0, d1) -> (0, 0, 0)>
module attributes {stable_mosaic.version = 14 : i64} {
  func.func @_sc_agg(%arg0: i32, %arg1: i32, %arg2: memref<10000x128xf32, #tpu.memory_space<hbm>>, %arg3: memref<2688x2x120xi32, #tpu.memory_space<hbm>>, %arg4: memref<640x128xf32, #tpu.memory_space<hbm>>, %arg5: memref<2x10240x128xf32, #tpu.memory_space<hbm>>, %arg6: memref<2x120xi32, #tpu.memory_space<vmem>>, %arg7: memref<2x120xi32, #tpu.memory_space<vmem>>, %arg8: memref<2x120xi32, #tpu.memory_space<vmem>>, %arg9: memref<2x120xi32, #tpu.memory_space<vmem>>, %arg10: memref<2x120xi32, #tpu.memory_space<vmem>>, %arg11: memref<2x120xi32, #tpu.memory_space<vmem>>, %arg12: memref<!tpu.dma_semaphore, #tpu.memory_space<semaphore_mem>>, %arg13: memref<!tpu.dma_semaphore, #tpu.memory_space<semaphore_mem>>, %arg14: memref<!tpu.dma_semaphore, #tpu.memory_space<semaphore_mem>>, %arg15: memref<!tpu.dma_semaphore, #tpu.memory_space<semaphore_mem>>, %arg16: memref<!tpu.dma_semaphore, #tpu.memory_space<semaphore_mem>>, %arg17: memref<!tpu.dma_semaphore, #tpu.memory_space<semaphore_mem>>, %arg18: memref<120x128xf32, #tpu.memory_space<vmem>>, %arg19: memref<120x128xf32, #tpu.memory_space<vmem>>, %arg20: memref<120x128xf32, #tpu.memory_space<vmem>>, %arg21: memref<!tpu.dma_semaphore, #tpu.memory_space<semaphore_mem>>, %arg22: memref<!tpu.dma_semaphore, #tpu.memory_space<semaphore_mem>>, %arg23: memref<!tpu.dma_semaphore, #tpu.memory_space<semaphore_mem>>, %arg24: memref<!tpu.dma_semaphore, #tpu.memory_space<semaphore_mem>>, %arg25: memref<!tpu.dma_semaphore, #tpu.memory_space<semaphore_mem>>, %arg26: memref<!tpu.dma_semaphore, #tpu.memory_space<semaphore_mem>>, %arg27: memref<10240x128xf32, #tpu.memory_space<vmem_shared>>) attributes {dimension_semantics = [#tpu.dimension_semantics<core_parallel>, #tpu.dimension_semantics<subcore_parallel>], iteration_bounds = array<i64: 2, 16>, scalar_prefetch = 0 : i64, scratch_operands = 22 : i64, tpu.core_type = #tpu.core_type<sc_vector_subcore>, window_params = [{transform_indices = #map}, {transform_indices = #map1}, {transform_indices = #map}, {transform_indices = #map1}]} {
    %eq3A = arith.constant 0 : i32
    %eq3A_0 = arith.cmpi eq, %arg0, %eq3A : i32
    %jit3A = arith.constant 156 : i32
    %jit3A_1 = arith.constant 12 : i32
    %select_n3A = arith.select %eq3A_0, %jit3A, %jit3A_1 : i32
    %eq3A_2 = arith.constant 0 : i32
    %eq3A_3 = arith.cmpi eq, %arg0, %eq3A_2 : i32
    %mul3A = arith.constant 156 : i32
    %mul3A_4 = arith.muli %arg1, %mul3A : i32
    %mul3A_5 = arith.constant 12 : i32
    %mul3A_6 = arith.muli %arg1, %mul3A_5 : i32
    %add3A = arith.constant 2496 : i32
    %add3A_7 = arith.addi %add3A, %mul3A_6 : i32
    %select_n3A_8 = arith.select %eq3A_3, %mul3A_4, %add3A_7 : i32
    %mul3A_9 = arith.constant 640 : i32
    %mul3A_10 = arith.muli %arg1, %mul3A_9 : i32
    "tpu.region"() ({
      %run_scoped3A = tpu.sem_alloc : memref<!tpu.dma_semaphore, #tpu.memory_space<semaphore_mem>>
      %dma_start3A_120 = arith.constant 0 : i32
      %dma_start3A_121 = tpu.memref_slice %arg27[%mul3A_10, %dma_start3A_120] : memref<10240x128xf32, #tpu.memory_space<vmem_shared>> -> memref<640x128xf32, #tpu.memory_space<vmem_shared>>
      tpu.enqueue_dma source(%arg4 : memref<640x128xf32, #tpu.memory_space<hbm>>) target(%dma_start3A_121 : memref<640x128xf32, #tpu.memory_space<vmem_shared>>) target_semaphore(%run_scoped3A : memref<!tpu.dma_semaphore, #tpu.memory_space<semaphore_mem>>)
      %dma_wait3A_122 = arith.constant 0 : i32
      %dma_wait3A_123 = tpu.memref_slice %arg27[%mul3A_10, %dma_wait3A_122] : memref<10240x128xf32, #tpu.memory_space<vmem_shared>> -> memref<640x128xf32, #tpu.memory_space<vmem_shared>>
      tpu.wait_dma2 semaphore(%run_scoped3A : memref<!tpu.dma_semaphore, #tpu.memory_space<semaphore_mem>>) src(%arg4 : memref<640x128xf32, #tpu.memory_space<hbm>>) dst(%dma_wait3A_123 : memref<640x128xf32, #tpu.memory_space<vmem_shared>>)
      tpu.yield
    }) : () -> ()
    %add3A_11 = arith.constant 0 : i32
    %add3A_12 = arith.addi %select_n3A_8, %add3A_11 : i32
    %dma_start3A = arith.constant 0 : i32
    %dma_start3A_13 = arith.constant 0 : i32
    %dma_start3A_14 = tpu.memref_slice %arg3[%add3A_12, %dma_start3A, %dma_start3A_13] : memref<2688x2x120xi32, #tpu.memory_space<hbm>> -> memref<1x2x120xi32, #tpu.memory_space<hbm>>
    %dma_start3A_15 = tpu.memref_squeeze %dma_start3A_14 : memref<1x2x120xi32, #tpu.memory_space<hbm>> -> memref<2x120xi32, #tpu.memory_space<hbm>>
    %dma_start3A_16 = arith.constant 0 : i32
    %dma_start3A_17 = arith.constant 0 : i32
    %dma_start3A_18 = tpu.memref_slice %arg3[%add3A_12, %dma_start3A_16, %dma_start3A_17] : memref<2688x2x120xi32, #tpu.memory_space<hbm>> -> memref<1x2x120xi32, #tpu.memory_space<hbm>>
    %dma_start3A_19 = tpu.memref_squeeze %dma_start3A_18 : memref<1x2x120xi32, #tpu.memory_space<hbm>> -> memref<2x120xi32, #tpu.memory_space<hbm>>
    tpu.enqueue_dma source(%dma_start3A_19 : memref<2x120xi32, #tpu.memory_space<hbm>>) target(%arg6 : memref<2x120xi32, #tpu.memory_space<vmem>>) target_semaphore(%arg12 : memref<!tpu.dma_semaphore, #tpu.memory_space<semaphore_mem>>)
    %add3A_20 = arith.constant 1 : i32
    %add3A_21 = arith.addi %select_n3A_8, %add3A_20 : i32
    %dma_start3A_22 = arith.constant 0 : i32
    %dma_start3A_23 = arith.constant 0 : i32
    %dma_start3A_24 = tpu.memref_slice %arg3[%add3A_21, %dma_start3A_22, %dma_start3A_23] : memref<2688x2x120xi32, #tpu.memory_space<hbm>> -> memref<1x2x120xi32, #tpu.memory_space<hbm>>
    %dma_start3A_25 = tpu.memref_squeeze %dma_start3A_24 : memref<1x2x120xi32, #tpu.memory_space<hbm>> -> memref<2x120xi32, #tpu.memory_space<hbm>>
    %dma_start3A_26 = arith.constant 0 : i32
    %dma_start3A_27 = arith.constant 0 : i32
    %dma_start3A_28 = tpu.memref_slice %arg3[%add3A_21, %dma_start3A_26, %dma_start3A_27] : memref<2688x2x120xi32, #tpu.memory_space<hbm>> -> memref<1x2x120xi32, #tpu.memory_space<hbm>>
    %dma_start3A_29 = tpu.memref_squeeze %dma_start3A_28 : memref<1x2x120xi32, #tpu.memory_space<hbm>> -> memref<2x120xi32, #tpu.memory_space<hbm>>
    tpu.enqueue_dma source(%dma_start3A_29 : memref<2x120xi32, #tpu.memory_space<hbm>>) target(%arg7 : memref<2x120xi32, #tpu.memory_space<vmem>>) target_semaphore(%arg13 : memref<!tpu.dma_semaphore, #tpu.memory_space<semaphore_mem>>)
    %add3A_30 = arith.constant 2 : i32
    %add3A_31 = arith.addi %select_n3A_8, %add3A_30 : i32
    %dma_start3A_32 = arith.constant 0 : i32
    %dma_start3A_33 = arith.constant 0 : i32
    %dma_start3A_34 = tpu.memref_slice %arg3[%add3A_31, %dma_start3A_32, %dma_start3A_33] : memref<2688x2x120xi32, #tpu.memory_space<hbm>> -> memref<1x2x120xi32, #tpu.memory_space<hbm>>
    %dma_start3A_35 = tpu.memref_squeeze %dma_start3A_34 : memref<1x2x120xi32, #tpu.memory_space<hbm>> -> memref<2x120xi32, #tpu.memory_space<hbm>>
    %dma_start3A_36 = arith.constant 0 : i32
    %dma_start3A_37 = arith.constant 0 : i32
    %dma_start3A_38 = tpu.memref_slice %arg3[%add3A_31, %dma_start3A_36, %dma_start3A_37] : memref<2688x2x120xi32, #tpu.memory_space<hbm>> -> memref<1x2x120xi32, #tpu.memory_space<hbm>>
    %dma_start3A_39 = tpu.memref_squeeze %dma_start3A_38 : memref<1x2x120xi32, #tpu.memory_space<hbm>> -> memref<2x120xi32, #tpu.memory_space<hbm>>
    tpu.enqueue_dma source(%dma_start3A_39 : memref<2x120xi32, #tpu.memory_space<hbm>>) target(%arg8 : memref<2x120xi32, #tpu.memory_space<vmem>>) target_semaphore(%arg14 : memref<!tpu.dma_semaphore, #tpu.memory_space<semaphore_mem>>)
    %barrier3A = arith.constant 0 : index
    tpu.barrier barrier_id(%barrier3A)
    %jit3A_40 = arith.constant 6 : i32
    %div3A = arith.divsi %select_n3A, %jit3A_40 : i32
    %sign3A = arith.constant 0 : i32
    %sign3A_41 = arith.cmpi sgt, %select_n3A, %sign3A : i32
    %sign3A_42 = arith.extui %sign3A_41 : i1 to i32
    %sign3A_43 = arith.constant 0 : i32
    %sign3A_44 = arith.cmpi slt, %select_n3A, %sign3A_43 : i32
    %sign3A_45 = arith.extui %sign3A_44 : i1 to i32
    %sign3A_46 = arith.subi %sign3A_42, %sign3A_45 : i32
    %sign3A_47 = arith.constant 0 : i32
    %sign3A_48 = arith.cmpi sgt, %jit3A_40, %sign3A_47 : i32
    %sign3A_49 = arith.extui %sign3A_48 : i1 to i32
    %sign3A_50 = arith.constant 0 : i32
    %sign3A_51 = arith.cmpi slt, %jit3A_40, %sign3A_50 : i32
    %sign3A_52 = arith.extui %sign3A_51 : i1 to i32
    %sign3A_53 = arith.subi %sign3A_49, %sign3A_52 : i32
    %ne3A = arith.cmpi ne, %sign3A_46, %sign3A_53 : i32
    %rem3A = arith.remsi %select_n3A, %jit3A_40 : i32
    %ne3A_54 = arith.constant 0 : i32
    %ne3A_55 = arith.cmpi ne, %rem3A, %ne3A_54 : i32
    %and3A = arith.andi %ne3A, %ne3A_55 : i1
    %sub3A = arith.constant 1 : i32
    %sub3A_56 = arith.subi %div3A, %sub3A : i32
    %select_n3A_57 = arith.select %and3A, %sub3A_56, %div3A : i32
    %while3A = arith.constant 0 : i32
    %while3A_58 = arith.constant 0 : i32
    %while3A_59 = arith.subi %select_n3A_57, %while3A_58 : i32
    %while3A_60 = arith.addi %while3A_58, %while3A_59 : i32
    %while3A_61 = arith.constant 1 : i32
    %while3A_62 = arith.divsi %while3A_59, %while3A_61 : i32
    %while3A_63 = arith.muli %while3A_62, %while3A_61 : i32
    %while3A_64 = arith.addi %while3A_58, %while3A_63 : i32
    %while3A_65 = arith.constant 1 : i32
    scf.for %while3A_120 = %while3A_58 to %while3A_64 step %while3A_65  : i32 {
      %mul3A_121 = arith.constant 6 : i32
      %mul3A_122 = arith.muli %while3A_120, %mul3A_121 : i32
      %add3A_123 = arith.constant 0 : i32
      %add3A_124 = arith.addi %mul3A_122, %add3A_123 : i32
      %ge3A = arith.constant 3 : i32
      %ge3A_125 = arith.cmpi sge, %add3A_124, %ge3A : i32
      %convert_element_type3A = arith.extui %ge3A_125 : i1 to i32
      %cond3A = arith.constant 0 : i32
      %cond3A_126 = arith.cmpi ne, %convert_element_type3A, %cond3A : i32
      scf.if %cond3A_126 {
        %dma_wait3A_333 = arith.constant 1 : i32
        %dma_wait3A_334 = arith.constant 0 : i32
        %dma_wait3A_335 = tpu.memref_slice %arg6[%dma_wait3A_333, %dma_wait3A_334] : memref<2x120xi32, #tpu.memory_space<vmem>> -> memref<1x120xi32, #tpu.memory_space<vmem>>
        %dma_wait3A_336 = tpu.memref_squeeze %dma_wait3A_335 : memref<1x120xi32, #tpu.memory_space<vmem>> -> memref<120xi32, #tpu.memory_space<vmem>>
        %dma_wait3A_337 = arith.constant 0 : i32
        %dma_wait3A_338 = arith.constant 0 : i32
        %dma_wait3A_339 = tpu.memref_slice %arg27[%dma_wait3A_337, %dma_wait3A_338] : memref<10240x128xf32, #tpu.memory_space<vmem_shared>> -> memref<10240x128xf32, #tpu.memory_space<vmem_shared>>
        tpu.wait_indirect_dma semaphore(%arg24 : memref<!tpu.dma_semaphore, #tpu.memory_space<semaphore_mem>>) src(%arg18 : memref<120x128xf32, #tpu.memory_space<vmem>>) dst(%dma_wait3A_339 : memref<10240x128xf32, #tpu.memory_space<vmem_shared>>)
      } else {
      }
      %add3A_127 = arith.constant 3 : i32
      %add3A_128 = arith.addi %add3A_124, %add3A_127 : i32
      %lt3A = arith.cmpi slt, %add3A_128, %select_n3A : i32
      %convert_element_type3A_129 = arith.extui %lt3A : i1 to i32
      %cond3A_130 = arith.constant 0 : i32
      %cond3A_131 = arith.cmpi ne, %convert_element_type3A_129, %cond3A_130 : i32
      scf.if %cond3A_131 {
        %add3A_333 = arith.addi %select_n3A_8, %add3A_124 : i32
        %add3A_334 = arith.constant 3 : i32
        %add3A_335 = arith.addi %add3A_333, %add3A_334 : i32
        %dma_start3A_336 = arith.constant 0 : i32
        %dma_start3A_337 = arith.constant 0 : i32
        %dma_start3A_338 = tpu.memref_slice %arg3[%add3A_335, %dma_start3A_336, %dma_start3A_337] : memref<2688x2x120xi32, #tpu.memory_space<hbm>> -> memref<1x2x120xi32, #tpu.memory_space<hbm>>
        %dma_start3A_339 = tpu.memref_squeeze %dma_start3A_338 : memref<1x2x120xi32, #tpu.memory_space<hbm>> -> memref<2x120xi32, #tpu.memory_space<hbm>>
        %dma_start3A_340 = arith.constant 0 : i32
        %dma_start3A_341 = arith.constant 0 : i32
        %dma_start3A_342 = tpu.memref_slice %arg3[%add3A_335, %dma_start3A_340, %dma_start3A_341] : memref<2688x2x120xi32, #tpu.memory_space<hbm>> -> memref<1x2x120xi32, #tpu.memory_space<hbm>>
        %dma_start3A_343 = tpu.memref_squeeze %dma_start3A_342 : memref<1x2x120xi32, #tpu.memory_space<hbm>> -> memref<2x120xi32, #tpu.memory_space<hbm>>
        tpu.enqueue_dma source(%dma_start3A_343 : memref<2x120xi32, #tpu.memory_space<hbm>>) target(%arg9 : memref<2x120xi32, #tpu.memory_space<vmem>>) target_semaphore(%arg15 : memref<!tpu.dma_semaphore, #tpu.memory_space<semaphore_mem>>)
      } else {
      }
      %ge3A_132 = arith.constant 2 : i32
      %ge3A_133 = arith.cmpi sge, %add3A_124, %ge3A_132 : i32
      %convert_element_type3A_134 = arith.extui %ge3A_133 : i1 to i32
      %cond3A_135 = arith.constant 0 : i32
      %cond3A_136 = arith.cmpi ne, %convert_element_type3A_134, %cond3A_135 : i32
      scf.if %cond3A_136 {
        %dma_wait3A_333 = arith.constant 0 : i32
        %dma_wait3A_334 = arith.constant 0 : i32
        %dma_wait3A_335 = tpu.memref_slice %arg10[%dma_wait3A_333, %dma_wait3A_334] : memref<2x120xi32, #tpu.memory_space<vmem>> -> memref<1x120xi32, #tpu.memory_space<vmem>>
        %dma_wait3A_336 = tpu.memref_squeeze %dma_wait3A_335 : memref<1x120xi32, #tpu.memory_space<vmem>> -> memref<120xi32, #tpu.memory_space<vmem>>
        %dma_wait3A_337 = arith.constant 0 : i32
        %dma_wait3A_338 = arith.constant 0 : i32
        %dma_wait3A_339 = tpu.memref_slice %arg2[%dma_wait3A_337, %dma_wait3A_338] : memref<10000x128xf32, #tpu.memory_space<hbm>> -> memref<10000x128xf32, #tpu.memory_space<hbm>>
        tpu.wait_indirect_dma semaphore(%arg22 : memref<!tpu.dma_semaphore, #tpu.memory_space<semaphore_mem>>) src(%dma_wait3A_339 : memref<10000x128xf32, #tpu.memory_space<hbm>>) dst(%arg19 : memref<120x128xf32, #tpu.memory_space<vmem>>)
        %dma_start3A_340 = arith.constant 1 : i32
        %dma_start3A_341 = arith.constant 0 : i32
        %dma_start3A_342 = tpu.memref_slice %arg10[%dma_start3A_340, %dma_start3A_341] : memref<2x120xi32, #tpu.memory_space<vmem>> -> memref<1x120xi32, #tpu.memory_space<vmem>>
        %dma_start3A_343 = tpu.memref_squeeze %dma_start3A_342 : memref<1x120xi32, #tpu.memory_space<vmem>> -> memref<120xi32, #tpu.memory_space<vmem>>
        %dma_start3A_344 = arith.constant 0 : i32
        %dma_start3A_345 = arith.constant 0 : i32
        %dma_start3A_346 = tpu.memref_slice %arg27[%dma_start3A_344, %dma_start3A_345] : memref<10240x128xf32, #tpu.memory_space<vmem_shared>> -> memref<10240x128xf32, #tpu.memory_space<vmem_shared>>
        tpu.enqueue_indirect_dma source(%arg19 : memref<120x128xf32, #tpu.memory_space<vmem>>) target(%dma_start3A_346 : memref<10240x128xf32, #tpu.memory_space<vmem_shared>>) offsets(%dma_start3A_343 : memref<120xi32, #tpu.memory_space<vmem>>) semaphore(%arg25 : memref<!tpu.dma_semaphore, #tpu.memory_space<semaphore_mem>>) {add = true}
      } else {
      }
      %add3A_137 = arith.addi %select_n3A_8, %add3A_124 : i32
      %dma_wait3A_138 = arith.constant 0 : i32
      %dma_wait3A_139 = arith.constant 0 : i32
      %dma_wait3A_140 = tpu.memref_slice %arg3[%add3A_137, %dma_wait3A_138, %dma_wait3A_139] : memref<2688x2x120xi32, #tpu.memory_space<hbm>> -> memref<1x2x120xi32, #tpu.memory_space<hbm>>
      %dma_wait3A_141 = tpu.memref_squeeze %dma_wait3A_140 : memref<1x2x120xi32, #tpu.memory_space<hbm>> -> memref<2x120xi32, #tpu.memory_space<hbm>>
      %dma_wait3A_142 = arith.constant 0 : i32
      %dma_wait3A_143 = arith.constant 0 : i32
      %dma_wait3A_144 = tpu.memref_slice %arg3[%add3A_137, %dma_wait3A_142, %dma_wait3A_143] : memref<2688x2x120xi32, #tpu.memory_space<hbm>> -> memref<1x2x120xi32, #tpu.memory_space<hbm>>
      %dma_wait3A_145 = tpu.memref_squeeze %dma_wait3A_144 : memref<1x2x120xi32, #tpu.memory_space<hbm>> -> memref<2x120xi32, #tpu.memory_space<hbm>>
      tpu.wait_dma2 semaphore(%arg12 : memref<!tpu.dma_semaphore, #tpu.memory_space<semaphore_mem>>) src(%dma_wait3A_145 : memref<2x120xi32, #tpu.memory_space<hbm>>) dst(%arg6 : memref<2x120xi32, #tpu.memory_space<vmem>>)
      %dma_start3A_146 = arith.constant 0 : i32
      %dma_start3A_147 = arith.constant 0 : i32
      %dma_start3A_148 = tpu.memref_slice %arg6[%dma_start3A_146, %dma_start3A_147] : memref<2x120xi32, #tpu.memory_space<vmem>> -> memref<1x120xi32, #tpu.memory_space<vmem>>
      %dma_start3A_149 = tpu.memref_squeeze %dma_start3A_148 : memref<1x120xi32, #tpu.memory_space<vmem>> -> memref<120xi32, #tpu.memory_space<vmem>>
      %dma_start3A_150 = arith.constant 0 : i32
      %dma_start3A_151 = arith.constant 0 : i32
      %dma_start3A_152 = tpu.memref_slice %arg2[%dma_start3A_150, %dma_start3A_151] : memref<10000x128xf32, #tpu.memory_space<hbm>> -> memref<10000x128xf32, #tpu.memory_space<hbm>>
      tpu.enqueue_indirect_dma source(%dma_start3A_152 : memref<10000x128xf32, #tpu.memory_space<hbm>>) target(%arg18 : memref<120x128xf32, #tpu.memory_space<vmem>>) offsets(%dma_start3A_149 : memref<120xi32, #tpu.memory_space<vmem>>) semaphore(%arg21 : memref<!tpu.dma_semaphore, #tpu.memory_space<semaphore_mem>>)
      %mul3A_153 = arith.constant 6 : i32
      %mul3A_154 = arith.muli %while3A_120, %mul3A_153 : i32
      %add3A_155 = arith.constant 1 : i32
      %add3A_156 = arith.addi %mul3A_154, %add3A_155 : i32
      %ge3A_157 = arith.constant 3 : i32
      %ge3A_158 = arith.cmpi sge, %add3A_156, %ge3A_157 : i32
      %convert_element_type3A_159 = arith.extui %ge3A_158 : i1 to i32
      %cond3A_160 = arith.constant 0 : i32
      %cond3A_161 = arith.cmpi ne, %convert_element_type3A_159, %cond3A_160 : i32
      scf.if %cond3A_161 {
        %dma_wait3A_333 = arith.constant 1 : i32
        %dma_wait3A_334 = arith.constant 0 : i32
        %dma_wait3A_335 = tpu.memref_slice %arg7[%dma_wait3A_333, %dma_wait3A_334] : memref<2x120xi32, #tpu.memory_space<vmem>> -> memref<1x120xi32, #tpu.memory_space<vmem>>
        %dma_wait3A_336 = tpu.memref_squeeze %dma_wait3A_335 : memref<1x120xi32, #tpu.memory_space<vmem>> -> memref<120xi32, #tpu.memory_space<vmem>>
        %dma_wait3A_337 = arith.constant 0 : i32
        %dma_wait3A_338 = arith.constant 0 : i32
        %dma_wait3A_339 = tpu.memref_slice %arg27[%dma_wait3A_337, %dma_wait3A_338] : memref<10240x128xf32, #tpu.memory_space<vmem_shared>> -> memref<10240x128xf32, #tpu.memory_space<vmem_shared>>
        tpu.wait_indirect_dma semaphore(%arg25 : memref<!tpu.dma_semaphore, #tpu.memory_space<semaphore_mem>>) src(%arg19 : memref<120x128xf32, #tpu.memory_space<vmem>>) dst(%dma_wait3A_339 : memref<10240x128xf32, #tpu.memory_space<vmem_shared>>)
      } else {
      }
      %add3A_162 = arith.constant 3 : i32
      %add3A_163 = arith.addi %add3A_156, %add3A_162 : i32
      %lt3A_164 = arith.cmpi slt, %add3A_163, %select_n3A : i32
      %convert_element_type3A_165 = arith.extui %lt3A_164 : i1 to i32
      %cond3A_166 = arith.constant 0 : i32
      %cond3A_167 = arith.cmpi ne, %convert_element_type3A_165, %cond3A_166 : i32
      scf.if %cond3A_167 {
        %add3A_333 = arith.addi %select_n3A_8, %add3A_156 : i32
        %add3A_334 = arith.constant 3 : i32
        %add3A_335 = arith.addi %add3A_333, %add3A_334 : i32
        %dma_start3A_336 = arith.constant 0 : i32
        %dma_start3A_337 = arith.constant 0 : i32
        %dma_start3A_338 = tpu.memref_slice %arg3[%add3A_335, %dma_start3A_336, %dma_start3A_337] : memref<2688x2x120xi32, #tpu.memory_space<hbm>> -> memref<1x2x120xi32, #tpu.memory_space<hbm>>
        %dma_start3A_339 = tpu.memref_squeeze %dma_start3A_338 : memref<1x2x120xi32, #tpu.memory_space<hbm>> -> memref<2x120xi32, #tpu.memory_space<hbm>>
        %dma_start3A_340 = arith.constant 0 : i32
        %dma_start3A_341 = arith.constant 0 : i32
        %dma_start3A_342 = tpu.memref_slice %arg3[%add3A_335, %dma_start3A_340, %dma_start3A_341] : memref<2688x2x120xi32, #tpu.memory_space<hbm>> -> memref<1x2x120xi32, #tpu.memory_space<hbm>>
        %dma_start3A_343 = tpu.memref_squeeze %dma_start3A_342 : memref<1x2x120xi32, #tpu.memory_space<hbm>> -> memref<2x120xi32, #tpu.memory_space<hbm>>
        tpu.enqueue_dma source(%dma_start3A_343 : memref<2x120xi32, #tpu.memory_space<hbm>>) target(%arg10 : memref<2x120xi32, #tpu.memory_space<vmem>>) target_semaphore(%arg16 : memref<!tpu.dma_semaphore, #tpu.memory_space<semaphore_mem>>)
      } else {
      }
      %ge3A_168 = arith.constant 2 : i32
      %ge3A_169 = arith.cmpi sge, %add3A_156, %ge3A_168 : i32
      %convert_element_type3A_170 = arith.extui %ge3A_169 : i1 to i32
      %cond3A_171 = arith.constant 0 : i32
      %cond3A_172 = arith.cmpi ne, %convert_element_type3A_170, %cond3A_171 : i32
      scf.if %cond3A_172 {
        %dma_wait3A_333 = arith.constant 0 : i32
        %dma_wait3A_334 = arith.constant 0 : i32
        %dma_wait3A_335 = tpu.memref_slice %arg11[%dma_wait3A_333, %dma_wait3A_334] : memref<2x120xi32, #tpu.memory_space<vmem>> -> memref<1x120xi32, #tpu.memory_space<vmem>>
        %dma_wait3A_336 = tpu.memref_squeeze %dma_wait3A_335 : memref<1x120xi32, #tpu.memory_space<vmem>> -> memref<120xi32, #tpu.memory_space<vmem>>
        %dma_wait3A_337 = arith.constant 0 : i32
        %dma_wait3A_338 = arith.constant 0 : i32
        %dma_wait3A_339 = tpu.memref_slice %arg2[%dma_wait3A_337, %dma_wait3A_338] : memref<10000x128xf32, #tpu.memory_space<hbm>> -> memref<10000x128xf32, #tpu.memory_space<hbm>>
        tpu.wait_indirect_dma semaphore(%arg23 : memref<!tpu.dma_semaphore, #tpu.memory_space<semaphore_mem>>) src(%dma_wait3A_339 : memref<10000x128xf32, #tpu.memory_space<hbm>>) dst(%arg20 : memref<120x128xf32, #tpu.memory_space<vmem>>)
        %dma_start3A_340 = arith.constant 1 : i32
        %dma_start3A_341 = arith.constant 0 : i32
        %dma_start3A_342 = tpu.memref_slice %arg11[%dma_start3A_340, %dma_start3A_341] : memref<2x120xi32, #tpu.memory_space<vmem>> -> memref<1x120xi32, #tpu.memory_space<vmem>>
        %dma_start3A_343 = tpu.memref_squeeze %dma_start3A_342 : memref<1x120xi32, #tpu.memory_space<vmem>> -> memref<120xi32, #tpu.memory_space<vmem>>
        %dma_start3A_344 = arith.constant 0 : i32
        %dma_start3A_345 = arith.constant 0 : i32
        %dma_start3A_346 = tpu.memref_slice %arg27[%dma_start3A_344, %dma_start3A_345] : memref<10240x128xf32, #tpu.memory_space<vmem_shared>> -> memref<10240x128xf32, #tpu.memory_space<vmem_shared>>
        tpu.enqueue_indirect_dma source(%arg20 : memref<120x128xf32, #tpu.memory_space<vmem>>) target(%dma_start3A_346 : memref<10240x128xf32, #tpu.memory_space<vmem_shared>>) offsets(%dma_start3A_343 : memref<120xi32, #tpu.memory_space<vmem>>) semaphore(%arg26 : memref<!tpu.dma_semaphore, #tpu.memory_space<semaphore_mem>>) {add = true}
      } else {
      }
      %add3A_173 = arith.addi %select_n3A_8, %add3A_156 : i32
      %dma_wait3A_174 = arith.constant 0 : i32
      %dma_wait3A_175 = arith.constant 0 : i32
      %dma_wait3A_176 = tpu.memref_slice %arg3[%add3A_173, %dma_wait3A_174, %dma_wait3A_175] : memref<2688x2x120xi32, #tpu.memory_space<hbm>> -> memref<1x2x120xi32, #tpu.memory_space<hbm>>
      %dma_wait3A_177 = tpu.memref_squeeze %dma_wait3A_176 : memref<1x2x120xi32, #tpu.memory_space<hbm>> -> memref<2x120xi32, #tpu.memory_space<hbm>>
      %dma_wait3A_178 = arith.constant 0 : i32
      %dma_wait3A_179 = arith.constant 0 : i32
      %dma_wait3A_180 = tpu.memref_slice %arg3[%add3A_173, %dma_wait3A_178, %dma_wait3A_179] : memref<2688x2x120xi32, #tpu.memory_space<hbm>> -> memref<1x2x120xi32, #tpu.memory_space<hbm>>
      %dma_wait3A_181 = tpu.memref_squeeze %dma_wait3A_180 : memref<1x2x120xi32, #tpu.memory_space<hbm>> -> memref<2x120xi32, #tpu.memory_space<hbm>>
      tpu.wait_dma2 semaphore(%arg13 : memref<!tpu.dma_semaphore, #tpu.memory_space<semaphore_mem>>) src(%dma_wait3A_181 : memref<2x120xi32, #tpu.memory_space<hbm>>) dst(%arg7 : memref<2x120xi32, #tpu.memory_space<vmem>>)
      %dma_start3A_182 = arith.constant 0 : i32
      %dma_start3A_183 = arith.constant 0 : i32
      %dma_start3A_184 = tpu.memref_slice %arg7[%dma_start3A_182, %dma_start3A_183] : memref<2x120xi32, #tpu.memory_space<vmem>> -> memref<1x120xi32, #tpu.memory_space<vmem>>
      %dma_start3A_185 = tpu.memref_squeeze %dma_start3A_184 : memref<1x120xi32, #tpu.memory_space<vmem>> -> memref<120xi32, #tpu.memory_space<vmem>>
      %dma_start3A_186 = arith.constant 0 : i32
      %dma_start3A_187 = arith.constant 0 : i32
      %dma_start3A_188 = tpu.memref_slice %arg2[%dma_start3A_186, %dma_start3A_187] : memref<10000x128xf32, #tpu.memory_space<hbm>> -> memref<10000x128xf32, #tpu.memory_space<hbm>>
      tpu.enqueue_indirect_dma source(%dma_start3A_188 : memref<10000x128xf32, #tpu.memory_space<hbm>>) target(%arg19 : memref<120x128xf32, #tpu.memory_space<vmem>>) offsets(%dma_start3A_185 : memref<120xi32, #tpu.memory_space<vmem>>) semaphore(%arg22 : memref<!tpu.dma_semaphore, #tpu.memory_space<semaphore_mem>>)
      %mul3A_189 = arith.constant 6 : i32
      %mul3A_190 = arith.muli %while3A_120, %mul3A_189 : i32
      %add3A_191 = arith.constant 2 : i32
      %add3A_192 = arith.addi %mul3A_190, %add3A_191 : i32
      %ge3A_193 = arith.constant 3 : i32
      %ge3A_194 = arith.cmpi sge, %add3A_192, %ge3A_193 : i32
      %convert_element_type3A_195 = arith.extui %ge3A_194 : i1 to i32
      %cond3A_196 = arith.constant 0 : i32
      %cond3A_197 = arith.cmpi ne, %convert_element_type3A_195, %cond3A_196 : i32
      scf.if %cond3A_197 {
        %dma_wait3A_333 = arith.constant 1 : i32
        %dma_wait3A_334 = arith.constant 0 : i32
        %dma_wait3A_335 = tpu.memref_slice %arg8[%dma_wait3A_333, %dma_wait3A_334] : memref<2x120xi32, #tpu.memory_space<vmem>> -> memref<1x120xi32, #tpu.memory_space<vmem>>
        %dma_wait3A_336 = tpu.memref_squeeze %dma_wait3A_335 : memref<1x120xi32, #tpu.memory_space<vmem>> -> memref<120xi32, #tpu.memory_space<vmem>>
        %dma_wait3A_337 = arith.constant 0 : i32
        %dma_wait3A_338 = arith.constant 0 : i32
        %dma_wait3A_339 = tpu.memref_slice %arg27[%dma_wait3A_337, %dma_wait3A_338] : memref<10240x128xf32, #tpu.memory_space<vmem_shared>> -> memref<10240x128xf32, #tpu.memory_space<vmem_shared>>
        tpu.wait_indirect_dma semaphore(%arg26 : memref<!tpu.dma_semaphore, #tpu.memory_space<semaphore_mem>>) src(%arg20 : memref<120x128xf32, #tpu.memory_space<vmem>>) dst(%dma_wait3A_339 : memref<10240x128xf32, #tpu.memory_space<vmem_shared>>)
      } else {
      }
      %add3A_198 = arith.constant 3 : i32
      %add3A_199 = arith.addi %add3A_192, %add3A_198 : i32
      %lt3A_200 = arith.cmpi slt, %add3A_199, %select_n3A : i32
      %convert_element_type3A_201 = arith.extui %lt3A_200 : i1 to i32
      %cond3A_202 = arith.constant 0 : i32
      %cond3A_203 = arith.cmpi ne, %convert_element_type3A_201, %cond3A_202 : i32
      scf.if %cond3A_203 {
        %add3A_333 = arith.addi %select_n3A_8, %add3A_192 : i32
        %add3A_334 = arith.constant 3 : i32
        %add3A_335 = arith.addi %add3A_333, %add3A_334 : i32
        %dma_start3A_336 = arith.constant 0 : i32
        %dma_start3A_337 = arith.constant 0 : i32
        %dma_start3A_338 = tpu.memref_slice %arg3[%add3A_335, %dma_start3A_336, %dma_start3A_337] : memref<2688x2x120xi32, #tpu.memory_space<hbm>> -> memref<1x2x120xi32, #tpu.memory_space<hbm>>
        %dma_start3A_339 = tpu.memref_squeeze %dma_start3A_338 : memref<1x2x120xi32, #tpu.memory_space<hbm>> -> memref<2x120xi32, #tpu.memory_space<hbm>>
        %dma_start3A_340 = arith.constant 0 : i32
        %dma_start3A_341 = arith.constant 0 : i32
        %dma_start3A_342 = tpu.memref_slice %arg3[%add3A_335, %dma_start3A_340, %dma_start3A_341] : memref<2688x2x120xi32, #tpu.memory_space<hbm>> -> memref<1x2x120xi32, #tpu.memory_space<hbm>>
        %dma_start3A_343 = tpu.memref_squeeze %dma_start3A_342 : memref<1x2x120xi32, #tpu.memory_space<hbm>> -> memref<2x120xi32, #tpu.memory_space<hbm>>
        tpu.enqueue_dma source(%dma_start3A_343 : memref<2x120xi32, #tpu.memory_space<hbm>>) target(%arg11 : memref<2x120xi32, #tpu.memory_space<vmem>>) target_semaphore(%arg17 : memref<!tpu.dma_semaphore, #tpu.memory_space<semaphore_mem>>)
      } else {
      }
      %ge3A_204 = arith.constant 2 : i32
      %ge3A_205 = arith.cmpi sge, %add3A_192, %ge3A_204 : i32
      %convert_element_type3A_206 = arith.extui %ge3A_205 : i1 to i32
      %cond3A_207 = arith.constant 0 : i32
      %cond3A_208 = arith.cmpi ne, %convert_element_type3A_206, %cond3A_207 : i32
      scf.if %cond3A_208 {
        %dma_wait3A_333 = arith.constant 0 : i32
        %dma_wait3A_334 = arith.constant 0 : i32
        %dma_wait3A_335 = tpu.memref_slice %arg6[%dma_wait3A_333, %dma_wait3A_334] : memref<2x120xi32, #tpu.memory_space<vmem>> -> memref<1x120xi32, #tpu.memory_space<vmem>>
        %dma_wait3A_336 = tpu.memref_squeeze %dma_wait3A_335 : memref<1x120xi32, #tpu.memory_space<vmem>> -> memref<120xi32, #tpu.memory_space<vmem>>
        %dma_wait3A_337 = arith.constant 0 : i32
        %dma_wait3A_338 = arith.constant 0 : i32
        %dma_wait3A_339 = tpu.memref_slice %arg2[%dma_wait3A_337, %dma_wait3A_338] : memref<10000x128xf32, #tpu.memory_space<hbm>> -> memref<10000x128xf32, #tpu.memory_space<hbm>>
        tpu.wait_indirect_dma semaphore(%arg21 : memref<!tpu.dma_semaphore, #tpu.memory_space<semaphore_mem>>) src(%dma_wait3A_339 : memref<10000x128xf32, #tpu.memory_space<hbm>>) dst(%arg18 : memref<120x128xf32, #tpu.memory_space<vmem>>)
        %dma_start3A_340 = arith.constant 1 : i32
        %dma_start3A_341 = arith.constant 0 : i32
        %dma_start3A_342 = tpu.memref_slice %arg6[%dma_start3A_340, %dma_start3A_341] : memref<2x120xi32, #tpu.memory_space<vmem>> -> memref<1x120xi32, #tpu.memory_space<vmem>>
        %dma_start3A_343 = tpu.memref_squeeze %dma_start3A_342 : memref<1x120xi32, #tpu.memory_space<vmem>> -> memref<120xi32, #tpu.memory_space<vmem>>
        %dma_start3A_344 = arith.constant 0 : i32
        %dma_start3A_345 = arith.constant 0 : i32
        %dma_start3A_346 = tpu.memref_slice %arg27[%dma_start3A_344, %dma_start3A_345] : memref<10240x128xf32, #tpu.memory_space<vmem_shared>> -> memref<10240x128xf32, #tpu.memory_space<vmem_shared>>
        tpu.enqueue_indirect_dma source(%arg18 : memref<120x128xf32, #tpu.memory_space<vmem>>) target(%dma_start3A_346 : memref<10240x128xf32, #tpu.memory_space<vmem_shared>>) offsets(%dma_start3A_343 : memref<120xi32, #tpu.memory_space<vmem>>) semaphore(%arg24 : memref<!tpu.dma_semaphore, #tpu.memory_space<semaphore_mem>>) {add = true}
      } else {
      }
      %add3A_209 = arith.addi %select_n3A_8, %add3A_192 : i32
      %dma_wait3A_210 = arith.constant 0 : i32
      %dma_wait3A_211 = arith.constant 0 : i32
      %dma_wait3A_212 = tpu.memref_slice %arg3[%add3A_209, %dma_wait3A_210, %dma_wait3A_211] : memref<2688x2x120xi32, #tpu.memory_space<hbm>> -> memref<1x2x120xi32, #tpu.memory_space<hbm>>
      %dma_wait3A_213 = tpu.memref_squeeze %dma_wait3A_212 : memref<1x2x120xi32, #tpu.memory_space<hbm>> -> memref<2x120xi32, #tpu.memory_space<hbm>>
      %dma_wait3A_214 = arith.constant 0 : i32
      %dma_wait3A_215 = arith.constant 0 : i32
      %dma_wait3A_216 = tpu.memref_slice %arg3[%add3A_209, %dma_wait3A_214, %dma_wait3A_215] : memref<2688x2x120xi32, #tpu.memory_space<hbm>> -> memref<1x2x120xi32, #tpu.memory_space<hbm>>
      %dma_wait3A_217 = tpu.memref_squeeze %dma_wait3A_216 : memref<1x2x120xi32, #tpu.memory_space<hbm>> -> memref<2x120xi32, #tpu.memory_space<hbm>>
      tpu.wait_dma2 semaphore(%arg14 : memref<!tpu.dma_semaphore, #tpu.memory_space<semaphore_mem>>) src(%dma_wait3A_217 : memref<2x120xi32, #tpu.memory_space<hbm>>) dst(%arg8 : memref<2x120xi32, #tpu.memory_space<vmem>>)
      %dma_start3A_218 = arith.constant 0 : i32
      %dma_start3A_219 = arith.constant 0 : i32
      %dma_start3A_220 = tpu.memref_slice %arg8[%dma_start3A_218, %dma_start3A_219] : memref<2x120xi32, #tpu.memory_space<vmem>> -> memref<1x120xi32, #tpu.memory_space<vmem>>
      %dma_start3A_221 = tpu.memref_squeeze %dma_start3A_220 : memref<1x120xi32, #tpu.memory_space<vmem>> -> memref<120xi32, #tpu.memory_space<vmem>>
      %dma_start3A_222 = arith.constant 0 : i32
      %dma_start3A_223 = arith.constant 0 : i32
      %dma_start3A_224 = tpu.memref_slice %arg2[%dma_start3A_222, %dma_start3A_223] : memref<10000x128xf32, #tpu.memory_space<hbm>> -> memref<10000x128xf32, #tpu.memory_space<hbm>>
      tpu.enqueue_indirect_dma source(%dma_start3A_224 : memref<10000x128xf32, #tpu.memory_space<hbm>>) target(%arg20 : memref<120x128xf32, #tpu.memory_space<vmem>>) offsets(%dma_start3A_221 : memref<120xi32, #tpu.memory_space<vmem>>) semaphore(%arg23 : memref<!tpu.dma_semaphore, #tpu.memory_space<semaphore_mem>>)
      %mul3A_225 = arith.constant 6 : i32
      %mul3A_226 = arith.muli %while3A_120, %mul3A_225 : i32
      %add3A_227 = arith.constant 3 : i32
      %add3A_228 = arith.addi %mul3A_226, %add3A_227 : i32
      %ge3A_229 = arith.constant 3 : i32
      %ge3A_230 = arith.cmpi sge, %add3A_228, %ge3A_229 : i32
      %convert_element_type3A_231 = arith.extui %ge3A_230 : i1 to i32
      %cond3A_232 = arith.constant 0 : i32
      %cond3A_233 = arith.cmpi ne, %convert_element_type3A_231, %cond3A_232 : i32
      scf.if %cond3A_233 {
        %dma_wait3A_333 = arith.constant 1 : i32
        %dma_wait3A_334 = arith.constant 0 : i32
        %dma_wait3A_335 = tpu.memref_slice %arg9[%dma_wait3A_333, %dma_wait3A_334] : memref<2x120xi32, #tpu.memory_space<vmem>> -> memref<1x120xi32, #tpu.memory_space<vmem>>
        %dma_wait3A_336 = tpu.memref_squeeze %dma_wait3A_335 : memref<1x120xi32, #tpu.memory_space<vmem>> -> memref<120xi32, #tpu.memory_space<vmem>>
        %dma_wait3A_337 = arith.constant 0 : i32
        %dma_wait3A_338 = arith.constant 0 : i32
        %dma_wait3A_339 = tpu.memref_slice %arg27[%dma_wait3A_337, %dma_wait3A_338] : memref<10240x128xf32, #tpu.memory_space<vmem_shared>> -> memref<10240x128xf32, #tpu.memory_space<vmem_shared>>
        tpu.wait_indirect_dma semaphore(%arg24 : memref<!tpu.dma_semaphore, #tpu.memory_space<semaphore_mem>>) src(%arg18 : memref<120x128xf32, #tpu.memory_space<vmem>>) dst(%dma_wait3A_339 : memref<10240x128xf32, #tpu.memory_space<vmem_shared>>)
      } else {
      }
      %add3A_234 = arith.constant 3 : i32
      %add3A_235 = arith.addi %add3A_228, %add3A_234 : i32
      %lt3A_236 = arith.cmpi slt, %add3A_235, %select_n3A : i32
      %convert_element_type3A_237 = arith.extui %lt3A_236 : i1 to i32
      %cond3A_238 = arith.constant 0 : i32
      %cond3A_239 = arith.cmpi ne, %convert_element_type3A_237, %cond3A_238 : i32
      scf.if %cond3A_239 {
        %add3A_333 = arith.addi %select_n3A_8, %add3A_228 : i32
        %add3A_334 = arith.constant 3 : i32
        %add3A_335 = arith.addi %add3A_333, %add3A_334 : i32
        %dma_start3A_336 = arith.constant 0 : i32
        %dma_start3A_337 = arith.constant 0 : i32
        %dma_start3A_338 = tpu.memref_slice %arg3[%add3A_335, %dma_start3A_336, %dma_start3A_337] : memref<2688x2x120xi32, #tpu.memory_space<hbm>> -> memref<1x2x120xi32, #tpu.memory_space<hbm>>
        %dma_start3A_339 = tpu.memref_squeeze %dma_start3A_338 : memref<1x2x120xi32, #tpu.memory_space<hbm>> -> memref<2x120xi32, #tpu.memory_space<hbm>>
        %dma_start3A_340 = arith.constant 0 : i32
        %dma_start3A_341 = arith.constant 0 : i32
        %dma_start3A_342 = tpu.memref_slice %arg3[%add3A_335, %dma_start3A_340, %dma_start3A_341] : memref<2688x2x120xi32, #tpu.memory_space<hbm>> -> memref<1x2x120xi32, #tpu.memory_space<hbm>>
        %dma_start3A_343 = tpu.memref_squeeze %dma_start3A_342 : memref<1x2x120xi32, #tpu.memory_space<hbm>> -> memref<2x120xi32, #tpu.memory_space<hbm>>
        tpu.enqueue_dma source(%dma_start3A_343 : memref<2x120xi32, #tpu.memory_space<hbm>>) target(%arg6 : memref<2x120xi32, #tpu.memory_space<vmem>>) target_semaphore(%arg12 : memref<!tpu.dma_semaphore, #tpu.memory_space<semaphore_mem>>)
      } else {
      }
      %ge3A_240 = arith.constant 2 : i32
      %ge3A_241 = arith.cmpi sge, %add3A_228, %ge3A_240 : i32
      %convert_element_type3A_242 = arith.extui %ge3A_241 : i1 to i32
      %cond3A_243 = arith.constant 0 : i32
      %cond3A_244 = arith.cmpi ne, %convert_element_type3A_242, %cond3A_243 : i32
      scf.if %cond3A_244 {
        %dma_wait3A_333 = arith.constant 0 : i32
        %dma_wait3A_334 = arith.constant 0 : i32
        %dma_wait3A_335 = tpu.memref_slice %arg7[%dma_wait3A_333, %dma_wait3A_334] : memref<2x120xi32, #tpu.memory_space<vmem>> -> memref<1x120xi32, #tpu.memory_space<vmem>>
        %dma_wait3A_336 = tpu.memref_squeeze %dma_wait3A_335 : memref<1x120xi32, #tpu.memory_space<vmem>> -> memref<120xi32, #tpu.memory_space<vmem>>
        %dma_wait3A_337 = arith.constant 0 : i32
        %dma_wait3A_338 = arith.constant 0 : i32
        %dma_wait3A_339 = tpu.memref_slice %arg2[%dma_wait3A_337, %dma_wait3A_338] : memref<10000x128xf32, #tpu.memory_space<hbm>> -> memref<10000x128xf32, #tpu.memory_space<hbm>>
        tpu.wait_indirect_dma semaphore(%arg22 : memref<!tpu.dma_semaphore, #tpu.memory_space<semaphore_mem>>) src(%dma_wait3A_339 : memref<10000x128xf32, #tpu.memory_space<hbm>>) dst(%arg19 : memref<120x128xf32, #tpu.memory_space<vmem>>)
        %dma_start3A_340 = arith.constant 1 : i32
        %dma_start3A_341 = arith.constant 0 : i32
        %dma_start3A_342 = tpu.memref_slice %arg7[%dma_start3A_340, %dma_start3A_341] : memref<2x120xi32, #tpu.memory_space<vmem>> -> memref<1x120xi32, #tpu.memory_space<vmem>>
        %dma_start3A_343 = tpu.memref_squeeze %dma_start3A_342 : memref<1x120xi32, #tpu.memory_space<vmem>> -> memref<120xi32, #tpu.memory_space<vmem>>
        %dma_start3A_344 = arith.constant 0 : i32
        %dma_start3A_345 = arith.constant 0 : i32
        %dma_start3A_346 = tpu.memref_slice %arg27[%dma_start3A_344, %dma_start3A_345] : memref<10240x128xf32, #tpu.memory_space<vmem_shared>> -> memref<10240x128xf32, #tpu.memory_space<vmem_shared>>
        tpu.enqueue_indirect_dma source(%arg19 : memref<120x128xf32, #tpu.memory_space<vmem>>) target(%dma_start3A_346 : memref<10240x128xf32, #tpu.memory_space<vmem_shared>>) offsets(%dma_start3A_343 : memref<120xi32, #tpu.memory_space<vmem>>) semaphore(%arg25 : memref<!tpu.dma_semaphore, #tpu.memory_space<semaphore_mem>>) {add = true}
      } else {
      }
      %add3A_245 = arith.addi %select_n3A_8, %add3A_228 : i32
      %dma_wait3A_246 = arith.constant 0 : i32
      %dma_wait3A_247 = arith.constant 0 : i32
      %dma_wait3A_248 = tpu.memref_slice %arg3[%add3A_245, %dma_wait3A_246, %dma_wait3A_247] : memref<2688x2x120xi32, #tpu.memory_space<hbm>> -> memref<1x2x120xi32, #tpu.memory_space<hbm>>
      %dma_wait3A_249 = tpu.memref_squeeze %dma_wait3A_248 : memref<1x2x120xi32, #tpu.memory_space<hbm>> -> memref<2x120xi32, #tpu.memory_space<hbm>>
      %dma_wait3A_250 = arith.constant 0 : i32
      %dma_wait3A_251 = arith.constant 0 : i32
      %dma_wait3A_252 = tpu.memref_slice %arg3[%add3A_245, %dma_wait3A_250, %dma_wait3A_251] : memref<2688x2x120xi32, #tpu.memory_space<hbm>> -> memref<1x2x120xi32, #tpu.memory_space<hbm>>
      %dma_wait3A_253 = tpu.memref_squeeze %dma_wait3A_252 : memref<1x2x120xi32, #tpu.memory_space<hbm>> -> memref<2x120xi32, #tpu.memory_space<hbm>>
      tpu.wait_dma2 semaphore(%arg15 : memref<!tpu.dma_semaphore, #tpu.memory_space<semaphore_mem>>) src(%dma_wait3A_253 : memref<2x120xi32, #tpu.memory_space<hbm>>) dst(%arg9 : memref<2x120xi32, #tpu.memory_space<vmem>>)
      %dma_start3A_254 = arith.constant 0 : i32
      %dma_start3A_255 = arith.constant 0 : i32
      %dma_start3A_256 = tpu.memref_slice %arg9[%dma_start3A_254, %dma_start3A_255] : memref<2x120xi32, #tpu.memory_space<vmem>> -> memref<1x120xi32, #tpu.memory_space<vmem>>
      %dma_start3A_257 = tpu.memref_squeeze %dma_start3A_256 : memref<1x120xi32, #tpu.memory_space<vmem>> -> memref<120xi32, #tpu.memory_space<vmem>>
      %dma_start3A_258 = arith.constant 0 : i32
      %dma_start3A_259 = arith.constant 0 : i32
      %dma_start3A_260 = tpu.memref_slice %arg2[%dma_start3A_258, %dma_start3A_259] : memref<10000x128xf32, #tpu.memory_space<hbm>> -> memref<10000x128xf32, #tpu.memory_space<hbm>>
      tpu.enqueue_indirect_dma source(%dma_start3A_260 : memref<10000x128xf32, #tpu.memory_space<hbm>>) target(%arg18 : memref<120x128xf32, #tpu.memory_space<vmem>>) offsets(%dma_start3A_257 : memref<120xi32, #tpu.memory_space<vmem>>) semaphore(%arg21 : memref<!tpu.dma_semaphore, #tpu.memory_space<semaphore_mem>>)
      %mul3A_261 = arith.constant 6 : i32
      %mul3A_262 = arith.muli %while3A_120, %mul3A_261 : i32
      %add3A_263 = arith.constant 4 : i32
      %add3A_264 = arith.addi %mul3A_262, %add3A_263 : i32
      %ge3A_265 = arith.constant 3 : i32
      %ge3A_266 = arith.cmpi sge, %add3A_264, %ge3A_265 : i32
      %convert_element_type3A_267 = arith.extui %ge3A_266 : i1 to i32
      %cond3A_268 = arith.constant 0 : i32
      %cond3A_269 = arith.cmpi ne, %convert_element_type3A_267, %cond3A_268 : i32
      scf.if %cond3A_269 {
        %dma_wait3A_333 = arith.constant 1 : i32
        %dma_wait3A_334 = arith.constant 0 : i32
        %dma_wait3A_335 = tpu.memref_slice %arg10[%dma_wait3A_333, %dma_wait3A_334] : memref<2x120xi32, #tpu.memory_space<vmem>> -> memref<1x120xi32, #tpu.memory_space<vmem>>
        %dma_wait3A_336 = tpu.memref_squeeze %dma_wait3A_335 : memref<1x120xi32, #tpu.memory_space<vmem>> -> memref<120xi32, #tpu.memory_space<vmem>>
        %dma_wait3A_337 = arith.constant 0 : i32
        %dma_wait3A_338 = arith.constant 0 : i32
        %dma_wait3A_339 = tpu.memref_slice %arg27[%dma_wait3A_337, %dma_wait3A_338] : memref<10240x128xf32, #tpu.memory_space<vmem_shared>> -> memref<10240x128xf32, #tpu.memory_space<vmem_shared>>
        tpu.wait_indirect_dma semaphore(%arg25 : memref<!tpu.dma_semaphore, #tpu.memory_space<semaphore_mem>>) src(%arg19 : memref<120x128xf32, #tpu.memory_space<vmem>>) dst(%dma_wait3A_339 : memref<10240x128xf32, #tpu.memory_space<vmem_shared>>)
      } else {
      }
      %add3A_270 = arith.constant 3 : i32
      %add3A_271 = arith.addi %add3A_264, %add3A_270 : i32
      %lt3A_272 = arith.cmpi slt, %add3A_271, %select_n3A : i32
      %convert_element_type3A_273 = arith.extui %lt3A_272 : i1 to i32
      %cond3A_274 = arith.constant 0 : i32
      %cond3A_275 = arith.cmpi ne, %convert_element_type3A_273, %cond3A_274 : i32
      scf.if %cond3A_275 {
        %add3A_333 = arith.addi %select_n3A_8, %add3A_264 : i32
        %add3A_334 = arith.constant 3 : i32
        %add3A_335 = arith.addi %add3A_333, %add3A_334 : i32
        %dma_start3A_336 = arith.constant 0 : i32
        %dma_start3A_337 = arith.constant 0 : i32
        %dma_start3A_338 = tpu.memref_slice %arg3[%add3A_335, %dma_start3A_336, %dma_start3A_337] : memref<2688x2x120xi32, #tpu.memory_space<hbm>> -> memref<1x2x120xi32, #tpu.memory_space<hbm>>
        %dma_start3A_339 = tpu.memref_squeeze %dma_start3A_338 : memref<1x2x120xi32, #tpu.memory_space<hbm>> -> memref<2x120xi32, #tpu.memory_space<hbm>>
        %dma_start3A_340 = arith.constant 0 : i32
        %dma_start3A_341 = arith.constant 0 : i32
        %dma_start3A_342 = tpu.memref_slice %arg3[%add3A_335, %dma_start3A_340, %dma_start3A_341] : memref<2688x2x120xi32, #tpu.memory_space<hbm>> -> memref<1x2x120xi32, #tpu.memory_space<hbm>>
        %dma_start3A_343 = tpu.memref_squeeze %dma_start3A_342 : memref<1x2x120xi32, #tpu.memory_space<hbm>> -> memref<2x120xi32, #tpu.memory_space<hbm>>
        tpu.enqueue_dma source(%dma_start3A_343 : memref<2x120xi32, #tpu.memory_space<hbm>>) target(%arg7 : memref<2x120xi32, #tpu.memory_space<vmem>>) target_semaphore(%arg13 : memref<!tpu.dma_semaphore, #tpu.memory_space<semaphore_mem>>)
      } else {
      }
      %ge3A_276 = arith.constant 2 : i32
      %ge3A_277 = arith.cmpi sge, %add3A_264, %ge3A_276 : i32
      %convert_element_type3A_278 = arith.extui %ge3A_277 : i1 to i32
      %cond3A_279 = arith.constant 0 : i32
      %cond3A_280 = arith.cmpi ne, %convert_element_type3A_278, %cond3A_279 : i32
      scf.if %cond3A_280 {
        %dma_wait3A_333 = arith.constant 0 : i32
        %dma_wait3A_334 = arith.constant 0 : i32
        %dma_wait3A_335 = tpu.memref_slice %arg8[%dma_wait3A_333, %dma_wait3A_334] : memref<2x120xi32, #tpu.memory_space<vmem>> -> memref<1x120xi32, #tpu.memory_space<vmem>>
        %dma_wait3A_336 = tpu.memref_squeeze %dma_wait3A_335 : memref<1x120xi32, #tpu.memory_space<vmem>> -> memref<120xi32, #tpu.memory_space<vmem>>
        %dma_wait3A_337 = arith.constant 0 : i32
        %dma_wait3A_338 = arith.constant 0 : i32
        %dma_wait3A_339 = tpu.memref_slice %arg2[%dma_wait3A_337, %dma_wait3A_338] : memref<10000x128xf32, #tpu.memory_space<hbm>> -> memref<10000x128xf32, #tpu.memory_space<hbm>>
        tpu.wait_indirect_dma semaphore(%arg23 : memref<!tpu.dma_semaphore, #tpu.memory_space<semaphore_mem>>) src(%dma_wait3A_339 : memref<10000x128xf32, #tpu.memory_space<hbm>>) dst(%arg20 : memref<120x128xf32, #tpu.memory_space<vmem>>)
        %dma_start3A_340 = arith.constant 1 : i32
        %dma_start3A_341 = arith.constant 0 : i32
        %dma_start3A_342 = tpu.memref_slice %arg8[%dma_start3A_340, %dma_start3A_341] : memref<2x120xi32, #tpu.memory_space<vmem>> -> memref<1x120xi32, #tpu.memory_space<vmem>>
        %dma_start3A_343 = tpu.memref_squeeze %dma_start3A_342 : memref<1x120xi32, #tpu.memory_space<vmem>> -> memref<120xi32, #tpu.memory_space<vmem>>
        %dma_start3A_344 = arith.constant 0 : i32
        %dma_start3A_345 = arith.constant 0 : i32
        %dma_start3A_346 = tpu.memref_slice %arg27[%dma_start3A_344, %dma_start3A_345] : memref<10240x128xf32, #tpu.memory_space<vmem_shared>> -> memref<10240x128xf32, #tpu.memory_space<vmem_shared>>
        tpu.enqueue_indirect_dma source(%arg20 : memref<120x128xf32, #tpu.memory_space<vmem>>) target(%dma_start3A_346 : memref<10240x128xf32, #tpu.memory_space<vmem_shared>>) offsets(%dma_start3A_343 : memref<120xi32, #tpu.memory_space<vmem>>) semaphore(%arg26 : memref<!tpu.dma_semaphore, #tpu.memory_space<semaphore_mem>>) {add = true}
      } else {
      }
      %add3A_281 = arith.addi %select_n3A_8, %add3A_264 : i32
      %dma_wait3A_282 = arith.constant 0 : i32
      %dma_wait3A_283 = arith.constant 0 : i32
      %dma_wait3A_284 = tpu.memref_slice %arg3[%add3A_281, %dma_wait3A_282, %dma_wait3A_283] : memref<2688x2x120xi32, #tpu.memory_space<hbm>> -> memref<1x2x120xi32, #tpu.memory_space<hbm>>
      %dma_wait3A_285 = tpu.memref_squeeze %dma_wait3A_284 : memref<1x2x120xi32, #tpu.memory_space<hbm>> -> memref<2x120xi32, #tpu.memory_space<hbm>>
      %dma_wait3A_286 = arith.constant 0 : i32
      %dma_wait3A_287 = arith.constant 0 : i32
      %dma_wait3A_288 = tpu.memref_slice %arg3[%add3A_281, %dma_wait3A_286, %dma_wait3A_287] : memref<2688x2x120xi32, #tpu.memory_space<hbm>> -> memref<1x2x120xi32, #tpu.memory_space<hbm>>
      %dma_wait3A_289 = tpu.memref_squeeze %dma_wait3A_288 : memref<1x2x120xi32, #tpu.memory_space<hbm>> -> memref<2x120xi32, #tpu.memory_space<hbm>>
      tpu.wait_dma2 semaphore(%arg16 : memref<!tpu.dma_semaphore, #tpu.memory_space<semaphore_mem>>) src(%dma_wait3A_289 : memref<2x120xi32, #tpu.memory_space<hbm>>) dst(%arg10 : memref<2x120xi32, #tpu.memory_space<vmem>>)
      %dma_start3A_290 = arith.constant 0 : i32
      %dma_start3A_291 = arith.constant 0 : i32
      %dma_start3A_292 = tpu.memref_slice %arg10[%dma_start3A_290, %dma_start3A_291] : memref<2x120xi32, #tpu.memory_space<vmem>> -> memref<1x120xi32, #tpu.memory_space<vmem>>
      %dma_start3A_293 = tpu.memref_squeeze %dma_start3A_292 : memref<1x120xi32, #tpu.memory_space<vmem>> -> memref<120xi32, #tpu.memory_space<vmem>>
      %dma_start3A_294 = arith.constant 0 : i32
      %dma_start3A_295 = arith.constant 0 : i32
      %dma_start3A_296 = tpu.memref_slice %arg2[%dma_start3A_294, %dma_start3A_295] : memref<10000x128xf32, #tpu.memory_space<hbm>> -> memref<10000x128xf32, #tpu.memory_space<hbm>>
      tpu.enqueue_indirect_dma source(%dma_start3A_296 : memref<10000x128xf32, #tpu.memory_space<hbm>>) target(%arg19 : memref<120x128xf32, #tpu.memory_space<vmem>>) offsets(%dma_start3A_293 : memref<120xi32, #tpu.memory_space<vmem>>) semaphore(%arg22 : memref<!tpu.dma_semaphore, #tpu.memory_space<semaphore_mem>>)
      %mul3A_297 = arith.constant 6 : i32
      %mul3A_298 = arith.muli %while3A_120, %mul3A_297 : i32
      %add3A_299 = arith.constant 5 : i32
      %add3A_300 = arith.addi %mul3A_298, %add3A_299 : i32
      %ge3A_301 = arith.constant 3 : i32
      %ge3A_302 = arith.cmpi sge, %add3A_300, %ge3A_301 : i32
      %convert_element_type3A_303 = arith.extui %ge3A_302 : i1 to i32
      %cond3A_304 = arith.constant 0 : i32
      %cond3A_305 = arith.cmpi ne, %convert_element_type3A_303, %cond3A_304 : i32
      scf.if %cond3A_305 {
        %dma_wait3A_333 = arith.constant 1 : i32
        %dma_wait3A_334 = arith.constant 0 : i32
        %dma_wait3A_335 = tpu.memref_slice %arg11[%dma_wait3A_333, %dma_wait3A_334] : memref<2x120xi32, #tpu.memory_space<vmem>> -> memref<1x120xi32, #tpu.memory_space<vmem>>
        %dma_wait3A_336 = tpu.memref_squeeze %dma_wait3A_335 : memref<1x120xi32, #tpu.memory_space<vmem>> -> memref<120xi32, #tpu.memory_space<vmem>>
        %dma_wait3A_337 = arith.constant 0 : i32
        %dma_wait3A_338 = arith.constant 0 : i32
        %dma_wait3A_339 = tpu.memref_slice %arg27[%dma_wait3A_337, %dma_wait3A_338] : memref<10240x128xf32, #tpu.memory_space<vmem_shared>> -> memref<10240x128xf32, #tpu.memory_space<vmem_shared>>
        tpu.wait_indirect_dma semaphore(%arg26 : memref<!tpu.dma_semaphore, #tpu.memory_space<semaphore_mem>>) src(%arg20 : memref<120x128xf32, #tpu.memory_space<vmem>>) dst(%dma_wait3A_339 : memref<10240x128xf32, #tpu.memory_space<vmem_shared>>)
      } else {
      }
      %add3A_306 = arith.constant 3 : i32
      %add3A_307 = arith.addi %add3A_300, %add3A_306 : i32
      %lt3A_308 = arith.cmpi slt, %add3A_307, %select_n3A : i32
      %convert_element_type3A_309 = arith.extui %lt3A_308 : i1 to i32
      %cond3A_310 = arith.constant 0 : i32
      %cond3A_311 = arith.cmpi ne, %convert_element_type3A_309, %cond3A_310 : i32
      scf.if %cond3A_311 {
        %add3A_333 = arith.addi %select_n3A_8, %add3A_300 : i32
        %add3A_334 = arith.constant 3 : i32
        %add3A_335 = arith.addi %add3A_333, %add3A_334 : i32
        %dma_start3A_336 = arith.constant 0 : i32
        %dma_start3A_337 = arith.constant 0 : i32
        %dma_start3A_338 = tpu.memref_slice %arg3[%add3A_335, %dma_start3A_336, %dma_start3A_337] : memref<2688x2x120xi32, #tpu.memory_space<hbm>> -> memref<1x2x120xi32, #tpu.memory_space<hbm>>
        %dma_start3A_339 = tpu.memref_squeeze %dma_start3A_338 : memref<1x2x120xi32, #tpu.memory_space<hbm>> -> memref<2x120xi32, #tpu.memory_space<hbm>>
        %dma_start3A_340 = arith.constant 0 : i32
        %dma_start3A_341 = arith.constant 0 : i32
        %dma_start3A_342 = tpu.memref_slice %arg3[%add3A_335, %dma_start3A_340, %dma_start3A_341] : memref<2688x2x120xi32, #tpu.memory_space<hbm>> -> memref<1x2x120xi32, #tpu.memory_space<hbm>>
        %dma_start3A_343 = tpu.memref_squeeze %dma_start3A_342 : memref<1x2x120xi32, #tpu.memory_space<hbm>> -> memref<2x120xi32, #tpu.memory_space<hbm>>
        tpu.enqueue_dma source(%dma_start3A_343 : memref<2x120xi32, #tpu.memory_space<hbm>>) target(%arg8 : memref<2x120xi32, #tpu.memory_space<vmem>>) target_semaphore(%arg14 : memref<!tpu.dma_semaphore, #tpu.memory_space<semaphore_mem>>)
      } else {
      }
      %ge3A_312 = arith.constant 2 : i32
      %ge3A_313 = arith.cmpi sge, %add3A_300, %ge3A_312 : i32
      %convert_element_type3A_314 = arith.extui %ge3A_313 : i1 to i32
      %cond3A_315 = arith.constant 0 : i32
      %cond3A_316 = arith.cmpi ne, %convert_element_type3A_314, %cond3A_315 : i32
      scf.if %cond3A_316 {
        %dma_wait3A_333 = arith.constant 0 : i32
        %dma_wait3A_334 = arith.constant 0 : i32
        %dma_wait3A_335 = tpu.memref_slice %arg9[%dma_wait3A_333, %dma_wait3A_334] : memref<2x120xi32, #tpu.memory_space<vmem>> -> memref<1x120xi32, #tpu.memory_space<vmem>>
        %dma_wait3A_336 = tpu.memref_squeeze %dma_wait3A_335 : memref<1x120xi32, #tpu.memory_space<vmem>> -> memref<120xi32, #tpu.memory_space<vmem>>
        %dma_wait3A_337 = arith.constant 0 : i32
        %dma_wait3A_338 = arith.constant 0 : i32
        %dma_wait3A_339 = tpu.memref_slice %arg2[%dma_wait3A_337, %dma_wait3A_338] : memref<10000x128xf32, #tpu.memory_space<hbm>> -> memref<10000x128xf32, #tpu.memory_space<hbm>>
        tpu.wait_indirect_dma semaphore(%arg21 : memref<!tpu.dma_semaphore, #tpu.memory_space<semaphore_mem>>) src(%dma_wait3A_339 : memref<10000x128xf32, #tpu.memory_space<hbm>>) dst(%arg18 : memref<120x128xf32, #tpu.memory_space<vmem>>)
        %dma_start3A_340 = arith.constant 1 : i32
        %dma_start3A_341 = arith.constant 0 : i32
        %dma_start3A_342 = tpu.memref_slice %arg9[%dma_start3A_340, %dma_start3A_341] : memref<2x120xi32, #tpu.memory_space<vmem>> -> memref<1x120xi32, #tpu.memory_space<vmem>>
        %dma_start3A_343 = tpu.memref_squeeze %dma_start3A_342 : memref<1x120xi32, #tpu.memory_space<vmem>> -> memref<120xi32, #tpu.memory_space<vmem>>
        %dma_start3A_344 = arith.constant 0 : i32
        %dma_start3A_345 = arith.constant 0 : i32
        %dma_start3A_346 = tpu.memref_slice %arg27[%dma_start3A_344, %dma_start3A_345] : memref<10240x128xf32, #tpu.memory_space<vmem_shared>> -> memref<10240x128xf32, #tpu.memory_space<vmem_shared>>
        tpu.enqueue_indirect_dma source(%arg18 : memref<120x128xf32, #tpu.memory_space<vmem>>) target(%dma_start3A_346 : memref<10240x128xf32, #tpu.memory_space<vmem_shared>>) offsets(%dma_start3A_343 : memref<120xi32, #tpu.memory_space<vmem>>) semaphore(%arg24 : memref<!tpu.dma_semaphore, #tpu.memory_space<semaphore_mem>>) {add = true}
      } else {
      }
      %add3A_317 = arith.addi %select_n3A_8, %add3A_300 : i32
      %dma_wait3A_318 = arith.constant 0 : i32
      %dma_wait3A_319 = arith.constant 0 : i32
      %dma_wait3A_320 = tpu.memref_slice %arg3[%add3A_317, %dma_wait3A_318, %dma_wait3A_319] : memref<2688x2x120xi32, #tpu.memory_space<hbm>> -> memref<1x2x120xi32, #tpu.memory_space<hbm>>
      %dma_wait3A_321 = tpu.memref_squeeze %dma_wait3A_320 : memref<1x2x120xi32, #tpu.memory_space<hbm>> -> memref<2x120xi32, #tpu.memory_space<hbm>>
      %dma_wait3A_322 = arith.constant 0 : i32
      %dma_wait3A_323 = arith.constant 0 : i32
      %dma_wait3A_324 = tpu.memref_slice %arg3[%add3A_317, %dma_wait3A_322, %dma_wait3A_323] : memref<2688x2x120xi32, #tpu.memory_space<hbm>> -> memref<1x2x120xi32, #tpu.memory_space<hbm>>
      %dma_wait3A_325 = tpu.memref_squeeze %dma_wait3A_324 : memref<1x2x120xi32, #tpu.memory_space<hbm>> -> memref<2x120xi32, #tpu.memory_space<hbm>>
      tpu.wait_dma2 semaphore(%arg17 : memref<!tpu.dma_semaphore, #tpu.memory_space<semaphore_mem>>) src(%dma_wait3A_325 : memref<2x120xi32, #tpu.memory_space<hbm>>) dst(%arg11 : memref<2x120xi32, #tpu.memory_space<vmem>>)
      %dma_start3A_326 = arith.constant 0 : i32
      %dma_start3A_327 = arith.constant 0 : i32
      %dma_start3A_328 = tpu.memref_slice %arg11[%dma_start3A_326, %dma_start3A_327] : memref<2x120xi32, #tpu.memory_space<vmem>> -> memref<1x120xi32, #tpu.memory_space<vmem>>
      %dma_start3A_329 = tpu.memref_squeeze %dma_start3A_328 : memref<1x120xi32, #tpu.memory_space<vmem>> -> memref<120xi32, #tpu.memory_space<vmem>>
      %dma_start3A_330 = arith.constant 0 : i32
      %dma_start3A_331 = arith.constant 0 : i32
      %dma_start3A_332 = tpu.memref_slice %arg2[%dma_start3A_330, %dma_start3A_331] : memref<10000x128xf32, #tpu.memory_space<hbm>> -> memref<10000x128xf32, #tpu.memory_space<hbm>>
      tpu.enqueue_indirect_dma source(%dma_start3A_332 : memref<10000x128xf32, #tpu.memory_space<hbm>>) target(%arg20 : memref<120x128xf32, #tpu.memory_space<vmem>>) offsets(%dma_start3A_329 : memref<120xi32, #tpu.memory_space<vmem>>) semaphore(%arg23 : memref<!tpu.dma_semaphore, #tpu.memory_space<semaphore_mem>>)
    }
    %while3A_66 = arith.constant 1 : i32
    scf.for %while3A_120 = %while3A_64 to %while3A_60 step %while3A_66  : i32 {
      %mul3A_121 = arith.constant 6 : i32
      %mul3A_122 = arith.muli %while3A_120, %mul3A_121 : i32
      %add3A_123 = arith.constant 0 : i32
      %add3A_124 = arith.addi %mul3A_122, %add3A_123 : i32
      %ge3A = arith.constant 3 : i32
      %ge3A_125 = arith.cmpi sge, %add3A_124, %ge3A : i32
      %convert_element_type3A = arith.extui %ge3A_125 : i1 to i32
      %cond3A = arith.constant 0 : i32
      %cond3A_126 = arith.cmpi ne, %convert_element_type3A, %cond3A : i32
      scf.if %cond3A_126 {
        %dma_wait3A_333 = arith.constant 1 : i32
        %dma_wait3A_334 = arith.constant 0 : i32
        %dma_wait3A_335 = tpu.memref_slice %arg6[%dma_wait3A_333, %dma_wait3A_334] : memref<2x120xi32, #tpu.memory_space<vmem>> -> memref<1x120xi32, #tpu.memory_space<vmem>>
        %dma_wait3A_336 = tpu.memref_squeeze %dma_wait3A_335 : memref<1x120xi32, #tpu.memory_space<vmem>> -> memref<120xi32, #tpu.memory_space<vmem>>
        %dma_wait3A_337 = arith.constant 0 : i32
        %dma_wait3A_338 = arith.constant 0 : i32
        %dma_wait3A_339 = tpu.memref_slice %arg27[%dma_wait3A_337, %dma_wait3A_338] : memref<10240x128xf32, #tpu.memory_space<vmem_shared>> -> memref<10240x128xf32, #tpu.memory_space<vmem_shared>>
        tpu.wait_indirect_dma semaphore(%arg24 : memref<!tpu.dma_semaphore, #tpu.memory_space<semaphore_mem>>) src(%arg18 : memref<120x128xf32, #tpu.memory_space<vmem>>) dst(%dma_wait3A_339 : memref<10240x128xf32, #tpu.memory_space<vmem_shared>>)
      } else {
      }
      %add3A_127 = arith.constant 3 : i32
      %add3A_128 = arith.addi %add3A_124, %add3A_127 : i32
      %lt3A = arith.cmpi slt, %add3A_128, %select_n3A : i32
      %convert_element_type3A_129 = arith.extui %lt3A : i1 to i32
      %cond3A_130 = arith.constant 0 : i32
      %cond3A_131 = arith.cmpi ne, %convert_element_type3A_129, %cond3A_130 : i32
      scf.if %cond3A_131 {
        %add3A_333 = arith.addi %select_n3A_8, %add3A_124 : i32
        %add3A_334 = arith.constant 3 : i32
        %add3A_335 = arith.addi %add3A_333, %add3A_334 : i32
        %dma_start3A_336 = arith.constant 0 : i32
        %dma_start3A_337 = arith.constant 0 : i32
        %dma_start3A_338 = tpu.memref_slice %arg3[%add3A_335, %dma_start3A_336, %dma_start3A_337] : memref<2688x2x120xi32, #tpu.memory_space<hbm>> -> memref<1x2x120xi32, #tpu.memory_space<hbm>>
        %dma_start3A_339 = tpu.memref_squeeze %dma_start3A_338 : memref<1x2x120xi32, #tpu.memory_space<hbm>> -> memref<2x120xi32, #tpu.memory_space<hbm>>
        %dma_start3A_340 = arith.constant 0 : i32
        %dma_start3A_341 = arith.constant 0 : i32
        %dma_start3A_342 = tpu.memref_slice %arg3[%add3A_335, %dma_start3A_340, %dma_start3A_341] : memref<2688x2x120xi32, #tpu.memory_space<hbm>> -> memref<1x2x120xi32, #tpu.memory_space<hbm>>
        %dma_start3A_343 = tpu.memref_squeeze %dma_start3A_342 : memref<1x2x120xi32, #tpu.memory_space<hbm>> -> memref<2x120xi32, #tpu.memory_space<hbm>>
        tpu.enqueue_dma source(%dma_start3A_343 : memref<2x120xi32, #tpu.memory_space<hbm>>) target(%arg9 : memref<2x120xi32, #tpu.memory_space<vmem>>) target_semaphore(%arg15 : memref<!tpu.dma_semaphore, #tpu.memory_space<semaphore_mem>>)
      } else {
      }
      %ge3A_132 = arith.constant 2 : i32
      %ge3A_133 = arith.cmpi sge, %add3A_124, %ge3A_132 : i32
      %convert_element_type3A_134 = arith.extui %ge3A_133 : i1 to i32
      %cond3A_135 = arith.constant 0 : i32
      %cond3A_136 = arith.cmpi ne, %convert_element_type3A_134, %cond3A_135 : i32
      scf.if %cond3A_136 {
        %dma_wait3A_333 = arith.constant 0 : i32
        %dma_wait3A_334 = arith.constant 0 : i32
        %dma_wait3A_335 = tpu.memref_slice %arg10[%dma_wait3A_333, %dma_wait3A_334] : memref<2x120xi32, #tpu.memory_space<vmem>> -> memref<1x120xi32, #tpu.memory_space<vmem>>
        %dma_wait3A_336 = tpu.memref_squeeze %dma_wait3A_335 : memref<1x120xi32, #tpu.memory_space<vmem>> -> memref<120xi32, #tpu.memory_space<vmem>>
        %dma_wait3A_337 = arith.constant 0 : i32
        %dma_wait3A_338 = arith.constant 0 : i32
        %dma_wait3A_339 = tpu.memref_slice %arg2[%dma_wait3A_337, %dma_wait3A_338] : memref<10000x128xf32, #tpu.memory_space<hbm>> -> memref<10000x128xf32, #tpu.memory_space<hbm>>
        tpu.wait_indirect_dma semaphore(%arg22 : memref<!tpu.dma_semaphore, #tpu.memory_space<semaphore_mem>>) src(%dma_wait3A_339 : memref<10000x128xf32, #tpu.memory_space<hbm>>) dst(%arg19 : memref<120x128xf32, #tpu.memory_space<vmem>>)
        %dma_start3A_340 = arith.constant 1 : i32
        %dma_start3A_341 = arith.constant 0 : i32
        %dma_start3A_342 = tpu.memref_slice %arg10[%dma_start3A_340, %dma_start3A_341] : memref<2x120xi32, #tpu.memory_space<vmem>> -> memref<1x120xi32, #tpu.memory_space<vmem>>
        %dma_start3A_343 = tpu.memref_squeeze %dma_start3A_342 : memref<1x120xi32, #tpu.memory_space<vmem>> -> memref<120xi32, #tpu.memory_space<vmem>>
        %dma_start3A_344 = arith.constant 0 : i32
        %dma_start3A_345 = arith.constant 0 : i32
        %dma_start3A_346 = tpu.memref_slice %arg27[%dma_start3A_344, %dma_start3A_345] : memref<10240x128xf32, #tpu.memory_space<vmem_shared>> -> memref<10240x128xf32, #tpu.memory_space<vmem_shared>>
        tpu.enqueue_indirect_dma source(%arg19 : memref<120x128xf32, #tpu.memory_space<vmem>>) target(%dma_start3A_346 : memref<10240x128xf32, #tpu.memory_space<vmem_shared>>) offsets(%dma_start3A_343 : memref<120xi32, #tpu.memory_space<vmem>>) semaphore(%arg25 : memref<!tpu.dma_semaphore, #tpu.memory_space<semaphore_mem>>) {add = true}
      } else {
      }
      %add3A_137 = arith.addi %select_n3A_8, %add3A_124 : i32
      %dma_wait3A_138 = arith.constant 0 : i32
      %dma_wait3A_139 = arith.constant 0 : i32
      %dma_wait3A_140 = tpu.memref_slice %arg3[%add3A_137, %dma_wait3A_138, %dma_wait3A_139] : memref<2688x2x120xi32, #tpu.memory_space<hbm>> -> memref<1x2x120xi32, #tpu.memory_space<hbm>>
      %dma_wait3A_141 = tpu.memref_squeeze %dma_wait3A_140 : memref<1x2x120xi32, #tpu.memory_space<hbm>> -> memref<2x120xi32, #tpu.memory_space<hbm>>
      %dma_wait3A_142 = arith.constant 0 : i32
      %dma_wait3A_143 = arith.constant 0 : i32
      %dma_wait3A_144 = tpu.memref_slice %arg3[%add3A_137, %dma_wait3A_142, %dma_wait3A_143] : memref<2688x2x120xi32, #tpu.memory_space<hbm>> -> memref<1x2x120xi32, #tpu.memory_space<hbm>>
      %dma_wait3A_145 = tpu.memref_squeeze %dma_wait3A_144 : memref<1x2x120xi32, #tpu.memory_space<hbm>> -> memref<2x120xi32, #tpu.memory_space<hbm>>
      tpu.wait_dma2 semaphore(%arg12 : memref<!tpu.dma_semaphore, #tpu.memory_space<semaphore_mem>>) src(%dma_wait3A_145 : memref<2x120xi32, #tpu.memory_space<hbm>>) dst(%arg6 : memref<2x120xi32, #tpu.memory_space<vmem>>)
      %dma_start3A_146 = arith.constant 0 : i32
      %dma_start3A_147 = arith.constant 0 : i32
      %dma_start3A_148 = tpu.memref_slice %arg6[%dma_start3A_146, %dma_start3A_147] : memref<2x120xi32, #tpu.memory_space<vmem>> -> memref<1x120xi32, #tpu.memory_space<vmem>>
      %dma_start3A_149 = tpu.memref_squeeze %dma_start3A_148 : memref<1x120xi32, #tpu.memory_space<vmem>> -> memref<120xi32, #tpu.memory_space<vmem>>
      %dma_start3A_150 = arith.constant 0 : i32
      %dma_start3A_151 = arith.constant 0 : i32
      %dma_start3A_152 = tpu.memref_slice %arg2[%dma_start3A_150, %dma_start3A_151] : memref<10000x128xf32, #tpu.memory_space<hbm>> -> memref<10000x128xf32, #tpu.memory_space<hbm>>
      tpu.enqueue_indirect_dma source(%dma_start3A_152 : memref<10000x128xf32, #tpu.memory_space<hbm>>) target(%arg18 : memref<120x128xf32, #tpu.memory_space<vmem>>) offsets(%dma_start3A_149 : memref<120xi32, #tpu.memory_space<vmem>>) semaphore(%arg21 : memref<!tpu.dma_semaphore, #tpu.memory_space<semaphore_mem>>)
      %mul3A_153 = arith.constant 6 : i32
      %mul3A_154 = arith.muli %while3A_120, %mul3A_153 : i32
      %add3A_155 = arith.constant 1 : i32
      %add3A_156 = arith.addi %mul3A_154, %add3A_155 : i32
      %ge3A_157 = arith.constant 3 : i32
      %ge3A_158 = arith.cmpi sge, %add3A_156, %ge3A_157 : i32
      %convert_element_type3A_159 = arith.extui %ge3A_158 : i1 to i32
      %cond3A_160 = arith.constant 0 : i32
      %cond3A_161 = arith.cmpi ne, %convert_element_type3A_159, %cond3A_160 : i32
      scf.if %cond3A_161 {
        %dma_wait3A_333 = arith.constant 1 : i32
        %dma_wait3A_334 = arith.constant 0 : i32
        %dma_wait3A_335 = tpu.memref_slice %arg7[%dma_wait3A_333, %dma_wait3A_334] : memref<2x120xi32, #tpu.memory_space<vmem>> -> memref<1x120xi32, #tpu.memory_space<vmem>>
        %dma_wait3A_336 = tpu.memref_squeeze %dma_wait3A_335 : memref<1x120xi32, #tpu.memory_space<vmem>> -> memref<120xi32, #tpu.memory_space<vmem>>
        %dma_wait3A_337 = arith.constant 0 : i32
        %dma_wait3A_338 = arith.constant 0 : i32
        %dma_wait3A_339 = tpu.memref_slice %arg27[%dma_wait3A_337, %dma_wait3A_338] : memref<10240x128xf32, #tpu.memory_space<vmem_shared>> -> memref<10240x128xf32, #tpu.memory_space<vmem_shared>>
        tpu.wait_indirect_dma semaphore(%arg25 : memref<!tpu.dma_semaphore, #tpu.memory_space<semaphore_mem>>) src(%arg19 : memref<120x128xf32, #tpu.memory_space<vmem>>) dst(%dma_wait3A_339 : memref<10240x128xf32, #tpu.memory_space<vmem_shared>>)
      } else {
      }
      %add3A_162 = arith.constant 3 : i32
      %add3A_163 = arith.addi %add3A_156, %add3A_162 : i32
      %lt3A_164 = arith.cmpi slt, %add3A_163, %select_n3A : i32
      %convert_element_type3A_165 = arith.extui %lt3A_164 : i1 to i32
      %cond3A_166 = arith.constant 0 : i32
      %cond3A_167 = arith.cmpi ne, %convert_element_type3A_165, %cond3A_166 : i32
      scf.if %cond3A_167 {
        %add3A_333 = arith.addi %select_n3A_8, %add3A_156 : i32
        %add3A_334 = arith.constant 3 : i32
        %add3A_335 = arith.addi %add3A_333, %add3A_334 : i32
        %dma_start3A_336 = arith.constant 0 : i32
        %dma_start3A_337 = arith.constant 0 : i32
        %dma_start3A_338 = tpu.memref_slice %arg3[%add3A_335, %dma_start3A_336, %dma_start3A_337] : memref<2688x2x120xi32, #tpu.memory_space<hbm>> -> memref<1x2x120xi32, #tpu.memory_space<hbm>>
        %dma_start3A_339 = tpu.memref_squeeze %dma_start3A_338 : memref<1x2x120xi32, #tpu.memory_space<hbm>> -> memref<2x120xi32, #tpu.memory_space<hbm>>
        %dma_start3A_340 = arith.constant 0 : i32
        %dma_start3A_341 = arith.constant 0 : i32
        %dma_start3A_342 = tpu.memref_slice %arg3[%add3A_335, %dma_start3A_340, %dma_start3A_341] : memref<2688x2x120xi32, #tpu.memory_space<hbm>> -> memref<1x2x120xi32, #tpu.memory_space<hbm>>
        %dma_start3A_343 = tpu.memref_squeeze %dma_start3A_342 : memref<1x2x120xi32, #tpu.memory_space<hbm>> -> memref<2x120xi32, #tpu.memory_space<hbm>>
        tpu.enqueue_dma source(%dma_start3A_343 : memref<2x120xi32, #tpu.memory_space<hbm>>) target(%arg10 : memref<2x120xi32, #tpu.memory_space<vmem>>) target_semaphore(%arg16 : memref<!tpu.dma_semaphore, #tpu.memory_space<semaphore_mem>>)
      } else {
      }
      %ge3A_168 = arith.constant 2 : i32
      %ge3A_169 = arith.cmpi sge, %add3A_156, %ge3A_168 : i32
      %convert_element_type3A_170 = arith.extui %ge3A_169 : i1 to i32
      %cond3A_171 = arith.constant 0 : i32
      %cond3A_172 = arith.cmpi ne, %convert_element_type3A_170, %cond3A_171 : i32
      scf.if %cond3A_172 {
        %dma_wait3A_333 = arith.constant 0 : i32
        %dma_wait3A_334 = arith.constant 0 : i32
        %dma_wait3A_335 = tpu.memref_slice %arg11[%dma_wait3A_333, %dma_wait3A_334] : memref<2x120xi32, #tpu.memory_space<vmem>> -> memref<1x120xi32, #tpu.memory_space<vmem>>
        %dma_wait3A_336 = tpu.memref_squeeze %dma_wait3A_335 : memref<1x120xi32, #tpu.memory_space<vmem>> -> memref<120xi32, #tpu.memory_space<vmem>>
        %dma_wait3A_337 = arith.constant 0 : i32
        %dma_wait3A_338 = arith.constant 0 : i32
        %dma_wait3A_339 = tpu.memref_slice %arg2[%dma_wait3A_337, %dma_wait3A_338] : memref<10000x128xf32, #tpu.memory_space<hbm>> -> memref<10000x128xf32, #tpu.memory_space<hbm>>
        tpu.wait_indirect_dma semaphore(%arg23 : memref<!tpu.dma_semaphore, #tpu.memory_space<semaphore_mem>>) src(%dma_wait3A_339 : memref<10000x128xf32, #tpu.memory_space<hbm>>) dst(%arg20 : memref<120x128xf32, #tpu.memory_space<vmem>>)
        %dma_start3A_340 = arith.constant 1 : i32
        %dma_start3A_341 = arith.constant 0 : i32
        %dma_start3A_342 = tpu.memref_slice %arg11[%dma_start3A_340, %dma_start3A_341] : memref<2x120xi32, #tpu.memory_space<vmem>> -> memref<1x120xi32, #tpu.memory_space<vmem>>
        %dma_start3A_343 = tpu.memref_squeeze %dma_start3A_342 : memref<1x120xi32, #tpu.memory_space<vmem>> -> memref<120xi32, #tpu.memory_space<vmem>>
        %dma_start3A_344 = arith.constant 0 : i32
        %dma_start3A_345 = arith.constant 0 : i32
        %dma_start3A_346 = tpu.memref_slice %arg27[%dma_start3A_344, %dma_start3A_345] : memref<10240x128xf32, #tpu.memory_space<vmem_shared>> -> memref<10240x128xf32, #tpu.memory_space<vmem_shared>>
        tpu.enqueue_indirect_dma source(%arg20 : memref<120x128xf32, #tpu.memory_space<vmem>>) target(%dma_start3A_346 : memref<10240x128xf32, #tpu.memory_space<vmem_shared>>) offsets(%dma_start3A_343 : memref<120xi32, #tpu.memory_space<vmem>>) semaphore(%arg26 : memref<!tpu.dma_semaphore, #tpu.memory_space<semaphore_mem>>) {add = true}
      } else {
      }
      %add3A_173 = arith.addi %select_n3A_8, %add3A_156 : i32
      %dma_wait3A_174 = arith.constant 0 : i32
      %dma_wait3A_175 = arith.constant 0 : i32
      %dma_wait3A_176 = tpu.memref_slice %arg3[%add3A_173, %dma_wait3A_174, %dma_wait3A_175] : memref<2688x2x120xi32, #tpu.memory_space<hbm>> -> memref<1x2x120xi32, #tpu.memory_space<hbm>>
      %dma_wait3A_177 = tpu.memref_squeeze %dma_wait3A_176 : memref<1x2x120xi32, #tpu.memory_space<hbm>> -> memref<2x120xi32, #tpu.memory_space<hbm>>
      %dma_wait3A_178 = arith.constant 0 : i32
      %dma_wait3A_179 = arith.constant 0 : i32
      %dma_wait3A_180 = tpu.memref_slice %arg3[%add3A_173, %dma_wait3A_178, %dma_wait3A_179] : memref<2688x2x120xi32, #tpu.memory_space<hbm>> -> memref<1x2x120xi32, #tpu.memory_space<hbm>>
      %dma_wait3A_181 = tpu.memref_squeeze %dma_wait3A_180 : memref<1x2x120xi32, #tpu.memory_space<hbm>> -> memref<2x120xi32, #tpu.memory_space<hbm>>
      tpu.wait_dma2 semaphore(%arg13 : memref<!tpu.dma_semaphore, #tpu.memory_space<semaphore_mem>>) src(%dma_wait3A_181 : memref<2x120xi32, #tpu.memory_space<hbm>>) dst(%arg7 : memref<2x120xi32, #tpu.memory_space<vmem>>)
      %dma_start3A_182 = arith.constant 0 : i32
      %dma_start3A_183 = arith.constant 0 : i32
      %dma_start3A_184 = tpu.memref_slice %arg7[%dma_start3A_182, %dma_start3A_183] : memref<2x120xi32, #tpu.memory_space<vmem>> -> memref<1x120xi32, #tpu.memory_space<vmem>>
      %dma_start3A_185 = tpu.memref_squeeze %dma_start3A_184 : memref<1x120xi32, #tpu.memory_space<vmem>> -> memref<120xi32, #tpu.memory_space<vmem>>
      %dma_start3A_186 = arith.constant 0 : i32
      %dma_start3A_187 = arith.constant 0 : i32
      %dma_start3A_188 = tpu.memref_slice %arg2[%dma_start3A_186, %dma_start3A_187] : memref<10000x128xf32, #tpu.memory_space<hbm>> -> memref<10000x128xf32, #tpu.memory_space<hbm>>
      tpu.enqueue_indirect_dma source(%dma_start3A_188 : memref<10000x128xf32, #tpu.memory_space<hbm>>) target(%arg19 : memref<120x128xf32, #tpu.memory_space<vmem>>) offsets(%dma_start3A_185 : memref<120xi32, #tpu.memory_space<vmem>>) semaphore(%arg22 : memref<!tpu.dma_semaphore, #tpu.memory_space<semaphore_mem>>)
      %mul3A_189 = arith.constant 6 : i32
      %mul3A_190 = arith.muli %while3A_120, %mul3A_189 : i32
      %add3A_191 = arith.constant 2 : i32
      %add3A_192 = arith.addi %mul3A_190, %add3A_191 : i32
      %ge3A_193 = arith.constant 3 : i32
      %ge3A_194 = arith.cmpi sge, %add3A_192, %ge3A_193 : i32
      %convert_element_type3A_195 = arith.extui %ge3A_194 : i1 to i32
      %cond3A_196 = arith.constant 0 : i32
      %cond3A_197 = arith.cmpi ne, %convert_element_type3A_195, %cond3A_196 : i32
      scf.if %cond3A_197 {
        %dma_wait3A_333 = arith.constant 1 : i32
        %dma_wait3A_334 = arith.constant 0 : i32
        %dma_wait3A_335 = tpu.memref_slice %arg8[%dma_wait3A_333, %dma_wait3A_334] : memref<2x120xi32, #tpu.memory_space<vmem>> -> memref<1x120xi32, #tpu.memory_space<vmem>>
        %dma_wait3A_336 = tpu.memref_squeeze %dma_wait3A_335 : memref<1x120xi32, #tpu.memory_space<vmem>> -> memref<120xi32, #tpu.memory_space<vmem>>
        %dma_wait3A_337 = arith.constant 0 : i32
        %dma_wait3A_338 = arith.constant 0 : i32
        %dma_wait3A_339 = tpu.memref_slice %arg27[%dma_wait3A_337, %dma_wait3A_338] : memref<10240x128xf32, #tpu.memory_space<vmem_shared>> -> memref<10240x128xf32, #tpu.memory_space<vmem_shared>>
        tpu.wait_indirect_dma semaphore(%arg26 : memref<!tpu.dma_semaphore, #tpu.memory_space<semaphore_mem>>) src(%arg20 : memref<120x128xf32, #tpu.memory_space<vmem>>) dst(%dma_wait3A_339 : memref<10240x128xf32, #tpu.memory_space<vmem_shared>>)
      } else {
      }
      %add3A_198 = arith.constant 3 : i32
      %add3A_199 = arith.addi %add3A_192, %add3A_198 : i32
      %lt3A_200 = arith.cmpi slt, %add3A_199, %select_n3A : i32
      %convert_element_type3A_201 = arith.extui %lt3A_200 : i1 to i32
      %cond3A_202 = arith.constant 0 : i32
      %cond3A_203 = arith.cmpi ne, %convert_element_type3A_201, %cond3A_202 : i32
      scf.if %cond3A_203 {
        %add3A_333 = arith.addi %select_n3A_8, %add3A_192 : i32
        %add3A_334 = arith.constant 3 : i32
        %add3A_335 = arith.addi %add3A_333, %add3A_334 : i32
        %dma_start3A_336 = arith.constant 0 : i32
        %dma_start3A_337 = arith.constant 0 : i32
        %dma_start3A_338 = tpu.memref_slice %arg3[%add3A_335, %dma_start3A_336, %dma_start3A_337] : memref<2688x2x120xi32, #tpu.memory_space<hbm>> -> memref<1x2x120xi32, #tpu.memory_space<hbm>>
        %dma_start3A_339 = tpu.memref_squeeze %dma_start3A_338 : memref<1x2x120xi32, #tpu.memory_space<hbm>> -> memref<2x120xi32, #tpu.memory_space<hbm>>
        %dma_start3A_340 = arith.constant 0 : i32
        %dma_start3A_341 = arith.constant 0 : i32
        %dma_start3A_342 = tpu.memref_slice %arg3[%add3A_335, %dma_start3A_340, %dma_start3A_341] : memref<2688x2x120xi32, #tpu.memory_space<hbm>> -> memref<1x2x120xi32, #tpu.memory_space<hbm>>
        %dma_start3A_343 = tpu.memref_squeeze %dma_start3A_342 : memref<1x2x120xi32, #tpu.memory_space<hbm>> -> memref<2x120xi32, #tpu.memory_space<hbm>>
        tpu.enqueue_dma source(%dma_start3A_343 : memref<2x120xi32, #tpu.memory_space<hbm>>) target(%arg11 : memref<2x120xi32, #tpu.memory_space<vmem>>) target_semaphore(%arg17 : memref<!tpu.dma_semaphore, #tpu.memory_space<semaphore_mem>>)
      } else {
      }
      %ge3A_204 = arith.constant 2 : i32
      %ge3A_205 = arith.cmpi sge, %add3A_192, %ge3A_204 : i32
      %convert_element_type3A_206 = arith.extui %ge3A_205 : i1 to i32
      %cond3A_207 = arith.constant 0 : i32
      %cond3A_208 = arith.cmpi ne, %convert_element_type3A_206, %cond3A_207 : i32
      scf.if %cond3A_208 {
        %dma_wait3A_333 = arith.constant 0 : i32
        %dma_wait3A_334 = arith.constant 0 : i32
        %dma_wait3A_335 = tpu.memref_slice %arg6[%dma_wait3A_333, %dma_wait3A_334] : memref<2x120xi32, #tpu.memory_space<vmem>> -> memref<1x120xi32, #tpu.memory_space<vmem>>
        %dma_wait3A_336 = tpu.memref_squeeze %dma_wait3A_335 : memref<1x120xi32, #tpu.memory_space<vmem>> -> memref<120xi32, #tpu.memory_space<vmem>>
        %dma_wait3A_337 = arith.constant 0 : i32
        %dma_wait3A_338 = arith.constant 0 : i32
        %dma_wait3A_339 = tpu.memref_slice %arg2[%dma_wait3A_337, %dma_wait3A_338] : memref<10000x128xf32, #tpu.memory_space<hbm>> -> memref<10000x128xf32, #tpu.memory_space<hbm>>
        tpu.wait_indirect_dma semaphore(%arg21 : memref<!tpu.dma_semaphore, #tpu.memory_space<semaphore_mem>>) src(%dma_wait3A_339 : memref<10000x128xf32, #tpu.memory_space<hbm>>) dst(%arg18 : memref<120x128xf32, #tpu.memory_space<vmem>>)
        %dma_start3A_340 = arith.constant 1 : i32
        %dma_start3A_341 = arith.constant 0 : i32
        %dma_start3A_342 = tpu.memref_slice %arg6[%dma_start3A_340, %dma_start3A_341] : memref<2x120xi32, #tpu.memory_space<vmem>> -> memref<1x120xi32, #tpu.memory_space<vmem>>
        %dma_start3A_343 = tpu.memref_squeeze %dma_start3A_342 : memref<1x120xi32, #tpu.memory_space<vmem>> -> memref<120xi32, #tpu.memory_space<vmem>>
        %dma_start3A_344 = arith.constant 0 : i32
        %dma_start3A_345 = arith.constant 0 : i32
        %dma_start3A_346 = tpu.memref_slice %arg27[%dma_start3A_344, %dma_start3A_345] : memref<10240x128xf32, #tpu.memory_space<vmem_shared>> -> memref<10240x128xf32, #tpu.memory_space<vmem_shared>>
        tpu.enqueue_indirect_dma source(%arg18 : memref<120x128xf32, #tpu.memory_space<vmem>>) target(%dma_start3A_346 : memref<10240x128xf32, #tpu.memory_space<vmem_shared>>) offsets(%dma_start3A_343 : memref<120xi32, #tpu.memory_space<vmem>>) semaphore(%arg24 : memref<!tpu.dma_semaphore, #tpu.memory_space<semaphore_mem>>) {add = true}
      } else {
      }
      %add3A_209 = arith.addi %select_n3A_8, %add3A_192 : i32
      %dma_wait3A_210 = arith.constant 0 : i32
      %dma_wait3A_211 = arith.constant 0 : i32
      %dma_wait3A_212 = tpu.memref_slice %arg3[%add3A_209, %dma_wait3A_210, %dma_wait3A_211] : memref<2688x2x120xi32, #tpu.memory_space<hbm>> -> memref<1x2x120xi32, #tpu.memory_space<hbm>>
      %dma_wait3A_213 = tpu.memref_squeeze %dma_wait3A_212 : memref<1x2x120xi32, #tpu.memory_space<hbm>> -> memref<2x120xi32, #tpu.memory_space<hbm>>
      %dma_wait3A_214 = arith.constant 0 : i32
      %dma_wait3A_215 = arith.constant 0 : i32
      %dma_wait3A_216 = tpu.memref_slice %arg3[%add3A_209, %dma_wait3A_214, %dma_wait3A_215] : memref<2688x2x120xi32, #tpu.memory_space<hbm>> -> memref<1x2x120xi32, #tpu.memory_space<hbm>>
      %dma_wait3A_217 = tpu.memref_squeeze %dma_wait3A_216 : memref<1x2x120xi32, #tpu.memory_space<hbm>> -> memref<2x120xi32, #tpu.memory_space<hbm>>
      tpu.wait_dma2 semaphore(%arg14 : memref<!tpu.dma_semaphore, #tpu.memory_space<semaphore_mem>>) src(%dma_wait3A_217 : memref<2x120xi32, #tpu.memory_space<hbm>>) dst(%arg8 : memref<2x120xi32, #tpu.memory_space<vmem>>)
      %dma_start3A_218 = arith.constant 0 : i32
      %dma_start3A_219 = arith.constant 0 : i32
      %dma_start3A_220 = tpu.memref_slice %arg8[%dma_start3A_218, %dma_start3A_219] : memref<2x120xi32, #tpu.memory_space<vmem>> -> memref<1x120xi32, #tpu.memory_space<vmem>>
      %dma_start3A_221 = tpu.memref_squeeze %dma_start3A_220 : memref<1x120xi32, #tpu.memory_space<vmem>> -> memref<120xi32, #tpu.memory_space<vmem>>
      %dma_start3A_222 = arith.constant 0 : i32
      %dma_start3A_223 = arith.constant 0 : i32
      %dma_start3A_224 = tpu.memref_slice %arg2[%dma_start3A_222, %dma_start3A_223] : memref<10000x128xf32, #tpu.memory_space<hbm>> -> memref<10000x128xf32, #tpu.memory_space<hbm>>
      tpu.enqueue_indirect_dma source(%dma_start3A_224 : memref<10000x128xf32, #tpu.memory_space<hbm>>) target(%arg20 : memref<120x128xf32, #tpu.memory_space<vmem>>) offsets(%dma_start3A_221 : memref<120xi32, #tpu.memory_space<vmem>>) semaphore(%arg23 : memref<!tpu.dma_semaphore, #tpu.memory_space<semaphore_mem>>)
      %mul3A_225 = arith.constant 6 : i32
      %mul3A_226 = arith.muli %while3A_120, %mul3A_225 : i32
      %add3A_227 = arith.constant 3 : i32
      %add3A_228 = arith.addi %mul3A_226, %add3A_227 : i32
      %ge3A_229 = arith.constant 3 : i32
      %ge3A_230 = arith.cmpi sge, %add3A_228, %ge3A_229 : i32
      %convert_element_type3A_231 = arith.extui %ge3A_230 : i1 to i32
      %cond3A_232 = arith.constant 0 : i32
      %cond3A_233 = arith.cmpi ne, %convert_element_type3A_231, %cond3A_232 : i32
      scf.if %cond3A_233 {
        %dma_wait3A_333 = arith.constant 1 : i32
        %dma_wait3A_334 = arith.constant 0 : i32
        %dma_wait3A_335 = tpu.memref_slice %arg9[%dma_wait3A_333, %dma_wait3A_334] : memref<2x120xi32, #tpu.memory_space<vmem>> -> memref<1x120xi32, #tpu.memory_space<vmem>>
        %dma_wait3A_336 = tpu.memref_squeeze %dma_wait3A_335 : memref<1x120xi32, #tpu.memory_space<vmem>> -> memref<120xi32, #tpu.memory_space<vmem>>
        %dma_wait3A_337 = arith.constant 0 : i32
        %dma_wait3A_338 = arith.constant 0 : i32
        %dma_wait3A_339 = tpu.memref_slice %arg27[%dma_wait3A_337, %dma_wait3A_338] : memref<10240x128xf32, #tpu.memory_space<vmem_shared>> -> memref<10240x128xf32, #tpu.memory_space<vmem_shared>>
        tpu.wait_indirect_dma semaphore(%arg24 : memref<!tpu.dma_semaphore, #tpu.memory_space<semaphore_mem>>) src(%arg18 : memref<120x128xf32, #tpu.memory_space<vmem>>) dst(%dma_wait3A_339 : memref<10240x128xf32, #tpu.memory_space<vmem_shared>>)
      } else {
      }
      %add3A_234 = arith.constant 3 : i32
      %add3A_235 = arith.addi %add3A_228, %add3A_234 : i32
      %lt3A_236 = arith.cmpi slt, %add3A_235, %select_n3A : i32
      %convert_element_type3A_237 = arith.extui %lt3A_236 : i1 to i32
      %cond3A_238 = arith.constant 0 : i32
      %cond3A_239 = arith.cmpi ne, %convert_element_type3A_237, %cond3A_238 : i32
      scf.if %cond3A_239 {
        %add3A_333 = arith.addi %select_n3A_8, %add3A_228 : i32
        %add3A_334 = arith.constant 3 : i32
        %add3A_335 = arith.addi %add3A_333, %add3A_334 : i32
        %dma_start3A_336 = arith.constant 0 : i32
        %dma_start3A_337 = arith.constant 0 : i32
        %dma_start3A_338 = tpu.memref_slice %arg3[%add3A_335, %dma_start3A_336, %dma_start3A_337] : memref<2688x2x120xi32, #tpu.memory_space<hbm>> -> memref<1x2x120xi32, #tpu.memory_space<hbm>>
        %dma_start3A_339 = tpu.memref_squeeze %dma_start3A_338 : memref<1x2x120xi32, #tpu.memory_space<hbm>> -> memref<2x120xi32, #tpu.memory_space<hbm>>
        %dma_start3A_340 = arith.constant 0 : i32
        %dma_start3A_341 = arith.constant 0 : i32
        %dma_start3A_342 = tpu.memref_slice %arg3[%add3A_335, %dma_start3A_340, %dma_start3A_341] : memref<2688x2x120xi32, #tpu.memory_space<hbm>> -> memref<1x2x120xi32, #tpu.memory_space<hbm>>
        %dma_start3A_343 = tpu.memref_squeeze %dma_start3A_342 : memref<1x2x120xi32, #tpu.memory_space<hbm>> -> memref<2x120xi32, #tpu.memory_space<hbm>>
        tpu.enqueue_dma source(%dma_start3A_343 : memref<2x120xi32, #tpu.memory_space<hbm>>) target(%arg6 : memref<2x120xi32, #tpu.memory_space<vmem>>) target_semaphore(%arg12 : memref<!tpu.dma_semaphore, #tpu.memory_space<semaphore_mem>>)
      } else {
      }
      %ge3A_240 = arith.constant 2 : i32
      %ge3A_241 = arith.cmpi sge, %add3A_228, %ge3A_240 : i32
      %convert_element_type3A_242 = arith.extui %ge3A_241 : i1 to i32
      %cond3A_243 = arith.constant 0 : i32
      %cond3A_244 = arith.cmpi ne, %convert_element_type3A_242, %cond3A_243 : i32
      scf.if %cond3A_244 {
        %dma_wait3A_333 = arith.constant 0 : i32
        %dma_wait3A_334 = arith.constant 0 : i32
        %dma_wait3A_335 = tpu.memref_slice %arg7[%dma_wait3A_333, %dma_wait3A_334] : memref<2x120xi32, #tpu.memory_space<vmem>> -> memref<1x120xi32, #tpu.memory_space<vmem>>
        %dma_wait3A_336 = tpu.memref_squeeze %dma_wait3A_335 : memref<1x120xi32, #tpu.memory_space<vmem>> -> memref<120xi32, #tpu.memory_space<vmem>>
        %dma_wait3A_337 = arith.constant 0 : i32
        %dma_wait3A_338 = arith.constant 0 : i32
        %dma_wait3A_339 = tpu.memref_slice %arg2[%dma_wait3A_337, %dma_wait3A_338] : memref<10000x128xf32, #tpu.memory_space<hbm>> -> memref<10000x128xf32, #tpu.memory_space<hbm>>
        tpu.wait_indirect_dma semaphore(%arg22 : memref<!tpu.dma_semaphore, #tpu.memory_space<semaphore_mem>>) src(%dma_wait3A_339 : memref<10000x128xf32, #tpu.memory_space<hbm>>) dst(%arg19 : memref<120x128xf32, #tpu.memory_space<vmem>>)
        %dma_start3A_340 = arith.constant 1 : i32
        %dma_start3A_341 = arith.constant 0 : i32
        %dma_start3A_342 = tpu.memref_slice %arg7[%dma_start3A_340, %dma_start3A_341] : memref<2x120xi32, #tpu.memory_space<vmem>> -> memref<1x120xi32, #tpu.memory_space<vmem>>
        %dma_start3A_343 = tpu.memref_squeeze %dma_start3A_342 : memref<1x120xi32, #tpu.memory_space<vmem>> -> memref<120xi32, #tpu.memory_space<vmem>>
        %dma_start3A_344 = arith.constant 0 : i32
        %dma_start3A_345 = arith.constant 0 : i32
        %dma_start3A_346 = tpu.memref_slice %arg27[%dma_start3A_344, %dma_start3A_345] : memref<10240x128xf32, #tpu.memory_space<vmem_shared>> -> memref<10240x128xf32, #tpu.memory_space<vmem_shared>>
        tpu.enqueue_indirect_dma source(%arg19 : memref<120x128xf32, #tpu.memory_space<vmem>>) target(%dma_start3A_346 : memref<10240x128xf32, #tpu.memory_space<vmem_shared>>) offsets(%dma_start3A_343 : memref<120xi32, #tpu.memory_space<vmem>>) semaphore(%arg25 : memref<!tpu.dma_semaphore, #tpu.memory_space<semaphore_mem>>) {add = true}
      } else {
      }
      %add3A_245 = arith.addi %select_n3A_8, %add3A_228 : i32
      %dma_wait3A_246 = arith.constant 0 : i32
      %dma_wait3A_247 = arith.constant 0 : i32
      %dma_wait3A_248 = tpu.memref_slice %arg3[%add3A_245, %dma_wait3A_246, %dma_wait3A_247] : memref<2688x2x120xi32, #tpu.memory_space<hbm>> -> memref<1x2x120xi32, #tpu.memory_space<hbm>>
      %dma_wait3A_249 = tpu.memref_squeeze %dma_wait3A_248 : memref<1x2x120xi32, #tpu.memory_space<hbm>> -> memref<2x120xi32, #tpu.memory_space<hbm>>
      %dma_wait3A_250 = arith.constant 0 : i32
      %dma_wait3A_251 = arith.constant 0 : i32
      %dma_wait3A_252 = tpu.memref_slice %arg3[%add3A_245, %dma_wait3A_250, %dma_wait3A_251] : memref<2688x2x120xi32, #tpu.memory_space<hbm>> -> memref<1x2x120xi32, #tpu.memory_space<hbm>>
      %dma_wait3A_253 = tpu.memref_squeeze %dma_wait3A_252 : memref<1x2x120xi32, #tpu.memory_space<hbm>> -> memref<2x120xi32, #tpu.memory_space<hbm>>
      tpu.wait_dma2 semaphore(%arg15 : memref<!tpu.dma_semaphore, #tpu.memory_space<semaphore_mem>>) src(%dma_wait3A_253 : memref<2x120xi32, #tpu.memory_space<hbm>>) dst(%arg9 : memref<2x120xi32, #tpu.memory_space<vmem>>)
      %dma_start3A_254 = arith.constant 0 : i32
      %dma_start3A_255 = arith.constant 0 : i32
      %dma_start3A_256 = tpu.memref_slice %arg9[%dma_start3A_254, %dma_start3A_255] : memref<2x120xi32, #tpu.memory_space<vmem>> -> memref<1x120xi32, #tpu.memory_space<vmem>>
      %dma_start3A_257 = tpu.memref_squeeze %dma_start3A_256 : memref<1x120xi32, #tpu.memory_space<vmem>> -> memref<120xi32, #tpu.memory_space<vmem>>
      %dma_start3A_258 = arith.constant 0 : i32
      %dma_start3A_259 = arith.constant 0 : i32
      %dma_start3A_260 = tpu.memref_slice %arg2[%dma_start3A_258, %dma_start3A_259] : memref<10000x128xf32, #tpu.memory_space<hbm>> -> memref<10000x128xf32, #tpu.memory_space<hbm>>
      tpu.enqueue_indirect_dma source(%dma_start3A_260 : memref<10000x128xf32, #tpu.memory_space<hbm>>) target(%arg18 : memref<120x128xf32, #tpu.memory_space<vmem>>) offsets(%dma_start3A_257 : memref<120xi32, #tpu.memory_space<vmem>>) semaphore(%arg21 : memref<!tpu.dma_semaphore, #tpu.memory_space<semaphore_mem>>)
      %mul3A_261 = arith.constant 6 : i32
      %mul3A_262 = arith.muli %while3A_120, %mul3A_261 : i32
      %add3A_263 = arith.constant 4 : i32
      %add3A_264 = arith.addi %mul3A_262, %add3A_263 : i32
      %ge3A_265 = arith.constant 3 : i32
      %ge3A_266 = arith.cmpi sge, %add3A_264, %ge3A_265 : i32
      %convert_element_type3A_267 = arith.extui %ge3A_266 : i1 to i32
      %cond3A_268 = arith.constant 0 : i32
      %cond3A_269 = arith.cmpi ne, %convert_element_type3A_267, %cond3A_268 : i32
      scf.if %cond3A_269 {
        %dma_wait3A_333 = arith.constant 1 : i32
        %dma_wait3A_334 = arith.constant 0 : i32
        %dma_wait3A_335 = tpu.memref_slice %arg10[%dma_wait3A_333, %dma_wait3A_334] : memref<2x120xi32, #tpu.memory_space<vmem>> -> memref<1x120xi32, #tpu.memory_space<vmem>>
        %dma_wait3A_336 = tpu.memref_squeeze %dma_wait3A_335 : memref<1x120xi32, #tpu.memory_space<vmem>> -> memref<120xi32, #tpu.memory_space<vmem>>
        %dma_wait3A_337 = arith.constant 0 : i32
        %dma_wait3A_338 = arith.constant 0 : i32
        %dma_wait3A_339 = tpu.memref_slice %arg27[%dma_wait3A_337, %dma_wait3A_338] : memref<10240x128xf32, #tpu.memory_space<vmem_shared>> -> memref<10240x128xf32, #tpu.memory_space<vmem_shared>>
        tpu.wait_indirect_dma semaphore(%arg25 : memref<!tpu.dma_semaphore, #tpu.memory_space<semaphore_mem>>) src(%arg19 : memref<120x128xf32, #tpu.memory_space<vmem>>) dst(%dma_wait3A_339 : memref<10240x128xf32, #tpu.memory_space<vmem_shared>>)
      } else {
      }
      %add3A_270 = arith.constant 3 : i32
      %add3A_271 = arith.addi %add3A_264, %add3A_270 : i32
      %lt3A_272 = arith.cmpi slt, %add3A_271, %select_n3A : i32
      %convert_element_type3A_273 = arith.extui %lt3A_272 : i1 to i32
      %cond3A_274 = arith.constant 0 : i32
      %cond3A_275 = arith.cmpi ne, %convert_element_type3A_273, %cond3A_274 : i32
      scf.if %cond3A_275 {
        %add3A_333 = arith.addi %select_n3A_8, %add3A_264 : i32
        %add3A_334 = arith.constant 3 : i32
        %add3A_335 = arith.addi %add3A_333, %add3A_334 : i32
        %dma_start3A_336 = arith.constant 0 : i32
        %dma_start3A_337 = arith.constant 0 : i32
        %dma_start3A_338 = tpu.memref_slice %arg3[%add3A_335, %dma_start3A_336, %dma_start3A_337] : memref<2688x2x120xi32, #tpu.memory_space<hbm>> -> memref<1x2x120xi32, #tpu.memory_space<hbm>>
        %dma_start3A_339 = tpu.memref_squeeze %dma_start3A_338 : memref<1x2x120xi32, #tpu.memory_space<hbm>> -> memref<2x120xi32, #tpu.memory_space<hbm>>
        %dma_start3A_340 = arith.constant 0 : i32
        %dma_start3A_341 = arith.constant 0 : i32
        %dma_start3A_342 = tpu.memref_slice %arg3[%add3A_335, %dma_start3A_340, %dma_start3A_341] : memref<2688x2x120xi32, #tpu.memory_space<hbm>> -> memref<1x2x120xi32, #tpu.memory_space<hbm>>
        %dma_start3A_343 = tpu.memref_squeeze %dma_start3A_342 : memref<1x2x120xi32, #tpu.memory_space<hbm>> -> memref<2x120xi32, #tpu.memory_space<hbm>>
        tpu.enqueue_dma source(%dma_start3A_343 : memref<2x120xi32, #tpu.memory_space<hbm>>) target(%arg7 : memref<2x120xi32, #tpu.memory_space<vmem>>) target_semaphore(%arg13 : memref<!tpu.dma_semaphore, #tpu.memory_space<semaphore_mem>>)
      } else {
      }
      %ge3A_276 = arith.constant 2 : i32
      %ge3A_277 = arith.cmpi sge, %add3A_264, %ge3A_276 : i32
      %convert_element_type3A_278 = arith.extui %ge3A_277 : i1 to i32
      %cond3A_279 = arith.constant 0 : i32
      %cond3A_280 = arith.cmpi ne, %convert_element_type3A_278, %cond3A_279 : i32
      scf.if %cond3A_280 {
        %dma_wait3A_333 = arith.constant 0 : i32
        %dma_wait3A_334 = arith.constant 0 : i32
        %dma_wait3A_335 = tpu.memref_slice %arg8[%dma_wait3A_333, %dma_wait3A_334] : memref<2x120xi32, #tpu.memory_space<vmem>> -> memref<1x120xi32, #tpu.memory_space<vmem>>
        %dma_wait3A_336 = tpu.memref_squeeze %dma_wait3A_335 : memref<1x120xi32, #tpu.memory_space<vmem>> -> memref<120xi32, #tpu.memory_space<vmem>>
        %dma_wait3A_337 = arith.constant 0 : i32
        %dma_wait3A_338 = arith.constant 0 : i32
        %dma_wait3A_339 = tpu.memref_slice %arg2[%dma_wait3A_337, %dma_wait3A_338] : memref<10000x128xf32, #tpu.memory_space<hbm>> -> memref<10000x128xf32, #tpu.memory_space<hbm>>
        tpu.wait_indirect_dma semaphore(%arg23 : memref<!tpu.dma_semaphore, #tpu.memory_space<semaphore_mem>>) src(%dma_wait3A_339 : memref<10000x128xf32, #tpu.memory_space<hbm>>) dst(%arg20 : memref<120x128xf32, #tpu.memory_space<vmem>>)
        %dma_start3A_340 = arith.constant 1 : i32
        %dma_start3A_341 = arith.constant 0 : i32
        %dma_start3A_342 = tpu.memref_slice %arg8[%dma_start3A_340, %dma_start3A_341] : memref<2x120xi32, #tpu.memory_space<vmem>> -> memref<1x120xi32, #tpu.memory_space<vmem>>
        %dma_start3A_343 = tpu.memref_squeeze %dma_start3A_342 : memref<1x120xi32, #tpu.memory_space<vmem>> -> memref<120xi32, #tpu.memory_space<vmem>>
        %dma_start3A_344 = arith.constant 0 : i32
        %dma_start3A_345 = arith.constant 0 : i32
        %dma_start3A_346 = tpu.memref_slice %arg27[%dma_start3A_344, %dma_start3A_345] : memref<10240x128xf32, #tpu.memory_space<vmem_shared>> -> memref<10240x128xf32, #tpu.memory_space<vmem_shared>>
        tpu.enqueue_indirect_dma source(%arg20 : memref<120x128xf32, #tpu.memory_space<vmem>>) target(%dma_start3A_346 : memref<10240x128xf32, #tpu.memory_space<vmem_shared>>) offsets(%dma_start3A_343 : memref<120xi32, #tpu.memory_space<vmem>>) semaphore(%arg26 : memref<!tpu.dma_semaphore, #tpu.memory_space<semaphore_mem>>) {add = true}
      } else {
      }
      %add3A_281 = arith.addi %select_n3A_8, %add3A_264 : i32
      %dma_wait3A_282 = arith.constant 0 : i32
      %dma_wait3A_283 = arith.constant 0 : i32
      %dma_wait3A_284 = tpu.memref_slice %arg3[%add3A_281, %dma_wait3A_282, %dma_wait3A_283] : memref<2688x2x120xi32, #tpu.memory_space<hbm>> -> memref<1x2x120xi32, #tpu.memory_space<hbm>>
      %dma_wait3A_285 = tpu.memref_squeeze %dma_wait3A_284 : memref<1x2x120xi32, #tpu.memory_space<hbm>> -> memref<2x120xi32, #tpu.memory_space<hbm>>
      %dma_wait3A_286 = arith.constant 0 : i32
      %dma_wait3A_287 = arith.constant 0 : i32
      %dma_wait3A_288 = tpu.memref_slice %arg3[%add3A_281, %dma_wait3A_286, %dma_wait3A_287] : memref<2688x2x120xi32, #tpu.memory_space<hbm>> -> memref<1x2x120xi32, #tpu.memory_space<hbm>>
      %dma_wait3A_289 = tpu.memref_squeeze %dma_wait3A_288 : memref<1x2x120xi32, #tpu.memory_space<hbm>> -> memref<2x120xi32, #tpu.memory_space<hbm>>
      tpu.wait_dma2 semaphore(%arg16 : memref<!tpu.dma_semaphore, #tpu.memory_space<semaphore_mem>>) src(%dma_wait3A_289 : memref<2x120xi32, #tpu.memory_space<hbm>>) dst(%arg10 : memref<2x120xi32, #tpu.memory_space<vmem>>)
      %dma_start3A_290 = arith.constant 0 : i32
      %dma_start3A_291 = arith.constant 0 : i32
      %dma_start3A_292 = tpu.memref_slice %arg10[%dma_start3A_290, %dma_start3A_291] : memref<2x120xi32, #tpu.memory_space<vmem>> -> memref<1x120xi32, #tpu.memory_space<vmem>>
      %dma_start3A_293 = tpu.memref_squeeze %dma_start3A_292 : memref<1x120xi32, #tpu.memory_space<vmem>> -> memref<120xi32, #tpu.memory_space<vmem>>
      %dma_start3A_294 = arith.constant 0 : i32
      %dma_start3A_295 = arith.constant 0 : i32
      %dma_start3A_296 = tpu.memref_slice %arg2[%dma_start3A_294, %dma_start3A_295] : memref<10000x128xf32, #tpu.memory_space<hbm>> -> memref<10000x128xf32, #tpu.memory_space<hbm>>
      tpu.enqueue_indirect_dma source(%dma_start3A_296 : memref<10000x128xf32, #tpu.memory_space<hbm>>) target(%arg19 : memref<120x128xf32, #tpu.memory_space<vmem>>) offsets(%dma_start3A_293 : memref<120xi32, #tpu.memory_space<vmem>>) semaphore(%arg22 : memref<!tpu.dma_semaphore, #tpu.memory_space<semaphore_mem>>)
      %mul3A_297 = arith.constant 6 : i32
      %mul3A_298 = arith.muli %while3A_120, %mul3A_297 : i32
      %add3A_299 = arith.constant 5 : i32
      %add3A_300 = arith.addi %mul3A_298, %add3A_299 : i32
      %ge3A_301 = arith.constant 3 : i32
      %ge3A_302 = arith.cmpi sge, %add3A_300, %ge3A_301 : i32
      %convert_element_type3A_303 = arith.extui %ge3A_302 : i1 to i32
      %cond3A_304 = arith.constant 0 : i32
      %cond3A_305 = arith.cmpi ne, %convert_element_type3A_303, %cond3A_304 : i32
      scf.if %cond3A_305 {
        %dma_wait3A_333 = arith.constant 1 : i32
        %dma_wait3A_334 = arith.constant 0 : i32
        %dma_wait3A_335 = tpu.memref_slice %arg11[%dma_wait3A_333, %dma_wait3A_334] : memref<2x120xi32, #tpu.memory_space<vmem>> -> memref<1x120xi32, #tpu.memory_space<vmem>>
        %dma_wait3A_336 = tpu.memref_squeeze %dma_wait3A_335 : memref<1x120xi32, #tpu.memory_space<vmem>> -> memref<120xi32, #tpu.memory_space<vmem>>
        %dma_wait3A_337 = arith.constant 0 : i32
        %dma_wait3A_338 = arith.constant 0 : i32
        %dma_wait3A_339 = tpu.memref_slice %arg27[%dma_wait3A_337, %dma_wait3A_338] : memref<10240x128xf32, #tpu.memory_space<vmem_shared>> -> memref<10240x128xf32, #tpu.memory_space<vmem_shared>>
        tpu.wait_indirect_dma semaphore(%arg26 : memref<!tpu.dma_semaphore, #tpu.memory_space<semaphore_mem>>) src(%arg20 : memref<120x128xf32, #tpu.memory_space<vmem>>) dst(%dma_wait3A_339 : memref<10240x128xf32, #tpu.memory_space<vmem_shared>>)
      } else {
      }
      %add3A_306 = arith.constant 3 : i32
      %add3A_307 = arith.addi %add3A_300, %add3A_306 : i32
      %lt3A_308 = arith.cmpi slt, %add3A_307, %select_n3A : i32
      %convert_element_type3A_309 = arith.extui %lt3A_308 : i1 to i32
      %cond3A_310 = arith.constant 0 : i32
      %cond3A_311 = arith.cmpi ne, %convert_element_type3A_309, %cond3A_310 : i32
      scf.if %cond3A_311 {
        %add3A_333 = arith.addi %select_n3A_8, %add3A_300 : i32
        %add3A_334 = arith.constant 3 : i32
        %add3A_335 = arith.addi %add3A_333, %add3A_334 : i32
        %dma_start3A_336 = arith.constant 0 : i32
        %dma_start3A_337 = arith.constant 0 : i32
        %dma_start3A_338 = tpu.memref_slice %arg3[%add3A_335, %dma_start3A_336, %dma_start3A_337] : memref<2688x2x120xi32, #tpu.memory_space<hbm>> -> memref<1x2x120xi32, #tpu.memory_space<hbm>>
        %dma_start3A_339 = tpu.memref_squeeze %dma_start3A_338 : memref<1x2x120xi32, #tpu.memory_space<hbm>> -> memref<2x120xi32, #tpu.memory_space<hbm>>
        %dma_start3A_340 = arith.constant 0 : i32
        %dma_start3A_341 = arith.constant 0 : i32
        %dma_start3A_342 = tpu.memref_slice %arg3[%add3A_335, %dma_start3A_340, %dma_start3A_341] : memref<2688x2x120xi32, #tpu.memory_space<hbm>> -> memref<1x2x120xi32, #tpu.memory_space<hbm>>
        %dma_start3A_343 = tpu.memref_squeeze %dma_start3A_342 : memref<1x2x120xi32, #tpu.memory_space<hbm>> -> memref<2x120xi32, #tpu.memory_space<hbm>>
        tpu.enqueue_dma source(%dma_start3A_343 : memref<2x120xi32, #tpu.memory_space<hbm>>) target(%arg8 : memref<2x120xi32, #tpu.memory_space<vmem>>) target_semaphore(%arg14 : memref<!tpu.dma_semaphore, #tpu.memory_space<semaphore_mem>>)
      } else {
      }
      %ge3A_312 = arith.constant 2 : i32
      %ge3A_313 = arith.cmpi sge, %add3A_300, %ge3A_312 : i32
      %convert_element_type3A_314 = arith.extui %ge3A_313 : i1 to i32
      %cond3A_315 = arith.constant 0 : i32
      %cond3A_316 = arith.cmpi ne, %convert_element_type3A_314, %cond3A_315 : i32
      scf.if %cond3A_316 {
        %dma_wait3A_333 = arith.constant 0 : i32
        %dma_wait3A_334 = arith.constant 0 : i32
        %dma_wait3A_335 = tpu.memref_slice %arg9[%dma_wait3A_333, %dma_wait3A_334] : memref<2x120xi32, #tpu.memory_space<vmem>> -> memref<1x120xi32, #tpu.memory_space<vmem>>
        %dma_wait3A_336 = tpu.memref_squeeze %dma_wait3A_335 : memref<1x120xi32, #tpu.memory_space<vmem>> -> memref<120xi32, #tpu.memory_space<vmem>>
        %dma_wait3A_337 = arith.constant 0 : i32
        %dma_wait3A_338 = arith.constant 0 : i32
        %dma_wait3A_339 = tpu.memref_slice %arg2[%dma_wait3A_337, %dma_wait3A_338] : memref<10000x128xf32, #tpu.memory_space<hbm>> -> memref<10000x128xf32, #tpu.memory_space<hbm>>
        tpu.wait_indirect_dma semaphore(%arg21 : memref<!tpu.dma_semaphore, #tpu.memory_space<semaphore_mem>>) src(%dma_wait3A_339 : memref<10000x128xf32, #tpu.memory_space<hbm>>) dst(%arg18 : memref<120x128xf32, #tpu.memory_space<vmem>>)
        %dma_start3A_340 = arith.constant 1 : i32
        %dma_start3A_341 = arith.constant 0 : i32
        %dma_start3A_342 = tpu.memref_slice %arg9[%dma_start3A_340, %dma_start3A_341] : memref<2x120xi32, #tpu.memory_space<vmem>> -> memref<1x120xi32, #tpu.memory_space<vmem>>
        %dma_start3A_343 = tpu.memref_squeeze %dma_start3A_342 : memref<1x120xi32, #tpu.memory_space<vmem>> -> memref<120xi32, #tpu.memory_space<vmem>>
        %dma_start3A_344 = arith.constant 0 : i32
        %dma_start3A_345 = arith.constant 0 : i32
        %dma_start3A_346 = tpu.memref_slice %arg27[%dma_start3A_344, %dma_start3A_345] : memref<10240x128xf32, #tpu.memory_space<vmem_shared>> -> memref<10240x128xf32, #tpu.memory_space<vmem_shared>>
        tpu.enqueue_indirect_dma source(%arg18 : memref<120x128xf32, #tpu.memory_space<vmem>>) target(%dma_start3A_346 : memref<10240x128xf32, #tpu.memory_space<vmem_shared>>) offsets(%dma_start3A_343 : memref<120xi32, #tpu.memory_space<vmem>>) semaphore(%arg24 : memref<!tpu.dma_semaphore, #tpu.memory_space<semaphore_mem>>) {add = true}
      } else {
      }
      %add3A_317 = arith.addi %select_n3A_8, %add3A_300 : i32
      %dma_wait3A_318 = arith.constant 0 : i32
      %dma_wait3A_319 = arith.constant 0 : i32
      %dma_wait3A_320 = tpu.memref_slice %arg3[%add3A_317, %dma_wait3A_318, %dma_wait3A_319] : memref<2688x2x120xi32, #tpu.memory_space<hbm>> -> memref<1x2x120xi32, #tpu.memory_space<hbm>>
      %dma_wait3A_321 = tpu.memref_squeeze %dma_wait3A_320 : memref<1x2x120xi32, #tpu.memory_space<hbm>> -> memref<2x120xi32, #tpu.memory_space<hbm>>
      %dma_wait3A_322 = arith.constant 0 : i32
      %dma_wait3A_323 = arith.constant 0 : i32
      %dma_wait3A_324 = tpu.memref_slice %arg3[%add3A_317, %dma_wait3A_322, %dma_wait3A_323] : memref<2688x2x120xi32, #tpu.memory_space<hbm>> -> memref<1x2x120xi32, #tpu.memory_space<hbm>>
      %dma_wait3A_325 = tpu.memref_squeeze %dma_wait3A_324 : memref<1x2x120xi32, #tpu.memory_space<hbm>> -> memref<2x120xi32, #tpu.memory_space<hbm>>
      tpu.wait_dma2 semaphore(%arg17 : memref<!tpu.dma_semaphore, #tpu.memory_space<semaphore_mem>>) src(%dma_wait3A_325 : memref<2x120xi32, #tpu.memory_space<hbm>>) dst(%arg11 : memref<2x120xi32, #tpu.memory_space<vmem>>)
      %dma_start3A_326 = arith.constant 0 : i32
      %dma_start3A_327 = arith.constant 0 : i32
      %dma_start3A_328 = tpu.memref_slice %arg11[%dma_start3A_326, %dma_start3A_327] : memref<2x120xi32, #tpu.memory_space<vmem>> -> memref<1x120xi32, #tpu.memory_space<vmem>>
      %dma_start3A_329 = tpu.memref_squeeze %dma_start3A_328 : memref<1x120xi32, #tpu.memory_space<vmem>> -> memref<120xi32, #tpu.memory_space<vmem>>
      %dma_start3A_330 = arith.constant 0 : i32
      %dma_start3A_331 = arith.constant 0 : i32
      %dma_start3A_332 = tpu.memref_slice %arg2[%dma_start3A_330, %dma_start3A_331] : memref<10000x128xf32, #tpu.memory_space<hbm>> -> memref<10000x128xf32, #tpu.memory_space<hbm>>
      tpu.enqueue_indirect_dma source(%dma_start3A_332 : memref<10000x128xf32, #tpu.memory_space<hbm>>) target(%arg20 : memref<120x128xf32, #tpu.memory_space<vmem>>) offsets(%dma_start3A_329 : memref<120xi32, #tpu.memory_space<vmem>>) semaphore(%arg23 : memref<!tpu.dma_semaphore, #tpu.memory_space<semaphore_mem>>)
    }
    %dma_wait3A = arith.constant 0 : i32
    %dma_wait3A_67 = arith.constant 0 : i32
    %dma_wait3A_68 = tpu.memref_slice %arg10[%dma_wait3A, %dma_wait3A_67] : memref<2x120xi32, #tpu.memory_space<vmem>> -> memref<1x120xi32, #tpu.memory_space<vmem>>
    %dma_wait3A_69 = tpu.memref_squeeze %dma_wait3A_68 : memref<1x120xi32, #tpu.memory_space<vmem>> -> memref<120xi32, #tpu.memory_space<vmem>>
    %dma_wait3A_70 = arith.constant 0 : i32
    %dma_wait3A_71 = arith.constant 0 : i32
    %dma_wait3A_72 = tpu.memref_slice %arg2[%dma_wait3A_70, %dma_wait3A_71] : memref<10000x128xf32, #tpu.memory_space<hbm>> -> memref<10000x128xf32, #tpu.memory_space<hbm>>
    tpu.wait_indirect_dma semaphore(%arg22 : memref<!tpu.dma_semaphore, #tpu.memory_space<semaphore_mem>>) src(%dma_wait3A_72 : memref<10000x128xf32, #tpu.memory_space<hbm>>) dst(%arg19 : memref<120x128xf32, #tpu.memory_space<vmem>>)
    %dma_start3A_73 = arith.constant 1 : i32
    %dma_start3A_74 = arith.constant 0 : i32
    %dma_start3A_75 = tpu.memref_slice %arg10[%dma_start3A_73, %dma_start3A_74] : memref<2x120xi32, #tpu.memory_space<vmem>> -> memref<1x120xi32, #tpu.memory_space<vmem>>
    %dma_start3A_76 = tpu.memref_squeeze %dma_start3A_75 : memref<1x120xi32, #tpu.memory_space<vmem>> -> memref<120xi32, #tpu.memory_space<vmem>>
    %dma_start3A_77 = arith.constant 0 : i32
    %dma_start3A_78 = arith.constant 0 : i32
    %dma_start3A_79 = tpu.memref_slice %arg27[%dma_start3A_77, %dma_start3A_78] : memref<10240x128xf32, #tpu.memory_space<vmem_shared>> -> memref<10240x128xf32, #tpu.memory_space<vmem_shared>>
    tpu.enqueue_indirect_dma source(%arg19 : memref<120x128xf32, #tpu.memory_space<vmem>>) target(%dma_start3A_79 : memref<10240x128xf32, #tpu.memory_space<vmem_shared>>) offsets(%dma_start3A_76 : memref<120xi32, #tpu.memory_space<vmem>>) semaphore(%arg25 : memref<!tpu.dma_semaphore, #tpu.memory_space<semaphore_mem>>) {add = true}
    %dma_wait3A_80 = arith.constant 0 : i32
    %dma_wait3A_81 = arith.constant 0 : i32
    %dma_wait3A_82 = tpu.memref_slice %arg11[%dma_wait3A_80, %dma_wait3A_81] : memref<2x120xi32, #tpu.memory_space<vmem>> -> memref<1x120xi32, #tpu.memory_space<vmem>>
    %dma_wait3A_83 = tpu.memref_squeeze %dma_wait3A_82 : memref<1x120xi32, #tpu.memory_space<vmem>> -> memref<120xi32, #tpu.memory_space<vmem>>
    %dma_wait3A_84 = arith.constant 0 : i32
    %dma_wait3A_85 = arith.constant 0 : i32
    %dma_wait3A_86 = tpu.memref_slice %arg2[%dma_wait3A_84, %dma_wait3A_85] : memref<10000x128xf32, #tpu.memory_space<hbm>> -> memref<10000x128xf32, #tpu.memory_space<hbm>>
    tpu.wait_indirect_dma semaphore(%arg23 : memref<!tpu.dma_semaphore, #tpu.memory_space<semaphore_mem>>) src(%dma_wait3A_86 : memref<10000x128xf32, #tpu.memory_space<hbm>>) dst(%arg20 : memref<120x128xf32, #tpu.memory_space<vmem>>)
    %dma_start3A_87 = arith.constant 1 : i32
    %dma_start3A_88 = arith.constant 0 : i32
    %dma_start3A_89 = tpu.memref_slice %arg11[%dma_start3A_87, %dma_start3A_88] : memref<2x120xi32, #tpu.memory_space<vmem>> -> memref<1x120xi32, #tpu.memory_space<vmem>>
    %dma_start3A_90 = tpu.memref_squeeze %dma_start3A_89 : memref<1x120xi32, #tpu.memory_space<vmem>> -> memref<120xi32, #tpu.memory_space<vmem>>
    %dma_start3A_91 = arith.constant 0 : i32
    %dma_start3A_92 = arith.constant 0 : i32
    %dma_start3A_93 = tpu.memref_slice %arg27[%dma_start3A_91, %dma_start3A_92] : memref<10240x128xf32, #tpu.memory_space<vmem_shared>> -> memref<10240x128xf32, #tpu.memory_space<vmem_shared>>
    tpu.enqueue_indirect_dma source(%arg20 : memref<120x128xf32, #tpu.memory_space<vmem>>) target(%dma_start3A_93 : memref<10240x128xf32, #tpu.memory_space<vmem_shared>>) offsets(%dma_start3A_90 : memref<120xi32, #tpu.memory_space<vmem>>) semaphore(%arg26 : memref<!tpu.dma_semaphore, #tpu.memory_space<semaphore_mem>>) {add = true}
    %dma_wait3A_94 = arith.constant 1 : i32
    %dma_wait3A_95 = arith.constant 0 : i32
    %dma_wait3A_96 = tpu.memref_slice %arg9[%dma_wait3A_94, %dma_wait3A_95] : memref<2x120xi32, #tpu.memory_space<vmem>> -> memref<1x120xi32, #tpu.memory_space<vmem>>
    %dma_wait3A_97 = tpu.memref_squeeze %dma_wait3A_96 : memref<1x120xi32, #tpu.memory_space<vmem>> -> memref<120xi32, #tpu.memory_space<vmem>>
    %dma_wait3A_98 = arith.constant 0 : i32
    %dma_wait3A_99 = arith.constant 0 : i32
    %dma_wait3A_100 = tpu.memref_slice %arg27[%dma_wait3A_98, %dma_wait3A_99] : memref<10240x128xf32, #tpu.memory_space<vmem_shared>> -> memref<10240x128xf32, #tpu.memory_space<vmem_shared>>
    tpu.wait_indirect_dma semaphore(%arg24 : memref<!tpu.dma_semaphore, #tpu.memory_space<semaphore_mem>>) src(%arg18 : memref<120x128xf32, #tpu.memory_space<vmem>>) dst(%dma_wait3A_100 : memref<10240x128xf32, #tpu.memory_space<vmem_shared>>)
    %dma_wait3A_101 = arith.constant 1 : i32
    %dma_wait3A_102 = arith.constant 0 : i32
    %dma_wait3A_103 = tpu.memref_slice %arg10[%dma_wait3A_101, %dma_wait3A_102] : memref<2x120xi32, #tpu.memory_space<vmem>> -> memref<1x120xi32, #tpu.memory_space<vmem>>
    %dma_wait3A_104 = tpu.memref_squeeze %dma_wait3A_103 : memref<1x120xi32, #tpu.memory_space<vmem>> -> memref<120xi32, #tpu.memory_space<vmem>>
    %dma_wait3A_105 = arith.constant 0 : i32
    %dma_wait3A_106 = arith.constant 0 : i32
    %dma_wait3A_107 = tpu.memref_slice %arg27[%dma_wait3A_105, %dma_wait3A_106] : memref<10240x128xf32, #tpu.memory_space<vmem_shared>> -> memref<10240x128xf32, #tpu.memory_space<vmem_shared>>
    tpu.wait_indirect_dma semaphore(%arg25 : memref<!tpu.dma_semaphore, #tpu.memory_space<semaphore_mem>>) src(%arg19 : memref<120x128xf32, #tpu.memory_space<vmem>>) dst(%dma_wait3A_107 : memref<10240x128xf32, #tpu.memory_space<vmem_shared>>)
    %dma_wait3A_108 = arith.constant 1 : i32
    %dma_wait3A_109 = arith.constant 0 : i32
    %dma_wait3A_110 = tpu.memref_slice %arg11[%dma_wait3A_108, %dma_wait3A_109] : memref<2x120xi32, #tpu.memory_space<vmem>> -> memref<1x120xi32, #tpu.memory_space<vmem>>
    %dma_wait3A_111 = tpu.memref_squeeze %dma_wait3A_110 : memref<1x120xi32, #tpu.memory_space<vmem>> -> memref<120xi32, #tpu.memory_space<vmem>>
    %dma_wait3A_112 = arith.constant 0 : i32
    %dma_wait3A_113 = arith.constant 0 : i32
    %dma_wait3A_114 = tpu.memref_slice %arg27[%dma_wait3A_112, %dma_wait3A_113] : memref<10240x128xf32, #tpu.memory_space<vmem_shared>> -> memref<10240x128xf32, #tpu.memory_space<vmem_shared>>
    tpu.wait_indirect_dma semaphore(%arg26 : memref<!tpu.dma_semaphore, #tpu.memory_space<semaphore_mem>>) src(%arg20 : memref<120x128xf32, #tpu.memory_space<vmem>>) dst(%dma_wait3A_114 : memref<10240x128xf32, #tpu.memory_space<vmem_shared>>)
    %barrier3A_115 = arith.constant 0 : index
    tpu.barrier barrier_id(%barrier3A_115)
    %mul3A_116 = arith.constant 640 : i32
    %mul3A_117 = arith.muli %arg1, %mul3A_116 : i32
    %mul3A_118 = arith.constant 640 : i32
    %mul3A_119 = arith.muli %arg1, %mul3A_118 : i32
    "tpu.region"() ({
      %run_scoped3A = tpu.sem_alloc : memref<!tpu.dma_semaphore, #tpu.memory_space<semaphore_mem>>
      %dma_start3A_120 = arith.constant 0 : i32
      %dma_start3A_121 = tpu.memref_slice %arg5[%arg0, %mul3A_119, %dma_start3A_120] : memref<2x10240x128xf32, #tpu.memory_space<hbm>> -> memref<1x640x128xf32, #tpu.memory_space<hbm>>
      %dma_start3A_122 = tpu.memref_squeeze %dma_start3A_121 : memref<1x640x128xf32, #tpu.memory_space<hbm>> -> memref<640x128xf32, #tpu.memory_space<hbm>>
      %dma_start3A_123 = arith.constant 0 : i32
      %dma_start3A_124 = tpu.memref_slice %arg27[%mul3A_117, %dma_start3A_123] : memref<10240x128xf32, #tpu.memory_space<vmem_shared>> -> memref<640x128xf32, #tpu.memory_space<vmem_shared>>
      tpu.enqueue_dma source(%dma_start3A_124 : memref<640x128xf32, #tpu.memory_space<vmem_shared>>) target(%dma_start3A_122 : memref<640x128xf32, #tpu.memory_space<hbm>>) target_semaphore(%run_scoped3A : memref<!tpu.dma_semaphore, #tpu.memory_space<semaphore_mem>>)
      %dma_wait3A_125 = arith.constant 0 : i32
      %dma_wait3A_126 = tpu.memref_slice %arg5[%arg0, %mul3A_119, %dma_wait3A_125] : memref<2x10240x128xf32, #tpu.memory_space<hbm>> -> memref<1x640x128xf32, #tpu.memory_space<hbm>>
      %dma_wait3A_127 = tpu.memref_squeeze %dma_wait3A_126 : memref<1x640x128xf32, #tpu.memory_space<hbm>> -> memref<640x128xf32, #tpu.memory_space<hbm>>
      %dma_wait3A_128 = arith.constant 0 : i32
      %dma_wait3A_129 = tpu.memref_slice %arg27[%mul3A_117, %dma_wait3A_128] : memref<10240x128xf32, #tpu.memory_space<vmem_shared>> -> memref<640x128xf32, #tpu.memory_space<vmem_shared>>
      tpu.wait_dma2 semaphore(%run_scoped3A : memref<!tpu.dma_semaphore, #tpu.memory_space<semaphore_mem>>) src(%dma_wait3A_129 : memref<640x128xf32, #tpu.memory_space<vmem_shared>>) dst(%dma_wait3A_127 : memref<640x128xf32, #tpu.memory_space<hbm>>)
      tpu.yield
    }) : () -> ()
    return
  }
}

module attributes {stable_mosaic.version = 14 : i64} {
  func.func @_t1_body(%arg0: i32, %arg1: memref<1000x128xf32, #tpu.memory_space<vmem>>, %arg2: memref<128x128xf32, #tpu.memory_space<vmem>>, %arg3: memref<2x1000x128xf32, #tpu.memory_space<vmem>>, %arg4: memref<1000x128xf32, #tpu.memory_space<vmem>>, %arg5: memref<1000x128xf32, #tpu.memory_space<vmem>>) attributes {dimension_semantics = [#tpu.dimension_semantics<arbitrary>], iteration_bounds = array<i64: 10>, scalar_prefetch = 0 : i64, scratch_operands = 0 : i64, tpu.core_type = #tpu.core_type<tc>, window_params = [{transform_indices = @transform_0, window_bounds = array<i64: 1000, 128>}, {pipeline_mode = #tpu.pipeline_mode<synchronous>, transform_indices = @transform_1, window_bounds = array<i64: 128, 128>}, {transform_indices = @transform_2, window_bounds = array<i64: 2, 1000, 128>}, {transform_indices = @transform_3, window_bounds = array<i64: 1000, 128>}, {transform_indices = @transform_4, window_bounds = array<i64: 1000, 128>}]} {
    %get3A = arith.constant 0 : index
    %get3A_0 = arith.constant 0 : index
    %get3A_1 = arith.constant 0 : index
    %get3A_2 = vector.load %arg3[%get3A, %get3A_0, %get3A_1] : memref<2x1000x128xf32, #tpu.memory_space<vmem>>, vector<1x1000x1xf32>
    %get3A_3 = vector.shape_cast %get3A_2 : vector<1x1000x1xf32> to vector<1000xf32>
    %get3A_4 = arith.constant 1 : index
    %get3A_5 = arith.constant 0 : index
    %get3A_6 = arith.constant 0 : index
    %get3A_7 = vector.load %arg3[%get3A_4, %get3A_5, %get3A_6] : memref<2x1000x128xf32, #tpu.memory_space<vmem>>, vector<1x1000x1xf32>
    %get3A_8 = vector.shape_cast %get3A_7 : vector<1x1000x1xf32> to vector<1000xf32>
    %add3A = arith.addf %get3A_3, %get3A_8 : vector<1000xf32>
    %add3A_9 = arith.constant 1.000000e+00 : f32
    %add3A_10 = vector.broadcast %add3A_9 : f32 to vector<1000xf32>
    %add3A_11 = arith.addf %add3A, %add3A_10 : vector<1000xf32>
    %rsqrt3A = math.rsqrt %add3A_11 : vector<1000xf32>
    %broadcast_in_dim3A = vector.shape_cast %rsqrt3A : vector<1000xf32> to vector<1000x1xf32>
    %broadcast_in_dim3A_12 = vector.shape_cast %broadcast_in_dim3A : vector<1000x1xf32> to vector<1000x1xf32>
    %broadcast_in_dim3A_13 = vector.broadcast %broadcast_in_dim3A_12 : vector<1000x1xf32> to vector<1000x128xf32>
    %get3A_14 = arith.constant 0 : index
    %get3A_15 = arith.constant 0 : index
    %get3A_16 = vector.load %arg1[%get3A_14, %get3A_15] : memref<1000x128xf32, #tpu.memory_space<vmem>>, vector<1000x128xf32>
    %get3A_17 = arith.constant 0 : index
    %get3A_18 = arith.constant 0 : index
    %get3A_19 = vector.load %arg2[%get3A_17, %get3A_18] : memref<128x128xf32, #tpu.memory_space<vmem>>, vector<128x128xf32>
    %dot_general3A = arith.constant dense<0.000000e+00> : vector<1000x128xf32>
    %dot_general3A_20 = tpu.matmul %get3A_16, %get3A_19, %dot_general3A {dimension_numbers = #tpu.dot_dimension_numbers<[1], [0], [0], [1], [0, 0, 1, 1], [], []>, transpose_lhs_hint = false} : vector<1000x128xf32>, vector<128x128xf32>, vector<1000x128xf32> -> vector<1000x128xf32>
    %mul3A = arith.mulf %broadcast_in_dim3A_13, %dot_general3A_20 : vector<1000x128xf32>
    %swap3A = arith.constant 0 : index
    %swap3A_21 = arith.constant 0 : index
    %swap3A_22 = vector.load %arg4[%swap3A, %swap3A_21] : memref<1000x128xf32, #tpu.memory_space<vmem>>, vector<1000x128xf32>
    tpu.vector_store %arg4[%swap3A, %swap3A_21], %mul3A {strides = array<i32>} : memref<1000x128xf32, #tpu.memory_space<vmem>>, vector<1000x128xf32>,
    %swap3A_23 = arith.constant 0 : index
    %swap3A_24 = arith.constant 0 : index
    %swap3A_25 = vector.load %arg5[%swap3A_23, %swap3A_24] : memref<1000x128xf32, #tpu.memory_space<vmem>>, vector<1000x128xf32>
    tpu.vector_store %arg5[%swap3A_23, %swap3A_24], %broadcast_in_dim3A_13 {strides = array<i32>} : memref<1000x128xf32, #tpu.memory_space<vmem>>, vector<1000x128xf32>,
    return
  }
  func.func @transform_0(%arg0: i32) -> (i32, i32) {
    %c0_i32 = arith.constant 0 : i32
    %c0_i32_0 = arith.constant 0 : i32
    return %arg0, %c0_i32 : i32, i32
  }
  func.func @transform_1(%arg0: i32) -> (i32, i32) {
    %c0_i32 = arith.constant 0 : i32
    %c0_i32_0 = arith.constant 0 : i32
    %c0_i32_1 = arith.constant 0 : i32
    return %c0_i32, %c0_i32_0 : i32, i32
  }
  func.func @transform_2(%arg0: i32) -> (i32, i32, i32) {
    %c0_i32 = arith.constant 0 : i32
    %c0_i32_0 = arith.constant 0 : i32
    %c0_i32_1 = arith.constant 0 : i32
    return %c0_i32, %arg0, %c0_i32_0 : i32, i32, i32
  }
  func.func @transform_3(%arg0: i32) -> (i32, i32) {
    %c0_i32 = arith.constant 0 : i32
    %c0_i32_0 = arith.constant 0 : i32
    return %arg0, %c0_i32 : i32, i32
  }
  func.func @transform_4(%arg0: i32) -> (i32, i32) {
    %c0_i32 = arith.constant 0 : i32
    %c0_i32_0 = arith.constant 0 : i32
    return %arg0, %c0_i32 : i32, i32
  }
}

module attributes {stable_mosaic.version = 14 : i64} {
  func.func @_t2_body(%arg0: i32, %arg1: memref<2x1000x128xf32, #tpu.memory_space<vmem>>, %arg2: memref<1000x128xf32, #tpu.memory_space<vmem>>, %arg3: memref<1000x128xf32, #tpu.memory_space<vmem>>, %arg4: memref<1x128xf32, #tpu.memory_space<vmem>>, %arg5: memref<128x128xf32, #tpu.memory_space<vmem>>, %arg6: memref<1000x128xf32, #tpu.memory_space<vmem>>) attributes {dimension_semantics = [#tpu.dimension_semantics<arbitrary>], iteration_bounds = array<i64: 10>, scalar_prefetch = 0 : i64, scratch_operands = 0 : i64, tpu.core_type = #tpu.core_type<tc>, window_params = [{transform_indices = @transform_0, window_bounds = array<i64: 2, 1000, 128>}, {transform_indices = @transform_1, window_bounds = array<i64: 1000, 128>}, {transform_indices = @transform_2, window_bounds = array<i64: 1000, 128>}, {pipeline_mode = #tpu.pipeline_mode<synchronous>, transform_indices = @transform_3, window_bounds = array<i64: 1, 128>}, {pipeline_mode = #tpu.pipeline_mode<synchronous>, transform_indices = @transform_4, window_bounds = array<i64: 128, 128>}, {transform_indices = @transform_5, window_bounds = array<i64: 1000, 128>}]} {
    %get3A = arith.constant 0 : index
    %get3A_0 = arith.constant 0 : index
    %get3A_1 = arith.constant 0 : index
    %get3A_2 = vector.load %arg1[%get3A, %get3A_0, %get3A_1] : memref<2x1000x128xf32, #tpu.memory_space<vmem>>, vector<1x1000x128xf32>
    %get3A_3 = vector.shape_cast %get3A_2 : vector<1x1000x128xf32> to vector<1000x128xf32>
    %get3A_4 = arith.constant 1 : index
    %get3A_5 = arith.constant 0 : index
    %get3A_6 = arith.constant 0 : index
    %get3A_7 = vector.load %arg1[%get3A_4, %get3A_5, %get3A_6] : memref<2x1000x128xf32, #tpu.memory_space<vmem>>, vector<1x1000x128xf32>
    %get3A_8 = vector.shape_cast %get3A_7 : vector<1x1000x128xf32> to vector<1000x128xf32>
    %add3A = arith.addf %get3A_3, %get3A_8 : vector<1000x128xf32>
    %get3A_9 = arith.constant 0 : index
    %get3A_10 = arith.constant 0 : index
    %get3A_11 = vector.load %arg2[%get3A_9, %get3A_10] : memref<1000x128xf32, #tpu.memory_space<vmem>>, vector<1000x128xf32>
    %add3A_12 = arith.addf %add3A, %get3A_11 : vector<1000x128xf32>
    %get3A_13 = arith.constant 0 : index
    %get3A_14 = arith.constant 0 : index
    %get3A_15 = vector.load %arg3[%get3A_13, %get3A_14] : memref<1000x128xf32, #tpu.memory_space<vmem>>, vector<1000x128xf32>
    %mul3A = arith.mulf %get3A_15, %add3A_12 : vector<1000x128xf32>
    %get3A_16 = arith.constant 0 : index
    %get3A_17 = arith.constant 0 : index
    %get3A_18 = vector.load %arg4[%get3A_16, %get3A_17] : memref<1x128xf32, #tpu.memory_space<vmem>>, vector<1x128xf32>
    %add3A_19 = vector.broadcast %get3A_18 : vector<1x128xf32> to vector<1000x128xf32>
    %add3A_20 = arith.addf %mul3A, %add3A_19 : vector<1000x128xf32>
    %max3A = arith.constant 0.000000e+00 : f32
    %max3A_21 = vector.broadcast %max3A : f32 to vector<1000x128xf32>
    %max3A_22 = arith.maximumf %add3A_20, %max3A_21 : vector<1000x128xf32>
    %get3A_23 = arith.constant 0 : index
    %get3A_24 = arith.constant 0 : index
    %get3A_25 = vector.load %arg3[%get3A_23, %get3A_24] : memref<1000x128xf32, #tpu.memory_space<vmem>>, vector<1000x128xf32>
    %get3A_26 = arith.constant 0 : index
    %get3A_27 = arith.constant 0 : index
    %get3A_28 = vector.load %arg5[%get3A_26, %get3A_27] : memref<128x128xf32, #tpu.memory_space<vmem>>, vector<128x128xf32>
    %dot_general3A = arith.constant dense<0.000000e+00> : vector<1000x128xf32>
    %dot_general3A_29 = tpu.matmul %max3A_22, %get3A_28, %dot_general3A {dimension_numbers = #tpu.dot_dimension_numbers<[1], [0], [0], [1], [0, 0, 1, 1], [], []>, transpose_lhs_hint = false} : vector<1000x128xf32>, vector<128x128xf32>, vector<1000x128xf32> -> vector<1000x128xf32>
    %mul3A_30 = arith.mulf %get3A_25, %dot_general3A_29 : vector<1000x128xf32>
    %swap3A = arith.constant 0 : index
    %swap3A_31 = arith.constant 0 : index
    %swap3A_32 = vector.load %arg6[%swap3A, %swap3A_31] : memref<1000x128xf32, #tpu.memory_space<vmem>>, vector<1000x128xf32>
    tpu.vector_store %arg6[%swap3A, %swap3A_31], %mul3A_30 {strides = array<i32>} : memref<1000x128xf32, #tpu.memory_space<vmem>>, vector<1000x128xf32>,
    return
  }
  func.func @transform_0(%arg0: i32) -> (i32, i32, i32) {
    %c0_i32 = arith.constant 0 : i32
    %c0_i32_0 = arith.constant 0 : i32
    %c0_i32_1 = arith.constant 0 : i32
    return %c0_i32, %arg0, %c0_i32_0 : i32, i32, i32
  }
  func.func @transform_1(%arg0: i32) -> (i32, i32) {
    %c0_i32 = arith.constant 0 : i32
    %c0_i32_0 = arith.constant 0 : i32
    return %arg0, %c0_i32 : i32, i32
  }
  func.func @transform_2(%arg0: i32) -> (i32, i32) {
    %c0_i32 = arith.constant 0 : i32
    %c0_i32_0 = arith.constant 0 : i32
    return %arg0, %c0_i32 : i32, i32
  }
  func.func @transform_3(%arg0: i32) -> (i32, i32) {
    %c0_i32 = arith.constant 0 : i32
    %c0_i32_0 = arith.constant 0 : i32
    %c0_i32_1 = arith.constant 0 : i32
    return %c0_i32, %c0_i32_0 : i32, i32
  }
  func.func @transform_4(%arg0: i32) -> (i32, i32) {
    %c0_i32 = arith.constant 0 : i32
    %c0_i32_0 = arith.constant 0 : i32
    %c0_i32_1 = arith.constant 0 : i32
    return %c0_i32, %c0_i32_0 : i32, i32
  }
  func.func @transform_5(%arg0: i32) -> (i32, i32) {
    %c0_i32 = arith.constant 0 : i32
    %c0_i32_0 = arith.constant 0 : i32
    return %arg0, %c0_i32 : i32, i32
  }
}

module attributes {stable_mosaic.version = 14 : i64} {
  func.func @_t3_body(%arg0: i32, %arg1: memref<2x1000x128xf32, #tpu.memory_space<vmem>>, %arg2: memref<1000x128xf32, #tpu.memory_space<vmem>>, %arg3: memref<1000x128xf32, #tpu.memory_space<vmem>>, %arg4: memref<1x128xf32, #tpu.memory_space<vmem>>, %arg5: memref<1000x128xf32, #tpu.memory_space<vmem>>) attributes {dimension_semantics = [#tpu.dimension_semantics<arbitrary>], iteration_bounds = array<i64: 10>, scalar_prefetch = 0 : i64, scratch_operands = 0 : i64, tpu.core_type = #tpu.core_type<tc>, window_params = [{transform_indices = @transform_0, window_bounds = array<i64: 2, 1000, 128>}, {transform_indices = @transform_1, window_bounds = array<i64: 1000, 128>}, {transform_indices = @transform_2, window_bounds = array<i64: 1000, 128>}, {pipeline_mode = #tpu.pipeline_mode<synchronous>, transform_indices = @transform_3, window_bounds = array<i64: 1, 128>}, {transform_indices = @transform_4, window_bounds = array<i64: 1000, 128>}]} {
    %get3A = arith.constant 0 : index
    %get3A_0 = arith.constant 0 : index
    %get3A_1 = arith.constant 0 : index
    %get3A_2 = vector.load %arg1[%get3A, %get3A_0, %get3A_1] : memref<2x1000x128xf32, #tpu.memory_space<vmem>>, vector<1x1000x128xf32>
    %get3A_3 = vector.shape_cast %get3A_2 : vector<1x1000x128xf32> to vector<1000x128xf32>
    %get3A_4 = arith.constant 1 : index
    %get3A_5 = arith.constant 0 : index
    %get3A_6 = arith.constant 0 : index
    %get3A_7 = vector.load %arg1[%get3A_4, %get3A_5, %get3A_6] : memref<2x1000x128xf32, #tpu.memory_space<vmem>>, vector<1x1000x128xf32>
    %get3A_8 = vector.shape_cast %get3A_7 : vector<1x1000x128xf32> to vector<1000x128xf32>
    %add3A = arith.addf %get3A_3, %get3A_8 : vector<1000x128xf32>
    %get3A_9 = arith.constant 0 : index
    %get3A_10 = arith.constant 0 : index
    %get3A_11 = vector.load %arg2[%get3A_9, %get3A_10] : memref<1000x128xf32, #tpu.memory_space<vmem>>, vector<1000x128xf32>
    %add3A_12 = arith.addf %add3A, %get3A_11 : vector<1000x128xf32>
    %get3A_13 = arith.constant 0 : index
    %get3A_14 = arith.constant 0 : index
    %get3A_15 = vector.load %arg3[%get3A_13, %get3A_14] : memref<1000x128xf32, #tpu.memory_space<vmem>>, vector<1000x128xf32>
    %mul3A = arith.mulf %get3A_15, %add3A_12 : vector<1000x128xf32>
    %get3A_16 = arith.constant 0 : index
    %get3A_17 = arith.constant 0 : index
    %get3A_18 = vector.load %arg4[%get3A_16, %get3A_17] : memref<1x128xf32, #tpu.memory_space<vmem>>, vector<1x128xf32>
    %add3A_19 = vector.broadcast %get3A_18 : vector<1x128xf32> to vector<1000x128xf32>
    %add3A_20 = arith.addf %mul3A, %add3A_19 : vector<1000x128xf32>
    %max3A = arith.constant 0.000000e+00 : f32
    %max3A_21 = vector.broadcast %max3A : f32 to vector<1000x128xf32>
    %max3A_22 = arith.maximumf %add3A_20, %max3A_21 : vector<1000x128xf32>
    %swap3A = arith.constant 0 : index
    %swap3A_23 = arith.constant 0 : index
    %swap3A_24 = vector.load %arg5[%swap3A, %swap3A_23] : memref<1000x128xf32, #tpu.memory_space<vmem>>, vector<1000x128xf32>
    tpu.vector_store %arg5[%swap3A, %swap3A_23], %max3A_22 {strides = array<i32>} : memref<1000x128xf32, #tpu.memory_space<vmem>>, vector<1000x128xf32>,
    return
  }
  func.func @transform_0(%arg0: i32) -> (i32, i32, i32) {
    %c0_i32 = arith.constant 0 : i32
    %c0_i32_0 = arith.constant 0 : i32
    %c0_i32_1 = arith.constant 0 : i32
    return %c0_i32, %arg0, %c0_i32_0 : i32, i32, i32
  }
  func.func @transform_1(%arg0: i32) -> (i32, i32) {
    %c0_i32 = arith.constant 0 : i32
    %c0_i32_0 = arith.constant 0 : i32
    return %arg0, %c0_i32 : i32, i32
  }
  func.func @transform_2(%arg0: i32) -> (i32, i32) {
    %c0_i32 = arith.constant 0 : i32
    %c0_i32_0 = arith.constant 0 : i32
    return %arg0, %c0_i32 : i32, i32
  }
  func.func @transform_3(%arg0: i32) -> (i32, i32) {
    %c0_i32 = arith.constant 0 : i32
    %c0_i32_0 = arith.constant 0 : i32
    %c0_i32_1 = arith.constant 0 : i32
    return %c0_i32, %c0_i32_0 : i32, i32
  }
  func.func @transform_4(%arg0: i32) -> (i32, i32) {
    %c0_i32 = arith.constant 0 : i32
    %c0_i32_0 = arith.constant 0 : i32
    return %arg0, %c0_i32 : i32, i32
  }
}

</mosaic_0001>

<sc_bundles>
// kernel: kernel.11.cloned.1.call-start
scs
__scs_entry_jumppad:
0x0: {  	(pc) =	sbr.rel $0x88, $3  }
0x1: {  	(tag) =	ssettag $0x0;
	lr =	simm.s32 $0x1  }
0x2: {  	[smem:$0x3F9B] =	sst lr;
	_ =	strace $0xD0000000  }
0x3: {  	_ = 	snop  }
0x4: {  	_ = 	snop  }
0x5: {  	_ = 	snop  }
0x6: {  	_ = 	snop  }
0x7: {  	_ = 	snop  }
__scs_overlays_trampoline_lowered:
0x8: {  	[smem:$0x3FAA] =	sst s0  }
0x9: {  	[smem:$0x3FAB] =	sst s1  }
0xa: {  	[smem:$0x3FAC] =	sst s2  }
0xb: {  	[smem:$0x3FAD] =	sst s3  }
0xc: {  	[smem:$0x3FAE] =	sst s4  }
0xd: {  	[smem:$0x3FAF] =	sst s5  }
0xe: {  	[smem:$0x3FB0] =	sst s6  }
0xf: {  	[smem:$0x3FB1] =	sst s7  }
0x10: {  	[smem:$0x3FB2] =	sst s8  }
0x11: {  	[smem:$0x3FB3] =	sst s9;
	s0 =	simm.s32 @!p0 $0x0  }
0x12: {  	s1 =	sld [smem:$0x3F99];
	s0 =	simm.s32 @p0 $0x1  }
0x13: {  	[smem:$0x3FB4] =	sst s0;
	s0 =	simm.s32 @!p1 $0x0  }
0x14: {  	s2 =	sld [smem:$0x3F98];
	s0 =	simm.s32 @p1 $0x1  }
0x15: {  	[smem:$0x3FB5] =	sst s0;
	s0 =	simm.s32 @!p2 $0x0  }
0x16: {  	s3 =	sld [smem:$0x3FDB];
	s0 =	simm.s32 @p2 $0x1  }
0x17: {  	s4 =	simm.s32 $0x1BF5;
	[smem:$0x3FB7] =	sst s0  }
0x18: {  	s0 =	sld [smem:$0x3F9A];
	_ =	swait.ge [sflag:s4], $0x0  }
0x19: {  	s7 =	sld [smem:$0x3F9B]  }
0x1a: {  	s8 =	sadd.s32 $0xFFFFE003, lr  }
0x1b: {  	s9 =	sadd.s32 $0xFFFFFEF7, lr;
	s5 =	simm.s32 $0xFFFFFFFF;
	p2 =	slt.u32 s8, $0xFFFFF086  }
0x1c: {  	p1 =	slt.u32 s9, $0xF7A;
	s5 =	simm.s32 @!p2 $0x0  }
0x1d: {  	s5 =	simm.s32 @p1 $0x1;
	p0 =	seq.s32 s7, s2  }
0x1e: {  	s7 =	smul.u32 @!p0 $0xF7A, s2;
	p2 =	seq.s32 @!p0 s5, $0x0  }
0x1f: {  	s9 =	smul.u32 $0xF7A, s1;
	s8 =	simm.s32 @!p0 $0x1BF5;
	p2 =	por !p2, p0  }
0x20: {  	[sflag:s8] =	ssyncset.s32 @!p0 $0xFFFFF086;
	s6 =	sadd.s32 @!p0 s3, s7;
	s7 =	simm.s32 @!p0 $0x108  }
0x21: {  	s3 =	sadd.s32 s3, s9;
	s6 =	sadd.s32 @!p0 $0x88, s6;
	s7 =	simm.s32 @p2 $0x1082  }
0x22: {  	[simem:s7], [sflag:s8] =	dma.local @!p0 [hbm:s6], $0xF7A  }
0x23: {  	s9 =	sor.u32 $0xD0000000, s2;
	s6 =	simm.s32 $0x108;
	_ =	swait.ge @!p0 [sflag:s8], $0x0  }
0x24: {  	s3 =	sadd.s32 $0x88, s3;
	s6 =	simm.s32 @!p1 $0x1082;
	[sflag:s4] =	ssyncset.s32 $0xFFFFF086  }
0x25: {  	[simem:s6], [sflag:s4] =	dma.local [hbm:s3], $0xF7A  }
0x26: {  	[smem:$0x3F9B] =	sst s1;
	(tag) =	ssettag s2;
	_ =	strace s9  }
0x27: {  	s1 =	sld [smem:$0x3FAB]  }
0x28: {  	s2 =	sld [smem:$0x3FAC]  }
0x29: {  	s4 =	sld [smem:$0x3FAE]  }
0x2a: {  	p0 =	seq.s32 s5, $0x0;
	s5 =	sld [smem:$0x3FAF]  }
0x2b: {  	s6 =	sld [smem:$0x3FB0]  }
0x2c: {  	s7 =	sld [smem:$0x3FB1]  }
0x2d: {  	s3 =	simm.s32 $0x108;
	s8 =	sld [smem:$0x3FB2]  }
0x2e: {  	s3 =	simm.s32 @!p0 $0x1082;
	s9 =	sld [smem:$0x3FB3]  }
0x2f: {  	lr =	sadd.s32 s0, s3;
	s0 =	sld [smem:$0x3FAA]  }
0x30: {  	s3 =	sld [smem:$0x3FAD]  }
0x31: {  	[smem:$0x3FB6] =	sst s10  }
0x32: {  	s10 =	sld [smem:$0x3FB4];
	_ =	sdelay $0x3  }
0x33: {  	p0 =	seq.s32 s10, $0x1;
	s10 =	sld [smem:$0x3FB6];
	_ =	sdelay $0x3  }
0x34: {  	[smem:$0x3FB6] =	sst s10  }
0x35: {  	s10 =	sld [smem:$0x3FB5];
	_ =	sdelay $0x3  }
0x36: {  	p1 =	seq.s32 s10, $0x1;
	s10 =	sld [smem:$0x3FB6];
	_ =	sdelay $0x3  }
0x37: {  	[smem:$0x3FB6] =	sst s10  }
0x38: {  	s10 =	sld [smem:$0x3FB7]  }
0x39: {  	_ = 	snop;
	(pc) =	sbr.ind lr, $3  }
0x3a: {  	_ = 	snop  }
0x3b: {  	_ = 	snop  }
0x3c: {  	p2 =	seq.s32 s10, $0x1;
	s10 =	sld [smem:$0x3FB6]  }
0x3d: {  	_ =	shalt  }
0x3e: {  	_ =	shalt  }
0x3f: {  	_ =	shalt  }
0x40: {  	_ =	shalt  }
0x41: {  	_ =	shalt  }
0x42: {  	_ =	shalt  }
0x43: {  	_ =	shalt  }
0x44: {  	_ =	shalt  }
0x45: {  	_ =	shalt  }
0x46: {  	_ =	shalt  }
0x47: {  	_ =	shalt  }
0x48: {  	_ =	shalt  }
0x49: {  	_ =	shalt  }
0x4a: {  	_ =	shalt  }
0x4b: {  	_ =	shalt  }
0x4c: {  	_ =	shalt  }
0x4d: {  	_ =	shalt  }
0x4e: {  	_ =	shalt  }
0x4f: {  	_ =	shalt  }
0x50: {  	_ =	shalt  }
0x51: {  	_ =	shalt  }
0x52: {  	_ =	shalt  }
0x53: {  	_ =	shalt  }
0x54: {  	_ =	shalt  }
0x55: {  	_ =	shalt  }
0x56: {  	_ =	shalt  }
0x57: {  	_ =	shalt  }
0x58: {  	_ =	shalt  }
0x59: {  	_ =	shalt  }
0x5a: {  	_ =	shalt  }
0x5b: {  	_ =	shalt  }
0x5c: {  	_ =	shalt  }
0x5d: {  	_ =	shalt  }
0x5e: {  	_ =	shalt  }
0x5f: {  	_ =	shalt  }
0x60: {  	_ =	shalt  }
0x61: {  	_ =	shalt  }
0x62: {  	_ =	shalt  }
0x63: {  	_ =	shalt  }
0x64: {  	_ =	shalt  }
0x65: {  	_ =	shalt  }
0x66: {  	_ =	shalt  }
0x67: {  	_ =	shalt  }
0x68: {  	_ =	shalt  }
0x69: {  	_ =	shalt  }
0x6a: {  	_ =	shalt  }
0x6b: {  	_ =	shalt  }
0x6c: {  	_ =	shalt  }
0x6d: {  	_ =	shalt  }
0x6e: {  	_ =	shalt  }
0x6f: {  	_ =	shalt  }
0x70: {  	_ =	shalt  }
0x71: {  	_ =	shalt  }
0x72: {  	_ =	shalt  }
0x73: {  	_ =	shalt  }
0x74: {  	_ =	shalt  }
0x75: {  	_ =	shalt  }
0x76: {  	_ =	shalt  }
0x77: {  	_ =	shalt  }
0x78: {  	_ =	shalt  }
0x79: {  	_ =	shalt  }
0x7a: {  	_ =	shalt  }
0x7b: {  	_ =	shalt  }
0x7c: {  	_ =	shalt  }
0x7d: {  	_ =	shalt  }
0x7e: {  	_ =	shalt  }
0x7f: {  	_ =	shalt  }
0x80: {  	_ =	shalt  }
0x81: {  	_ =	shalt  }
0x82: {  	_ =	shalt  }
0x83: {  	_ =	shalt  }
0x84: {  	_ =	shalt  }
0x85: {  	_ =	shalt  }
0x86: {  	_ =	shalt  }
0x87: {  	_ =	shalt  }
.Lfunc_end0:
.L_simem_size_0:
called_computation.1_lowered:
.L_overlay_start_0:
0x88: {  	s2 =	sld [smem:$0x3FD9]  }
0x89: {  	s3 =	sld [smem:$0x3FFE];
	_ =	sdelay $0x1  }
0x8a: {  	s1 =	srdreg.scid  }
0x8b: {  	s0 =	sand.u32 $0x1, s1  }
0x8c: {  	s17 =	sshll.u32 s0, $0xA;
	s2 =	sadd.s32 s3, s2  }
0x8d: {  	s2 =	sadd.s32 s2, s17  }
0x8e: {  	[smem:$0x3FC2] =	sst s2  }
0x8f: {  	_ = 	snop  }
0x90: {  	s2 =	sld [smem:$0x3FD0];
	(tm) =	ssettm $0x1  }
0x91: {  	s18 =	sld [smem:$0x3FFB];
	_ =	sdelay $0x3  }
0x92: {  	_ =	strace s18  }
0x93: {  	s3 =	sld [smem:$0x3FFC];
	_ =	sdelay $0x3  }
0x94: {  	_ =	strace s3  }
0x95: {  	s3 =	sld [smem:$0x3FFD];
	_ =	sdelay $0x3  }
0x96: {  	_ =	strace s3  }
0x97: {  	_ =	strace $0x8FFFFFFF  }
0x98: {  	s19 =	sld [smem:$0x3FDB];
	_ =	sdelay $0x1  }
0x99: {  	s4 =	simm.s32 $_scs_section_size  }
0x9a: {  	s5 =	simm.s32 $_size__tile_overlayer_lowered;
	s6 =	simm.s32 $_tile_overlayer_lowered  }
0x9b: {  	s22 =	simm.s32 $0x1BFF;
	s21 =	sshll.u32 s6, $0x1;
	s3 =	sadd.s32 s4, s19  }
0x9c: {  	s7 =	simm.s32 $0x0;
	s20 =	sshll.u32 s5, $0x1;
	s5 =	sadd.s32 s21, s3  }
0x9d: {  	[timem:s7], [sflag:s22] =	dma.local [hbm:s5], s20  }
0x9e: {  	_ =	swait.ge [sflag:s22], s20  }
0x9f: {  	s4 =	ssub.s32 $0x0, s20;
	[sflag:s22] =	ssyncset.done $0x0  }
0xa0: {  	[sflag:s22] =	ssyncadd.s32 s4;
	_ =	sdelay $0x1  }
0xa1: {  	s23 =	simm.s32 $0x1B8B  }
0xa2: {  	_ =	swait.ge [sflag:s23], $0x1  }
0xa3: {  	[sflag:s23] =	ssyncset.done $0x0  }
0xa4: {  	s25 =	simm.s32 $0x1B8E;
	s24 =	sld [smem:$0x3FFE];
	[sflag:s23] =	ssyncadd.s32 $0xFFFFFFFF  }
0xa5: {  	s26 =	simm.s32 $execute0_lowered;
	[smem:$0x3FD2] =	sst s25  }
0xa6: {  	s5 =	sshll.u32 s26, $0x1;
	_ =	strace $0x80000049;
	[dreg:$0x1] =	wrdreg $0xFFFFFFFF  }
0xa7: {  	s28 =	simm.s32 $_size_execute0_lowered;
	s3 =	sadd.s32 s3, s5;
	[dreg:$0x0] =	wrdreg $0x0  }
0xa8: {  	s5 =	sshll.u32 s28, $0x1;
	[dreg:$0x2] =	wrdreg s3  }
0xa9: {  	[dreg:$0x3] =	wrdreg s5  }
0xaa: {  	[dreg:$0x4] =	wrdreg $0xC0  }
0xab: {  	_ =	task [dreg:s7], $0x5FFFF  }
0xac: {  	[dreg:$0x1] =	wrdreg $0xFFFFFFFF  }
0xad: {  	[dreg:$0x0] =	wrdreg $0x60  }
0xae: {  	[dreg:$0x2] =	wrdreg s2  }
0xaf: {  	[dreg:$0x3] =	wrdreg s24  }
0xb0: {  	[dreg:$0x4] =	wrdreg $0xBA000  }
0xb1: {  	[dreg:$0x5] =	wrdreg $0x9  }
0xb2: {  	_ =	task.clear_ibuf [dreg:s7], $0x6FFFF;
	_ =	strace $0x90000049  }
0xb3: {  	s29 =	simm.s32 $0x9;
	_ =	strace $0x8000004B  }
0xb4: {  	_ =	swait.ge [sflag:s29], $0x1  }
0xb5: {  	[sflag:s29] =	ssyncadd.s32 $0xFFFFFFFF  }
0xb6: {  	_ =	strace $0x9000004B  }
0xb7: {  	_ =	sfence  }
0xb8: {  	s30 =	sld [smem:$0x0];
	_ =	sdelay $0x2  }
0xb9: {  	s31 =	sshll.u32 s1, $0xD;
	s1 =	sshrl.u32 s1, $0x2  }
0xba: {  	s3 =	sand.u32 $0x4000, s31;
	s1 =	sadd.s32 s1, s30  }
0xbb: {  	s0 =	sor.u32 s3, s0;
	s1 =	sshll.u32 s1, $0x11  }
0xbc: {  	s0 =	sor.u32 s1, s0  }
0xbd: {  	s0 =	sadd.s32 $0x8F2B, s0  }
0xbe: {  	[sflag:s0] =	ssyncadd.remote.s32 $0x1  }
0xbf: {  	_ =	sfence.sel $0xFFFF  }
0xc0: {  	[dreg:$0x0] =	wrdreg $0xFFFFFFFF;
	(pc) =	sbr.abs _section_cstart, $3  }
0xc1: {  	[dreg:$0x1] =	wrdreg $0xFFFFFFFF  }
0xc2: {  	_ =	task.clear_ibuf [dreg:s7], $0x2FFFF;
	_ =	strace $0x9FFFFFFF  }
0xc3: {  	(tm) =	ssettm $0x7FFFFFFF  }
tec
execute0_lowered:
.L_overlay_start_1:
0x0: {  	(tag) =	ssettag $0x1  }
0x1: {  	s2 =	rddreg [dreg:$0x0]  }
0x2: {  	s0 =	rddreg [dreg:$0x1]  }
0x3: {  	s3 =	rddreg [dreg:$0x2];
	s4 =	stileid.u32;
	s6 =	simm.s32 $0x0  }
0x4: {  	s1 =	srdreg.scid;
	s20 =	simm.s32 $0x80;
	s21 =	simm.s32 $0x180  }
0x5: {  	s22 =	simm.s32 $0x300;
	s23 =	simm.s32 $0x280;
	s24 =	simm.s32 $0x400  }
0x6: {  	s25 =	simm.s32 $0x380;
	s26 =	simm.s32 $0x500;
	s28 =	simm.s32 $0xB  }
0x7: {  	s29 =	simm.s32 $0x9;
	s30 =	simm.s32 $0x5;
	s31 =	simm.s32 $0xC  }
0x8: {  	s5 =	smul.u32 $0xC, s4;
	[smem:$0x7FF] =	sst s6;
	s8 =	sadd.s32 $0x2E00, s0  }
0x9: {  	s6 =	smul.u32 $0x9C, s4;
	_ =	strace $0x8000004A;
	[dreg:$0xf] =	wrdreg s8  }
0xa: {  	s1 =	sand.u32 $0x1, s1;
	s11 =	smul.u32 $0x14000, s4;
	[dreg:$0x8] =	wrdreg s20  }
0xb: {  	s12 =	smul.u32 $0x50000, s4;
	s14 =	sshll.u32 s4, $0x6;
	[dreg:$0x9] =	wrdreg s21  }
0xc: {  	p0 =	seq.s32 s1, $0x0;
	s7 =	smul.u32 $0x140000, s1;
	[dreg:$0xa] =	wrdreg s22  }
0xd: {  	s1 =	ssub.s32 $0x2, s1;
	s20 =	simm.s32 $0x7;
	[dreg:$0xb] =	wrdreg s23  }
0xe: {  	s21 =	simm.s32 $0x600;
	s22 =	simm.s32 $0x3;
	[dreg:$0xc] =	wrdreg s24  }
0xf: {  	s23 =	simm.s32 $0x7E00;
	[dreg:$0xd] =	wrdreg s25;
	s24 =	simm.s32 $0xA  }
0x10: {  	[dreg:$0xe] =	wrdreg s26;
	s25 =	simm.s32 $0x8;
	s5 =	sadd.s32 $0x9C0, s5  }
0x11: {  	s26 =	simm.s32 $0x4;
	s13 =	sshrl.u32 s1, $0x1;
	s5 =	smov.u32 @p0 s6  }
0x12: {  	s6 =	sadd.s32 s11, s7;
	s1 =	ssub.s32 s1, s13;
	s7 =	sshrl.u32 s12, $0x2  }
0x13: {  	s5 =	sshll.u32 s5, $0x5;
	s6 =	sshrl.u32 s6, $0x3;
	s9 =	sadd.s32 s7, s3  }
0x14: {  	s7 =	sor.u32 $0x1C0D, s14;
	s19 =	smax.u32 s1, $0x1;
	s14 =	simm.s32 $0xD  }
0x15: {  	s1 =	simm.s32 $0x0;
	s5 =	sadd.s32 s5, s0;
	s0 =	sadd.s32 s6, s0  }
0x16: {  	s6 =	simm.s32 $0x9C;
	[dreg:$0x13] =	wrdreg s19;
	s19 =	simm.s32 $0x4200  }
0x17: {  	s6 =	simm.s32 @!p0 $0xC;
	s8 =	sadd.s32 $0x55600, s5;
	s17 =	sadd.s32 $0x55620, s5  }
0x18: {  	s18 =	sadd.s32 $0x55640, s5;
	s0 =	sadd.s32 $0x5600, s0;
	[dreg:$0x10] =	wrdreg s17  }
0x19: {  	s10 =	smul.u32 $0xAB, s6;
	s11 =	sadd.s32 $0xFFFFFFFA, s6;
	[dreg:$0x11] =	wrdreg s18  }
0x1a: {  	s15 =	sadd.s32 $0xFFFFFFF9, s6;
	s16 =	sadd.s32 $0xFFFFFFF8, s6;
	[dreg:$0x12] =	wrdreg s0  }
0x1b: {  	s17 =	simm.s32 $0x2;
	[dreg:$0x4] =	wrdreg s11;
	s10 =	sshrl.u32 s10, $0xA  }
0x1c: {  	s18 =	simm.s32 $0x78;
	[dreg:$0x5] =	wrdreg s15;
	s13 =	smul.u32 $0xC0, s10  }
0x1d: {  	s0 =	simm.s32 $0x6;
	[dreg:$0x6] =	wrdreg s16;
	s15 =	simm.s32 $0x100  }
0x1e: {  	s16 =	simm.s32 $0x200;
	[dreg:$0x7] =	wrdreg s13;
	s13 =	sshrl.u32 s9, $0x3  }
.LBB2_1:
0x1f: {  	s4 =	rddreg [dreg:$0xf]  }
0x20: {  	[spmem:s13], [sflag:s7] =	dma.local [hbm:s4], $0x2800  }
0x21: {  	_ =	swait.ge [sflag:s14], $0x2800  }
0x22: {  	[sflag:s14] =	ssyncset.done $0x0  }
0x23: {  	s11 =	simm.s32 $0x0;
	[sflag:s14] =	ssyncadd.s32 $0xFFFFD800  }
0x24: {  	[tilespmem:s11], [sflag:$0x1] =	stream.linear.gather [hbm4b:s8+s11], $0x100, $0x38;
	[tilespmem:$0x1FA00] =	vst v63  }
0x25: {  	s5 =	rddreg [dreg:$0x10]  }
0x26: {  	[tilespmem:s15], [sflag:$0x2] =	stream.linear.gather [hbm4b:s5+s11], $0x100, $0x38;
	[tilespmem:$0x1FA00] =	vst v63  }
0x27: {  	s12 =	rddreg [dreg:$0x11]  }
0x28: {  	[tilespmem:s16], [sflag:$0x3] =	stream.linear.gather [hbm4b:s12+s11], $0x100, $0x38;
	[tilespmem:$0x1FA00] =	vst v63  }
0x29: {  	s9 =	simm.s32 $0x0;
	s5 =	simm.s32 $0x0;
	[bflag:$0x0] =	sbarrier.arrive $0xFFFF  }
.LBB2_2:
0x2a: {  	p0 =	seq.s32 s9, $0x0  }
0x2b: {  	s10 =	simm.s32 @!p0 $0xA  }
0x2c: {  	s11 =	sadd.s32 $0x3, s5;
	_ =	swait.ge @!p0 [sflag:s10], $0x3C00  }
0x2d: {  	p1 =	sge.u32 s11, s6;
	[sflag:s10] =	ssyncset.done @!p0 $0x0  }
0x2e: {  	[sflag:s10] =	ssyncadd.s32 @!p0 $0xFFFFC400;
	s10 =	sadd.s32 @!p1 s9, s8  }
0x2f: {  	s11 =	simm.s32 @!p1 $0x0;
	s12 =	simm.s32 @!p1 $0x300;
	s10 =	sadd.s32 @!p1 $0x60, s10  }
0x30: {  	[tilespmem:s12], [sflag:$0x4] =	stream.linear.gather @!p1 [hbm4b:s10+s11], $0x100, $0x38;
	[tilespmem:$0x1FA00] =	vst v63  }
0x31: {  	s10 =	simm.s32 @p0 $0x1  }
0x32: {  	_ =	swait.ge @p0 [sflag:s10], $0x100  }
0x33: {  	s11 =	simm.s32 @p0 $0x0;
	[sflag:s10] =	ssyncset.done @p0 $0x0  }
0x34: {  	s12 =	simm.s32 @p0 $0x600;
	[sflag:s10] =	ssyncadd.s32 @p0 $0xFFFFFF00;
	s10 =	simm.s32 @p0 $0x78  }
0x35: {  	[tilespmem:s12], [sflag:$0x7] =	stream.indirect.gather @p0 [hbm4b:s2+s10], $0x80, s11, s10, $0xb8;
	[tilespmem:$0x1FA00] =	vst v63  }
0x36: {  	s10 =	simm.s32 @!p0 $0x8  }
0x37: {  	_ =	swait.ge @!p0 [sflag:s10], $0x3C00  }
0x38: {  	s11 =	simm.s32 @!p0 $0x480;
	[sflag:s10] =	ssyncset.done @!p0 $0x0  }
0x39: {  	s12 =	simm.s32 @!p0 $0x4200;
	[sflag:s10] =	ssyncadd.s32 @!p0 $0xFFFFC400;
	s10 =	simm.s32 @!p0 $0x78  }
0x3a: {  	[spmem:s3] =	stream.indirect.scatter.add.f32 @!p0 [tilespmem:s12], [sflag:$0xB], $0x80, s11, s10, $0xb8;
	[tilespmem:$0x1FA00] =	vst v63  }
0x3b: {  	s11 =	simm.s32 @!p0 $0x1  }
0x3c: {  	_ =	swait.ge @!p0 [sflag:s11], $0x100  }
0x3d: {  	[sflag:s11] =	ssyncset.done @!p0 $0x0  }
0x3e: {  	s12 =	simm.s32 @!p0 $0x600;
	[sflag:s11] =	ssyncadd.s32 @!p0 $0xFFFFFF00;
	s11 =	simm.s32 @!p0 $0x0  }
0x3f: {  	[tilespmem:s12], [sflag:$0x7] =	stream.indirect.gather @!p0 [hbm4b:s2+s10], $0x80, s11, s10, $0xb8;
	[tilespmem:$0x1FA00] =	vst v63  }
0x40: {  	s11 =	simm.s32 @!p0 $0xB  }
0x41: {  	s4 =	sadd.s32 $0x4, s5;
	_ =	swait.ge @!p0 [sflag:s11], $0x3C00  }
0x42: {  	p1 =	sge.u32 s4, s6;
	[sflag:s11] =	ssyncset.done @!p0 $0x0  }
0x43: {  	[sflag:s11] =	ssyncadd.s32 @!p0 $0xFFFFC400;
	s11 =	sadd.s32 @!p1 s9, s8  }
0x44: {  	s4 =	simm.s32 @!p1 $0x400;
	s12 =	simm.s32 @!p1 $0x0;
	s11 =	sadd.s32 @!p1 $0x80, s11  }
0x45: {  	[tilespmem:s4], [sflag:$0x5] =	stream.linear.gather @!p1 [hbm4b:s11+s12], $0x100, $0x38;
	[tilespmem:$0x1FA00] =	vst v63  }
0x46: {  	s4 =	simm.s32 @!p0 $0x9  }
0x47: {  	_ =	swait.ge @!p0 [sflag:s4], $0x3C00  }
0x48: {  	[sflag:s4] =	ssyncset.done @!p0 $0x0  }
0x49: {  	s11 =	simm.s32 @!p0 $0x7E00;
	[sflag:s4] =	ssyncadd.s32 @!p0 $0xFFFFC400;
	s4 =	simm.s32 @!p0 $0x580  }
0x4a: {  	[spmem:s3] =	stream.indirect.scatter.add.f32 @!p0 [tilespmem:s11], [sflag:$0xC], $0x80, s4, s10, $0xb8;
	[tilespmem:$0x1FA00] =	vst v63  }
0x4b: {  	_ =	swait.ge [sflag:s17], $0x100  }
0x4c: {  	[sflag:s17] =	ssyncset.done $0x0  }
0x4d: {  	s4 =	simm.s32 @!p0 $0xC;
	[sflag:s17] =	ssyncadd.s32 $0xFFFFFF00  }
0x4e: {  	[tilespmem:s19], [sflag:$0x8] =	stream.indirect.gather [hbm4b:s2+s18], $0x80, s15, s18, $0xb8;
	[tilespmem:$0x1FA00] =	vst v63  }
0x4f: {  	s12 =	sadd.s32 $0x5, s5;
	_ =	swait.ge @!p0 [sflag:s4], $0x3C00  }
0x50: {  	p1 =	sge.u32 s12, s6;
	[sflag:s4] =	ssyncset.done @!p0 $0x0  }
0x51: {  	[sflag:s4] =	ssyncadd.s32 @!p0 $0xFFFFC400;
	s4 =	sadd.s32 @!p1 s9, s8  }
0x52: {  	s10 =	simm.s32 @!p1 $0x0;
	s11 =	simm.s32 @!p1 $0x500;
	s4 =	sadd.s32 @!p1 $0xA0, s4  }
0x53: {  	[tilespmem:s11], [sflag:$0x6] =	stream.linear.gather @!p1 [hbm4b:s4+s10], $0x100, $0x38;
	[tilespmem:$0x1FA00] =	vst v63  }
0x54: {  	_ =	swait.ge [sflag:s20], $0x3C00  }
0x55: {  	[sflag:s20] =	ssyncset.done $0x0  }
0x56: {  	s11 =	rddreg [dreg:$0x8];
	[sflag:s20] =	ssyncadd.s32 $0xFFFFC400  }
0x57: {  	[spmem:s3] =	stream.indirect.scatter.add.f32 [tilespmem:s21], [sflag:$0xA], $0x80, s11, s18, $0xb8;
	[tilespmem:$0x1FA00] =	vst v63  }
0x58: {  	_ =	swait.ge [sflag:s22], $0x100  }
0x59: {  	[sflag:s22] =	ssyncset.done $0x0  }
0x5a: {  	[sflag:s22] =	ssyncadd.s32 $0xFFFFFF00  }
0x5b: {  	[tilespmem:s23], [sflag:$0x9] =	stream.indirect.gather [hbm4b:s2+s18], $0x80, s16, s18, $0xb8;
	[tilespmem:$0x1FA00] =	vst v63  }
0x5c: {  	_ =	swait.ge [sflag:s24], $0x3C00  }
0x5d: {  	s12 =	rddreg [dreg:$0x4]  }
0x5e: {  	p0 =	sge.u32 s5, s12  }
0x5f: {  	[sflag:s24] =	ssyncset.done $0x0;
	s4 =	sadd.s32 @!p0 s9, s8  }
0x60: {  	[sflag:s24] =	ssyncadd.s32 $0xFFFFC400;
	s10 =	simm.s32 @!p0 $0x0;
	s4 =	sadd.s32 @!p0 $0xC0, s4  }
0x61: {  	[tilespmem:s10], [sflag:$0x1] =	stream.linear.gather @!p0 [hbm4b:s4+s10], $0x100, $0x38;
	[tilespmem:$0x1FA00] =	vst v63  }
0x62: {  	_ =	swait.ge [sflag:s25], $0x3C00  }
0x63: {  	[sflag:s25] =	ssyncset.done $0x0  }
0x64: {  	s10 =	rddreg [dreg:$0x9];
	[sflag:s25] =	ssyncadd.s32 $0xFFFFC400  }
0x65: {  	[spmem:s3] =	stream.indirect.scatter.add.f32 [tilespmem:s19], [sflag:$0xB], $0x80, s10, s18, $0xb8;
	[tilespmem:$0x1FA00] =	vst v63  }
0x66: {  	_ =	swait.ge [sflag:s26], $0x100  }
0x67: {  	[sflag:s26] =	ssyncset.done $0x0  }
0x68: {  	s11 =	rddreg [dreg:$0xa];
	[sflag:s26] =	ssyncadd.s32 $0xFFFFFF00  }
0x69: {  	[tilespmem:s21], [sflag:$0x7] =	stream.indirect.gather [hbm4b:s2+s18], $0x80, s11, s18, $0xb8;
	[tilespmem:$0x1FA00] =	vst v63  }
0x6a: {  	_ =	swait.ge [sflag:s28], $0x3C00  }
0x6b: {  	s12 =	rddreg [dreg:$0x5]  }
0x6c: {  	[sflag:s28] =	ssyncset.done $0x0;
	p0 =	sge.u32 s5, s12  }
0x6d: {  	[sflag:s28] =	ssyncadd.s32 $0xFFFFC400;
	s4 =	sadd.s32 @!p0 s9, s8  }
0x6e: {  	s10 =	simm.s32 @!p0 $0x0;
	s11 =	simm.s32 @!p0 $0x100;
	s4 =	sadd.s32 @!p0 $0xE0, s4  }
0x6f: {  	[tilespmem:s11], [sflag:$0x2] =	stream.linear.gather @!p0 [hbm4b:s4+s10], $0x100, $0x38;
	[tilespmem:$0x1FA00] =	vst v63  }
0x70: {  	_ =	swait.ge [sflag:s29], $0x3C00  }
0x71: {  	[sflag:s29] =	ssyncset.done $0x0  }
0x72: {  	s10 =	rddreg [dreg:$0xb];
	[sflag:s29] =	ssyncadd.s32 $0xFFFFC400  }
0x73: {  	[spmem:s3] =	stream.indirect.scatter.add.f32 [tilespmem:s23], [sflag:$0xC], $0x80, s10, s18, $0xb8;
	[tilespmem:$0x1FA00] =	vst v63  }
0x74: {  	_ =	swait.ge [sflag:s30], $0x100  }
0x75: {  	[sflag:s30] =	ssyncset.done $0x0  }
0x76: {  	s11 =	rddreg [dreg:$0xc];
	[sflag:s30] =	ssyncadd.s32 $0xFFFFFF00  }
0x77: {  	[tilespmem:s19], [sflag:$0x8] =	stream.indirect.gather [hbm4b:s2+s18], $0x80, s11, s18, $0xb8;
	[tilespmem:$0x1FA00] =	vst v63  }
0x78: {  	_ =	swait.ge [sflag:s31], $0x3C00  }
0x79: {  	s12 =	rddreg [dreg:$0x6]  }
0x7a: {  	[sflag:s31] =	ssyncset.done $0x0;
	p0 =	sge.u32 s5, s12  }
0x7b: {  	[sflag:s31] =	ssyncadd.s32 $0xFFFFC400;
	s4 =	sadd.s32 @!p0 s9, s8  }
0x7c: {  	s10 =	simm.s32 @!p0 $0x0;
	s11 =	simm.s32 @!p0 $0x200;
	s4 =	sadd.s32 @!p0 $0x100, s4  }
0x7d: {  	[tilespmem:s11], [sflag:$0x3] =	stream.linear.gather @!p0 [hbm4b:s4+s10], $0x100, $0x38;
	[tilespmem:$0x1FA00] =	vst v63  }
0x7e: {  	_ =	swait.ge [sflag:s20], $0x3C00  }
0x7f: {  	[sflag:s20] =	ssyncset.done $0x0  }
0x80: {  	s10 =	rddreg [dreg:$0xd];
	[sflag:s20] =	ssyncadd.s32 $0xFFFFC400  }
0x81: {  	[spmem:s3] =	stream.indirect.scatter.add.f32 [tilespmem:s21], [sflag:$0xA], $0x80, s10, s18, $0xb8;
	[tilespmem:$0x1FA00] =	vst v63  }
0x82: {  	_ =	swait.ge [sflag:s0], $0x100  }
0x83: {  	s9 =	sadd.s32 $0xC0, s9;
	s12 =	rddreg [dreg:$0x7]  }
0x84: {  	p0 =	sne.s32 s12, s9  }
.Ltmp0:
0x85: {  	_ = 	snop;
	(pc) =	sbr.rel @p0 .LBB2_2-.Ltmp0, $4  }
0x86: {  	_ = 	snop  }
0x87: {  	[sflag:s0] =	ssyncset.done $0x0  }
0x88: {  	s5 =	sadd.s32 $0x6, s5;
	s11 =	rddreg [dreg:$0xe];
	[sflag:s0] =	ssyncadd.s32 $0xFFFFFF00  }
0x89: {  	[tilespmem:s23], [sflag:$0x9] =	stream.indirect.gather [hbm4b:s2+s18], $0x80, s11, s18, $0xb8;
	[tilespmem:$0x1FA00] =	vst v63  }
0x8a: {  	_ =	swait.ge [sflag:s25], $0x3C00  }
0x8b: {  	[sflag:s25] =	ssyncset.done $0x0  }
0x8c: {  	s4 =	simm.s32 $0x480;
	[sflag:s25] =	ssyncadd.s32 $0xFFFFC400  }
0x8d: {  	[spmem:s3] =	stream.indirect.scatter.add.f32 [tilespmem:s19], [sflag:$0xB], $0x80, s4, s18, $0xb8;
	[tilespmem:$0x1FA00] =	vst v63  }
0x8e: {  	_ =	swait.ge [sflag:s29], $0x3C00  }
0x8f: {  	[sflag:s29] =	ssyncset.done $0x0  }
0x90: {  	s10 =	simm.s32 $0x580;
	[sflag:s29] =	ssyncadd.s32 $0xFFFFC400  }
0x91: {  	[spmem:s3] =	stream.indirect.scatter.add.f32 [tilespmem:s23], [sflag:$0xC], $0x80, s10, s18, $0xb8;
	[tilespmem:$0x1FA00] =	vst v63  }
0x92: {  	_ =	swait.ge [sflag:s24], $0x3C00  }
0x93: {  	[sflag:s24] =	ssyncset.done $0x0  }
0x94: {  	[sflag:s24] =	ssyncadd.s32 $0xFFFFC400  }
0x95: {  	_ =	swait.ge [sflag:s28], $0x3C00  }
0x96: {  	[sflag:s28] =	ssyncset.done $0x0  }
0x97: {  	[sflag:s28] =	ssyncadd.s32 $0xFFFFC400  }
0x98: {  	_ =	swait.ge [sflag:s31], $0x3C00  }
0x99: {  	[sflag:s31] =	ssyncset.done $0x0  }
0x9a: {  	[sflag:s31] =	ssyncadd.s32 $0xFFFFC400  }
0x9b: {  	[bflag:$0x0] =	sbarrier.arrive $0xFFFF  }
0x9c: {  	s11 =	rddreg [dreg:$0x12]  }
0x9d: {  	[hbm:s11], [sflag:s7] =	dma.local [spmem:s13], $0x2800  }
0x9e: {  	_ =	swait.ge [sflag:s14], $0x2800  }
0x9f: {  	s1 =	sadd.s32 $0x1, s1;
	s12 =	rddreg [dreg:$0x13]  }
0xa0: {  	p0 =	sne.s32 s1, s12  }
.Ltmp1:
0xa1: {  	_ = 	snop;
	(pc) =	sbr.rel @p0 .LBB2_1-.Ltmp1, $3  }
0xa2: {  	_ =	sdelay $0x1  }
0xa3: {  	[sflag:s14] =	ssyncset.done $0x0  }
0xa4: {  	[sflag:s14] =	ssyncadd.s32 $0xFFFFD800  }
0xa5: {  	_ =	sfence.sel $0x180000  }
0xa6: {  	[bflag:$0x0] =	sbarrier.arrive $0xFFFF  }
0xa7: {  	_ =	strace $0x9000004A  }
0xa8: {  	s0 =	stileid.u32;
	[bflag:$0x2] =	sbarrier.arrive $0xFFFF  }
0xa9: {  	p0 =	sne.s32 s0, $0x0;
	s0 =	rddreg [dreg:$0x3]  }
0xaa: {  	s0 =	sadd.s32 @!p0 $0x100000, s0  }
0xab: {  	[sflag:s0] =	ssyncadd.tile.s32 @!p0 $0x1;
	_ =	shalt  }
.Lfunc_end2:
_tile_overlayer_lowered:
.L_overlay_start_2:
0xac: {  	(tag) =	ssettag $0x2  }
0xad: {  	s0 =	rddreg [dreg:$0x0];
	s2 =	stileid.u32  }
0xae: {  	s1 =	rddreg [dreg:$0x1];
	p0 =	sne.s32 s2, $0x0  }
0xaf: {  	s3 =	rddreg [dreg:$0x2];
	[bflag:$0x3] =	sbarrier.arrive $0xFFFF;
	s2 =	simm.s32 @!p0 $0x1C0D  }
0xb0: {  	[timem:s3], [sflag:s2] =	dma.local @!p0 [hbm:s0], s1  }
0xb1: {  	s0 =	simm.s32 @!p0 $0xD  }
0xb2: {  	_ =	swait.ge @!p0 [sflag:s0], s1  }
0xb3: {  	s1 =	ssub.s32 @!p0 $0x0, s1;
	[sflag:s0] =	ssyncset.done @!p0 $0x0  }
0xb4: {  	[sflag:s0] =	ssyncadd.s32 @!p0 s1  }
0xb5: {  	[bflag:$0x3] =	sbarrier.arrive $0xFFFF  }
0xb6: {  	_ =	shalt  }

// kernel: kernel.14.cloned.1.call-start
scs
__scs_entry_jumppad:
0x0: {  	(pc) =	sbr.rel $0x88, $3  }
0x1: {  	(tag) =	ssettag $0x0;
	lr =	simm.s32 $0x1  }
0x2: {  	[smem:$0x3F9B] =	sst lr;
	_ =	strace $0xD0000000  }
0x3: {  	_ = 	snop  }
0x4: {  	_ = 	snop  }
0x5: {  	_ = 	snop  }
0x6: {  	_ = 	snop  }
0x7: {  	_ = 	snop  }
__scs_overlays_trampoline_lowered:
0x8: {  	[smem:$0x3FAA] =	sst s0  }
0x9: {  	[smem:$0x3FAB] =	sst s1  }
0xa: {  	[smem:$0x3FAC] =	sst s2  }
0xb: {  	[smem:$0x3FAD] =	sst s3  }
0xc: {  	[smem:$0x3FAE] =	sst s4  }
0xd: {  	[smem:$0x3FAF] =	sst s5  }
0xe: {  	[smem:$0x3FB0] =	sst s6  }
0xf: {  	[smem:$0x3FB1] =	sst s7  }
0x10: {  	[smem:$0x3FB2] =	sst s8  }
0x11: {  	[smem:$0x3FB3] =	sst s9;
	s0 =	simm.s32 @!p0 $0x0  }
0x12: {  	s1 =	sld [smem:$0x3F99];
	s0 =	simm.s32 @p0 $0x1  }
0x13: {  	[smem:$0x3FB4] =	sst s0;
	s0 =	simm.s32 @!p1 $0x0  }
0x14: {  	s2 =	sld [smem:$0x3F98];
	s0 =	simm.s32 @p1 $0x1  }
0x15: {  	[smem:$0x3FB5] =	sst s0;
	s0 =	simm.s32 @!p2 $0x0  }
0x16: {  	s3 =	sld [smem:$0x3FDB];
	s0 =	simm.s32 @p2 $0x1  }
0x17: {  	s4 =	simm.s32 $0x1BF5;
	[smem:$0x3FB7] =	sst s0  }
0x18: {  	s0 =	sld [smem:$0x3F9A];
	_ =	swait.ge [sflag:s4], $0x0  }
0x19: {  	s7 =	sld [smem:$0x3F9B]  }
0x1a: {  	s8 =	sadd.s32 $0xFFFFE003, lr  }
0x1b: {  	s9 =	sadd.s32 $0xFFFFFEF7, lr;
	s5 =	simm.s32 $0xFFFFFFFF;
	p2 =	slt.u32 s8, $0xFFFFF086  }
0x1c: {  	p1 =	slt.u32 s9, $0xF7A;
	s5 =	simm.s32 @!p2 $0x0  }
0x1d: {  	s5 =	simm.s32 @p1 $0x1;
	p0 =	seq.s32 s7, s2  }
0x1e: {  	s7 =	smul.u32 @!p0 $0xF7A, s2;
	p2 =	seq.s32 @!p0 s5, $0x0  }
0x1f: {  	s9 =	smul.u32 $0xF7A, s1;
	s8 =	simm.s32 @!p0 $0x1BF5;
	p2 =	por !p2, p0  }
0x20: {  	[sflag:s8] =	ssyncset.s32 @!p0 $0xFFFFF086;
	s6 =	sadd.s32 @!p0 s3, s7;
	s7 =	simm.s32 @!p0 $0x108  }
0x21: {  	s3 =	sadd.s32 s3, s9;
	s6 =	sadd.s32 @!p0 $0x88, s6;
	s7 =	simm.s32 @p2 $0x1082  }
0x22: {  	[simem:s7], [sflag:s8] =	dma.local @!p0 [hbm:s6], $0xF7A  }
0x23: {  	s9 =	sor.u32 $0xD0000000, s2;
	s6 =	simm.s32 $0x108;
	_ =	swait.ge @!p0 [sflag:s8], $0x0  }
0x24: {  	s3 =	sadd.s32 $0x88, s3;
	s6 =	simm.s32 @!p1 $0x1082;
	[sflag:s4] =	ssyncset.s32 $0xFFFFF086  }
0x25: {  	[simem:s6], [sflag:s4] =	dma.local [hbm:s3], $0xF7A  }
0x26: {  	[smem:$0x3F9B] =	sst s1;
	(tag) =	ssettag s2;
	_ =	strace s9  }
0x27: {  	s1 =	sld [smem:$0x3FAB]  }
0x28: {  	s2 =	sld [smem:$0x3FAC]  }
0x29: {  	s4 =	sld [smem:$0x3FAE]  }
0x2a: {  	p0 =	seq.s32 s5, $0x0;
	s5 =	sld [smem:$0x3FAF]  }
0x2b: {  	s6 =	sld [smem:$0x3FB0]  }
0x2c: {  	s7 =	sld [smem:$0x3FB1]  }
0x2d: {  	s3 =	simm.s32 $0x108;
	s8 =	sld [smem:$0x3FB2]  }
0x2e: {  	s3 =	simm.s32 @!p0 $0x1082;
	s9 =	sld [smem:$0x3FB3]  }
0x2f: {  	lr =	sadd.s32 s0, s3;
	s0 =	sld [smem:$0x3FAA]  }
0x30: {  	s3 =	sld [smem:$0x3FAD]  }
0x31: {  	[smem:$0x3FB6] =	sst s10  }
0x32: {  	s10 =	sld [smem:$0x3FB4];
	_ =	sdelay $0x3  }
0x33: {  	p0 =	seq.s32 s10, $0x1;
	s10 =	sld [smem:$0x3FB6];
	_ =	sdelay $0x3  }
0x34: {  	[smem:$0x3FB6] =	sst s10  }
0x35: {  	s10 =	sld [smem:$0x3FB5];
	_ =	sdelay $0x3  }
0x36: {  	p1 =	seq.s32 s10, $0x1;
	s10 =	sld [smem:$0x3FB6];
	_ =	sdelay $0x3  }
0x37: {  	[smem:$0x3FB6] =	sst s10  }
0x38: {  	s10 =	sld [smem:$0x3FB7]  }
0x39: {  	_ = 	snop;
	(pc) =	sbr.ind lr, $3  }
0x3a: {  	_ = 	snop  }
0x3b: {  	_ = 	snop  }
0x3c: {  	p2 =	seq.s32 s10, $0x1;
	s10 =	sld [smem:$0x3FB6]  }
0x3d: {  	_ =	shalt  }
0x3e: {  	_ =	shalt  }
0x3f: {  	_ =	shalt  }
0x40: {  	_ =	shalt  }
0x41: {  	_ =	shalt  }
0x42: {  	_ =	shalt  }
0x43: {  	_ =	shalt  }
0x44: {  	_ =	shalt  }
0x45: {  	_ =	shalt  }
0x46: {  	_ =	shalt  }
0x47: {  	_ =	shalt  }
0x48: {  	_ =	shalt  }
0x49: {  	_ =	shalt  }
0x4a: {  	_ =	shalt  }
0x4b: {  	_ =	shalt  }
0x4c: {  	_ =	shalt  }
0x4d: {  	_ =	shalt  }
0x4e: {  	_ =	shalt  }
0x4f: {  	_ =	shalt  }
0x50: {  	_ =	shalt  }
0x51: {  	_ =	shalt  }
0x52: {  	_ =	shalt  }
0x53: {  	_ =	shalt  }
0x54: {  	_ =	shalt  }
0x55: {  	_ =	shalt  }
0x56: {  	_ =	shalt  }
0x57: {  	_ =	shalt  }
0x58: {  	_ =	shalt  }
0x59: {  	_ =	shalt  }
0x5a: {  	_ =	shalt  }
0x5b: {  	_ =	shalt  }
0x5c: {  	_ =	shalt  }
0x5d: {  	_ =	shalt  }
0x5e: {  	_ =	shalt  }
0x5f: {  	_ =	shalt  }
0x60: {  	_ =	shalt  }
0x61: {  	_ =	shalt  }
0x62: {  	_ =	shalt  }
0x63: {  	_ =	shalt  }
0x64: {  	_ =	shalt  }
0x65: {  	_ =	shalt  }
0x66: {  	_ =	shalt  }
0x67: {  	_ =	shalt  }
0x68: {  	_ =	shalt  }
0x69: {  	_ =	shalt  }
0x6a: {  	_ =	shalt  }
0x6b: {  	_ =	shalt  }
0x6c: {  	_ =	shalt  }
0x6d: {  	_ =	shalt  }
0x6e: {  	_ =	shalt  }
0x6f: {  	_ =	shalt  }
0x70: {  	_ =	shalt  }
0x71: {  	_ =	shalt  }
0x72: {  	_ =	shalt  }
0x73: {  	_ =	shalt  }
0x74: {  	_ =	shalt  }
0x75: {  	_ =	shalt  }
0x76: {  	_ =	shalt  }
0x77: {  	_ =	shalt  }
0x78: {  	_ =	shalt  }
0x79: {  	_ =	shalt  }
0x7a: {  	_ =	shalt  }
0x7b: {  	_ =	shalt  }
0x7c: {  	_ =	shalt  }
0x7d: {  	_ =	shalt  }
0x7e: {  	_ =	shalt  }
0x7f: {  	_ =	shalt  }
0x80: {  	_ =	shalt  }
0x81: {  	_ =	shalt  }
0x82: {  	_ =	shalt  }
0x83: {  	_ =	shalt  }
0x84: {  	_ =	shalt  }
0x85: {  	_ =	shalt  }
0x86: {  	_ =	shalt  }
0x87: {  	_ =	shalt  }
.Lfunc_end0:
.L_simem_size_0:
called_computation.2_lowered:
.L_overlay_start_0:
0x88: {  	s2 =	sld [smem:$0x3FD9]  }
0x89: {  	s3 =	sld [smem:$0x3FFE];
	_ =	sdelay $0x1  }
0x8a: {  	s1 =	srdreg.scid  }
0x8b: {  	s0 =	sand.u32 $0x1, s1  }
0x8c: {  	s17 =	sshll.u32 s0, $0xA;
	s2 =	sadd.s32 s3, s2  }
0x8d: {  	s2 =	sadd.s32 s2, s17  }
0x8e: {  	[smem:$0x3FC2] =	sst s2  }
0x8f: {  	_ = 	snop  }
0x90: {  	s2 =	sld [smem:$0x3FD0];
	(tm) =	ssettm $0x1  }
0x91: {  	s18 =	sld [smem:$0x3FFB];
	_ =	sdelay $0x3  }
0x92: {  	_ =	strace s18  }
0x93: {  	s3 =	sld [smem:$0x3FFC];
	_ =	sdelay $0x3  }
0x94: {  	_ =	strace s3  }
0x95: {  	s3 =	sld [smem:$0x3FFD];
	_ =	sdelay $0x3  }
0x96: {  	_ =	strace s3  }
0x97: {  	_ =	strace $0x8FFFFFFF  }
0x98: {  	s19 =	sld [smem:$0x3FDB];
	_ =	sdelay $0x1  }
0x99: {  	s4 =	simm.s32 $_scs_section_size  }
0x9a: {  	s5 =	simm.s32 $_size__tile_overlayer_lowered;
	s6 =	simm.s32 $_tile_overlayer_lowered  }
0x9b: {  	s22 =	simm.s32 $0x1BFF;
	s21 =	sshll.u32 s6, $0x1;
	s3 =	sadd.s32 s4, s19  }
0x9c: {  	s7 =	simm.s32 $0x0;
	s20 =	sshll.u32 s5, $0x1;
	s5 =	sadd.s32 s21, s3  }
0x9d: {  	[timem:s7], [sflag:s22] =	dma.local [hbm:s5], s20  }
0x9e: {  	_ =	swait.ge [sflag:s22], s20  }
0x9f: {  	s4 =	ssub.s32 $0x0, s20;
	[sflag:s22] =	ssyncset.done $0x0  }
0xa0: {  	[sflag:s22] =	ssyncadd.s32 s4;
	_ =	sdelay $0x1  }
0xa1: {  	s23 =	simm.s32 $0x1B8B  }
0xa2: {  	_ =	swait.ge [sflag:s23], $0x1  }
0xa3: {  	[sflag:s23] =	ssyncset.done $0x0  }
0xa4: {  	s25 =	simm.s32 $0x1B8E;
	s24 =	sld [smem:$0x3FFE];
	[sflag:s23] =	ssyncadd.s32 $0xFFFFFFFF  }
0xa5: {  	s26 =	simm.s32 $execute0_lowered;
	[smem:$0x3FD2] =	sst s25  }
0xa6: {  	s5 =	sshll.u32 s26, $0x1;
	_ =	strace $0x8000004C;
	[dreg:$0x1] =	wrdreg $0xFFFFFFFF  }
0xa7: {  	s28 =	simm.s32 $_size_execute0_lowered;
	s3 =	sadd.s32 s3, s5;
	[dreg:$0x0] =	wrdreg $0x0  }
0xa8: {  	s5 =	sshll.u32 s28, $0x1;
	[dreg:$0x2] =	wrdreg s3  }
0xa9: {  	[dreg:$0x3] =	wrdreg s5  }
0xaa: {  	[dreg:$0x4] =	wrdreg $0xC0  }
0xab: {  	_ =	task [dreg:s7], $0x5FFFF  }
0xac: {  	[dreg:$0x1] =	wrdreg $0xFFFFFFFF  }
0xad: {  	[dreg:$0x0] =	wrdreg $0x60  }
0xae: {  	[dreg:$0x2] =	wrdreg s2  }
0xaf: {  	[dreg:$0x3] =	wrdreg s24  }
0xb0: {  	[dreg:$0x4] =	wrdreg $0xBA000  }
0xb1: {  	[dreg:$0x5] =	wrdreg $0x9  }
0xb2: {  	_ =	task.clear_ibuf [dreg:s7], $0x6FFFF;
	_ =	strace $0x9000004C  }
0xb3: {  	s29 =	simm.s32 $0x9;
	_ =	strace $0x8000004E  }
0xb4: {  	_ =	swait.ge [sflag:s29], $0x1  }
0xb5: {  	[sflag:s29] =	ssyncadd.s32 $0xFFFFFFFF  }
0xb6: {  	_ =	strace $0x9000004E  }
0xb7: {  	_ =	sfence  }
0xb8: {  	s30 =	sld [smem:$0x0];
	_ =	sdelay $0x2  }
0xb9: {  	s31 =	sshll.u32 s1, $0xD;
	s1 =	sshrl.u32 s1, $0x2  }
0xba: {  	s3 =	sand.u32 $0x4000, s31;
	s1 =	sadd.s32 s1, s30  }
0xbb: {  	s0 =	sor.u32 s3, s0;
	s1 =	sshll.u32 s1, $0x11  }
0xbc: {  	s0 =	sor.u32 s1, s0  }
0xbd: {  	s0 =	sadd.s32 $0x8F2B, s0  }
0xbe: {  	[sflag:s0] =	ssyncadd.remote.s32 $0x1  }
0xbf: {  	_ =	sfence.sel $0xFFFF  }
0xc0: {  	[dreg:$0x0] =	wrdreg $0xFFFFFFFF;
	(pc) =	sbr.abs _section_cstart, $3  }
0xc1: {  	[dreg:$0x1] =	wrdreg $0xFFFFFFFF  }
0xc2: {  	_ =	task.clear_ibuf [dreg:s7], $0x2FFFF;
	_ =	strace $0x9FFFFFFF  }
0xc3: {  	(tm) =	ssettm $0x7FFFFFFF  }
tec
execute0_lowered:
.L_overlay_start_1:
0x0: {  	(tag) =	ssettag $0x1  }
0x1: {  	s2 =	rddreg [dreg:$0x0]  }
0x2: {  	s0 =	rddreg [dreg:$0x1]  }
0x3: {  	s3 =	rddreg [dreg:$0x2];
	s4 =	stileid.u32;
	s6 =	simm.s32 $0x0  }
0x4: {  	s1 =	srdreg.scid;
	s20 =	simm.s32 $0x80;
	s21 =	simm.s32 $0x180  }
0x5: {  	s22 =	simm.s32 $0x300;
	s23 =	simm.s32 $0x280;
	s24 =	simm.s32 $0x400  }
0x6: {  	s25 =	simm.s32 $0x380;
	s26 =	simm.s32 $0x500;
	s28 =	simm.s32 $0xB  }
0x7: {  	s29 =	simm.s32 $0x9;
	s30 =	simm.s32 $0x5;
	s31 =	simm.s32 $0xC  }
0x8: {  	s5 =	smul.u32 $0xC, s4;
	[smem:$0x7FF] =	sst s6;
	s8 =	sadd.s32 $0x2E00, s0  }
0x9: {  	s6 =	smul.u32 $0x9C, s4;
	_ =	strace $0x8000004D;
	[dreg:$0xf] =	wrdreg s8  }
0xa: {  	s1 =	sand.u32 $0x1, s1;
	s11 =	smul.u32 $0x14000, s4;
	[dreg:$0x8] =	wrdreg s20  }
0xb: {  	s12 =	smul.u32 $0x50000, s4;
	s14 =	sshll.u32 s4, $0x6;
	[dreg:$0x9] =	wrdreg s21  }
0xc: {  	p0 =	seq.s32 s1, $0x0;
	s7 =	smul.u32 $0x140000, s1;
	[dreg:$0xa] =	wrdreg s22  }
0xd: {  	s1 =	ssub.s32 $0x2, s1;
	s20 =	simm.s32 $0x7;
	[dreg:$0xb] =	wrdreg s23  }
0xe: {  	s21 =	simm.s32 $0x600;
	s22 =	simm.s32 $0x3;
	[dreg:$0xc] =	wrdreg s24  }
0xf: {  	s23 =	simm.s32 $0x7E00;
	[dreg:$0xd] =	wrdreg s25;
	s24 =	simm.s32 $0xA  }
0x10: {  	[dreg:$0xe] =	wrdreg s26;
	s25 =	simm.s32 $0x8;
	s5 =	sadd.s32 $0x9C0, s5  }
0x11: {  	s26 =	simm.s32 $0x4;
	s13 =	sshrl.u32 s1, $0x1;
	s5 =	smov.u32 @p0 s6  }
0x12: {  	s6 =	sadd.s32 s11, s7;
	s1 =	ssub.s32 s1, s13;
	s7 =	sshrl.u32 s12, $0x2  }
0x13: {  	s5 =	sshll.u32 s5, $0x5;
	s6 =	sshrl.u32 s6, $0x3;
	s9 =	sadd.s32 s7, s3  }
0x14: {  	s7 =	sor.u32 $0x1C0D, s14;
	s19 =	smax.u32 s1, $0x1;
	s14 =	simm.s32 $0xD  }
0x15: {  	s1 =	simm.s32 $0x0;
	s5 =	sadd.s32 s5, s0;
	s0 =	sadd.s32 s6, s0  }
0x16: {  	s6 =	simm.s32 $0x9C;
	[dreg:$0x13] =	wrdreg s19;
	s19 =	simm.s32 $0x4200  }
0x17: {  	s6 =	simm.s32 @!p0 $0xC;
	s8 =	sadd.s32 $0x55600, s5;
	s17 =	sadd.s32 $0x55620, s5  }
0x18: {  	s18 =	sadd.s32 $0x55640, s5;
	s0 =	sadd.s32 $0x5600, s0;
	[dreg:$0x10] =	wrdreg s17  }
0x19: {  	s10 =	smul.u32 $0xAB, s6;
	s11 =	sadd.s32 $0xFFFFFFFA, s6;
	[dreg:$0x11] =	wrdreg s18  }
0x1a: {  	s15 =	sadd.s32 $0xFFFFFFF9, s6;
	s16 =	sadd.s32 $0xFFFFFFF8, s6;
	[dreg:$0x12] =	wrdreg s0  }
0x1b: {  	s17 =	simm.s32 $0x2;
	[dreg:$0x4] =	wrdreg s11;
	s10 =	sshrl.u32 s10, $0xA  }
0x1c: {  	s18 =	simm.s32 $0x78;
	[dreg:$0x5] =	wrdreg s15;
	s13 =	smul.u32 $0xC0, s10  }
0x1d: {  	s0 =	simm.s32 $0x6;
	[dreg:$0x6] =	wrdreg s16;
	s15 =	simm.s32 $0x100  }
0x1e: {  	s16 =	simm.s32 $0x200;
	[dreg:$0x7] =	wrdreg s13;
	s13 =	sshrl.u32 s9, $0x3  }
.LBB2_1:
0x1f: {  	s4 =	rddreg [dreg:$0xf]  }
0x20: {  	[spmem:s13], [sflag:s7] =	dma.local [hbm:s4], $0x2800  }
0x21: {  	_ =	swait.ge [sflag:s14], $0x2800  }
0x22: {  	[sflag:s14] =	ssyncset.done $0x0  }
0x23: {  	s11 =	simm.s32 $0x0;
	[sflag:s14] =	ssyncadd.s32 $0xFFFFD800  }
0x24: {  	[tilespmem:s11], [sflag:$0x1] =	stream.linear.gather [hbm4b:s8+s11], $0x100, $0x38;
	[tilespmem:$0x1FA00] =	vst v63  }
0x25: {  	s5 =	rddreg [dreg:$0x10]  }
0x26: {  	[tilespmem:s15], [sflag:$0x2] =	stream.linear.gather [hbm4b:s5+s11], $0x100, $0x38;
	[tilespmem:$0x1FA00] =	vst v63  }
0x27: {  	s12 =	rddreg [dreg:$0x11]  }
0x28: {  	[tilespmem:s16], [sflag:$0x3] =	stream.linear.gather [hbm4b:s12+s11], $0x100, $0x38;
	[tilespmem:$0x1FA00] =	vst v63  }
0x29: {  	s9 =	simm.s32 $0x0;
	s5 =	simm.s32 $0x0;
	[bflag:$0x0] =	sbarrier.arrive $0xFFFF  }
.LBB2_2:
0x2a: {  	p0 =	seq.s32 s9, $0x0  }
0x2b: {  	s10 =	simm.s32 @!p0 $0xA  }
0x2c: {  	s11 =	sadd.s32 $0x3, s5;
	_ =	swait.ge @!p0 [sflag:s10], $0x3C00  }
0x2d: {  	p1 =	sge.u32 s11, s6;
	[sflag:s10] =	ssyncset.done @!p0 $0x0  }
0x2e: {  	[sflag:s10] =	ssyncadd.s32 @!p0 $0xFFFFC400;
	s10 =	sadd.s32 @!p1 s9, s8  }
0x2f: {  	s11 =	simm.s32 @!p1 $0x0;
	s12 =	simm.s32 @!p1 $0x300;
	s10 =	sadd.s32 @!p1 $0x60, s10  }
0x30: {  	[tilespmem:s12], [sflag:$0x4] =	stream.linear.gather @!p1 [hbm4b:s10+s11], $0x100, $0x38;
	[tilespmem:$0x1FA00] =	vst v63  }
0x31: {  	s10 =	simm.s32 @p0 $0x1  }
0x32: {  	_ =	swait.ge @p0 [sflag:s10], $0x100  }
0x33: {  	s11 =	simm.s32 @p0 $0x0;
	[sflag:s10] =	ssyncset.done @p0 $0x0  }
0x34: {  	s12 =	simm.s32 @p0 $0x600;
	[sflag:s10] =	ssyncadd.s32 @p0 $0xFFFFFF00;
	s10 =	simm.s32 @p0 $0x78  }
0x35: {  	[tilespmem:s12], [sflag:$0x7] =	stream.indirect.gather @p0 [hbm4b:s2+s10], $0x80, s11, s10, $0xb8;
	[tilespmem:$0x1FA00] =	vst v63  }
0x36: {  	s10 =	simm.s32 @!p0 $0x8  }
0x37: {  	_ =	swait.ge @!p0 [sflag:s10], $0x3C00  }
0x38: {  	s11 =	simm.s32 @!p0 $0x480;
	[sflag:s10] =	ssyncset.done @!p0 $0x0  }
0x39: {  	s12 =	simm.s32 @!p0 $0x4200;
	[sflag:s10] =	ssyncadd.s32 @!p0 $0xFFFFC400;
	s10 =	simm.s32 @!p0 $0x78  }
0x3a: {  	[spmem:s3] =	stream.indirect.scatter.add.f32 @!p0 [tilespmem:s12], [sflag:$0xB], $0x80, s11, s10, $0xb8;
	[tilespmem:$0x1FA00] =	vst v63  }
0x3b: {  	s11 =	simm.s32 @!p0 $0x1  }
0x3c: {  	_ =	swait.ge @!p0 [sflag:s11], $0x100  }
0x3d: {  	[sflag:s11] =	ssyncset.done @!p0 $0x0  }
0x3e: {  	s12 =	simm.s32 @!p0 $0x600;
	[sflag:s11] =	ssyncadd.s32 @!p0 $0xFFFFFF00;
	s11 =	simm.s32 @!p0 $0x0  }
0x3f: {  	[tilespmem:s12], [sflag:$0x7] =	stream.indirect.gather @!p0 [hbm4b:s2+s10], $0x80, s11, s10, $0xb8;
	[tilespmem:$0x1FA00] =	vst v63  }
0x40: {  	s11 =	simm.s32 @!p0 $0xB  }
0x41: {  	s4 =	sadd.s32 $0x4, s5;
	_ =	swait.ge @!p0 [sflag:s11], $0x3C00  }
0x42: {  	p1 =	sge.u32 s4, s6;
	[sflag:s11] =	ssyncset.done @!p0 $0x0  }
0x43: {  	[sflag:s11] =	ssyncadd.s32 @!p0 $0xFFFFC400;
	s11 =	sadd.s32 @!p1 s9, s8  }
0x44: {  	s4 =	simm.s32 @!p1 $0x400;
	s12 =	simm.s32 @!p1 $0x0;
	s11 =	sadd.s32 @!p1 $0x80, s11  }
0x45: {  	[tilespmem:s4], [sflag:$0x5] =	stream.linear.gather @!p1 [hbm4b:s11+s12], $0x100, $0x38;
	[tilespmem:$0x1FA00] =	vst v63  }
0x46: {  	s4 =	simm.s32 @!p0 $0x9  }
0x47: {  	_ =	swait.ge @!p0 [sflag:s4], $0x3C00  }
0x48: {  	[sflag:s4] =	ssyncset.done @!p0 $0x0  }
0x49: {  	s11 =	simm.s32 @!p0 $0x7E00;
	[sflag:s4] =	ssyncadd.s32 @!p0 $0xFFFFC400;
	s4 =	simm.s32 @!p0 $0x580  }
0x4a: {  	[spmem:s3] =	stream.indirect.scatter.add.f32 @!p0 [tilespmem:s11], [sflag:$0xC], $0x80, s4, s10, $0xb8;
	[tilespmem:$0x1FA00] =	vst v63  }
0x4b: {  	_ =	swait.ge [sflag:s17], $0x100  }
0x4c: {  	[sflag:s17] =	ssyncset.done $0x0  }
0x4d: {  	s4 =	simm.s32 @!p0 $0xC;
	[sflag:s17] =	ssyncadd.s32 $0xFFFFFF00  }
0x4e: {  	[tilespmem:s19], [sflag:$0x8] =	stream.indirect.gather [hbm4b:s2+s18], $0x80, s15, s18, $0xb8;
	[tilespmem:$0x1FA00] =	vst v63  }
0x4f: {  	s12 =	sadd.s32 $0x5, s5;
	_ =	swait.ge @!p0 [sflag:s4], $0x3C00  }
0x50: {  	p1 =	sge.u32 s12, s6;
	[sflag:s4] =	ssyncset.done @!p0 $0x0  }
0x51: {  	[sflag:s4] =	ssyncadd.s32 @!p0 $0xFFFFC400;
	s4 =	sadd.s32 @!p1 s9, s8  }
0x52: {  	s10 =	simm.s32 @!p1 $0x0;
	s11 =	simm.s32 @!p1 $0x500;
	s4 =	sadd.s32 @!p1 $0xA0, s4  }
0x53: {  	[tilespmem:s11], [sflag:$0x6] =	stream.linear.gather @!p1 [hbm4b:s4+s10], $0x100, $0x38;
	[tilespmem:$0x1FA00] =	vst v63  }
0x54: {  	_ =	swait.ge [sflag:s20], $0x3C00  }
0x55: {  	[sflag:s20] =	ssyncset.done $0x0  }
0x56: {  	s11 =	rddreg [dreg:$0x8];
	[sflag:s20] =	ssyncadd.s32 $0xFFFFC400  }
0x57: {  	[spmem:s3] =	stream.indirect.scatter.add.f32 [tilespmem:s21], [sflag:$0xA], $0x80, s11, s18, $0xb8;
	[tilespmem:$0x1FA00] =	vst v63  }
0x58: {  	_ =	swait.ge [sflag:s22], $0x100  }
0x59: {  	[sflag:s22] =	ssyncset.done $0x0  }
0x5a: {  	[sflag:s22] =	ssyncadd.s32 $0xFFFFFF00  }
0x5b: {  	[tilespmem:s23], [sflag:$0x9] =	stream.indirect.gather [hbm4b:s2+s18], $0x80, s16, s18, $0xb8;
	[tilespmem:$0x1FA00] =	vst v63  }
0x5c: {  	_ =	swait.ge [sflag:s24], $0x3C00  }
0x5d: {  	s12 =	rddreg [dreg:$0x4]  }
0x5e: {  	p0 =	sge.u32 s5, s12  }
0x5f: {  	[sflag:s24] =	ssyncset.done $0x0;
	s4 =	sadd.s32 @!p0 s9, s8  }
0x60: {  	[sflag:s24] =	ssyncadd.s32 $0xFFFFC400;
	s10 =	simm.s32 @!p0 $0x0;
	s4 =	sadd.s32 @!p0 $0xC0, s4  }
0x61: {  	[tilespmem:s10], [sflag:$0x1] =	stream.linear.gather @!p0 [hbm4b:s4+s10], $0x100, $0x38;
	[tilespmem:$0x1FA00] =	vst v63  }
0x62: {  	_ =	swait.ge [sflag:s25], $0x3C00  }
0x63: {  	[sflag:s25] =	ssyncset.done $0x0  }
0x64: {  	s10 =	rddreg [dreg:$0x9];
	[sflag:s25] =	ssyncadd.s32 $0xFFFFC400  }
0x65: {  	[spmem:s3] =	stream.indirect.scatter.add.f32 [tilespmem:s19], [sflag:$0xB], $0x80, s10, s18, $0xb8;
	[tilespmem:$0x1FA00] =	vst v63  }
0x66: {  	_ =	swait.ge [sflag:s26], $0x100  }
0x67: {  	[sflag:s26] =	ssyncset.done $0x0  }
0x68: {  	s11 =	rddreg [dreg:$0xa];
	[sflag:s26] =	ssyncadd.s32 $0xFFFFFF00  }
0x69: {  	[tilespmem:s21], [sflag:$0x7] =	stream.indirect.gather [hbm4b:s2+s18], $0x80, s11, s18, $0xb8;
	[tilespmem:$0x1FA00] =	vst v63  }
0x6a: {  	_ =	swait.ge [sflag:s28], $0x3C00  }
0x6b: {  	s12 =	rddreg [dreg:$0x5]  }
0x6c: {  	[sflag:s28] =	ssyncset.done $0x0;
	p0 =	sge.u32 s5, s12  }
0x6d: {  	[sflag:s28] =	ssyncadd.s32 $0xFFFFC400;
	s4 =	sadd.s32 @!p0 s9, s8  }
0x6e: {  	s10 =	simm.s32 @!p0 $0x0;
	s11 =	simm.s32 @!p0 $0x100;
	s4 =	sadd.s32 @!p0 $0xE0, s4  }
0x6f: {  	[tilespmem:s11], [sflag:$0x2] =	stream.linear.gather @!p0 [hbm4b:s4+s10], $0x100, $0x38;
	[tilespmem:$0x1FA00] =	vst v63  }
0x70: {  	_ =	swait.ge [sflag:s29], $0x3C00  }
0x71: {  	[sflag:s29] =	ssyncset.done $0x0  }
0x72: {  	s10 =	rddreg [dreg:$0xb];
	[sflag:s29] =	ssyncadd.s32 $0xFFFFC400  }
0x73: {  	[spmem:s3] =	stream.indirect.scatter.add.f32 [tilespmem:s23], [sflag:$0xC], $0x80, s10, s18, $0xb8;
	[tilespmem:$0x1FA00] =	vst v63  }
0x74: {  	_ =	swait.ge [sflag:s30], $0x100  }
0x75: {  	[sflag:s30] =	ssyncset.done $0x0  }
0x76: {  	s11 =	rddreg [dreg:$0xc];
	[sflag:s30] =	ssyncadd.s32 $0xFFFFFF00  }
0x77: {  	[tilespmem:s19], [sflag:$0x8] =	stream.indirect.gather [hbm4b:s2+s18], $0x80, s11, s18, $0xb8;
	[tilespmem:$0x1FA00] =	vst v63  }
0x78: {  	_ =	swait.ge [sflag:s31], $0x3C00  }
0x79: {  	s12 =	rddreg [dreg:$0x6]  }
0x7a: {  	[sflag:s31] =	ssyncset.done $0x0;
	p0 =	sge.u32 s5, s12  }
0x7b: {  	[sflag:s31] =	ssyncadd.s32 $0xFFFFC400;
	s4 =	sadd.s32 @!p0 s9, s8  }
0x7c: {  	s10 =	simm.s32 @!p0 $0x0;
	s11 =	simm.s32 @!p0 $0x200;
	s4 =	sadd.s32 @!p0 $0x100, s4  }
0x7d: {  	[tilespmem:s11], [sflag:$0x3] =	stream.linear.gather @!p0 [hbm4b:s4+s10], $0x100, $0x38;
	[tilespmem:$0x1FA00] =	vst v63  }
0x7e: {  	_ =	swait.ge [sflag:s20], $0x3C00  }
0x7f: {  	[sflag:s20] =	ssyncset.done $0x0  }
0x80: {  	s10 =	rddreg [dreg:$0xd];
	[sflag:s20] =	ssyncadd.s32 $0xFFFFC400  }
0x81: {  	[spmem:s3] =	stream.indirect.scatter.add.f32 [tilespmem:s21], [sflag:$0xA], $0x80, s10, s18, $0xb8;
	[tilespmem:$0x1FA00] =	vst v63  }
0x82: {  	_ =	swait.ge [sflag:s0], $0x100  }
0x83: {  	s9 =	sadd.s32 $0xC0, s9;
	s12 =	rddreg [dreg:$0x7]  }
0x84: {  	p0 =	sne.s32 s12, s9  }
.Ltmp0:
0x85: {  	_ = 	snop;
	(pc) =	sbr.rel @p0 .LBB2_2-.Ltmp0, $4  }
0x86: {  	_ = 	snop  }
0x87: {  	[sflag:s0] =	ssyncset.done $0x0  }
0x88: {  	s5 =	sadd.s32 $0x6, s5;
	s11 =	rddreg [dreg:$0xe];
	[sflag:s0] =	ssyncadd.s32 $0xFFFFFF00  }
0x89: {  	[tilespmem:s23], [sflag:$0x9] =	stream.indirect.gather [hbm4b:s2+s18], $0x80, s11, s18, $0xb8;
	[tilespmem:$0x1FA00] =	vst v63  }
0x8a: {  	_ =	swait.ge [sflag:s25], $0x3C00  }
0x8b: {  	[sflag:s25] =	ssyncset.done $0x0  }
0x8c: {  	s4 =	simm.s32 $0x480;
	[sflag:s25] =	ssyncadd.s32 $0xFFFFC400  }
0x8d: {  	[spmem:s3] =	stream.indirect.scatter.add.f32 [tilespmem:s19], [sflag:$0xB], $0x80, s4, s18, $0xb8;
	[tilespmem:$0x1FA00] =	vst v63  }
0x8e: {  	_ =	swait.ge [sflag:s29], $0x3C00  }
0x8f: {  	[sflag:s29] =	ssyncset.done $0x0  }
0x90: {  	s10 =	simm.s32 $0x580;
	[sflag:s29] =	ssyncadd.s32 $0xFFFFC400  }
0x91: {  	[spmem:s3] =	stream.indirect.scatter.add.f32 [tilespmem:s23], [sflag:$0xC], $0x80, s10, s18, $0xb8;
	[tilespmem:$0x1FA00] =	vst v63  }
0x92: {  	_ =	swait.ge [sflag:s24], $0x3C00  }
0x93: {  	[sflag:s24] =	ssyncset.done $0x0  }
0x94: {  	[sflag:s24] =	ssyncadd.s32 $0xFFFFC400  }
0x95: {  	_ =	swait.ge [sflag:s28], $0x3C00  }
0x96: {  	[sflag:s28] =	ssyncset.done $0x0  }
0x97: {  	[sflag:s28] =	ssyncadd.s32 $0xFFFFC400  }
0x98: {  	_ =	swait.ge [sflag:s31], $0x3C00  }
0x99: {  	[sflag:s31] =	ssyncset.done $0x0  }
0x9a: {  	[sflag:s31] =	ssyncadd.s32 $0xFFFFC400  }
0x9b: {  	[bflag:$0x0] =	sbarrier.arrive $0xFFFF  }
0x9c: {  	s11 =	rddreg [dreg:$0x12]  }
0x9d: {  	[hbm:s11], [sflag:s7] =	dma.local [spmem:s13], $0x2800  }
0x9e: {  	_ =	swait.ge [sflag:s14], $0x2800  }
0x9f: {  	s1 =	sadd.s32 $0x1, s1;
	s12 =	rddreg [dreg:$0x13]  }
0xa0: {  	p0 =	sne.s32 s1, s12  }
.Ltmp1:
0xa1: {  	_ = 	snop;
	(pc) =	sbr.rel @p0 .LBB2_1-.Ltmp1, $3  }
0xa2: {  	_ =	sdelay $0x1  }
0xa3: {  	[sflag:s14] =	ssyncset.done $0x0  }
0xa4: {  	[sflag:s14] =	ssyncadd.s32 $0xFFFFD800  }
0xa5: {  	_ =	sfence.sel $0x180000  }
0xa6: {  	[bflag:$0x0] =	sbarrier.arrive $0xFFFF  }
0xa7: {  	_ =	strace $0x9000004D  }
0xa8: {  	s0 =	stileid.u32;
	[bflag:$0x2] =	sbarrier.arrive $0xFFFF  }
0xa9: {  	p0 =	sne.s32 s0, $0x0;
	s0 =	rddreg [dreg:$0x3]  }
0xaa: {  	s0 =	sadd.s32 @!p0 $0x100000, s0  }
0xab: {  	[sflag:s0] =	ssyncadd.tile.s32 @!p0 $0x1;
	_ =	shalt  }
.Lfunc_end2:
_tile_overlayer_lowered:
.L_overlay_start_2:
0xac: {  	(tag) =	ssettag $0x2  }
0xad: {  	s0 =	rddreg [dreg:$0x0];
	s2 =	stileid.u32  }
0xae: {  	s1 =	rddreg [dreg:$0x1];
	p0 =	sne.s32 s2, $0x0  }
0xaf: {  	s3 =	rddreg [dreg:$0x2];
	[bflag:$0x3] =	sbarrier.arrive $0xFFFF;
	s2 =	simm.s32 @!p0 $0x1C0D  }
0xb0: {  	[timem:s3], [sflag:s2] =	dma.local @!p0 [hbm:s0], s1  }
0xb1: {  	s0 =	simm.s32 @!p0 $0xD  }
0xb2: {  	_ =	swait.ge @!p0 [sflag:s0], s1  }
0xb3: {  	s1 =	ssub.s32 @!p0 $0x0, s1;
	[sflag:s0] =	ssyncset.done @!p0 $0x0  }
0xb4: {  	[sflag:s0] =	ssyncadd.s32 @!p0 s1  }
0xb5: {  	[bflag:$0x3] =	sbarrier.arrive $0xFFFF  }
0xb6: {  	_ =	shalt  }

// kernel: kernel.8.cloned.1.call-start
scs
__scs_entry_jumppad:
0x0: {  	(pc) =	sbr.rel $0x88, $3  }
0x1: {  	(tag) =	ssettag $0x0;
	lr =	simm.s32 $0x1  }
0x2: {  	[smem:$0x3F9B] =	sst lr;
	_ =	strace $0xD0000000  }
0x3: {  	_ = 	snop  }
0x4: {  	_ = 	snop  }
0x5: {  	_ = 	snop  }
0x6: {  	_ = 	snop  }
0x7: {  	_ = 	snop  }
__scs_overlays_trampoline_lowered:
0x8: {  	[smem:$0x3FAA] =	sst s0  }
0x9: {  	[smem:$0x3FAB] =	sst s1  }
0xa: {  	[smem:$0x3FAC] =	sst s2  }
0xb: {  	[smem:$0x3FAD] =	sst s3  }
0xc: {  	[smem:$0x3FAE] =	sst s4  }
0xd: {  	[smem:$0x3FAF] =	sst s5  }
0xe: {  	[smem:$0x3FB0] =	sst s6  }
0xf: {  	[smem:$0x3FB1] =	sst s7  }
0x10: {  	[smem:$0x3FB2] =	sst s8  }
0x11: {  	[smem:$0x3FB3] =	sst s9;
	s0 =	simm.s32 @!p0 $0x0  }
0x12: {  	s1 =	sld [smem:$0x3F99];
	s0 =	simm.s32 @p0 $0x1  }
0x13: {  	[smem:$0x3FB4] =	sst s0;
	s0 =	simm.s32 @!p1 $0x0  }
0x14: {  	s2 =	sld [smem:$0x3F98];
	s0 =	simm.s32 @p1 $0x1  }
0x15: {  	[smem:$0x3FB5] =	sst s0;
	s0 =	simm.s32 @!p2 $0x0  }
0x16: {  	s3 =	sld [smem:$0x3FDB];
	s0 =	simm.s32 @p2 $0x1  }
0x17: {  	s4 =	simm.s32 $0x1BF5;
	[smem:$0x3FB7] =	sst s0  }
0x18: {  	s0 =	sld [smem:$0x3F9A];
	_ =	swait.ge [sflag:s4], $0x0  }
0x19: {  	s7 =	sld [smem:$0x3F9B]  }
0x1a: {  	s8 =	sadd.s32 $0xFFFFE003, lr  }
0x1b: {  	s9 =	sadd.s32 $0xFFFFFEF7, lr;
	s5 =	simm.s32 $0xFFFFFFFF;
	p2 =	slt.u32 s8, $0xFFFFF086  }
0x1c: {  	p1 =	slt.u32 s9, $0xF7A;
	s5 =	simm.s32 @!p2 $0x0  }
0x1d: {  	s5 =	simm.s32 @p1 $0x1;
	p0 =	seq.s32 s7, s2  }
0x1e: {  	s7 =	smul.u32 @!p0 $0xF7A, s2;
	p2 =	seq.s32 @!p0 s5, $0x0  }
0x1f: {  	s9 =	smul.u32 $0xF7A, s1;
	s8 =	simm.s32 @!p0 $0x1BF5;
	p2 =	por !p2, p0  }
0x20: {  	[sflag:s8] =	ssyncset.s32 @!p0 $0xFFFFF086;
	s6 =	sadd.s32 @!p0 s3, s7;
	s7 =	simm.s32 @!p0 $0x108  }
0x21: {  	s3 =	sadd.s32 s3, s9;
	s6 =	sadd.s32 @!p0 $0x88, s6;
	s7 =	simm.s32 @p2 $0x1082  }
0x22: {  	[simem:s7], [sflag:s8] =	dma.local @!p0 [hbm:s6], $0xF7A  }
0x23: {  	s9 =	sor.u32 $0xD0000000, s2;
	s6 =	simm.s32 $0x108;
	_ =	swait.ge @!p0 [sflag:s8], $0x0  }
0x24: {  	s3 =	sadd.s32 $0x88, s3;
	s6 =	simm.s32 @!p1 $0x1082;
	[sflag:s4] =	ssyncset.s32 $0xFFFFF086  }
0x25: {  	[simem:s6], [sflag:s4] =	dma.local [hbm:s3], $0xF7A  }
0x26: {  	[smem:$0x3F9B] =	sst s1;
	(tag) =	ssettag s2;
	_ =	strace s9  }
0x27: {  	s1 =	sld [smem:$0x3FAB]  }
0x28: {  	s2 =	sld [smem:$0x3FAC]  }
0x29: {  	s4 =	sld [smem:$0x3FAE]  }
0x2a: {  	p0 =	seq.s32 s5, $0x0;
	s5 =	sld [smem:$0x3FAF]  }
0x2b: {  	s6 =	sld [smem:$0x3FB0]  }
0x2c: {  	s7 =	sld [smem:$0x3FB1]  }
0x2d: {  	s3 =	simm.s32 $0x108;
	s8 =	sld [smem:$0x3FB2]  }
0x2e: {  	s3 =	simm.s32 @!p0 $0x1082;
	s9 =	sld [smem:$0x3FB3]  }
0x2f: {  	lr =	sadd.s32 s0, s3;
	s0 =	sld [smem:$0x3FAA]  }
0x30: {  	s3 =	sld [smem:$0x3FAD]  }
0x31: {  	[smem:$0x3FB6] =	sst s10  }
0x32: {  	s10 =	sld [smem:$0x3FB4];
	_ =	sdelay $0x3  }
0x33: {  	p0 =	seq.s32 s10, $0x1;
	s10 =	sld [smem:$0x3FB6];
	_ =	sdelay $0x3  }
0x34: {  	[smem:$0x3FB6] =	sst s10  }
0x35: {  	s10 =	sld [smem:$0x3FB5];
	_ =	sdelay $0x3  }
0x36: {  	p1 =	seq.s32 s10, $0x1;
	s10 =	sld [smem:$0x3FB6];
	_ =	sdelay $0x3  }
0x37: {  	[smem:$0x3FB6] =	sst s10  }
0x38: {  	s10 =	sld [smem:$0x3FB7]  }
0x39: {  	_ = 	snop;
	(pc) =	sbr.ind lr, $3  }
0x3a: {  	_ = 	snop  }
0x3b: {  	_ = 	snop  }
0x3c: {  	p2 =	seq.s32 s10, $0x1;
	s10 =	sld [smem:$0x3FB6]  }
0x3d: {  	_ =	shalt  }
0x3e: {  	_ =	shalt  }
0x3f: {  	_ =	shalt  }
0x40: {  	_ =	shalt  }
0x41: {  	_ =	shalt  }
0x42: {  	_ =	shalt  }
0x43: {  	_ =	shalt  }
0x44: {  	_ =	shalt  }
0x45: {  	_ =	shalt  }
0x46: {  	_ =	shalt  }
0x47: {  	_ =	shalt  }
0x48: {  	_ =	shalt  }
0x49: {  	_ =	shalt  }
0x4a: {  	_ =	shalt  }
0x4b: {  	_ =	shalt  }
0x4c: {  	_ =	shalt  }
0x4d: {  	_ =	shalt  }
0x4e: {  	_ =	shalt  }
0x4f: {  	_ =	shalt  }
0x50: {  	_ =	shalt  }
0x51: {  	_ =	shalt  }
0x52: {  	_ =	shalt  }
0x53: {  	_ =	shalt  }
0x54: {  	_ =	shalt  }
0x55: {  	_ =	shalt  }
0x56: {  	_ =	shalt  }
0x57: {  	_ =	shalt  }
0x58: {  	_ =	shalt  }
0x59: {  	_ =	shalt  }
0x5a: {  	_ =	shalt  }
0x5b: {  	_ =	shalt  }
0x5c: {  	_ =	shalt  }
0x5d: {  	_ =	shalt  }
0x5e: {  	_ =	shalt  }
0x5f: {  	_ =	shalt  }
0x60: {  	_ =	shalt  }
0x61: {  	_ =	shalt  }
0x62: {  	_ =	shalt  }
0x63: {  	_ =	shalt  }
0x64: {  	_ =	shalt  }
0x65: {  	_ =	shalt  }
0x66: {  	_ =	shalt  }
0x67: {  	_ =	shalt  }
0x68: {  	_ =	shalt  }
0x69: {  	_ =	shalt  }
0x6a: {  	_ =	shalt  }
0x6b: {  	_ =	shalt  }
0x6c: {  	_ =	shalt  }
0x6d: {  	_ =	shalt  }
0x6e: {  	_ =	shalt  }
0x6f: {  	_ =	shalt  }
0x70: {  	_ =	shalt  }
0x71: {  	_ =	shalt  }
0x72: {  	_ =	shalt  }
0x73: {  	_ =	shalt  }
0x74: {  	_ =	shalt  }
0x75: {  	_ =	shalt  }
0x76: {  	_ =	shalt  }
0x77: {  	_ =	shalt  }
0x78: {  	_ =	shalt  }
0x79: {  	_ =	shalt  }
0x7a: {  	_ =	shalt  }
0x7b: {  	_ =	shalt  }
0x7c: {  	_ =	shalt  }
0x7d: {  	_ =	shalt  }
0x7e: {  	_ =	shalt  }
0x7f: {  	_ =	shalt  }
0x80: {  	_ =	shalt  }
0x81: {  	_ =	shalt  }
0x82: {  	_ =	shalt  }
0x83: {  	_ =	shalt  }
0x84: {  	_ =	shalt  }
0x85: {  	_ =	shalt  }
0x86: {  	_ =	shalt  }
0x87: {  	_ =	shalt  }
.Lfunc_end0:
.L_simem_size_0:
called_computation_lowered:
.L_overlay_start_0:
0x88: {  	s2 =	sld [smem:$0x3FD9]  }
0x89: {  	s3 =	sld [smem:$0x3FFE];
	_ =	sdelay $0x1  }
0x8a: {  	s1 =	srdreg.scid  }
0x8b: {  	s0 =	sand.u32 $0x1, s1  }
0x8c: {  	s17 =	sshll.u32 s0, $0xA;
	s2 =	sadd.s32 s3, s2  }
0x8d: {  	s2 =	sadd.s32 s2, s17  }
0x8e: {  	[smem:$0x3FC2] =	sst s2  }
0x8f: {  	_ = 	snop  }
0x90: {  	s2 =	sld [smem:$0x3FD0];
	(tm) =	ssettm $0x1  }
0x91: {  	s18 =	sld [smem:$0x3FFB];
	_ =	sdelay $0x3  }
0x92: {  	_ =	strace s18  }
0x93: {  	s3 =	sld [smem:$0x3FFC];
	_ =	sdelay $0x3  }
0x94: {  	_ =	strace s3  }
0x95: {  	s3 =	sld [smem:$0x3FFD];
	_ =	sdelay $0x3  }
0x96: {  	_ =	strace s3  }
0x97: {  	_ =	strace $0x8FFFFFFF  }
0x98: {  	s19 =	sld [smem:$0x3FDB];
	_ =	sdelay $0x1  }
0x99: {  	s4 =	simm.s32 $_scs_section_size  }
0x9a: {  	s5 =	simm.s32 $_size__tile_overlayer_lowered;
	s6 =	simm.s32 $_tile_overlayer_lowered  }
0x9b: {  	s22 =	simm.s32 $0x1BFF;
	s21 =	sshll.u32 s6, $0x1;
	s3 =	sadd.s32 s4, s19  }
0x9c: {  	s7 =	simm.s32 $0x0;
	s20 =	sshll.u32 s5, $0x1;
	s5 =	sadd.s32 s21, s3  }
0x9d: {  	[timem:s7], [sflag:s22] =	dma.local [hbm:s5], s20  }
0x9e: {  	_ =	swait.ge [sflag:s22], s20  }
0x9f: {  	s4 =	ssub.s32 $0x0, s20;
	[sflag:s22] =	ssyncset.done $0x0  }
0xa0: {  	[sflag:s22] =	ssyncadd.s32 s4;
	_ =	sdelay $0x1  }
0xa1: {  	s23 =	simm.s32 $0x1B8B  }
0xa2: {  	_ =	swait.ge [sflag:s23], $0x1  }
0xa3: {  	[sflag:s23] =	ssyncset.done $0x0  }
0xa4: {  	s25 =	simm.s32 $0x1B8E;
	s24 =	sld [smem:$0x3FFE];
	[sflag:s23] =	ssyncadd.s32 $0xFFFFFFFF  }
0xa5: {  	s26 =	simm.s32 $execute0_lowered;
	[smem:$0x3FD2] =	sst s25  }
0xa6: {  	s5 =	sshll.u32 s26, $0x1;
	_ =	strace $0x80000046;
	[dreg:$0x1] =	wrdreg $0xFFFFFFFF  }
0xa7: {  	s28 =	simm.s32 $_size_execute0_lowered;
	s3 =	sadd.s32 s3, s5;
	[dreg:$0x0] =	wrdreg $0x0  }
0xa8: {  	s5 =	sshll.u32 s28, $0x1;
	[dreg:$0x2] =	wrdreg s3  }
0xa9: {  	[dreg:$0x3] =	wrdreg s5  }
0xaa: {  	[dreg:$0x4] =	wrdreg $0xC0  }
0xab: {  	_ =	task [dreg:s7], $0x5FFFF  }
0xac: {  	[dreg:$0x1] =	wrdreg $0xFFFFFFFF  }
0xad: {  	[dreg:$0x0] =	wrdreg $0x60  }
0xae: {  	[dreg:$0x2] =	wrdreg s2  }
0xaf: {  	[dreg:$0x3] =	wrdreg s24  }
0xb0: {  	[dreg:$0x4] =	wrdreg $0x68000  }
0xb1: {  	[dreg:$0x5] =	wrdreg $0x9  }
0xb2: {  	_ =	task.clear_ibuf [dreg:s7], $0x6FFFF;
	_ =	strace $0x90000046  }
0xb3: {  	s29 =	simm.s32 $0x9;
	_ =	strace $0x80000048  }
0xb4: {  	_ =	swait.ge [sflag:s29], $0x1  }
0xb5: {  	[sflag:s29] =	ssyncadd.s32 $0xFFFFFFFF  }
0xb6: {  	_ =	strace $0x90000048  }
0xb7: {  	_ =	sfence  }
0xb8: {  	s30 =	sld [smem:$0x0];
	_ =	sdelay $0x2  }
0xb9: {  	s31 =	sshll.u32 s1, $0xD;
	s1 =	sshrl.u32 s1, $0x2  }
0xba: {  	s3 =	sand.u32 $0x4000, s31;
	s1 =	sadd.s32 s1, s30  }
0xbb: {  	s0 =	sor.u32 s3, s0;
	s1 =	sshll.u32 s1, $0x11  }
0xbc: {  	s0 =	sor.u32 s1, s0  }
0xbd: {  	s0 =	sadd.s32 $0x8F2B, s0  }
0xbe: {  	[sflag:s0] =	ssyncadd.remote.s32 $0x1  }
0xbf: {  	_ =	sfence.sel $0xFFFF  }
0xc0: {  	[dreg:$0x0] =	wrdreg $0xFFFFFFFF;
	(pc) =	sbr.abs _section_cstart, $3  }
0xc1: {  	[dreg:$0x1] =	wrdreg $0xFFFFFFFF  }
0xc2: {  	_ =	task.clear_ibuf [dreg:s7], $0x2FFFF;
	_ =	strace $0x9FFFFFFF  }
0xc3: {  	(tm) =	ssettm $0x7FFFFFFF  }
tec
execute0_lowered:
.L_overlay_start_1:
0x0: {  	(tag) =	ssettag $0x1  }
0x1: {  	s6 =	rddreg [dreg:$0x0]  }
0x2: {  	s7 =	rddreg [dreg:$0x1]  }
0x3: {  	s1 =	rddreg [dreg:$0x2]  }
0x4: {  	s0 =	rddreg [dreg:$0x3];
	s3 =	simm.s32 $0x0;
	s2 =	srdreg.scid  }
0x5: {  	s13 =	simm.s32 $0x80;
	s14 =	simm.s32 $0x100;
	s15 =	simm.s32 $0x180  }
0x6: {  	s16 =	simm.s32 $0x1;
	s17 =	simm.s32 $0x2;
	s18 =	simm.s32 $0x3  }
0x7: {  	s19 =	simm.s32 $0x4;
	[smem:$0x7FF] =	sst s3;
	s8 =	sand.u32 $0x1, s2  }
0x8: {  	s20 =	simm.s32 $0x0;
	s2 =	stileid.u32;
	s9 =	smul.u32 $0x140000, s8  }
0x9: {  	s4 =	sadd.s32 $0x2600, s7;
	s5 =	sadd.s32 $0x2E00, s7;
	s10 =	smul.u32 $0x14000, s2  }
0xa: {  	_ =	strace $0x80000047;
	s11 =	sshll.u32 s2, $0x1;
	s29 =	smul.u32 $0x50000, s2  }
0xb: {  	s31 =	sshll.u32 s2, $0x6;
	s28 =	sor.u32 s8, s11;
	s8 =	ssub.s32 $0x2, s8  }
0xc: {  	s9 =	sadd.s32 s10, s9;
	s10 =	smul.u32 $0x500, s28;
	s30 =	sshrl.u32 s8, $0x1  }
0xd: {  	s11 =	sshrl.u32 s29, $0x2;
	s9 =	sshrl.u32 s9, $0x3;
	s8 =	ssub.s32 s8, s30  }
0xe: {  	s12 =	sadd.s32 s11, s1;
	s11 =	sor.u32 $0x1C05, s31;
	s7 =	sadd.s32 s9, s7  }
0xf: {  	s6 =	sadd.s32 s6, s10;
	s8 =	smax.u32 s8, $0x1;
	s9 =	simm.s32 $0x5  }
0x10: {  	s10 =	simm.s32 $0x2800;
	s12 =	sshrl.u32 s12, $0x3;
	s7 =	sadd.s32 $0x5600, s7  }
.LBB2_1:
0x11: {  	[tilespmem:s3], [sflag:$0x5] =	stream.linear.gather [hbm4b:s6+s3], $0x2800, $0x38;
	[tilespmem:$0x1A800] =	vst v63  }
0x12: {  	_ =	swait.ge [sflag:s9], $0x2800  }
0x13: {  	[sflag:s9] =	ssyncset.done $0x0  }
0x14: {  	[sflag:s9] =	ssyncadd.s32 $0xFFFFD800  }
0x15: {  	[tilespmem:s10], [sflag:$0x5] =	stream.linear.gather [hbm4b:s4+s3], $0x4000, $0x38;
	[tilespmem:$0x1A800] =	vst v63  }
0x16: {  	_ =	swait.ge [sflag:s9], $0x4000  }
0x17: {  	[sflag:s9] =	ssyncset.done $0x0  }
0x18: {  	[sflag:s9] =	ssyncadd.s32 $0xFFFFC000  }
0x19: {  	[spmem:s12], [sflag:s11] =	dma.local [hbm:s5], $0x2800  }
0x1a: {  	_ =	swait.ge [sflag:s9], $0x2800  }
0x1b: {  	[sflag:s9] =	ssyncset.done $0x0  }
0x1c: {  	[sflag:s9] =	ssyncadd.s32 $0xFFFFD800  }
0x1d: {  	[bflag:$0x0] =	sbarrier.arrive $0xFFFF  }
0x1e: {  	[spmem:s1] =	stream.indirect.scatter.add.f32 [tilespmem:s10], [sflag:$0x1], $0x80, s3, s13, $0xb8;
	[tilespmem:$0x1A800] =	vst v63  }
0x1f: {  	_ = 	snop  }
0x20: {  	[spmem:s1] =	stream.indirect.scatter.add.f32 [tilespmem:s10], [sflag:$0x2], $0x80, s13, s13, $0xb8;
	[tilespmem:$0x1A800] =	vst v63  }
0x21: {  	_ = 	snop  }
0x22: {  	[spmem:s1] =	stream.indirect.scatter.add.f32 [tilespmem:s10], [sflag:$0x3], $0x80, s14, s13, $0xb8;
	[tilespmem:$0x1A800] =	vst v63  }
0x23: {  	_ = 	snop  }
0x24: {  	[spmem:s1] =	stream.indirect.scatter.add.f32 [tilespmem:s10], [sflag:$0x4], $0x80, s15, s13, $0xb8;
	[tilespmem:$0x1A800] =	vst v63  }
0x25: {  	_ =	swait.ge [sflag:s16], $0x4000  }
0x26: {  	[sflag:s16] =	ssyncset.done $0x0  }
0x27: {  	s21 =	simm.s32 $0x200;
	[sflag:s16] =	ssyncadd.s32 $0xFFFFC000  }
0x28: {  	[spmem:s1] =	stream.indirect.scatter.add.f32 [tilespmem:s10], [sflag:$0x1], $0x80, s21, s13, $0xb8;
	[tilespmem:$0x1A800] =	vst v63  }
0x29: {  	_ =	swait.ge [sflag:s17], $0x4000  }
0x2a: {  	[sflag:s17] =	ssyncset.done $0x0  }
0x2b: {  	s30 =	simm.s32 $0x280;
	[sflag:s17] =	ssyncadd.s32 $0xFFFFC000  }
0x2c: {  	[spmem:s1] =	stream.indirect.scatter.add.f32 [tilespmem:s10], [sflag:$0x2], $0x80, s30, s13, $0xb8;
	[tilespmem:$0x1A800] =	vst v63  }
0x2d: {  	_ =	swait.ge [sflag:s18], $0x4000  }
0x2e: {  	[sflag:s18] =	ssyncset.done $0x0  }
0x2f: {  	s31 =	simm.s32 $0x300;
	[sflag:s18] =	ssyncadd.s32 $0xFFFFC000  }
0x30: {  	[spmem:s1] =	stream.indirect.scatter.add.f32 [tilespmem:s10], [sflag:$0x3], $0x80, s31, s13, $0xb8;
	[tilespmem:$0x1A800] =	vst v63  }
0x31: {  	_ =	swait.ge [sflag:s19], $0x4000  }
0x32: {  	[sflag:s19] =	ssyncset.done $0x0  }
0x33: {  	s22 =	simm.s32 $0x380;
	s21 =	simm.s32 $0xFFFF7000;
	[sflag:s19] =	ssyncadd.s32 $0xFFFFC000  }
.LBB2_2:
0x34: {  	[spmem:s1] =	stream.indirect.scatter.add.f32 [tilespmem:s10], [sflag:$0x4], $0x80, s22, s13, $0xb8;
	[tilespmem:$0x1A800] =	vst v63  }
0x35: {  	s22 =	smov.u32 s21  }
0x36: {  	p0 =	sne.s32 s21, $0xFFFFF800;
	s21 =	sadd.s32 $0x800, s21;
	_ =	swait.ge [sflag:s16], $0x4000  }
0x37: {  	s22 =	sshra.s32 s22, $0x2;
	[sflag:s16] =	ssyncset.done $0x0  }
0x38: {  	s23 =	sadd.s32 $0x2800, s22;
	[sflag:s16] =	ssyncadd.s32 $0xFFFFC000  }
0x39: {  	[spmem:s1] =	stream.indirect.scatter.add.f32 [tilespmem:s10], [sflag:$0x1], $0x80, s23, s13, $0xb8;
	[tilespmem:$0x1A800] =	vst v63  }
0x3a: {  	_ =	swait.ge [sflag:s17], $0x4000  }
0x3b: {  	[sflag:s17] =	ssyncset.done $0x0  }
0x3c: {  	s23 =	sadd.s32 $0x2880, s22;
	[sflag:s17] =	ssyncadd.s32 $0xFFFFC000  }
0x3d: {  	[spmem:s1] =	stream.indirect.scatter.add.f32 [tilespmem:s10], [sflag:$0x2], $0x80, s23, s13, $0xb8;
	[tilespmem:$0x1A800] =	vst v63  }
0x3e: {  	_ =	swait.ge [sflag:s18], $0x4000  }
0x3f: {  	[sflag:s18] =	ssyncset.done $0x0  }
.Ltmp0:
0x40: {  	s23 =	sadd.s32 $0x2900, s22;
	[sflag:s18] =	ssyncadd.s32 $0xFFFFC000;
	(pc) =	sbr.rel @p0 .LBB2_2-.Ltmp0, $4  }
0x41: {  	[spmem:s1] =	stream.indirect.scatter.add.f32 [tilespmem:s10], [sflag:$0x3], $0x80, s23, s13, $0xb8;
	[tilespmem:$0x1A800] =	vst v63  }
0x42: {  	_ =	swait.ge [sflag:s19], $0x4000  }
0x43: {  	[sflag:s19] =	ssyncset.done $0x0  }
0x44: {  	s22 =	sadd.s32 $0x2980, s22;
	[sflag:s19] =	ssyncadd.s32 $0xFFFFC000  }
0x45: {  	[spmem:s1] =	stream.indirect.scatter.add.f32 [tilespmem:s10], [sflag:$0x4], $0x80, s22, s13, $0xb8;
	[tilespmem:$0x1A800] =	vst v63  }
0x46: {  	_ =	swait.ge [sflag:s16], $0x4000  }
0x47: {  	[sflag:s16] =	ssyncset.done $0x0  }
0x48: {  	[sflag:s16] =	ssyncadd.s32 $0xFFFFC000  }
0x49: {  	_ =	swait.ge [sflag:s17], $0x4000  }
0x4a: {  	[sflag:s17] =	ssyncset.done $0x0  }
0x4b: {  	[sflag:s17] =	ssyncadd.s32 $0xFFFFC000  }
0x4c: {  	_ =	swait.ge [sflag:s18], $0x4000  }
0x4d: {  	[sflag:s18] =	ssyncset.done $0x0  }
0x4e: {  	[sflag:s18] =	ssyncadd.s32 $0xFFFFC000  }
0x4f: {  	_ =	swait.ge [sflag:s19], $0x4000  }
0x50: {  	s20 =	sadd.s32 $0x1, s20;
	[sflag:s19] =	ssyncset.done $0x0  }
0x51: {  	p0 =	sne.s32 s20, s8;
	[sflag:s19] =	ssyncadd.s32 $0xFFFFC000  }
.Ltmp1:
0x52: {  	[bflag:$0x0] =	sbarrier.arrive $0xFFFF;
	(pc) =	sbr.rel @p0 .LBB2_1-.Ltmp1, $4  }
0x53: {  	[hbm:s7], [sflag:s11] =	dma.local [spmem:s12], $0x2800  }
0x54: {  	_ =	swait.ge [sflag:s9], $0x2800  }
0x55: {  	[sflag:s9] =	ssyncset.done $0x0  }
0x56: {  	[sflag:s9] =	ssyncadd.s32 $0xFFFFD800  }
0x57: {  	_ =	sfence.sel $0x180000  }
0x58: {  	[bflag:$0x0] =	sbarrier.arrive $0xFFFF  }
0x59: {  	p0 =	sne.s32 s2, $0x0;
	_ =	strace $0x90000047  }
0x5a: {  	s0 =	sadd.s32 @!p0 $0x100000, s0;
	[bflag:$0x2] =	sbarrier.arrive $0xFFFF  }
0x5b: {  	[sflag:s0] =	ssyncadd.tile.s32 @!p0 $0x1;
	_ =	shalt  }
.Lfunc_end2:
_tile_overlayer_lowered:
.L_overlay_start_2:
0x5c: {  	(tag) =	ssettag $0x2  }
0x5d: {  	s0 =	rddreg [dreg:$0x0];
	s2 =	stileid.u32  }
0x5e: {  	s1 =	rddreg [dreg:$0x1];
	p0 =	sne.s32 s2, $0x0  }
0x5f: {  	s3 =	rddreg [dreg:$0x2];
	[bflag:$0x3] =	sbarrier.arrive $0xFFFF;
	s2 =	simm.s32 @!p0 $0x1C05  }
0x60: {  	[timem:s3], [sflag:s2] =	dma.local @!p0 [hbm:s0], s1  }
0x61: {  	s0 =	simm.s32 @!p0 $0x5  }
0x62: {  	_ =	swait.ge @!p0 [sflag:s0], s1  }
0x63: {  	s1 =	ssub.s32 @!p0 $0x0, s1;
	[sflag:s0] =	ssyncset.done @!p0 $0x0  }
0x64: {  	[sflag:s0] =	ssyncadd.s32 @!p0 s1  }
0x65: {  	[bflag:$0x3] =	sbarrier.arrive $0xFFFF  }
0x66: {  	_ =	shalt  }

</sc_bundles>
